<compile_context>
chip_gen: v7x
topology: tpu7x:2x2x1
jax: 0.10.2.dev20260603
libtpu: 0.0.44.dev20260713+nightly
codegen_flags: <defaults>
</compile_context>

<pallas_src>
import functools

import numpy as np
import jax
import jax.numpy as jnp
from jax import lax
from jax.experimental import pallas as pl
from jax.experimental.pallas import tpu as pltpu
from jax.experimental.pallas import tpu_sc as plsc

_D = 128
_T = 160000
_G = 40000
_STU_N = 10000
_ITEM_N = 10000
_CONC_N = 1000

_NW = 32
_TPAD = 163840
_EPW = _TPAD // _NW
_C = 80
_NCH = _EPW // _C
_NGRP = _C // 16
_GPAD = 40192
_GSL = _GPAD // 16


def _prep_body(stu_ref, item_ref, conc_ref, wsp_ref, wip_ref, ws_ref, wi_ref,
               bs_ref, bi_ref, hstu_ref, hitem_ref, cat_ref):
    hstu_ref[...] = jnp.dot(stu_ref[...], wsp_ref[...],
                            preferred_element_type=jnp.float32)
    hitem_ref[...] = jnp.dot(item_ref[...], wip_ref[...],
                             preferred_element_type=jnp.float32)

    @pl.when(pl.program_id(0) == 0)
    def _():
        cat_ref[:, :_D] = jnp.dot(conc_ref[...], ws_ref[...],
                                  preferred_element_type=jnp.float32) + bs_ref[...]
        cat_ref[:, _D:] = jnp.dot(conc_ref[...], wi_ref[...],
                                  preferred_element_type=jnp.float32) + bi_ref[...]


def _prep(stu_x, item_x, conc_x, wsp, wip, ws, wi, bs, bi):
    br = 2000
    return pl.pallas_call(
        _prep_body,
        grid=(_STU_N // br,),
        in_specs=[
            pl.BlockSpec((br, _D), lambda i: (i, 0)),
            pl.BlockSpec((br, _D), lambda i: (i, 0)),
            pl.BlockSpec((_CONC_N, _D), lambda i: (0, 0)),
            pl.BlockSpec((_D, _D), lambda i: (0, 0)),
            pl.BlockSpec((_D, _D), lambda i: (0, 0)),
            pl.BlockSpec((_D, _D), lambda i: (0, 0)),
            pl.BlockSpec((_D, _D), lambda i: (0, 0)),
            pl.BlockSpec((1, _D), lambda i: (0, 0)),
            pl.BlockSpec((1, _D), lambda i: (0, 0)),
        ],
        out_specs=[
            pl.BlockSpec((br, _D), lambda i: (i, 0)),
            pl.BlockSpec((br, _D), lambda i: (i, 0)),
            pl.BlockSpec((_CONC_N, 2 * _D), lambda i: (0, 0)),
        ],
        out_shape=[
            jax.ShapeDtypeStruct((_STU_N, _D), jnp.float32),
            jax.ShapeDtypeStruct((_ITEM_N, _D), jnp.float32),
            jax.ShapeDtypeStruct((_CONC_N, 2 * _D), jnp.float32),
        ],
    )(stu_x, item_x, conc_x, wsp, wip, ws, wi, bs, bi)


def _sc_main(cat, hstu, hitem, cidx, sidx, iidx, midx, wpred):
    mesh = plsc.VectorSubcoreMesh(core_axis_name="c", subcore_axis_name="s",
                                  num_cores=2, num_subcores=16)

    @functools.partial(
        pl.kernel,
        out_type=(
            jax.ShapeDtypeStruct((2 * _GPAD,), jnp.float32),
            jax.ShapeDtypeStruct((2 * _GPAD,), jnp.float32),
        ),
        mesh=mesh,
        compiler_params=pltpu.CompilerParams(needs_layout_passes=False,
                                             disable_bounds_checks=True),
        scratch_types=[
            pltpu.VMEM((_EPW,), jnp.int32),
            pltpu.VMEM((_EPW,), jnp.int32),
            pltpu.VMEM((_EPW,), jnp.int32),
            pltpu.VMEM((2, _C), jnp.int32),
            pltpu.VMEM((2, _C, _D), jnp.int32),
            pltpu.VMEM((2, _C, _D), jnp.float32),
            pltpu.VMEM((2, _C, _D), jnp.float32),
            pltpu.VMEM((2, _C), jnp.float32),
            pltpu.VMEM((_C, 17), jnp.float32),
            pltpu.VMEM((_C,), jnp.float32),
            pltpu.VMEM((_GSL,), jnp.float32),
            pltpu.VMEM((_D,), jnp.float32),
            pltpu.VMEM_SHARED((_GPAD,), jnp.float32),
            pltpu.VMEM_SHARED((_GPAD,), jnp.float32),
            pltpu.SemaphoreType.DMA,
            pltpu.SemaphoreType.DMA,
            pltpu.SemaphoreType.DMA,
            pltpu.SemaphoreType.DMA,
        ],
    )
    def k(cat_h, hstu_h, hitem_h, cidx_h, sidx_h, iidx_h, midx_h, w_h,
          sums_o, cnts_o,
          cva, sva, iva, mvb, crow, srow, irow, z, z2, ones, zbuf, wv,
          accs, accc, gsem0, gsem1, ssem0, ssem1):
        cid = lax.axis_index("c")
        sid = lax.axis_index("s")
        wid = sid * 2 + cid
        base = wid * _EPW
        lane = lax.iota(jnp.int32, 16)
        zeros16 = jnp.zeros((16,), jnp.float32)
        ones16 = jnp.full((16,), 1.0, jnp.float32)
        gsems = (gsem0, gsem1)
        ssems = (ssem0, ssem1)

        @pl.loop(0, _GSL // 16)
        def _(i):
            zbuf[pl.ds(i * 16, 16)] = zeros16

        for g in range(_NGRP):
            ones[pl.ds(g * 16, 16)] = ones16
        pltpu.sync_copy(w_h, wv)
        pltpu.sync_copy(cidx_h.at[pl.ds(base, _EPW)], cva)
        pltpu.sync_copy(sidx_h.at[pl.ds(base, _EPW)], sva)
        pltpu.sync_copy(iidx_h.at[pl.ds(base, _EPW)], iva)

        gslb = sid * _GSL
        pltpu.sync_copy(zbuf, accs.at[pl.ds(gslb, _GSL)])
        pltpu.sync_copy(zbuf, accc.at[pl.ds(gslb, _GSL)])
        plsc.subcore_barrier()

        def gather_descs(c, b):
            s = c * _C
            return (
                pltpu.make_async_copy(cat_h.at[cva.at[pl.ds(s, _C)]],
                                      crow.at[b], gsems[b]),
                pltpu.make_async_copy(hstu_h.at[sva.at[pl.ds(s, _C)]],
                                      srow.at[b], gsems[b]),
                pltpu.make_async_copy(hitem_h.at[iva.at[pl.ds(s, _C)]],
                                      irow.at[b], gsems[b]),
                pltpu.make_async_copy(midx_h.at[pl.ds(base + s, _C)],
                                      mvb.at[b], gsems[b]),
            )

        def scatter_descs(b):
            return (
                pltpu.make_async_copy(z.at[b], accs.at[mvb.at[b]], ssems[b]),
                pltpu.make_async_copy(ones, accc.at[mvb.at[b]], ssems[b]),
            )

        def fire(c, b):
            for dsc in gather_descs(c, b):
                dsc.start()

        w16 = [wv[pl.ds(i * 16, 16)] for i in range(8)]

        def compute(b):
            cr = crow.at[b]
            sr = srow.at[b]
            ir = irow.at[b]

            @plsc.parallel_loop(0, _C, unroll=2)
            def _edge(e):
                vacc = jnp.zeros((16,), jnp.float32)
                for dc in range(4):
                    a01 = plsc.unpack(
                        plsc.bitcast(cr[e, pl.ds(dc * 16, 16)], jnp.bfloat16),
                        format=plsc.PackFormat.INTERLEAVED)
                    b01 = plsc.unpack(
                        plsc.bitcast(cr[e, pl.ds(64 + dc * 16, 16)],
                                     jnp.bfloat16),
                        format=plsc.PackFormat.INTERLEAVED)
                    for kk2 in range(2):
                        sl = pl.ds(dc * 32 + kk2 * 16, 16)
                        a = a01[kk2] + sr[e, sl]
                        bb = b01[kk2] + ir[e, sl]
                        ea = jnp.exp(-a)
                        eb = jnp.exp(-bb)
                        num = eb - ea
                        den = (1.0 + ea) * (1.0 + eb)
                        vacc = vacc + w16[2 * dc + kk2] * (num / den)
                z2[e, pl.ds(0, 16)] = vacc

            for g in range(_NGRP):
                rows = g * 16 + lane
                acc = zeros16
                for j in range(16):
                    acc = acc + plsc.load_gather(
                        z2, [rows, jnp.full((16,), j, jnp.int32)])
                z[b, pl.ds(g * 16, 16)] = acc

        fire(0, 0)

        @pl.loop(0, _NCH // 2)
        def _(kk):
            for b in range(2):
                c = 2 * kk + b
                nb = 1 - b

                @pl.when(c + 1 < _NCH)
                def _():
                    fire(c + 1, nb)

                for dsc in gather_descs(c, b):
                    dsc.wait()

                @pl.when(c >= 2)
                def _():
                    for dsc in scatter_descs(b):
                        dsc.wait()

                compute(b)
                pltpu.async_copy(z.at[b], accs.at[mvb.at[b]], ssems[b],
                                 add=True)
                pltpu.async_copy(ones, accc.at[mvb.at[b]], ssems[b],
                                 add=True)

        for b in range(2):
            for dsc in scatter_descs(b):
                dsc.wait()
        plsc.subcore_barrier()

        obase = cid * _GPAD + gslb
        pltpu.sync_copy(accs.at[pl.ds(gslb, _GSL)], zbuf)
        pltpu.sync_copy(zbuf, sums_o.at[pl.ds(obase, _GSL)])
        pltpu.sync_copy(accc.at[pl.ds(gslb, _GSL)], zbuf)
        pltpu.sync_copy(zbuf, cnts_o.at[pl.ds(obase, _GSL)])

    return k(cat, hstu, hitem, cidx, sidx, iidx, midx, wpred)


def _fin_body(s_ref, c_ref, b_ref, o_ref):
    s = s_ref[0] + s_ref[1]
    c = c_ref[0] + c_ref[1]
    m = s / jnp.maximum(c, 1.0) + b_ref[...]
    o_ref[...] = 1.0 / (1.0 + jnp.exp(-m))


def _fin(sums2, cnts2, brow):
    rows = _GPAD // _D
    return pl.pallas_call(
        _fin_body,
        out_shape=jax.ShapeDtypeStruct((rows, _D), jnp.float32),
    )(sums2, cnts2, brow)


def kernel(stu_x, conc_x, item_x, stu_track, item_index, conc_index,
           mean_index, W_feat_stu, b_feat_stu, W_feat_item, b_feat_item,
           W_pred, b_pred):
    perm = np.arange(_D).reshape(4, 16, 2).transpose(0, 2, 1).reshape(_D)
    hstu, hitem, cat = _prep(stu_x, item_x, conc_x,
                             W_feat_stu[:, perm], W_feat_item[:, perm],
                             W_feat_stu, W_feat_item,
                             b_feat_stu.reshape(1, _D),
                             b_feat_item.reshape(1, _D))
    cat_i32 = jax.lax.bitcast_convert_type(
        cat.astype(jnp.bfloat16).reshape(_CONC_N, _D, 2), jnp.int32)
    pad = _TPAD - _T
    cidx = jnp.pad(conc_index, (0, pad))
    sidx = jnp.pad(stu_track, (0, pad))
    iidx = jnp.pad(item_index, (0, pad))
    midx = jnp.pad(mean_index, (0, pad), constant_values=_G)
    w_perm = W_pred.reshape(_D)[perm]
    sums, cnts = _sc_main(cat_i32, hstu, hitem, cidx, sidx, iidx, midx,
                          w_perm)
    out = _fin(sums.reshape(2, _GPAD // _D, _D),
               cnts.reshape(2, _GPAD // _D, _D),
               jnp.broadcast_to(b_pred.reshape(1, 1), (1, _D)))
    return out.reshape(-1)[:_G]

# --- scband reference (transcript-rebuilt; emitter-appended) ---
"""Pipeline reference for scband-diagnosis-1640677507712 (READ-ONLY COPY).

The authoritative reference and input builder live on the scoring server;
editing this copy changes nothing except your own understanding.
"""

import jax, jax.numpy as jnp
import numpy as np

D = 128
STU_N = 10000
CONC_N = 1000
ITEM_N = 10000
T = 160000
NUM_GROUPS = 40000


def setup_inputs(seed: int = 0) -> dict:
    key = jax.random.key(seed)
    ks = jax.random.split(key, 12)
    stu_x = jax.random.normal(ks[0], (STU_N, D), dtype=jnp.float32)
    conc_x = jax.random.normal(ks[1], (CONC_N, D), dtype=jnp.float32)
    item_x = jax.random.normal(ks[2], (ITEM_N, D), dtype=jnp.float32)
    stu_track = jax.random.randint(ks[3], (T,), 0, STU_N, dtype=jnp.int32)
    item_index = jax.random.randint(ks[4], (T,), 0, ITEM_N, dtype=jnp.int32)
    conc_index = jax.random.randint(ks[5], (T,), 0, CONC_N, dtype=jnp.int32)
    mean_index = jnp.sort(jax.random.randint(ks[6], (T,), 0, NUM_GROUPS, dtype=jnp.int32))
    # Feature.lin_l (shared with lin_r), xavier_normal std = sqrt(2/(fan_in+fan_out))
    W_feat_stu = jax.random.normal(ks[7], (D, D), dtype=jnp.float32) * np.sqrt(2.0 / (D + D))
    b_feat_stu = jnp.zeros((D,), dtype=jnp.float32)
    W_feat_item = jax.random.normal(ks[8], (D, D), dtype=jnp.float32) * np.sqrt(2.0 / (D + D))
    b_feat_item = jnp.zeros((D,), dtype=jnp.float32)
    W_pred = jax.random.normal(ks[9], (D, 1), dtype=jnp.float32) * np.sqrt(2.0 / (D + 1))
    b_pred = jnp.zeros((1,), dtype=jnp.float32)
    return {
        'stu_x': stu_x, 'conc_x': conc_x, 'item_x': item_x,
        'stu_track': stu_track, 'item_index': item_index,
        'conc_index': conc_index, 'mean_index': mean_index,
        'W_feat_stu': W_feat_stu, 'b_feat_stu': b_feat_stu,
        'W_feat_item': W_feat_item, 'b_feat_item': b_feat_item,
        'W_pred': W_pred, 'b_pred': b_pred,
    }


def reference(stu_x, conc_x, item_x, stu_track, item_index, conc_index, mean_index,
              W_feat_stu, b_feat_stu, W_feat_item, b_feat_item, W_pred, b_pred):
    # Feature(stu): heads=1, lin_r = lin_l (shared weight), message = x_j + x_i,
    # aggregate = identity -> per-edge (per-triple) output, then bias + sigmoid.
    h_conc_s = conc_x @ W_feat_stu          # lin_l(source_x)
    h_stu = stu_x @ W_feat_stu              # lin_r(target_x), shared weights
    # edge_index row0 = conc_index (source j), row1 = stu_track (target i)
    stu_feature = jax.nn.sigmoid(jnp.take(h_conc_s, conc_index, axis=0)
                                 + jnp.take(h_stu, stu_track, axis=0)
                                 + b_feat_stu)                     # [T, D]
    # Feature(item): SparseTensor(row=item_index, col=conc_index): x_j = conc, x_i = item
    h_conc_i = conc_x @ W_feat_item
    h_item = item_x @ W_feat_item
    item_feature = jax.nn.sigmoid(jnp.take(h_conc_i, conc_index, axis=0)
                                  + jnp.take(h_item, item_index, axis=0)
                                  + b_feat_item)                   # [T, D]
    diff = stu_feature - item_feature
    # scatter(..., mean_index, reduce='mean')
    seg_sum = jax.ops.segment_sum(diff, mean_index, num_segments=NUM_GROUPS)
    counts = jax.ops.segment_sum(jnp.ones((diff.shape[0],), diff.dtype), mean_index,
                                 num_segments=NUM_GROUPS)
    pred_input = seg_sum / jnp.maximum(counts, 1.0)[:, None]       # [NUM_GROUPS, D]
    pred = jax.nn.sigmoid(pred_input @ W_pred + b_pred)
    return pred.reshape(-1)

if __name__ == "__main__":
    import jax
    _d = setup_inputs()
    print(jax.jit(kernel)(*tuple(_d.values())))

</pallas_src>

<mosaic_0001>
#map = affine_map<(d0, d1) -> (0, 0)>
#map1 = affine_map<(d0, d1) -> (0)>
module attributes {stable_mosaic.version = 14 : i64} {
  func.func @k(%arg0: i32, %arg1: i32, %arg2: memref<1000x128xi32, #tpu.memory_space<hbm>>, %arg3: memref<10000x128xf32, #tpu.memory_space<hbm>>, %arg4: memref<10000x128xf32, #tpu.memory_space<hbm>>, %arg5: memref<163840xi32, #tpu.memory_space<hbm>>, %arg6: memref<163840xi32, #tpu.memory_space<hbm>>, %arg7: memref<163840xi32, #tpu.memory_space<hbm>>, %arg8: memref<163840xi32, #tpu.memory_space<hbm>>, %arg9: memref<128xf32, #tpu.memory_space<hbm>>, %arg10: memref<80384xf32, #tpu.memory_space<hbm>>, %arg11: memref<80384xf32, #tpu.memory_space<hbm>>, %arg12: memref<5120xi32, #tpu.memory_space<vmem>>, %arg13: memref<5120xi32, #tpu.memory_space<vmem>>, %arg14: memref<5120xi32, #tpu.memory_space<vmem>>, %arg15: memref<2x80xi32, #tpu.memory_space<vmem>>, %arg16: memref<2x80x128xi32, #tpu.memory_space<vmem>>, %arg17: memref<2x80x128xf32, #tpu.memory_space<vmem>>, %arg18: memref<2x80x128xf32, #tpu.memory_space<vmem>>, %arg19: memref<2x80xf32, #tpu.memory_space<vmem>>, %arg20: memref<80x17xf32, #tpu.memory_space<vmem>>, %arg21: memref<80xf32, #tpu.memory_space<vmem>>, %arg22: memref<2512xf32, #tpu.memory_space<vmem>>, %arg23: memref<128xf32, #tpu.memory_space<vmem>>, %arg24: memref<40192xf32, #tpu.memory_space<vmem_shared>>, %arg25: memref<40192xf32, #tpu.memory_space<vmem_shared>>, %arg26: memref<!tpu.dma_semaphore, #tpu.memory_space<semaphore_mem>>, %arg27: memref<!tpu.dma_semaphore, #tpu.memory_space<semaphore_mem>>, %arg28: memref<!tpu.dma_semaphore, #tpu.memory_space<semaphore_mem>>, %arg29: memref<!tpu.dma_semaphore, #tpu.memory_space<semaphore_mem>>) attributes {dimension_semantics = [#tpu.dimension_semantics<core_parallel>, #tpu.dimension_semantics<subcore_parallel>], iteration_bounds = array<i64: 2, 16>, scalar_prefetch = 0 : i64, scratch_operands = 18 : i64, tpu.core_type = #tpu.core_type<sc_vector_subcore>, window_params = [{transform_indices = #map}, {transform_indices = #map}, {transform_indices = #map}, {transform_indices = #map1}, {transform_indices = #map1}, {transform_indices = #map1}, {transform_indices = #map1}, {transform_indices = #map1}, {transform_indices = #map1}, {transform_indices = #map1}]} {
    %mul3A = arith.constant 2 : i32
    %mul3A_0 = arith.muli %arg1, %mul3A : i32
    %add3A = arith.addi %mul3A_0, %arg0 : i32
    %mul3A_1 = arith.constant 5120 : i32
    %mul3A_2 = arith.muli %add3A, %mul3A_1 : i32
    %iota3A = tpu.iota {dimensions = array<i32: 0>} : vector<16xi32>
    %broadcast_in_dim3A = arith.constant 0.000000e+00 : f32
    %broadcast_in_dim3A_3 = vector.broadcast %broadcast_in_dim3A : f32 to vector<16xf32>
    %broadcast_in_dim3A_4 = arith.constant 1.000000e+00 : f32
    %broadcast_in_dim3A_5 = vector.broadcast %broadcast_in_dim3A_4 : f32 to vector<16xf32>
    %scan3A = arith.constant 0 : i32
    %scan3A_6 = arith.constant 157 : i32
    %scan3A_7 = arith.addi %scan3A, %scan3A_6 : i32
    %scan3A_8 = arith.constant 1 : i32
    scf.for %scan3A_116 = %scan3A to %scan3A_7 step %scan3A_8  : i32 {
      %mul3A_117 = arith.constant 1 : i32
      %mul3A_118 = arith.muli %scan3A_116, %mul3A_117 : i32
      %add3A_119 = arith.constant 0 : i32
      %add3A_120 = arith.addi %add3A_119, %mul3A_118 : i32
      %mul3A_121 = arith.constant 16 : i32
      %mul3A_122 = arith.muli %add3A_120, %mul3A_121 : i32
      %swap3A_123 = arith.index_cast %mul3A_122 : i32 to index
      %swap3A_124 = tpu.vector_load %arg22[%swap3A_123] {strides = array<i32>} : memref<2512xf32, #tpu.memory_space<vmem>>, vector<16xf32>,
      tpu.vector_store %arg22[%swap3A_123], %broadcast_in_dim3A_3 {strides = array<i32>} : memref<2512xf32, #tpu.memory_space<vmem>>, vector<16xf32>,
    }
    %scan3A_9 = arith.constant 157 : i32
    %swap3A = arith.constant 0 : index
    %swap3A_10 = tpu.vector_load %arg21[%swap3A] {strides = array<i32>} : memref<80xf32, #tpu.memory_space<vmem>>, vector<16xf32>,
    tpu.vector_store %arg21[%swap3A], %broadcast_in_dim3A_5 {strides = array<i32>} : memref<80xf32, #tpu.memory_space<vmem>>, vector<16xf32>,
    %swap3A_11 = arith.constant 16 : index
    %swap3A_12 = tpu.vector_load %arg21[%swap3A_11] {strides = array<i32>} : memref<80xf32, #tpu.memory_space<vmem>>, vector<16xf32>,
    tpu.vector_store %arg21[%swap3A_11], %broadcast_in_dim3A_5 {strides = array<i32>} : memref<80xf32, #tpu.memory_space<vmem>>, vector<16xf32>,
    %swap3A_13 = arith.constant 32 : index
    %swap3A_14 = tpu.vector_load %arg21[%swap3A_13] {strides = array<i32>} : memref<80xf32, #tpu.memory_space<vmem>>, vector<16xf32>,
    tpu.vector_store %arg21[%swap3A_13], %broadcast_in_dim3A_5 {strides = array<i32>} : memref<80xf32, #tpu.memory_space<vmem>>, vector<16xf32>,
    %swap3A_15 = arith.constant 48 : index
    %swap3A_16 = tpu.vector_load %arg21[%swap3A_15] {strides = array<i32>} : memref<80xf32, #tpu.memory_space<vmem>>, vector<16xf32>,
    tpu.vector_store %arg21[%swap3A_15], %broadcast_in_dim3A_5 {strides = array<i32>} : memref<80xf32, #tpu.memory_space<vmem>>, vector<16xf32>,
    %swap3A_17 = arith.constant 64 : index
    %swap3A_18 = tpu.vector_load %arg21[%swap3A_17] {strides = array<i32>} : memref<80xf32, #tpu.memory_space<vmem>>, vector<16xf32>,
    tpu.vector_store %arg21[%swap3A_17], %broadcast_in_dim3A_5 {strides = array<i32>} : memref<80xf32, #tpu.memory_space<vmem>>, vector<16xf32>,
    "tpu.region"() ({
      %run_scoped3A = tpu.sem_alloc : memref<!tpu.dma_semaphore, #tpu.memory_space<semaphore_mem>>
      tpu.enqueue_dma source(%arg9 : memref<128xf32, #tpu.memory_space<hbm>>) target(%arg23 : memref<128xf32, #tpu.memory_space<vmem>>) target_semaphore(%run_scoped3A : memref<!tpu.dma_semaphore, #tpu.memory_space<semaphore_mem>>)
      tpu.wait_dma2 semaphore(%run_scoped3A : memref<!tpu.dma_semaphore, #tpu.memory_space<semaphore_mem>>) src(%arg9 : memref<128xf32, #tpu.memory_space<hbm>>) dst(%arg23 : memref<128xf32, #tpu.memory_space<vmem>>)
      tpu.yield
    }) : () -> ()
    "tpu.region"() ({
      %run_scoped3A = tpu.sem_alloc : memref<!tpu.dma_semaphore, #tpu.memory_space<semaphore_mem>>
      %dma_start3A_116 = tpu.memref_slice %arg5[%mul3A_2] : memref<163840xi32, #tpu.memory_space<hbm>> -> memref<5120xi32, #tpu.memory_space<hbm>>
      %dma_start3A_117 = tpu.memref_slice %arg5[%mul3A_2] : memref<163840xi32, #tpu.memory_space<hbm>> -> memref<5120xi32, #tpu.memory_space<hbm>>
      tpu.enqueue_dma source(%dma_start3A_117 : memref<5120xi32, #tpu.memory_space<hbm>>) target(%arg12 : memref<5120xi32, #tpu.memory_space<vmem>>) target_semaphore(%run_scoped3A : memref<!tpu.dma_semaphore, #tpu.memory_space<semaphore_mem>>)
      %dma_wait3A_118 = tpu.memref_slice %arg5[%mul3A_2] : memref<163840xi32, #tpu.memory_space<hbm>> -> memref<5120xi32, #tpu.memory_space<hbm>>
      %dma_wait3A_119 = tpu.memref_slice %arg5[%mul3A_2] : memref<163840xi32, #tpu.memory_space<hbm>> -> memref<5120xi32, #tpu.memory_space<hbm>>
      tpu.wait_dma2 semaphore(%run_scoped3A : memref<!tpu.dma_semaphore, #tpu.memory_space<semaphore_mem>>) src(%dma_wait3A_119 : memref<5120xi32, #tpu.memory_space<hbm>>) dst(%arg12 : memref<5120xi32, #tpu.memory_space<vmem>>)
      tpu.yield
    }) : () -> ()
    "tpu.region"() ({
      %run_scoped3A = tpu.sem_alloc : memref<!tpu.dma_semaphore, #tpu.memory_space<semaphore_mem>>
      %dma_start3A_116 = tpu.memref_slice %arg6[%mul3A_2] : memref<163840xi32, #tpu.memory_space<hbm>> -> memref<5120xi32, #tpu.memory_space<hbm>>
      %dma_start3A_117 = tpu.memref_slice %arg6[%mul3A_2] : memref<163840xi32, #tpu.memory_space<hbm>> -> memref<5120xi32, #tpu.memory_space<hbm>>
      tpu.enqueue_dma source(%dma_start3A_117 : memref<5120xi32, #tpu.memory_space<hbm>>) target(%arg13 : memref<5120xi32, #tpu.memory_space<vmem>>) target_semaphore(%run_scoped3A : memref<!tpu.dma_semaphore, #tpu.memory_space<semaphore_mem>>)
      %dma_wait3A_118 = tpu.memref_slice %arg6[%mul3A_2] : memref<163840xi32, #tpu.memory_space<hbm>> -> memref<5120xi32, #tpu.memory_space<hbm>>
      %dma_wait3A_119 = tpu.memref_slice %arg6[%mul3A_2] : memref<163840xi32, #tpu.memory_space<hbm>> -> memref<5120xi32, #tpu.memory_space<hbm>>
      tpu.wait_dma2 semaphore(%run_scoped3A : memref<!tpu.dma_semaphore, #tpu.memory_space<semaphore_mem>>) src(%dma_wait3A_119 : memref<5120xi32, #tpu.memory_space<hbm>>) dst(%arg13 : memref<5120xi32, #tpu.memory_space<vmem>>)
      tpu.yield
    }) : () -> ()
    "tpu.region"() ({
      %run_scoped3A = tpu.sem_alloc : memref<!tpu.dma_semaphore, #tpu.memory_space<semaphore_mem>>
      %dma_start3A_116 = tpu.memref_slice %arg7[%mul3A_2] : memref<163840xi32, #tpu.memory_space<hbm>> -> memref<5120xi32, #tpu.memory_space<hbm>>
      %dma_start3A_117 = tpu.memref_slice %arg7[%mul3A_2] : memref<163840xi32, #tpu.memory_space<hbm>> -> memref<5120xi32, #tpu.memory_space<hbm>>
      tpu.enqueue_dma source(%dma_start3A_117 : memref<5120xi32, #tpu.memory_space<hbm>>) target(%arg14 : memref<5120xi32, #tpu.memory_space<vmem>>) target_semaphore(%run_scoped3A : memref<!tpu.dma_semaphore, #tpu.memory_space<semaphore_mem>>)
      %dma_wait3A_118 = tpu.memref_slice %arg7[%mul3A_2] : memref<163840xi32, #tpu.memory_space<hbm>> -> memref<5120xi32, #tpu.memory_space<hbm>>
      %dma_wait3A_119 = tpu.memref_slice %arg7[%mul3A_2] : memref<163840xi32, #tpu.memory_space<hbm>> -> memref<5120xi32, #tpu.memory_space<hbm>>
      tpu.wait_dma2 semaphore(%run_scoped3A : memref<!tpu.dma_semaphore, #tpu.memory_space<semaphore_mem>>) src(%dma_wait3A_119 : memref<5120xi32, #tpu.memory_space<hbm>>) dst(%arg14 : memref<5120xi32, #tpu.memory_space<vmem>>)
      tpu.yield
    }) : () -> ()
    %mul3A_19 = arith.constant 2512 : i32
    %mul3A_20 = arith.muli %arg1, %mul3A_19 : i32
    "tpu.region"() ({
      %run_scoped3A = tpu.sem_alloc : memref<!tpu.dma_semaphore, #tpu.memory_space<semaphore_mem>>
      %dma_start3A_116 = tpu.memref_slice %arg24[%mul3A_20] : memref<40192xf32, #tpu.memory_space<vmem_shared>> -> memref<2512xf32, #tpu.memory_space<vmem_shared>>
      %dma_start3A_117 = tpu.memref_slice %arg24[%mul3A_20] : memref<40192xf32, #tpu.memory_space<vmem_shared>> -> memref<2512xf32, #tpu.memory_space<vmem_shared>>
      tpu.enqueue_dma source(%arg22 : memref<2512xf32, #tpu.memory_space<vmem>>) target(%dma_start3A_117 : memref<2512xf32, #tpu.memory_space<vmem_shared>>) target_semaphore(%run_scoped3A : memref<!tpu.dma_semaphore, #tpu.memory_space<semaphore_mem>>)
      %dma_wait3A_118 = tpu.memref_slice %arg24[%mul3A_20] : memref<40192xf32, #tpu.memory_space<vmem_shared>> -> memref<2512xf32, #tpu.memory_space<vmem_shared>>
      %dma_wait3A_119 = tpu.memref_slice %arg24[%mul3A_20] : memref<40192xf32, #tpu.memory_space<vmem_shared>> -> memref<2512xf32, #tpu.memory_space<vmem_shared>>
      tpu.wait_dma2 semaphore(%run_scoped3A : memref<!tpu.dma_semaphore, #tpu.memory_space<semaphore_mem>>) src(%arg22 : memref<2512xf32, #tpu.memory_space<vmem>>) dst(%dma_wait3A_119 : memref<2512xf32, #tpu.memory_space<vmem_shared>>)
      tpu.yield
    }) : () -> ()
    "tpu.region"() ({
      %run_scoped3A = tpu.sem_alloc : memref<!tpu.dma_semaphore, #tpu.memory_space<semaphore_mem>>
      %dma_start3A_116 = tpu.memref_slice %arg25[%mul3A_20] : memref<40192xf32, #tpu.memory_space<vmem_shared>> -> memref<2512xf32, #tpu.memory_space<vmem_shared>>
      %dma_start3A_117 = tpu.memref_slice %arg25[%mul3A_20] : memref<40192xf32, #tpu.memory_space<vmem_shared>> -> memref<2512xf32, #tpu.memory_space<vmem_shared>>
      tpu.enqueue_dma source(%arg22 : memref<2512xf32, #tpu.memory_space<vmem>>) target(%dma_start3A_117 : memref<2512xf32, #tpu.memory_space<vmem_shared>>) target_semaphore(%run_scoped3A : memref<!tpu.dma_semaphore, #tpu.memory_space<semaphore_mem>>)
      %dma_wait3A_118 = tpu.memref_slice %arg25[%mul3A_20] : memref<40192xf32, #tpu.memory_space<vmem_shared>> -> memref<2512xf32, #tpu.memory_space<vmem_shared>>
      %dma_wait3A_119 = tpu.memref_slice %arg25[%mul3A_20] : memref<40192xf32, #tpu.memory_space<vmem_shared>> -> memref<2512xf32, #tpu.memory_space<vmem_shared>>
      tpu.wait_dma2 semaphore(%run_scoped3A : memref<!tpu.dma_semaphore, #tpu.memory_space<semaphore_mem>>) src(%arg22 : memref<2512xf32, #tpu.memory_space<vmem>>) dst(%dma_wait3A_119 : memref<2512xf32, #tpu.memory_space<vmem_shared>>)
      tpu.yield
    }) : () -> ()
    %barrier3A = arith.constant 0 : index
    tpu.barrier barrier_id(%barrier3A)
    %get3A = arith.constant 0 : index
    %get3A_21 = tpu.vector_load %arg23[%get3A] {strides = array<i32>} : memref<128xf32, #tpu.memory_space<vmem>>, vector<16xf32>,
    %get3A_22 = arith.constant 16 : index
    %get3A_23 = tpu.vector_load %arg23[%get3A_22] {strides = array<i32>} : memref<128xf32, #tpu.memory_space<vmem>>, vector<16xf32>,
    %get3A_24 = arith.constant 32 : index
    %get3A_25 = tpu.vector_load %arg23[%get3A_24] {strides = array<i32>} : memref<128xf32, #tpu.memory_space<vmem>>, vector<16xf32>,
    %get3A_26 = arith.constant 48 : index
    %get3A_27 = tpu.vector_load %arg23[%get3A_26] {strides = array<i32>} : memref<128xf32, #tpu.memory_space<vmem>>, vector<16xf32>,
    %get3A_28 = arith.constant 64 : index
    %get3A_29 = tpu.vector_load %arg23[%get3A_28] {strides = array<i32>} : memref<128xf32, #tpu.memory_space<vmem>>, vector<16xf32>,
    %get3A_30 = arith.constant 80 : index
    %get3A_31 = tpu.vector_load %arg23[%get3A_30] {strides = array<i32>} : memref<128xf32, #tpu.memory_space<vmem>>, vector<16xf32>,
    %get3A_32 = arith.constant 96 : index
    %get3A_33 = tpu.vector_load %arg23[%get3A_32] {strides = array<i32>} : memref<128xf32, #tpu.memory_space<vmem>>, vector<16xf32>,
    %get3A_34 = arith.constant 112 : index
    %get3A_35 = tpu.vector_load %arg23[%get3A_34] {strides = array<i32>} : memref<128xf32, #tpu.memory_space<vmem>>, vector<16xf32>,
    %add3A_36 = arith.constant 0 : i32
    %add3A_37 = arith.addi %mul3A_2, %add3A_36 : i32
    %dma_start3A = arith.constant 0 : i32
    %dma_start3A_38 = arith.constant 0 : i32
    %dma_start3A_39 = arith.constant 0 : i32
    %dma_start3A_40 = tpu.memref_slice %arg16[%dma_start3A, %dma_start3A_38, %dma_start3A_39] : memref<2x80x128xi32, #tpu.memory_space<vmem>> -> memref<1x80x128xi32, #tpu.memory_space<vmem>>
    %dma_start3A_41 = tpu.memref_squeeze %dma_start3A_40 : memref<1x80x128xi32, #tpu.memory_space<vmem>> -> memref<80x128xi32, #tpu.memory_space<vmem>>
    %dma_start3A_42 = arith.constant 0 : i32
    %dma_start3A_43 = tpu.memref_slice %arg12[%dma_start3A_42] : memref<5120xi32, #tpu.memory_space<vmem>> -> memref<80xi32, #tpu.memory_space<vmem>>
    %dma_start3A_44 = arith.constant 0 : i32
    %dma_start3A_45 = arith.constant 0 : i32
    %dma_start3A_46 = tpu.memref_slice %arg2[%dma_start3A_44, %dma_start3A_45] : memref<1000x128xi32, #tpu.memory_space<hbm>> -> memref<1000x128xi32, #tpu.memory_space<hbm>>
    tpu.enqueue_indirect_dma source(%dma_start3A_46 : memref<1000x128xi32, #tpu.memory_space<hbm>>) target(%dma_start3A_41 : memref<80x128xi32, #tpu.memory_space<vmem>>) offsets(%dma_start3A_43 : memref<80xi32, #tpu.memory_space<vmem>>) semaphore(%arg26 : memref<!tpu.dma_semaphore, #tpu.memory_space<semaphore_mem>>)
    %dma_start3A_47 = arith.constant 0 : i32
    %dma_start3A_48 = arith.constant 0 : i32
    %dma_start3A_49 = arith.constant 0 : i32
    %dma_start3A_50 = tpu.memref_slice %arg17[%dma_start3A_47, %dma_start3A_48, %dma_start3A_49] : memref<2x80x128xf32, #tpu.memory_space<vmem>> -> memref<1x80x128xf32, #tpu.memory_space<vmem>>
    %dma_start3A_51 = tpu.memref_squeeze %dma_start3A_50 : memref<1x80x128xf32, #tpu.memory_space<vmem>> -> memref<80x128xf32, #tpu.memory_space<vmem>>
    %dma_start3A_52 = arith.constant 0 : i32
    %dma_start3A_53 = tpu.memref_slice %arg13[%dma_start3A_52] : memref<5120xi32, #tpu.memory_space<vmem>> -> memref<80xi32, #tpu.memory_space<vmem>>
    %dma_start3A_54 = arith.constant 0 : i32
    %dma_start3A_55 = arith.constant 0 : i32
    %dma_start3A_56 = tpu.memref_slice %arg3[%dma_start3A_54, %dma_start3A_55] : memref<10000x128xf32, #tpu.memory_space<hbm>> -> memref<10000x128xf32, #tpu.memory_space<hbm>>
    tpu.enqueue_indirect_dma source(%dma_start3A_56 : memref<10000x128xf32, #tpu.memory_space<hbm>>) target(%dma_start3A_51 : memref<80x128xf32, #tpu.memory_space<vmem>>) offsets(%dma_start3A_53 : memref<80xi32, #tpu.memory_space<vmem>>) semaphore(%arg26 : memref<!tpu.dma_semaphore, #tpu.memory_space<semaphore_mem>>)
    %dma_start3A_57 = arith.constant 0 : i32
    %dma_start3A_58 = arith.constant 0 : i32
    %dma_start3A_59 = arith.constant 0 : i32
    %dma_start3A_60 = tpu.memref_slice %arg18[%dma_start3A_57, %dma_start3A_58, %dma_start3A_59] : memref<2x80x128xf32, #tpu.memory_space<vmem>> -> memref<1x80x128xf32, #tpu.memory_space<vmem>>
    %dma_start3A_61 = tpu.memref_squeeze %dma_start3A_60 : memref<1x80x128xf32, #tpu.memory_space<vmem>> -> memref<80x128xf32, #tpu.memory_space<vmem>>
    %dma_start3A_62 = arith.constant 0 : i32
    %dma_start3A_63 = tpu.memref_slice %arg14[%dma_start3A_62] : memref<5120xi32, #tpu.memory_space<vmem>> -> memref<80xi32, #tpu.memory_space<vmem>>
    %dma_start3A_64 = arith.constant 0 : i32
    %dma_start3A_65 = arith.constant 0 : i32
    %dma_start3A_66 = tpu.memref_slice %arg4[%dma_start3A_64, %dma_start3A_65] : memref<10000x128xf32, #tpu.memory_space<hbm>> -> memref<10000x128xf32, #tpu.memory_space<hbm>>
    tpu.enqueue_indirect_dma source(%dma_start3A_66 : memref<10000x128xf32, #tpu.memory_space<hbm>>) target(%dma_start3A_61 : memref<80x128xf32, #tpu.memory_space<vmem>>) offsets(%dma_start3A_63 : memref<80xi32, #tpu.memory_space<vmem>>) semaphore(%arg26 : memref<!tpu.dma_semaphore, #tpu.memory_space<semaphore_mem>>)
    %dma_start3A_67 = arith.constant 0 : i32
    %dma_start3A_68 = arith.constant 0 : i32
    %dma_start3A_69 = tpu.memref_slice %arg15[%dma_start3A_67, %dma_start3A_68] : memref<2x80xi32, #tpu.memory_space<vmem>> -> memref<1x80xi32, #tpu.memory_space<vmem>>
    %dma_start3A_70 = tpu.memref_squeeze %dma_start3A_69 : memref<1x80xi32, #tpu.memory_space<vmem>> -> memref<80xi32, #tpu.memory_space<vmem>>
    %dma_start3A_71 = tpu.memref_slice %arg8[%add3A_37] : memref<163840xi32, #tpu.memory_space<hbm>> -> memref<80xi32, #tpu.memory_space<hbm>>
    %dma_start3A_72 = arith.constant 0 : i32
    %dma_start3A_73 = tpu.memref_slice %arg15[%dma_start3A_67, %dma_start3A_72] : memref<2x80xi32, #tpu.memory_space<vmem>> -> memref<1x80xi32, #tpu.memory_space<vmem>>
    %dma_start3A_74 = tpu.memref_squeeze %dma_start3A_73 : memref<1x80xi32, #tpu.memory_space<vmem>> -> memref<80xi32, #tpu.memory_space<vmem>>
    %dma_start3A_75 = tpu.memref_slice %arg8[%add3A_37] : memref<163840xi32, #tpu.memory_space<hbm>> -> memref<80xi32, #tpu.memory_space<hbm>>
    tpu.enqueue_dma source(%dma_start3A_75 : memref<80xi32, #tpu.memory_space<hbm>>) target(%dma_start3A_74 : memref<80xi32, #tpu.memory_space<vmem>>) target_semaphore(%arg26 : memref<!tpu.dma_semaphore, #tpu.memory_space<semaphore_mem>>)
    %scan3A_76 = arith.constant 0 : i32
    %scan3A_77 = arith.constant 32 : i32
    %scan3A_78 = arith.addi %scan3A_76, %scan3A_77 : i32
    %scan3A_79 = arith.constant 1 : i32
    scf.for %scan3A_116 = %scan3A_76 to %scan3A_78 step %scan3A_79  : i32 {
      %mul3A_117 = arith.constant 1 : i32
      %mul3A_118 = arith.muli %scan3A_116, %mul3A_117 : i32
      %add3A_119 = arith.constant 0 : i32
      %add3A_120 = arith.addi %add3A_119, %mul3A_118 : i32
      %mul3A_121 = arith.constant 2 : i32
      %mul3A_122 = arith.muli %mul3A_121, %add3A_120 : i32
      %add3A_123 = arith.constant 0 : i32
      %add3A_124 = arith.addi %mul3A_122, %add3A_123 : i32
      %add3A_125 = arith.constant 1 : i32
      %add3A_126 = arith.addi %add3A_124, %add3A_125 : i32
      %lt3A = arith.constant 64 : i32
      %lt3A_127 = arith.cmpi slt, %add3A_126, %lt3A : i32
      %convert_element_type3A = arith.extui %lt3A_127 : i1 to i32
      %cond3A = arith.constant 0 : i32
      %cond3A_128 = arith.cmpi ne, %convert_element_type3A, %cond3A : i32
      scf.if %cond3A_128 {
        %add3A_979 = arith.constant 1 : i32
        %add3A_980 = arith.addi %add3A_124, %add3A_979 : i32
        %mul3A_981 = arith.constant 80 : i32
        %mul3A_982 = arith.muli %add3A_980, %mul3A_981 : i32
        %add3A_983 = arith.addi %mul3A_2, %mul3A_982 : i32
        %dma_start3A_984 = arith.constant 1 : i32
        %dma_start3A_985 = arith.constant 0 : i32
        %dma_start3A_986 = arith.constant 0 : i32
        %dma_start3A_987 = tpu.memref_slice %arg16[%dma_start3A_984, %dma_start3A_985, %dma_start3A_986] : memref<2x80x128xi32, #tpu.memory_space<vmem>> -> memref<1x80x128xi32, #tpu.memory_space<vmem>>
        %dma_start3A_988 = tpu.memref_squeeze %dma_start3A_987 : memref<1x80x128xi32, #tpu.memory_space<vmem>> -> memref<80x128xi32, #tpu.memory_space<vmem>>
        %dma_start3A_989 = tpu.memref_slice %arg12[%mul3A_982] : memref<5120xi32, #tpu.memory_space<vmem>> -> memref<80xi32, #tpu.memory_space<vmem>>
        %dma_start3A_990 = arith.constant 0 : i32
        %dma_start3A_991 = arith.constant 0 : i32
        %dma_start3A_992 = tpu.memref_slice %arg2[%dma_start3A_990, %dma_start3A_991] : memref<1000x128xi32, #tpu.memory_space<hbm>> -> memref<1000x128xi32, #tpu.memory_space<hbm>>
        tpu.enqueue_indirect_dma source(%dma_start3A_992 : memref<1000x128xi32, #tpu.memory_space<hbm>>) target(%dma_start3A_988 : memref<80x128xi32, #tpu.memory_space<vmem>>) offsets(%dma_start3A_989 : memref<80xi32, #tpu.memory_space<vmem>>) semaphore(%arg27 : memref<!tpu.dma_semaphore, #tpu.memory_space<semaphore_mem>>)
        %dma_start3A_993 = arith.constant 1 : i32
        %dma_start3A_994 = arith.constant 0 : i32
        %dma_start3A_995 = arith.constant 0 : i32
        %dma_start3A_996 = tpu.memref_slice %arg17[%dma_start3A_993, %dma_start3A_994, %dma_start3A_995] : memref<2x80x128xf32, #tpu.memory_space<vmem>> -> memref<1x80x128xf32, #tpu.memory_space<vmem>>
        %dma_start3A_997 = tpu.memref_squeeze %dma_start3A_996 : memref<1x80x128xf32, #tpu.memory_space<vmem>> -> memref<80x128xf32, #tpu.memory_space<vmem>>
        %dma_start3A_998 = tpu.memref_slice %arg13[%mul3A_982] : memref<5120xi32, #tpu.memory_space<vmem>> -> memref<80xi32, #tpu.memory_space<vmem>>
        %dma_start3A_999 = arith.constant 0 : i32
        %dma_start3A_1000 = arith.constant 0 : i32
        %dma_start3A_1001 = tpu.memref_slice %arg3[%dma_start3A_999, %dma_start3A_1000] : memref<10000x128xf32, #tpu.memory_space<hbm>> -> memref<10000x128xf32, #tpu.memory_space<hbm>>
        tpu.enqueue_indirect_dma source(%dma_start3A_1001 : memref<10000x128xf32, #tpu.memory_space<hbm>>) target(%dma_start3A_997 : memref<80x128xf32, #tpu.memory_space<vmem>>) offsets(%dma_start3A_998 : memref<80xi32, #tpu.memory_space<vmem>>) semaphore(%arg27 : memref<!tpu.dma_semaphore, #tpu.memory_space<semaphore_mem>>)
        %dma_start3A_1002 = arith.constant 1 : i32
        %dma_start3A_1003 = arith.constant 0 : i32
        %dma_start3A_1004 = arith.constant 0 : i32
        %dma_start3A_1005 = tpu.memref_slice %arg18[%dma_start3A_1002, %dma_start3A_1003, %dma_start3A_1004] : memref<2x80x128xf32, #tpu.memory_space<vmem>> -> memref<1x80x128xf32, #tpu.memory_space<vmem>>
        %dma_start3A_1006 = tpu.memref_squeeze %dma_start3A_1005 : memref<1x80x128xf32, #tpu.memory_space<vmem>> -> memref<80x128xf32, #tpu.memory_space<vmem>>
        %dma_start3A_1007 = tpu.memref_slice %arg14[%mul3A_982] : memref<5120xi32, #tpu.memory_space<vmem>> -> memref<80xi32, #tpu.memory_space<vmem>>
        %dma_start3A_1008 = arith.constant 0 : i32
        %dma_start3A_1009 = arith.constant 0 : i32
        %dma_start3A_1010 = tpu.memref_slice %arg4[%dma_start3A_1008, %dma_start3A_1009] : memref<10000x128xf32, #tpu.memory_space<hbm>> -> memref<10000x128xf32, #tpu.memory_space<hbm>>
        tpu.enqueue_indirect_dma source(%dma_start3A_1010 : memref<10000x128xf32, #tpu.memory_space<hbm>>) target(%dma_start3A_1006 : memref<80x128xf32, #tpu.memory_space<vmem>>) offsets(%dma_start3A_1007 : memref<80xi32, #tpu.memory_space<vmem>>) semaphore(%arg27 : memref<!tpu.dma_semaphore, #tpu.memory_space<semaphore_mem>>)
        %dma_start3A_1011 = arith.constant 1 : i32
        %dma_start3A_1012 = arith.constant 0 : i32
        %dma_start3A_1013 = tpu.memref_slice %arg15[%dma_start3A_1011, %dma_start3A_1012] : memref<2x80xi32, #tpu.memory_space<vmem>> -> memref<1x80xi32, #tpu.memory_space<vmem>>
        %dma_start3A_1014 = tpu.memref_squeeze %dma_start3A_1013 : memref<1x80xi32, #tpu.memory_space<vmem>> -> memref<80xi32, #tpu.memory_space<vmem>>
        %dma_start3A_1015 = tpu.memref_slice %arg8[%add3A_983] : memref<163840xi32, #tpu.memory_space<hbm>> -> memref<80xi32, #tpu.memory_space<hbm>>
        %dma_start3A_1016 = arith.constant 0 : i32
        %dma_start3A_1017 = tpu.memref_slice %arg15[%dma_start3A_1011, %dma_start3A_1016] : memref<2x80xi32, #tpu.memory_space<vmem>> -> memref<1x80xi32, #tpu.memory_space<vmem>>
        %dma_start3A_1018 = tpu.memref_squeeze %dma_start3A_1017 : memref<1x80xi32, #tpu.memory_space<vmem>> -> memref<80xi32, #tpu.memory_space<vmem>>
        %dma_start3A_1019 = tpu.memref_slice %arg8[%add3A_983] : memref<163840xi32, #tpu.memory_space<hbm>> -> memref<80xi32, #tpu.memory_space<hbm>>
        tpu.enqueue_dma source(%dma_start3A_1019 : memref<80xi32, #tpu.memory_space<hbm>>) target(%dma_start3A_1018 : memref<80xi32, #tpu.memory_space<vmem>>) target_semaphore(%arg27 : memref<!tpu.dma_semaphore, #tpu.memory_space<semaphore_mem>>)
      } else {
      }
      %mul3A_129 = arith.constant 80 : i32
      %mul3A_130 = arith.muli %add3A_124, %mul3A_129 : i32
      %add3A_131 = arith.addi %mul3A_2, %mul3A_130 : i32
      %dma_wait3A_132 = arith.constant 0 : i32
      %dma_wait3A_133 = arith.constant 0 : i32
      %dma_wait3A_134 = arith.constant 0 : i32
      %dma_wait3A_135 = tpu.memref_slice %arg16[%dma_wait3A_132, %dma_wait3A_133, %dma_wait3A_134] : memref<2x80x128xi32, #tpu.memory_space<vmem>> -> memref<1x80x128xi32, #tpu.memory_space<vmem>>
      %dma_wait3A_136 = tpu.memref_squeeze %dma_wait3A_135 : memref<1x80x128xi32, #tpu.memory_space<vmem>> -> memref<80x128xi32, #tpu.memory_space<vmem>>
      %dma_wait3A_137 = tpu.memref_slice %arg12[%mul3A_130] : memref<5120xi32, #tpu.memory_space<vmem>> -> memref<80xi32, #tpu.memory_space<vmem>>
      %dma_wait3A_138 = arith.constant 0 : i32
      %dma_wait3A_139 = arith.constant 0 : i32
      %dma_wait3A_140 = tpu.memref_slice %arg2[%dma_wait3A_138, %dma_wait3A_139] : memref<1000x128xi32, #tpu.memory_space<hbm>> -> memref<1000x128xi32, #tpu.memory_space<hbm>>
      tpu.wait_indirect_dma semaphore(%arg26 : memref<!tpu.dma_semaphore, #tpu.memory_space<semaphore_mem>>) src(%dma_wait3A_140 : memref<1000x128xi32, #tpu.memory_space<hbm>>) dst(%dma_wait3A_136 : memref<80x128xi32, #tpu.memory_space<vmem>>)
      %dma_wait3A_141 = arith.constant 0 : i32
      %dma_wait3A_142 = arith.constant 0 : i32
      %dma_wait3A_143 = arith.constant 0 : i32
      %dma_wait3A_144 = tpu.memref_slice %arg17[%dma_wait3A_141, %dma_wait3A_142, %dma_wait3A_143] : memref<2x80x128xf32, #tpu.memory_space<vmem>> -> memref<1x80x128xf32, #tpu.memory_space<vmem>>
      %dma_wait3A_145 = tpu.memref_squeeze %dma_wait3A_144 : memref<1x80x128xf32, #tpu.memory_space<vmem>> -> memref<80x128xf32, #tpu.memory_space<vmem>>
      %dma_wait3A_146 = tpu.memref_slice %arg13[%mul3A_130] : memref<5120xi32, #tpu.memory_space<vmem>> -> memref<80xi32, #tpu.memory_space<vmem>>
      %dma_wait3A_147 = arith.constant 0 : i32
      %dma_wait3A_148 = arith.constant 0 : i32
      %dma_wait3A_149 = tpu.memref_slice %arg3[%dma_wait3A_147, %dma_wait3A_148] : memref<10000x128xf32, #tpu.memory_space<hbm>> -> memref<10000x128xf32, #tpu.memory_space<hbm>>
      tpu.wait_indirect_dma semaphore(%arg26 : memref<!tpu.dma_semaphore, #tpu.memory_space<semaphore_mem>>) src(%dma_wait3A_149 : memref<10000x128xf32, #tpu.memory_space<hbm>>) dst(%dma_wait3A_145 : memref<80x128xf32, #tpu.memory_space<vmem>>)
      %dma_wait3A_150 = arith.constant 0 : i32
      %dma_wait3A_151 = arith.constant 0 : i32
      %dma_wait3A_152 = arith.constant 0 : i32
      %dma_wait3A_153 = tpu.memref_slice %arg18[%dma_wait3A_150, %dma_wait3A_151, %dma_wait3A_152] : memref<2x80x128xf32, #tpu.memory_space<vmem>> -> memref<1x80x128xf32, #tpu.memory_space<vmem>>
      %dma_wait3A_154 = tpu.memref_squeeze %dma_wait3A_153 : memref<1x80x128xf32, #tpu.memory_space<vmem>> -> memref<80x128xf32, #tpu.memory_space<vmem>>
      %dma_wait3A_155 = tpu.memref_slice %arg14[%mul3A_130] : memref<5120xi32, #tpu.memory_space<vmem>> -> memref<80xi32, #tpu.memory_space<vmem>>
      %dma_wait3A_156 = arith.constant 0 : i32
      %dma_wait3A_157 = arith.constant 0 : i32
      %dma_wait3A_158 = tpu.memref_slice %arg4[%dma_wait3A_156, %dma_wait3A_157] : memref<10000x128xf32, #tpu.memory_space<hbm>> -> memref<10000x128xf32, #tpu.memory_space<hbm>>
      tpu.wait_indirect_dma semaphore(%arg26 : memref<!tpu.dma_semaphore, #tpu.memory_space<semaphore_mem>>) src(%dma_wait3A_158 : memref<10000x128xf32, #tpu.memory_space<hbm>>) dst(%dma_wait3A_154 : memref<80x128xf32, #tpu.memory_space<vmem>>)
      %dma_wait3A_159 = arith.constant 0 : i32
      %dma_wait3A_160 = arith.constant 0 : i32
      %dma_wait3A_161 = tpu.memref_slice %arg15[%dma_wait3A_159, %dma_wait3A_160] : memref<2x80xi32, #tpu.memory_space<vmem>> -> memref<1x80xi32, #tpu.memory_space<vmem>>
      %dma_wait3A_162 = tpu.memref_squeeze %dma_wait3A_161 : memref<1x80xi32, #tpu.memory_space<vmem>> -> memref<80xi32, #tpu.memory_space<vmem>>
      %dma_wait3A_163 = tpu.memref_slice %arg8[%add3A_131] : memref<163840xi32, #tpu.memory_space<hbm>> -> memref<80xi32, #tpu.memory_space<hbm>>
      %dma_wait3A_164 = arith.constant 0 : i32
      %dma_wait3A_165 = tpu.memref_slice %arg15[%dma_wait3A_159, %dma_wait3A_164] : memref<2x80xi32, #tpu.memory_space<vmem>> -> memref<1x80xi32, #tpu.memory_space<vmem>>
      %dma_wait3A_166 = tpu.memref_squeeze %dma_wait3A_165 : memref<1x80xi32, #tpu.memory_space<vmem>> -> memref<80xi32, #tpu.memory_space<vmem>>
      %dma_wait3A_167 = tpu.memref_slice %arg8[%add3A_131] : memref<163840xi32, #tpu.memory_space<hbm>> -> memref<80xi32, #tpu.memory_space<hbm>>
      tpu.wait_dma2 semaphore(%arg26 : memref<!tpu.dma_semaphore, #tpu.memory_space<semaphore_mem>>) src(%dma_wait3A_167 : memref<80xi32, #tpu.memory_space<hbm>>) dst(%dma_wait3A_166 : memref<80xi32, #tpu.memory_space<vmem>>)
      %ge3A = arith.constant 2 : i32
      %ge3A_168 = arith.cmpi sge, %add3A_124, %ge3A : i32
      %convert_element_type3A_169 = arith.extui %ge3A_168 : i1 to i32
      %cond3A_170 = arith.constant 0 : i32
      %cond3A_171 = arith.cmpi ne, %convert_element_type3A_169, %cond3A_170 : i32
      scf.if %cond3A_171 {
        %dma_wait3A_979 = arith.constant 0 : i32
        %dma_wait3A_980 = arith.constant 0 : i32
        %dma_wait3A_981 = arith.constant 0 : i32
        %dma_wait3A_982 = tpu.memref_slice %arg19[%dma_wait3A_979, %dma_wait3A_981] : memref<2x80xf32, #tpu.memory_space<vmem>> -> memref<1x80xf32, #tpu.memory_space<vmem>>
        %dma_wait3A_983 = tpu.memref_squeeze %dma_wait3A_982 : memref<1x80xf32, #tpu.memory_space<vmem>> -> memref<80xf32, #tpu.memory_space<vmem>>
        %dma_wait3A_984 = arith.constant 0 : i32
        %dma_wait3A_985 = tpu.memref_slice %arg15[%dma_wait3A_980, %dma_wait3A_984] : memref<2x80xi32, #tpu.memory_space<vmem>> -> memref<1x80xi32, #tpu.memory_space<vmem>>
        %dma_wait3A_986 = tpu.memref_squeeze %dma_wait3A_985 : memref<1x80xi32, #tpu.memory_space<vmem>> -> memref<80xi32, #tpu.memory_space<vmem>>
        %dma_wait3A_987 = arith.constant 0 : i32
        %dma_wait3A_988 = tpu.memref_slice %arg24[%dma_wait3A_987] : memref<40192xf32, #tpu.memory_space<vmem_shared>> -> memref<40192xf32, #tpu.memory_space<vmem_shared>>
        tpu.wait_indirect_dma semaphore(%arg28 : memref<!tpu.dma_semaphore, #tpu.memory_space<semaphore_mem>>) src(%dma_wait3A_983 : memref<80xf32, #tpu.memory_space<vmem>>) dst(%dma_wait3A_988 : memref<40192xf32, #tpu.memory_space<vmem_shared>>)
        %dma_wait3A_989 = arith.constant 0 : i32
        %dma_wait3A_990 = arith.constant 0 : i32
        %dma_wait3A_991 = tpu.memref_slice %arg15[%dma_wait3A_989, %dma_wait3A_990] : memref<2x80xi32, #tpu.memory_space<vmem>> -> memref<1x80xi32, #tpu.memory_space<vmem>>
        %dma_wait3A_992 = tpu.memref_squeeze %dma_wait3A_991 : memref<1x80xi32, #tpu.memory_space<vmem>> -> memref<80xi32, #tpu.memory_space<vmem>>
        %dma_wait3A_993 = arith.constant 0 : i32
        %dma_wait3A_994 = tpu.memref_slice %arg25[%dma_wait3A_993] : memref<40192xf32, #tpu.memory_space<vmem_shared>> -> memref<40192xf32, #tpu.memory_space<vmem_shared>>
        tpu.wait_indirect_dma semaphore(%arg28 : memref<!tpu.dma_semaphore, #tpu.memory_space<semaphore_mem>>) src(%arg21 : memref<80xf32, #tpu.memory_space<vmem>>) dst(%dma_wait3A_994 : memref<40192xf32, #tpu.memory_space<vmem_shared>>)
      } else {
      }
      %parallel_loop3A = arith.constant 0 : i32
      %parallel_loop3A_172 = arith.constant 80 : i32
      %parallel_loop3A_173 = arith.constant 1 : i32
      %parallel_loop3A_174 = arith.constant 0 : i32
      %parallel_loop3A_175 = arith.constant 0 : i32
      %parallel_loop3A_176 = arith.constant 0 : i32
      scf.for %parallel_loop3A_979 = %parallel_loop3A to %parallel_loop3A_172 step %parallel_loop3A_173  : i32 {
        %parallel_loop3A_980 = arith.constant 0.000000e+00 : f32
        %parallel_loop3A_981 = vector.broadcast %parallel_loop3A_980 : f32 to vector<16xf32>
        %parallel_loop3A_982 = arith.constant 0 : i32
        %parallel_loop3A_983 = arith.constant 0 : i32
        %parallel_loop3A_984 = tpu.memref_slice %arg16[%parallel_loop3A_174, %parallel_loop3A_982, %parallel_loop3A_983] : memref<2x80x128xi32, #tpu.memory_space<vmem>> -> memref<1x80x128xi32, #tpu.memory_space<vmem>>
        %parallel_loop3A_985 = tpu.memref_squeeze %parallel_loop3A_984 : memref<1x80x128xi32, #tpu.memory_space<vmem>> -> memref<80x128xi32, #tpu.memory_space<vmem>>
        %parallel_loop3A_986 = arith.index_cast %parallel_loop3A_979 : i32 to index
        %parallel_loop3A_987 = arith.constant 0 : index
        %parallel_loop3A_988 = tpu.vector_load %parallel_loop3A_985[%parallel_loop3A_986, %parallel_loop3A_987] {strides = array<i32>} : memref<80x128xi32, #tpu.memory_space<vmem>>, vector<16xi32>,
        %parallel_loop3A_989 = vector.bitcast %parallel_loop3A_988 : vector<16xi32> to vector<32xbf16>
        %parallel_loop3A_990 = tpu.unpack_subelements %parallel_loop3A_989, 0 {pack_format = #tpu.pack_format<interleaved>} : vector<32xbf16> -> vector<16xf32>
        %parallel_loop3A_991 = tpu.unpack_subelements %parallel_loop3A_989, 1 {pack_format = #tpu.pack_format<interleaved>} : vector<32xbf16> -> vector<16xf32>
        %parallel_loop3A_992 = arith.constant 0 : i32
        %parallel_loop3A_993 = arith.constant 0 : i32
        %parallel_loop3A_994 = tpu.memref_slice %arg16[%parallel_loop3A_174, %parallel_loop3A_992, %parallel_loop3A_993] : memref<2x80x128xi32, #tpu.memory_space<vmem>> -> memref<1x80x128xi32, #tpu.memory_space<vmem>>
        %parallel_loop3A_995 = tpu.memref_squeeze %parallel_loop3A_994 : memref<1x80x128xi32, #tpu.memory_space<vmem>> -> memref<80x128xi32, #tpu.memory_space<vmem>>
        %parallel_loop3A_996 = arith.index_cast %parallel_loop3A_979 : i32 to index
        %parallel_loop3A_997 = arith.constant 64 : index
        %parallel_loop3A_998 = tpu.vector_load %parallel_loop3A_995[%parallel_loop3A_996, %parallel_loop3A_997] {strides = array<i32>} : memref<80x128xi32, #tpu.memory_space<vmem>>, vector<16xi32>,
        %parallel_loop3A_999 = vector.bitcast %parallel_loop3A_998 : vector<16xi32> to vector<32xbf16>
        %parallel_loop3A_1000 = tpu.unpack_subelements %parallel_loop3A_999, 0 {pack_format = #tpu.pack_format<interleaved>} : vector<32xbf16> -> vector<16xf32>
        %parallel_loop3A_1001 = tpu.unpack_subelements %parallel_loop3A_999, 1 {pack_format = #tpu.pack_format<interleaved>} : vector<32xbf16> -> vector<16xf32>
        %parallel_loop3A_1002 = arith.constant 0 : i32
        %parallel_loop3A_1003 = arith.constant 0 : i32
        %parallel_loop3A_1004 = tpu.memref_slice %arg17[%parallel_loop3A_175, %parallel_loop3A_1002, %parallel_loop3A_1003] : memref<2x80x128xf32, #tpu.memory_space<vmem>> -> memref<1x80x128xf32, #tpu.memory_space<vmem>>
        %parallel_loop3A_1005 = tpu.memref_squeeze %parallel_loop3A_1004 : memref<1x80x128xf32, #tpu.memory_space<vmem>> -> memref<80x128xf32, #tpu.memory_space<vmem>>
        %parallel_loop3A_1006 = arith.index_cast %parallel_loop3A_979 : i32 to index
        %parallel_loop3A_1007 = arith.constant 0 : index
        %parallel_loop3A_1008 = tpu.vector_load %parallel_loop3A_1005[%parallel_loop3A_1006, %parallel_loop3A_1007] {strides = array<i32>} : memref<80x128xf32, #tpu.memory_space<vmem>>, vector<16xf32>,
        %parallel_loop3A_1009 = arith.addf %parallel_loop3A_990, %parallel_loop3A_1008 : vector<16xf32>
        %parallel_loop3A_1010 = arith.constant 0 : i32
        %parallel_loop3A_1011 = arith.constant 0 : i32
        %parallel_loop3A_1012 = tpu.memref_slice %arg18[%parallel_loop3A_176, %parallel_loop3A_1010, %parallel_loop3A_1011] : memref<2x80x128xf32, #tpu.memory_space<vmem>> -> memref<1x80x128xf32, #tpu.memory_space<vmem>>
        %parallel_loop3A_1013 = tpu.memref_squeeze %parallel_loop3A_1012 : memref<1x80x128xf32, #tpu.memory_space<vmem>> -> memref<80x128xf32, #tpu.memory_space<vmem>>
        %parallel_loop3A_1014 = arith.index_cast %parallel_loop3A_979 : i32 to index
        %parallel_loop3A_1015 = arith.constant 0 : index
        %parallel_loop3A_1016 = tpu.vector_load %parallel_loop3A_1013[%parallel_loop3A_1014, %parallel_loop3A_1015] {strides = array<i32>} : memref<80x128xf32, #tpu.memory_space<vmem>>, vector<16xf32>,
        %parallel_loop3A_1017 = arith.addf %parallel_loop3A_1000, %parallel_loop3A_1016 : vector<16xf32>
        %parallel_loop3A_1018 = arith.constant 0.000000e+00 : f32
        %parallel_loop3A_1019 = vector.broadcast %parallel_loop3A_1018 : f32 to vector<16xf32>
        %parallel_loop3A_1020 = arith.subf %parallel_loop3A_1019, %parallel_loop3A_1009 : vector<16xf32>
        %parallel_loop3A_1021 = math.exp %parallel_loop3A_1020 : vector<16xf32>
        %parallel_loop3A_1022 = arith.constant 0.000000e+00 : f32
        %parallel_loop3A_1023 = vector.broadcast %parallel_loop3A_1022 : f32 to vector<16xf32>
        %parallel_loop3A_1024 = arith.subf %parallel_loop3A_1023, %parallel_loop3A_1017 : vector<16xf32>
        %parallel_loop3A_1025 = math.exp %parallel_loop3A_1024 : vector<16xf32>
        %parallel_loop3A_1026 = arith.subf %parallel_loop3A_1025, %parallel_loop3A_1021 : vector<16xf32>
        %parallel_loop3A_1027 = arith.constant 1.000000e+00 : f32
        %parallel_loop3A_1028 = vector.broadcast %parallel_loop3A_1027 : f32 to vector<16xf32>
        %parallel_loop3A_1029 = arith.addf %parallel_loop3A_1028, %parallel_loop3A_1021 : vector<16xf32>
        %parallel_loop3A_1030 = arith.constant 1.000000e+00 : f32
        %parallel_loop3A_1031 = vector.broadcast %parallel_loop3A_1030 : f32 to vector<16xf32>
        %parallel_loop3A_1032 = arith.addf %parallel_loop3A_1031, %parallel_loop3A_1025 : vector<16xf32>
        %parallel_loop3A_1033 = arith.mulf %parallel_loop3A_1029, %parallel_loop3A_1032 : vector<16xf32>
        %parallel_loop3A_1034 = arith.divf %parallel_loop3A_1026, %parallel_loop3A_1033 : vector<16xf32>
        %parallel_loop3A_1035 = arith.mulf %get3A_21, %parallel_loop3A_1034 : vector<16xf32>
        %parallel_loop3A_1036 = arith.addf %parallel_loop3A_981, %parallel_loop3A_1035 : vector<16xf32>
        %parallel_loop3A_1037 = arith.constant 0 : i32
        %parallel_loop3A_1038 = arith.constant 0 : i32
        %parallel_loop3A_1039 = tpu.memref_slice %arg17[%parallel_loop3A_175, %parallel_loop3A_1037, %parallel_loop3A_1038] : memref<2x80x128xf32, #tpu.memory_space<vmem>> -> memref<1x80x128xf32, #tpu.memory_space<vmem>>
        %parallel_loop3A_1040 = tpu.memref_squeeze %parallel_loop3A_1039 : memref<1x80x128xf32, #tpu.memory_space<vmem>> -> memref<80x128xf32, #tpu.memory_space<vmem>>
        %parallel_loop3A_1041 = arith.index_cast %parallel_loop3A_979 : i32 to index
        %parallel_loop3A_1042 = arith.constant 16 : index
        %parallel_loop3A_1043 = tpu.vector_load %parallel_loop3A_1040[%parallel_loop3A_1041, %parallel_loop3A_1042] {strides = array<i32>} : memref<80x128xf32, #tpu.memory_space<vmem>>, vector<16xf32>,
        %parallel_loop3A_1044 = arith.addf %parallel_loop3A_991, %parallel_loop3A_1043 : vector<16xf32>
        %parallel_loop3A_1045 = arith.constant 0 : i32
        %parallel_loop3A_1046 = arith.constant 0 : i32
        %parallel_loop3A_1047 = tpu.memref_slice %arg18[%parallel_loop3A_176, %parallel_loop3A_1045, %parallel_loop3A_1046] : memref<2x80x128xf32, #tpu.memory_space<vmem>> -> memref<1x80x128xf32, #tpu.memory_space<vmem>>
        %parallel_loop3A_1048 = tpu.memref_squeeze %parallel_loop3A_1047 : memref<1x80x128xf32, #tpu.memory_space<vmem>> -> memref<80x128xf32, #tpu.memory_space<vmem>>
        %parallel_loop3A_1049 = arith.index_cast %parallel_loop3A_979 : i32 to index
        %parallel_loop3A_1050 = arith.constant 16 : index
        %parallel_loop3A_1051 = tpu.vector_load %parallel_loop3A_1048[%parallel_loop3A_1049, %parallel_loop3A_1050] {strides = array<i32>} : memref<80x128xf32, #tpu.memory_space<vmem>>, vector<16xf32>,
        %parallel_loop3A_1052 = arith.addf %parallel_loop3A_1001, %parallel_loop3A_1051 : vector<16xf32>
        %parallel_loop3A_1053 = arith.constant 0.000000e+00 : f32
        %parallel_loop3A_1054 = vector.broadcast %parallel_loop3A_1053 : f32 to vector<16xf32>
        %parallel_loop3A_1055 = arith.subf %parallel_loop3A_1054, %parallel_loop3A_1044 : vector<16xf32>
        %parallel_loop3A_1056 = math.exp %parallel_loop3A_1055 : vector<16xf32>
        %parallel_loop3A_1057 = arith.constant 0.000000e+00 : f32
        %parallel_loop3A_1058 = vector.broadcast %parallel_loop3A_1057 : f32 to vector<16xf32>
        %parallel_loop3A_1059 = arith.subf %parallel_loop3A_1058, %parallel_loop3A_1052 : vector<16xf32>
        %parallel_loop3A_1060 = math.exp %parallel_loop3A_1059 : vector<16xf32>
        %parallel_loop3A_1061 = arith.subf %parallel_loop3A_1060, %parallel_loop3A_1056 : vector<16xf32>
        %parallel_loop3A_1062 = arith.constant 1.000000e+00 : f32
        %parallel_loop3A_1063 = vector.broadcast %parallel_loop3A_1062 : f32 to vector<16xf32>
        %parallel_loop3A_1064 = arith.addf %parallel_loop3A_1063, %parallel_loop3A_1056 : vector<16xf32>
        %parallel_loop3A_1065 = arith.constant 1.000000e+00 : f32
        %parallel_loop3A_1066 = vector.broadcast %parallel_loop3A_1065 : f32 to vector<16xf32>
        %parallel_loop3A_1067 = arith.addf %parallel_loop3A_1066, %parallel_loop3A_1060 : vector<16xf32>
        %parallel_loop3A_1068 = arith.mulf %parallel_loop3A_1064, %parallel_loop3A_1067 : vector<16xf32>
        %parallel_loop3A_1069 = arith.divf %parallel_loop3A_1061, %parallel_loop3A_1068 : vector<16xf32>
        %parallel_loop3A_1070 = arith.mulf %get3A_23, %parallel_loop3A_1069 : vector<16xf32>
        %parallel_loop3A_1071 = arith.addf %parallel_loop3A_1036, %parallel_loop3A_1070 : vector<16xf32>
        %parallel_loop3A_1072 = arith.constant 0 : i32
        %parallel_loop3A_1073 = arith.constant 0 : i32
        %parallel_loop3A_1074 = tpu.memref_slice %arg16[%parallel_loop3A_174, %parallel_loop3A_1072, %parallel_loop3A_1073] : memref<2x80x128xi32, #tpu.memory_space<vmem>> -> memref<1x80x128xi32, #tpu.memory_space<vmem>>
        %parallel_loop3A_1075 = tpu.memref_squeeze %parallel_loop3A_1074 : memref<1x80x128xi32, #tpu.memory_space<vmem>> -> memref<80x128xi32, #tpu.memory_space<vmem>>
        %parallel_loop3A_1076 = arith.index_cast %parallel_loop3A_979 : i32 to index
        %parallel_loop3A_1077 = arith.constant 16 : index
        %parallel_loop3A_1078 = tpu.vector_load %parallel_loop3A_1075[%parallel_loop3A_1076, %parallel_loop3A_1077] {strides = array<i32>} : memref<80x128xi32, #tpu.memory_space<vmem>>, vector<16xi32>,
        %parallel_loop3A_1079 = vector.bitcast %parallel_loop3A_1078 : vector<16xi32> to vector<32xbf16>
        %parallel_loop3A_1080 = tpu.unpack_subelements %parallel_loop3A_1079, 0 {pack_format = #tpu.pack_format<interleaved>} : vector<32xbf16> -> vector<16xf32>
        %parallel_loop3A_1081 = tpu.unpack_subelements %parallel_loop3A_1079, 1 {pack_format = #tpu.pack_format<interleaved>} : vector<32xbf16> -> vector<16xf32>
        %parallel_loop3A_1082 = arith.constant 0 : i32
        %parallel_loop3A_1083 = arith.constant 0 : i32
        %parallel_loop3A_1084 = tpu.memref_slice %arg16[%parallel_loop3A_174, %parallel_loop3A_1082, %parallel_loop3A_1083] : memref<2x80x128xi32, #tpu.memory_space<vmem>> -> memref<1x80x128xi32, #tpu.memory_space<vmem>>
        %parallel_loop3A_1085 = tpu.memref_squeeze %parallel_loop3A_1084 : memref<1x80x128xi32, #tpu.memory_space<vmem>> -> memref<80x128xi32, #tpu.memory_space<vmem>>
        %parallel_loop3A_1086 = arith.index_cast %parallel_loop3A_979 : i32 to index
        %parallel_loop3A_1087 = arith.constant 80 : index
        %parallel_loop3A_1088 = tpu.vector_load %parallel_loop3A_1085[%parallel_loop3A_1086, %parallel_loop3A_1087] {strides = array<i32>} : memref<80x128xi32, #tpu.memory_space<vmem>>, vector<16xi32>,
        %parallel_loop3A_1089 = vector.bitcast %parallel_loop3A_1088 : vector<16xi32> to vector<32xbf16>
        %parallel_loop3A_1090 = tpu.unpack_subelements %parallel_loop3A_1089, 0 {pack_format = #tpu.pack_format<interleaved>} : vector<32xbf16> -> vector<16xf32>
        %parallel_loop3A_1091 = tpu.unpack_subelements %parallel_loop3A_1089, 1 {pack_format = #tpu.pack_format<interleaved>} : vector<32xbf16> -> vector<16xf32>
        %parallel_loop3A_1092 = arith.constant 0 : i32
        %parallel_loop3A_1093 = arith.constant 0 : i32
        %parallel_loop3A_1094 = tpu.memref_slice %arg17[%parallel_loop3A_175, %parallel_loop3A_1092, %parallel_loop3A_1093] : memref<2x80x128xf32, #tpu.memory_space<vmem>> -> memref<1x80x128xf32, #tpu.memory_space<vmem>>
        %parallel_loop3A_1095 = tpu.memref_squeeze %parallel_loop3A_1094 : memref<1x80x128xf32, #tpu.memory_space<vmem>> -> memref<80x128xf32, #tpu.memory_space<vmem>>
        %parallel_loop3A_1096 = arith.index_cast %parallel_loop3A_979 : i32 to index
        %parallel_loop3A_1097 = arith.constant 32 : index
        %parallel_loop3A_1098 = tpu.vector_load %parallel_loop3A_1095[%parallel_loop3A_1096, %parallel_loop3A_1097] {strides = array<i32>} : memref<80x128xf32, #tpu.memory_space<vmem>>, vector<16xf32>,
        %parallel_loop3A_1099 = arith.addf %parallel_loop3A_1080, %parallel_loop3A_1098 : vector<16xf32>
        %parallel_loop3A_1100 = arith.constant 0 : i32
        %parallel_loop3A_1101 = arith.constant 0 : i32
        %parallel_loop3A_1102 = tpu.memref_slice %arg18[%parallel_loop3A_176, %parallel_loop3A_1100, %parallel_loop3A_1101] : memref<2x80x128xf32, #tpu.memory_space<vmem>> -> memref<1x80x128xf32, #tpu.memory_space<vmem>>
        %parallel_loop3A_1103 = tpu.memref_squeeze %parallel_loop3A_1102 : memref<1x80x128xf32, #tpu.memory_space<vmem>> -> memref<80x128xf32, #tpu.memory_space<vmem>>
        %parallel_loop3A_1104 = arith.index_cast %parallel_loop3A_979 : i32 to index
        %parallel_loop3A_1105 = arith.constant 32 : index
        %parallel_loop3A_1106 = tpu.vector_load %parallel_loop3A_1103[%parallel_loop3A_1104, %parallel_loop3A_1105] {strides = array<i32>} : memref<80x128xf32, #tpu.memory_space<vmem>>, vector<16xf32>,
        %parallel_loop3A_1107 = arith.addf %parallel_loop3A_1090, %parallel_loop3A_1106 : vector<16xf32>
        %parallel_loop3A_1108 = arith.constant 0.000000e+00 : f32
        %parallel_loop3A_1109 = vector.broadcast %parallel_loop3A_1108 : f32 to vector<16xf32>
        %parallel_loop3A_1110 = arith.subf %parallel_loop3A_1109, %parallel_loop3A_1099 : vector<16xf32>
        %parallel_loop3A_1111 = math.exp %parallel_loop3A_1110 : vector<16xf32>
        %parallel_loop3A_1112 = arith.constant 0.000000e+00 : f32
        %parallel_loop3A_1113 = vector.broadcast %parallel_loop3A_1112 : f32 to vector<16xf32>
        %parallel_loop3A_1114 = arith.subf %parallel_loop3A_1113, %parallel_loop3A_1107 : vector<16xf32>
        %parallel_loop3A_1115 = math.exp %parallel_loop3A_1114 : vector<16xf32>
        %parallel_loop3A_1116 = arith.subf %parallel_loop3A_1115, %parallel_loop3A_1111 : vector<16xf32>
        %parallel_loop3A_1117 = arith.constant 1.000000e+00 : f32
        %parallel_loop3A_1118 = vector.broadcast %parallel_loop3A_1117 : f32 to vector<16xf32>
        %parallel_loop3A_1119 = arith.addf %parallel_loop3A_1118, %parallel_loop3A_1111 : vector<16xf32>
        %parallel_loop3A_1120 = arith.constant 1.000000e+00 : f32
        %parallel_loop3A_1121 = vector.broadcast %parallel_loop3A_1120 : f32 to vector<16xf32>
        %parallel_loop3A_1122 = arith.addf %parallel_loop3A_1121, %parallel_loop3A_1115 : vector<16xf32>
        %parallel_loop3A_1123 = arith.mulf %parallel_loop3A_1119, %parallel_loop3A_1122 : vector<16xf32>
        %parallel_loop3A_1124 = arith.divf %parallel_loop3A_1116, %parallel_loop3A_1123 : vector<16xf32>
        %parallel_loop3A_1125 = arith.mulf %get3A_25, %parallel_loop3A_1124 : vector<16xf32>
        %parallel_loop3A_1126 = arith.addf %parallel_loop3A_1071, %parallel_loop3A_1125 : vector<16xf32>
        %parallel_loop3A_1127 = arith.constant 0 : i32
        %parallel_loop3A_1128 = arith.constant 0 : i32
        %parallel_loop3A_1129 = tpu.memref_slice %arg17[%parallel_loop3A_175, %parallel_loop3A_1127, %parallel_loop3A_1128] : memref<2x80x128xf32, #tpu.memory_space<vmem>> -> memref<1x80x128xf32, #tpu.memory_space<vmem>>
        %parallel_loop3A_1130 = tpu.memref_squeeze %parallel_loop3A_1129 : memref<1x80x128xf32, #tpu.memory_space<vmem>> -> memref<80x128xf32, #tpu.memory_space<vmem>>
        %parallel_loop3A_1131 = arith.index_cast %parallel_loop3A_979 : i32 to index
        %parallel_loop3A_1132 = arith.constant 48 : index
        %parallel_loop3A_1133 = tpu.vector_load %parallel_loop3A_1130[%parallel_loop3A_1131, %parallel_loop3A_1132] {strides = array<i32>} : memref<80x128xf32, #tpu.memory_space<vmem>>, vector<16xf32>,
        %parallel_loop3A_1134 = arith.addf %parallel_loop3A_1081, %parallel_loop3A_1133 : vector<16xf32>
        %parallel_loop3A_1135 = arith.constant 0 : i32
        %parallel_loop3A_1136 = arith.constant 0 : i32
        %parallel_loop3A_1137 = tpu.memref_slice %arg18[%parallel_loop3A_176, %parallel_loop3A_1135, %parallel_loop3A_1136] : memref<2x80x128xf32, #tpu.memory_space<vmem>> -> memref<1x80x128xf32, #tpu.memory_space<vmem>>
        %parallel_loop3A_1138 = tpu.memref_squeeze %parallel_loop3A_1137 : memref<1x80x128xf32, #tpu.memory_space<vmem>> -> memref<80x128xf32, #tpu.memory_space<vmem>>
        %parallel_loop3A_1139 = arith.index_cast %parallel_loop3A_979 : i32 to index
        %parallel_loop3A_1140 = arith.constant 48 : index
        %parallel_loop3A_1141 = tpu.vector_load %parallel_loop3A_1138[%parallel_loop3A_1139, %parallel_loop3A_1140] {strides = array<i32>} : memref<80x128xf32, #tpu.memory_space<vmem>>, vector<16xf32>,
        %parallel_loop3A_1142 = arith.addf %parallel_loop3A_1091, %parallel_loop3A_1141 : vector<16xf32>
        %parallel_loop3A_1143 = arith.constant 0.000000e+00 : f32
        %parallel_loop3A_1144 = vector.broadcast %parallel_loop3A_1143 : f32 to vector<16xf32>
        %parallel_loop3A_1145 = arith.subf %parallel_loop3A_1144, %parallel_loop3A_1134 : vector<16xf32>
        %parallel_loop3A_1146 = math.exp %parallel_loop3A_1145 : vector<16xf32>
        %parallel_loop3A_1147 = arith.constant 0.000000e+00 : f32
        %parallel_loop3A_1148 = vector.broadcast %parallel_loop3A_1147 : f32 to vector<16xf32>
        %parallel_loop3A_1149 = arith.subf %parallel_loop3A_1148, %parallel_loop3A_1142 : vector<16xf32>
        %parallel_loop3A_1150 = math.exp %parallel_loop3A_1149 : vector<16xf32>
        %parallel_loop3A_1151 = arith.subf %parallel_loop3A_1150, %parallel_loop3A_1146 : vector<16xf32>
        %parallel_loop3A_1152 = arith.constant 1.000000e+00 : f32
        %parallel_loop3A_1153 = vector.broadcast %parallel_loop3A_1152 : f32 to vector<16xf32>
        %parallel_loop3A_1154 = arith.addf %parallel_loop3A_1153, %parallel_loop3A_1146 : vector<16xf32>
        %parallel_loop3A_1155 = arith.constant 1.000000e+00 : f32
        %parallel_loop3A_1156 = vector.broadcast %parallel_loop3A_1155 : f32 to vector<16xf32>
        %parallel_loop3A_1157 = arith.addf %parallel_loop3A_1156, %parallel_loop3A_1150 : vector<16xf32>
        %parallel_loop3A_1158 = arith.mulf %parallel_loop3A_1154, %parallel_loop3A_1157 : vector<16xf32>
        %parallel_loop3A_1159 = arith.divf %parallel_loop3A_1151, %parallel_loop3A_1158 : vector<16xf32>
        %parallel_loop3A_1160 = arith.mulf %get3A_27, %parallel_loop3A_1159 : vector<16xf32>
        %parallel_loop3A_1161 = arith.addf %parallel_loop3A_1126, %parallel_loop3A_1160 : vector<16xf32>
        %parallel_loop3A_1162 = arith.constant 0 : i32
        %parallel_loop3A_1163 = arith.constant 0 : i32
        %parallel_loop3A_1164 = tpu.memref_slice %arg16[%parallel_loop3A_174, %parallel_loop3A_1162, %parallel_loop3A_1163] : memref<2x80x128xi32, #tpu.memory_space<vmem>> -> memref<1x80x128xi32, #tpu.memory_space<vmem>>
        %parallel_loop3A_1165 = tpu.memref_squeeze %parallel_loop3A_1164 : memref<1x80x128xi32, #tpu.memory_space<vmem>> -> memref<80x128xi32, #tpu.memory_space<vmem>>
        %parallel_loop3A_1166 = arith.index_cast %parallel_loop3A_979 : i32 to index
        %parallel_loop3A_1167 = arith.constant 32 : index
        %parallel_loop3A_1168 = tpu.vector_load %parallel_loop3A_1165[%parallel_loop3A_1166, %parallel_loop3A_1167] {strides = array<i32>} : memref<80x128xi32, #tpu.memory_space<vmem>>, vector<16xi32>,
        %parallel_loop3A_1169 = vector.bitcast %parallel_loop3A_1168 : vector<16xi32> to vector<32xbf16>
        %parallel_loop3A_1170 = tpu.unpack_subelements %parallel_loop3A_1169, 0 {pack_format = #tpu.pack_format<interleaved>} : vector<32xbf16> -> vector<16xf32>
        %parallel_loop3A_1171 = tpu.unpack_subelements %parallel_loop3A_1169, 1 {pack_format = #tpu.pack_format<interleaved>} : vector<32xbf16> -> vector<16xf32>
        %parallel_loop3A_1172 = arith.constant 0 : i32
        %parallel_loop3A_1173 = arith.constant 0 : i32
        %parallel_loop3A_1174 = tpu.memref_slice %arg16[%parallel_loop3A_174, %parallel_loop3A_1172, %parallel_loop3A_1173] : memref<2x80x128xi32, #tpu.memory_space<vmem>> -> memref<1x80x128xi32, #tpu.memory_space<vmem>>
        %parallel_loop3A_1175 = tpu.memref_squeeze %parallel_loop3A_1174 : memref<1x80x128xi32, #tpu.memory_space<vmem>> -> memref<80x128xi32, #tpu.memory_space<vmem>>
        %parallel_loop3A_1176 = arith.index_cast %parallel_loop3A_979 : i32 to index
        %parallel_loop3A_1177 = arith.constant 96 : index
        %parallel_loop3A_1178 = tpu.vector_load %parallel_loop3A_1175[%parallel_loop3A_1176, %parallel_loop3A_1177] {strides = array<i32>} : memref<80x128xi32, #tpu.memory_space<vmem>>, vector<16xi32>,
        %parallel_loop3A_1179 = vector.bitcast %parallel_loop3A_1178 : vector<16xi32> to vector<32xbf16>
        %parallel_loop3A_1180 = tpu.unpack_subelements %parallel_loop3A_1179, 0 {pack_format = #tpu.pack_format<interleaved>} : vector<32xbf16> -> vector<16xf32>
        %parallel_loop3A_1181 = tpu.unpack_subelements %parallel_loop3A_1179, 1 {pack_format = #tpu.pack_format<interleaved>} : vector<32xbf16> -> vector<16xf32>
        %parallel_loop3A_1182 = arith.constant 0 : i32
        %parallel_loop3A_1183 = arith.constant 0 : i32
        %parallel_loop3A_1184 = tpu.memref_slice %arg17[%parallel_loop3A_175, %parallel_loop3A_1182, %parallel_loop3A_1183] : memref<2x80x128xf32, #tpu.memory_space<vmem>> -> memref<1x80x128xf32, #tpu.memory_space<vmem>>
        %parallel_loop3A_1185 = tpu.memref_squeeze %parallel_loop3A_1184 : memref<1x80x128xf32, #tpu.memory_space<vmem>> -> memref<80x128xf32, #tpu.memory_space<vmem>>
        %parallel_loop3A_1186 = arith.index_cast %parallel_loop3A_979 : i32 to index
        %parallel_loop3A_1187 = arith.constant 64 : index
        %parallel_loop3A_1188 = tpu.vector_load %parallel_loop3A_1185[%parallel_loop3A_1186, %parallel_loop3A_1187] {strides = array<i32>} : memref<80x128xf32, #tpu.memory_space<vmem>>, vector<16xf32>,
        %parallel_loop3A_1189 = arith.addf %parallel_loop3A_1170, %parallel_loop3A_1188 : vector<16xf32>
        %parallel_loop3A_1190 = arith.constant 0 : i32
        %parallel_loop3A_1191 = arith.constant 0 : i32
        %parallel_loop3A_1192 = tpu.memref_slice %arg18[%parallel_loop3A_176, %parallel_loop3A_1190, %parallel_loop3A_1191] : memref<2x80x128xf32, #tpu.memory_space<vmem>> -> memref<1x80x128xf32, #tpu.memory_space<vmem>>
        %parallel_loop3A_1193 = tpu.memref_squeeze %parallel_loop3A_1192 : memref<1x80x128xf32, #tpu.memory_space<vmem>> -> memref<80x128xf32, #tpu.memory_space<vmem>>
        %parallel_loop3A_1194 = arith.index_cast %parallel_loop3A_979 : i32 to index
        %parallel_loop3A_1195 = arith.constant 64 : index
        %parallel_loop3A_1196 = tpu.vector_load %parallel_loop3A_1193[%parallel_loop3A_1194, %parallel_loop3A_1195] {strides = array<i32>} : memref<80x128xf32, #tpu.memory_space<vmem>>, vector<16xf32>,
        %parallel_loop3A_1197 = arith.addf %parallel_loop3A_1180, %parallel_loop3A_1196 : vector<16xf32>
        %parallel_loop3A_1198 = arith.constant 0.000000e+00 : f32
        %parallel_loop3A_1199 = vector.broadcast %parallel_loop3A_1198 : f32 to vector<16xf32>
        %parallel_loop3A_1200 = arith.subf %parallel_loop3A_1199, %parallel_loop3A_1189 : vector<16xf32>
        %parallel_loop3A_1201 = math.exp %parallel_loop3A_1200 : vector<16xf32>
        %parallel_loop3A_1202 = arith.constant 0.000000e+00 : f32
        %parallel_loop3A_1203 = vector.broadcast %parallel_loop3A_1202 : f32 to vector<16xf32>
        %parallel_loop3A_1204 = arith.subf %parallel_loop3A_1203, %parallel_loop3A_1197 : vector<16xf32>
        %parallel_loop3A_1205 = math.exp %parallel_loop3A_1204 : vector<16xf32>
        %parallel_loop3A_1206 = arith.subf %parallel_loop3A_1205, %parallel_loop3A_1201 : vector<16xf32>
        %parallel_loop3A_1207 = arith.constant 1.000000e+00 : f32
        %parallel_loop3A_1208 = vector.broadcast %parallel_loop3A_1207 : f32 to vector<16xf32>
        %parallel_loop3A_1209 = arith.addf %parallel_loop3A_1208, %parallel_loop3A_1201 : vector<16xf32>
        %parallel_loop3A_1210 = arith.constant 1.000000e+00 : f32
        %parallel_loop3A_1211 = vector.broadcast %parallel_loop3A_1210 : f32 to vector<16xf32>
        %parallel_loop3A_1212 = arith.addf %parallel_loop3A_1211, %parallel_loop3A_1205 : vector<16xf32>
        %parallel_loop3A_1213 = arith.mulf %parallel_loop3A_1209, %parallel_loop3A_1212 : vector<16xf32>
        %parallel_loop3A_1214 = arith.divf %parallel_loop3A_1206, %parallel_loop3A_1213 : vector<16xf32>
        %parallel_loop3A_1215 = arith.mulf %get3A_29, %parallel_loop3A_1214 : vector<16xf32>
        %parallel_loop3A_1216 = arith.addf %parallel_loop3A_1161, %parallel_loop3A_1215 : vector<16xf32>
        %parallel_loop3A_1217 = arith.constant 0 : i32
        %parallel_loop3A_1218 = arith.constant 0 : i32
        %parallel_loop3A_1219 = tpu.memref_slice %arg17[%parallel_loop3A_175, %parallel_loop3A_1217, %parallel_loop3A_1218] : memref<2x80x128xf32, #tpu.memory_space<vmem>> -> memref<1x80x128xf32, #tpu.memory_space<vmem>>
        %parallel_loop3A_1220 = tpu.memref_squeeze %parallel_loop3A_1219 : memref<1x80x128xf32, #tpu.memory_space<vmem>> -> memref<80x128xf32, #tpu.memory_space<vmem>>
        %parallel_loop3A_1221 = arith.index_cast %parallel_loop3A_979 : i32 to index
        %parallel_loop3A_1222 = arith.constant 80 : index
        %parallel_loop3A_1223 = tpu.vector_load %parallel_loop3A_1220[%parallel_loop3A_1221, %parallel_loop3A_1222] {strides = array<i32>} : memref<80x128xf32, #tpu.memory_space<vmem>>, vector<16xf32>,
        %parallel_loop3A_1224 = arith.addf %parallel_loop3A_1171, %parallel_loop3A_1223 : vector<16xf32>
        %parallel_loop3A_1225 = arith.constant 0 : i32
        %parallel_loop3A_1226 = arith.constant 0 : i32
        %parallel_loop3A_1227 = tpu.memref_slice %arg18[%parallel_loop3A_176, %parallel_loop3A_1225, %parallel_loop3A_1226] : memref<2x80x128xf32, #tpu.memory_space<vmem>> -> memref<1x80x128xf32, #tpu.memory_space<vmem>>
        %parallel_loop3A_1228 = tpu.memref_squeeze %parallel_loop3A_1227 : memref<1x80x128xf32, #tpu.memory_space<vmem>> -> memref<80x128xf32, #tpu.memory_space<vmem>>
        %parallel_loop3A_1229 = arith.index_cast %parallel_loop3A_979 : i32 to index
        %parallel_loop3A_1230 = arith.constant 80 : index
        %parallel_loop3A_1231 = tpu.vector_load %parallel_loop3A_1228[%parallel_loop3A_1229, %parallel_loop3A_1230] {strides = array<i32>} : memref<80x128xf32, #tpu.memory_space<vmem>>, vector<16xf32>,
        %parallel_loop3A_1232 = arith.addf %parallel_loop3A_1181, %parallel_loop3A_1231 : vector<16xf32>
        %parallel_loop3A_1233 = arith.constant 0.000000e+00 : f32
        %parallel_loop3A_1234 = vector.broadcast %parallel_loop3A_1233 : f32 to vector<16xf32>
        %parallel_loop3A_1235 = arith.subf %parallel_loop3A_1234, %parallel_loop3A_1224 : vector<16xf32>
        %parallel_loop3A_1236 = math.exp %parallel_loop3A_1235 : vector<16xf32>
        %parallel_loop3A_1237 = arith.constant 0.000000e+00 : f32
        %parallel_loop3A_1238 = vector.broadcast %parallel_loop3A_1237 : f32 to vector<16xf32>
        %parallel_loop3A_1239 = arith.subf %parallel_loop3A_1238, %parallel_loop3A_1232 : vector<16xf32>
        %parallel_loop3A_1240 = math.exp %parallel_loop3A_1239 : vector<16xf32>
        %parallel_loop3A_1241 = arith.subf %parallel_loop3A_1240, %parallel_loop3A_1236 : vector<16xf32>
        %parallel_loop3A_1242 = arith.constant 1.000000e+00 : f32
        %parallel_loop3A_1243 = vector.broadcast %parallel_loop3A_1242 : f32 to vector<16xf32>
        %parallel_loop3A_1244 = arith.addf %parallel_loop3A_1243, %parallel_loop3A_1236 : vector<16xf32>
        %parallel_loop3A_1245 = arith.constant 1.000000e+00 : f32
        %parallel_loop3A_1246 = vector.broadcast %parallel_loop3A_1245 : f32 to vector<16xf32>
        %parallel_loop3A_1247 = arith.addf %parallel_loop3A_1246, %parallel_loop3A_1240 : vector<16xf32>
        %parallel_loop3A_1248 = arith.mulf %parallel_loop3A_1244, %parallel_loop3A_1247 : vector<16xf32>
        %parallel_loop3A_1249 = arith.divf %parallel_loop3A_1241, %parallel_loop3A_1248 : vector<16xf32>
        %parallel_loop3A_1250 = arith.mulf %get3A_31, %parallel_loop3A_1249 : vector<16xf32>
        %parallel_loop3A_1251 = arith.addf %parallel_loop3A_1216, %parallel_loop3A_1250 : vector<16xf32>
        %parallel_loop3A_1252 = arith.constant 0 : i32
        %parallel_loop3A_1253 = arith.constant 0 : i32
        %parallel_loop3A_1254 = tpu.memref_slice %arg16[%parallel_loop3A_174, %parallel_loop3A_1252, %parallel_loop3A_1253] : memref<2x80x128xi32, #tpu.memory_space<vmem>> -> memref<1x80x128xi32, #tpu.memory_space<vmem>>
        %parallel_loop3A_1255 = tpu.memref_squeeze %parallel_loop3A_1254 : memref<1x80x128xi32, #tpu.memory_space<vmem>> -> memref<80x128xi32, #tpu.memory_space<vmem>>
        %parallel_loop3A_1256 = arith.index_cast %parallel_loop3A_979 : i32 to index
        %parallel_loop3A_1257 = arith.constant 48 : index
        %parallel_loop3A_1258 = tpu.vector_load %parallel_loop3A_1255[%parallel_loop3A_1256, %parallel_loop3A_1257] {strides = array<i32>} : memref<80x128xi32, #tpu.memory_space<vmem>>, vector<16xi32>,
        %parallel_loop3A_1259 = vector.bitcast %parallel_loop3A_1258 : vector<16xi32> to vector<32xbf16>
        %parallel_loop3A_1260 = tpu.unpack_subelements %parallel_loop3A_1259, 0 {pack_format = #tpu.pack_format<interleaved>} : vector<32xbf16> -> vector<16xf32>
        %parallel_loop3A_1261 = tpu.unpack_subelements %parallel_loop3A_1259, 1 {pack_format = #tpu.pack_format<interleaved>} : vector<32xbf16> -> vector<16xf32>
        %parallel_loop3A_1262 = arith.constant 0 : i32
        %parallel_loop3A_1263 = arith.constant 0 : i32
        %parallel_loop3A_1264 = tpu.memref_slice %arg16[%parallel_loop3A_174, %parallel_loop3A_1262, %parallel_loop3A_1263] : memref<2x80x128xi32, #tpu.memory_space<vmem>> -> memref<1x80x128xi32, #tpu.memory_space<vmem>>
        %parallel_loop3A_1265 = tpu.memref_squeeze %parallel_loop3A_1264 : memref<1x80x128xi32, #tpu.memory_space<vmem>> -> memref<80x128xi32, #tpu.memory_space<vmem>>
        %parallel_loop3A_1266 = arith.index_cast %parallel_loop3A_979 : i32 to index
        %parallel_loop3A_1267 = arith.constant 112 : index
        %parallel_loop3A_1268 = tpu.vector_load %parallel_loop3A_1265[%parallel_loop3A_1266, %parallel_loop3A_1267] {strides = array<i32>} : memref<80x128xi32, #tpu.memory_space<vmem>>, vector<16xi32>,
        %parallel_loop3A_1269 = vector.bitcast %parallel_loop3A_1268 : vector<16xi32> to vector<32xbf16>
        %parallel_loop3A_1270 = tpu.unpack_subelements %parallel_loop3A_1269, 0 {pack_format = #tpu.pack_format<interleaved>} : vector<32xbf16> -> vector<16xf32>
        %parallel_loop3A_1271 = tpu.unpack_subelements %parallel_loop3A_1269, 1 {pack_format = #tpu.pack_format<interleaved>} : vector<32xbf16> -> vector<16xf32>
        %parallel_loop3A_1272 = arith.constant 0 : i32
        %parallel_loop3A_1273 = arith.constant 0 : i32
        %parallel_loop3A_1274 = tpu.memref_slice %arg17[%parallel_loop3A_175, %parallel_loop3A_1272, %parallel_loop3A_1273] : memref<2x80x128xf32, #tpu.memory_space<vmem>> -> memref<1x80x128xf32, #tpu.memory_space<vmem>>
        %parallel_loop3A_1275 = tpu.memref_squeeze %parallel_loop3A_1274 : memref<1x80x128xf32, #tpu.memory_space<vmem>> -> memref<80x128xf32, #tpu.memory_space<vmem>>
        %parallel_loop3A_1276 = arith.index_cast %parallel_loop3A_979 : i32 to index
        %parallel_loop3A_1277 = arith.constant 96 : index
        %parallel_loop3A_1278 = tpu.vector_load %parallel_loop3A_1275[%parallel_loop3A_1276, %parallel_loop3A_1277] {strides = array<i32>} : memref<80x128xf32, #tpu.memory_space<vmem>>, vector<16xf32>,
        %parallel_loop3A_1279 = arith.addf %parallel_loop3A_1260, %parallel_loop3A_1278 : vector<16xf32>
        %parallel_loop3A_1280 = arith.constant 0 : i32
        %parallel_loop3A_1281 = arith.constant 0 : i32
        %parallel_loop3A_1282 = tpu.memref_slice %arg18[%parallel_loop3A_176, %parallel_loop3A_1280, %parallel_loop3A_1281] : memref<2x80x128xf32, #tpu.memory_space<vmem>> -> memref<1x80x128xf32, #tpu.memory_space<vmem>>
        %parallel_loop3A_1283 = tpu.memref_squeeze %parallel_loop3A_1282 : memref<1x80x128xf32, #tpu.memory_space<vmem>> -> memref<80x128xf32, #tpu.memory_space<vmem>>
        %parallel_loop3A_1284 = arith.index_cast %parallel_loop3A_979 : i32 to index
        %parallel_loop3A_1285 = arith.constant 96 : index
        %parallel_loop3A_1286 = tpu.vector_load %parallel_loop3A_1283[%parallel_loop3A_1284, %parallel_loop3A_1285] {strides = array<i32>} : memref<80x128xf32, #tpu.memory_space<vmem>>, vector<16xf32>,
        %parallel_loop3A_1287 = arith.addf %parallel_loop3A_1270, %parallel_loop3A_1286 : vector<16xf32>
        %parallel_loop3A_1288 = arith.constant 0.000000e+00 : f32
        %parallel_loop3A_1289 = vector.broadcast %parallel_loop3A_1288 : f32 to vector<16xf32>
        %parallel_loop3A_1290 = arith.subf %parallel_loop3A_1289, %parallel_loop3A_1279 : vector<16xf32>
        %parallel_loop3A_1291 = math.exp %parallel_loop3A_1290 : vector<16xf32>
        %parallel_loop3A_1292 = arith.constant 0.000000e+00 : f32
        %parallel_loop3A_1293 = vector.broadcast %parallel_loop3A_1292 : f32 to vector<16xf32>
        %parallel_loop3A_1294 = arith.subf %parallel_loop3A_1293, %parallel_loop3A_1287 : vector<16xf32>
        %parallel_loop3A_1295 = math.exp %parallel_loop3A_1294 : vector<16xf32>
        %parallel_loop3A_1296 = arith.subf %parallel_loop3A_1295, %parallel_loop3A_1291 : vector<16xf32>
        %parallel_loop3A_1297 = arith.constant 1.000000e+00 : f32
        %parallel_loop3A_1298 = vector.broadcast %parallel_loop3A_1297 : f32 to vector<16xf32>
        %parallel_loop3A_1299 = arith.addf %parallel_loop3A_1298, %parallel_loop3A_1291 : vector<16xf32>
        %parallel_loop3A_1300 = arith.constant 1.000000e+00 : f32
        %parallel_loop3A_1301 = vector.broadcast %parallel_loop3A_1300 : f32 to vector<16xf32>
        %parallel_loop3A_1302 = arith.addf %parallel_loop3A_1301, %parallel_loop3A_1295 : vector<16xf32>
        %parallel_loop3A_1303 = arith.mulf %parallel_loop3A_1299, %parallel_loop3A_1302 : vector<16xf32>
        %parallel_loop3A_1304 = arith.divf %parallel_loop3A_1296, %parallel_loop3A_1303 : vector<16xf32>
        %parallel_loop3A_1305 = arith.mulf %get3A_33, %parallel_loop3A_1304 : vector<16xf32>
        %parallel_loop3A_1306 = arith.addf %parallel_loop3A_1251, %parallel_loop3A_1305 : vector<16xf32>
        %parallel_loop3A_1307 = arith.constant 0 : i32
        %parallel_loop3A_1308 = arith.constant 0 : i32
        %parallel_loop3A_1309 = tpu.memref_slice %arg17[%parallel_loop3A_175, %parallel_loop3A_1307, %parallel_loop3A_1308] : memref<2x80x128xf32, #tpu.memory_space<vmem>> -> memref<1x80x128xf32, #tpu.memory_space<vmem>>
        %parallel_loop3A_1310 = tpu.memref_squeeze %parallel_loop3A_1309 : memref<1x80x128xf32, #tpu.memory_space<vmem>> -> memref<80x128xf32, #tpu.memory_space<vmem>>
        %parallel_loop3A_1311 = arith.index_cast %parallel_loop3A_979 : i32 to index
        %parallel_loop3A_1312 = arith.constant 112 : index
        %parallel_loop3A_1313 = tpu.vector_load %parallel_loop3A_1310[%parallel_loop3A_1311, %parallel_loop3A_1312] {strides = array<i32>} : memref<80x128xf32, #tpu.memory_space<vmem>>, vector<16xf32>,
        %parallel_loop3A_1314 = arith.addf %parallel_loop3A_1261, %parallel_loop3A_1313 : vector<16xf32>
        %parallel_loop3A_1315 = arith.constant 0 : i32
        %parallel_loop3A_1316 = arith.constant 0 : i32
        %parallel_loop3A_1317 = tpu.memref_slice %arg18[%parallel_loop3A_176, %parallel_loop3A_1315, %parallel_loop3A_1316] : memref<2x80x128xf32, #tpu.memory_space<vmem>> -> memref<1x80x128xf32, #tpu.memory_space<vmem>>
        %parallel_loop3A_1318 = tpu.memref_squeeze %parallel_loop3A_1317 : memref<1x80x128xf32, #tpu.memory_space<vmem>> -> memref<80x128xf32, #tpu.memory_space<vmem>>
        %parallel_loop3A_1319 = arith.index_cast %parallel_loop3A_979 : i32 to index
        %parallel_loop3A_1320 = arith.constant 112 : index
        %parallel_loop3A_1321 = tpu.vector_load %parallel_loop3A_1318[%parallel_loop3A_1319, %parallel_loop3A_1320] {strides = array<i32>} : memref<80x128xf32, #tpu.memory_space<vmem>>, vector<16xf32>,
        %parallel_loop3A_1322 = arith.addf %parallel_loop3A_1271, %parallel_loop3A_1321 : vector<16xf32>
        %parallel_loop3A_1323 = arith.constant 0.000000e+00 : f32
        %parallel_loop3A_1324 = vector.broadcast %parallel_loop3A_1323 : f32 to vector<16xf32>
        %parallel_loop3A_1325 = arith.subf %parallel_loop3A_1324, %parallel_loop3A_1314 : vector<16xf32>
        %parallel_loop3A_1326 = math.exp %parallel_loop3A_1325 : vector<16xf32>
        %parallel_loop3A_1327 = arith.constant 0.000000e+00 : f32
        %parallel_loop3A_1328 = vector.broadcast %parallel_loop3A_1327 : f32 to vector<16xf32>
        %parallel_loop3A_1329 = arith.subf %parallel_loop3A_1328, %parallel_loop3A_1322 : vector<16xf32>
        %parallel_loop3A_1330 = math.exp %parallel_loop3A_1329 : vector<16xf32>
        %parallel_loop3A_1331 = arith.subf %parallel_loop3A_1330, %parallel_loop3A_1326 : vector<16xf32>
        %parallel_loop3A_1332 = arith.constant 1.000000e+00 : f32
        %parallel_loop3A_1333 = vector.broadcast %parallel_loop3A_1332 : f32 to vector<16xf32>
        %parallel_loop3A_1334 = arith.addf %parallel_loop3A_1333, %parallel_loop3A_1326 : vector<16xf32>
        %parallel_loop3A_1335 = arith.constant 1.000000e+00 : f32
        %parallel_loop3A_1336 = vector.broadcast %parallel_loop3A_1335 : f32 to vector<16xf32>
        %parallel_loop3A_1337 = arith.addf %parallel_loop3A_1336, %parallel_loop3A_1330 : vector<16xf32>
        %parallel_loop3A_1338 = arith.mulf %parallel_loop3A_1334, %parallel_loop3A_1337 : vector<16xf32>
        %parallel_loop3A_1339 = arith.divf %parallel_loop3A_1331, %parallel_loop3A_1338 : vector<16xf32>
        %parallel_loop3A_1340 = arith.mulf %get3A_35, %parallel_loop3A_1339 : vector<16xf32>
        %parallel_loop3A_1341 = arith.addf %parallel_loop3A_1306, %parallel_loop3A_1340 : vector<16xf32>
        %parallel_loop3A_1342 = arith.index_cast %parallel_loop3A_979 : i32 to index
        %parallel_loop3A_1343 = arith.constant 0 : index
        %parallel_loop3A_1344 = tpu.vector_load %arg20[%parallel_loop3A_1342, %parallel_loop3A_1343] {strides = array<i32>} : memref<80x17xf32, #tpu.memory_space<vmem>>, vector<16xf32>,
        tpu.vector_store %arg20[%parallel_loop3A_1342, %parallel_loop3A_1343], %parallel_loop3A_1341 {strides = array<i32>} : memref<80x17xf32, #tpu.memory_space<vmem>>, vector<16xf32>,
      } {sc.loop_unroll_factor = 2 : i64, sc.parallel_access}
      %add3A_177 = arith.constant 0 : i32
      %add3A_178 = vector.broadcast %add3A_177 : i32 to vector<16xi32>
      %add3A_179 = arith.addi %add3A_178, %iota3A : vector<16xi32>
      %broadcast_in_dim3A_180 = arith.constant 0 : i32
      %broadcast_in_dim3A_181 = vector.broadcast %broadcast_in_dim3A_180 : i32 to vector<16xi32>
      %gather3A = tpu.vector_load_idx %arg20[%add3A_179, %broadcast_in_dim3A_181] : memref<80x17xf32, #tpu.memory_space<vmem>>[vector<16xi32>, vector<16xi32>], vector<16xf32>,
      %add3A_182 = arith.addf %broadcast_in_dim3A_3, %gather3A : vector<16xf32>
      %broadcast_in_dim3A_183 = arith.constant 1 : i32
      %broadcast_in_dim3A_184 = vector.broadcast %broadcast_in_dim3A_183 : i32 to vector<16xi32>
      %gather3A_185 = tpu.vector_load_idx %arg20[%add3A_179, %broadcast_in_dim3A_184] : memref<80x17xf32, #tpu.memory_space<vmem>>[vector<16xi32>, vector<16xi32>], vector<16xf32>,
      %add3A_186 = arith.addf %add3A_182, %gather3A_185 : vector<16xf32>
      %broadcast_in_dim3A_187 = arith.constant 2 : i32
      %broadcast_in_dim3A_188 = vector.broadcast %broadcast_in_dim3A_187 : i32 to vector<16xi32>
      %gather3A_189 = tpu.vector_load_idx %arg20[%add3A_179, %broadcast_in_dim3A_188] : memref<80x17xf32, #tpu.memory_space<vmem>>[vector<16xi32>, vector<16xi32>], vector<16xf32>,
      %add3A_190 = arith.addf %add3A_186, %gather3A_189 : vector<16xf32>
      %broadcast_in_dim3A_191 = arith.constant 3 : i32
      %broadcast_in_dim3A_192 = vector.broadcast %broadcast_in_dim3A_191 : i32 to vector<16xi32>
      %gather3A_193 = tpu.vector_load_idx %arg20[%add3A_179, %broadcast_in_dim3A_192] : memref<80x17xf32, #tpu.memory_space<vmem>>[vector<16xi32>, vector<16xi32>], vector<16xf32>,
      %add3A_194 = arith.addf %add3A_190, %gather3A_193 : vector<16xf32>
      %broadcast_in_dim3A_195 = arith.constant 4 : i32
      %broadcast_in_dim3A_196 = vector.broadcast %broadcast_in_dim3A_195 : i32 to vector<16xi32>
      %gather3A_197 = tpu.vector_load_idx %arg20[%add3A_179, %broadcast_in_dim3A_196] : memref<80x17xf32, #tpu.memory_space<vmem>>[vector<16xi32>, vector<16xi32>], vector<16xf32>,
      %add3A_198 = arith.addf %add3A_194, %gather3A_197 : vector<16xf32>
      %broadcast_in_dim3A_199 = arith.constant 5 : i32
      %broadcast_in_dim3A_200 = vector.broadcast %broadcast_in_dim3A_199 : i32 to vector<16xi32>
      %gather3A_201 = tpu.vector_load_idx %arg20[%add3A_179, %broadcast_in_dim3A_200] : memref<80x17xf32, #tpu.memory_space<vmem>>[vector<16xi32>, vector<16xi32>], vector<16xf32>,
      %add3A_202 = arith.addf %add3A_198, %gather3A_201 : vector<16xf32>
      %broadcast_in_dim3A_203 = arith.constant 6 : i32
      %broadcast_in_dim3A_204 = vector.broadcast %broadcast_in_dim3A_203 : i32 to vector<16xi32>
      %gather3A_205 = tpu.vector_load_idx %arg20[%add3A_179, %broadcast_in_dim3A_204] : memref<80x17xf32, #tpu.memory_space<vmem>>[vector<16xi32>, vector<16xi32>], vector<16xf32>,
      %add3A_206 = arith.addf %add3A_202, %gather3A_205 : vector<16xf32>
      %broadcast_in_dim3A_207 = arith.constant 7 : i32
      %broadcast_in_dim3A_208 = vector.broadcast %broadcast_in_dim3A_207 : i32 to vector<16xi32>
      %gather3A_209 = tpu.vector_load_idx %arg20[%add3A_179, %broadcast_in_dim3A_208] : memref<80x17xf32, #tpu.memory_space<vmem>>[vector<16xi32>, vector<16xi32>], vector<16xf32>,
      %add3A_210 = arith.addf %add3A_206, %gather3A_209 : vector<16xf32>
      %broadcast_in_dim3A_211 = arith.constant 8 : i32
      %broadcast_in_dim3A_212 = vector.broadcast %broadcast_in_dim3A_211 : i32 to vector<16xi32>
      %gather3A_213 = tpu.vector_load_idx %arg20[%add3A_179, %broadcast_in_dim3A_212] : memref<80x17xf32, #tpu.memory_space<vmem>>[vector<16xi32>, vector<16xi32>], vector<16xf32>,
      %add3A_214 = arith.addf %add3A_210, %gather3A_213 : vector<16xf32>
      %broadcast_in_dim3A_215 = arith.constant 9 : i32
      %broadcast_in_dim3A_216 = vector.broadcast %broadcast_in_dim3A_215 : i32 to vector<16xi32>
      %gather3A_217 = tpu.vector_load_idx %arg20[%add3A_179, %broadcast_in_dim3A_216] : memref<80x17xf32, #tpu.memory_space<vmem>>[vector<16xi32>, vector<16xi32>], vector<16xf32>,
      %add3A_218 = arith.addf %add3A_214, %gather3A_217 : vector<16xf32>
      %broadcast_in_dim3A_219 = arith.constant 10 : i32
      %broadcast_in_dim3A_220 = vector.broadcast %broadcast_in_dim3A_219 : i32 to vector<16xi32>
      %gather3A_221 = tpu.vector_load_idx %arg20[%add3A_179, %broadcast_in_dim3A_220] : memref<80x17xf32, #tpu.memory_space<vmem>>[vector<16xi32>, vector<16xi32>], vector<16xf32>,
      %add3A_222 = arith.addf %add3A_218, %gather3A_221 : vector<16xf32>
      %broadcast_in_dim3A_223 = arith.constant 11 : i32
      %broadcast_in_dim3A_224 = vector.broadcast %broadcast_in_dim3A_223 : i32 to vector<16xi32>
      %gather3A_225 = tpu.vector_load_idx %arg20[%add3A_179, %broadcast_in_dim3A_224] : memref<80x17xf32, #tpu.memory_space<vmem>>[vector<16xi32>, vector<16xi32>], vector<16xf32>,
      %add3A_226 = arith.addf %add3A_222, %gather3A_225 : vector<16xf32>
      %broadcast_in_dim3A_227 = arith.constant 12 : i32
      %broadcast_in_dim3A_228 = vector.broadcast %broadcast_in_dim3A_227 : i32 to vector<16xi32>
      %gather3A_229 = tpu.vector_load_idx %arg20[%add3A_179, %broadcast_in_dim3A_228] : memref<80x17xf32, #tpu.memory_space<vmem>>[vector<16xi32>, vector<16xi32>], vector<16xf32>,
      %add3A_230 = arith.addf %add3A_226, %gather3A_229 : vector<16xf32>
      %broadcast_in_dim3A_231 = arith.constant 13 : i32
      %broadcast_in_dim3A_232 = vector.broadcast %broadcast_in_dim3A_231 : i32 to vector<16xi32>
      %gather3A_233 = tpu.vector_load_idx %arg20[%add3A_179, %broadcast_in_dim3A_232] : memref<80x17xf32, #tpu.memory_space<vmem>>[vector<16xi32>, vector<16xi32>], vector<16xf32>,
      %add3A_234 = arith.addf %add3A_230, %gather3A_233 : vector<16xf32>
      %broadcast_in_dim3A_235 = arith.constant 14 : i32
      %broadcast_in_dim3A_236 = vector.broadcast %broadcast_in_dim3A_235 : i32 to vector<16xi32>
      %gather3A_237 = tpu.vector_load_idx %arg20[%add3A_179, %broadcast_in_dim3A_236] : memref<80x17xf32, #tpu.memory_space<vmem>>[vector<16xi32>, vector<16xi32>], vector<16xf32>,
      %add3A_238 = arith.addf %add3A_234, %gather3A_237 : vector<16xf32>
      %broadcast_in_dim3A_239 = arith.constant 15 : i32
      %broadcast_in_dim3A_240 = vector.broadcast %broadcast_in_dim3A_239 : i32 to vector<16xi32>
      %gather3A_241 = tpu.vector_load_idx %arg20[%add3A_179, %broadcast_in_dim3A_240] : memref<80x17xf32, #tpu.memory_space<vmem>>[vector<16xi32>, vector<16xi32>], vector<16xf32>,
      %add3A_242 = arith.addf %add3A_238, %gather3A_241 : vector<16xf32>
      %swap3A_243 = arith.constant 0 : i32
      %swap3A_244 = arith.index_cast %swap3A_243 : i32 to index
      %swap3A_245 = arith.constant 0 : index
      %swap3A_246 = tpu.vector_load %arg19[%swap3A_244, %swap3A_245] {strides = array<i32>} : memref<2x80xf32, #tpu.memory_space<vmem>>, vector<16xf32>,
      tpu.vector_store %arg19[%swap3A_244, %swap3A_245], %add3A_242 {strides = array<i32>} : memref<2x80xf32, #tpu.memory_space<vmem>>, vector<16xf32>,
      %add3A_247 = arith.constant 16 : i32
      %add3A_248 = vector.broadcast %add3A_247 : i32 to vector<16xi32>
      %add3A_249 = arith.addi %add3A_248, %iota3A : vector<16xi32>
      %broadcast_in_dim3A_250 = arith.constant 0 : i32
      %broadcast_in_dim3A_251 = vector.broadcast %broadcast_in_dim3A_250 : i32 to vector<16xi32>
      %gather3A_252 = tpu.vector_load_idx %arg20[%add3A_249, %broadcast_in_dim3A_251] : memref<80x17xf32, #tpu.memory_space<vmem>>[vector<16xi32>, vector<16xi32>], vector<16xf32>,
      %add3A_253 = arith.addf %broadcast_in_dim3A_3, %gather3A_252 : vector<16xf32>
      %broadcast_in_dim3A_254 = arith.constant 1 : i32
      %broadcast_in_dim3A_255 = vector.broadcast %broadcast_in_dim3A_254 : i32 to vector<16xi32>
      %gather3A_256 = tpu.vector_load_idx %arg20[%add3A_249, %broadcast_in_dim3A_255] : memref<80x17xf32, #tpu.memory_space<vmem>>[vector<16xi32>, vector<16xi32>], vector<16xf32>,
      %add3A_257 = arith.addf %add3A_253, %gather3A_256 : vector<16xf32>
      %broadcast_in_dim3A_258 = arith.constant 2 : i32
      %broadcast_in_dim3A_259 = vector.broadcast %broadcast_in_dim3A_258 : i32 to vector<16xi32>
      %gather3A_260 = tpu.vector_load_idx %arg20[%add3A_249, %broadcast_in_dim3A_259] : memref<80x17xf32, #tpu.memory_space<vmem>>[vector<16xi32>, vector<16xi32>], vector<16xf32>,
      %add3A_261 = arith.addf %add3A_257, %gather3A_260 : vector<16xf32>
      %broadcast_in_dim3A_262 = arith.constant 3 : i32
      %broadcast_in_dim3A_263 = vector.broadcast %broadcast_in_dim3A_262 : i32 to vector<16xi32>
      %gather3A_264 = tpu.vector_load_idx %arg20[%add3A_249, %broadcast_in_dim3A_263] : memref<80x17xf32, #tpu.memory_space<vmem>>[vector<16xi32>, vector<16xi32>], vector<16xf32>,
      %add3A_265 = arith.addf %add3A_261, %gather3A_264 : vector<16xf32>
      %broadcast_in_dim3A_266 = arith.constant 4 : i32
      %broadcast_in_dim3A_267 = vector.broadcast %broadcast_in_dim3A_266 : i32 to vector<16xi32>
      %gather3A_268 = tpu.vector_load_idx %arg20[%add3A_249, %broadcast_in_dim3A_267] : memref<80x17xf32, #tpu.memory_space<vmem>>[vector<16xi32>, vector<16xi32>], vector<16xf32>,
      %add3A_269 = arith.addf %add3A_265, %gather3A_268 : vector<16xf32>
      %broadcast_in_dim3A_270 = arith.constant 5 : i32
      %broadcast_in_dim3A_271 = vector.broadcast %broadcast_in_dim3A_270 : i32 to vector<16xi32>
      %gather3A_272 = tpu.vector_load_idx %arg20[%add3A_249, %broadcast_in_dim3A_271] : memref<80x17xf32, #tpu.memory_space<vmem>>[vector<16xi32>, vector<16xi32>], vector<16xf32>,
      %add3A_273 = arith.addf %add3A_269, %gather3A_272 : vector<16xf32>
      %broadcast_in_dim3A_274 = arith.constant 6 : i32
      %broadcast_in_dim3A_275 = vector.broadcast %broadcast_in_dim3A_274 : i32 to vector<16xi32>
      %gather3A_276 = tpu.vector_load_idx %arg20[%add3A_249, %broadcast_in_dim3A_275] : memref<80x17xf32, #tpu.memory_space<vmem>>[vector<16xi32>, vector<16xi32>], vector<16xf32>,
      %add3A_277 = arith.addf %add3A_273, %gather3A_276 : vector<16xf32>
      %broadcast_in_dim3A_278 = arith.constant 7 : i32
      %broadcast_in_dim3A_279 = vector.broadcast %broadcast_in_dim3A_278 : i32 to vector<16xi32>
      %gather3A_280 = tpu.vector_load_idx %arg20[%add3A_249, %broadcast_in_dim3A_279] : memref<80x17xf32, #tpu.memory_space<vmem>>[vector<16xi32>, vector<16xi32>], vector<16xf32>,
      %add3A_281 = arith.addf %add3A_277, %gather3A_280 : vector<16xf32>
      %broadcast_in_dim3A_282 = arith.constant 8 : i32
      %broadcast_in_dim3A_283 = vector.broadcast %broadcast_in_dim3A_282 : i32 to vector<16xi32>
      %gather3A_284 = tpu.vector_load_idx %arg20[%add3A_249, %broadcast_in_dim3A_283] : memref<80x17xf32, #tpu.memory_space<vmem>>[vector<16xi32>, vector<16xi32>], vector<16xf32>,
      %add3A_285 = arith.addf %add3A_281, %gather3A_284 : vector<16xf32>
      %broadcast_in_dim3A_286 = arith.constant 9 : i32
      %broadcast_in_dim3A_287 = vector.broadcast %broadcast_in_dim3A_286 : i32 to vector<16xi32>
      %gather3A_288 = tpu.vector_load_idx %arg20[%add3A_249, %broadcast_in_dim3A_287] : memref<80x17xf32, #tpu.memory_space<vmem>>[vector<16xi32>, vector<16xi32>], vector<16xf32>,
      %add3A_289 = arith.addf %add3A_285, %gather3A_288 : vector<16xf32>
      %broadcast_in_dim3A_290 = arith.constant 10 : i32
      %broadcast_in_dim3A_291 = vector.broadcast %broadcast_in_dim3A_290 : i32 to vector<16xi32>
      %gather3A_292 = tpu.vector_load_idx %arg20[%add3A_249, %broadcast_in_dim3A_291] : memref<80x17xf32, #tpu.memory_space<vmem>>[vector<16xi32>, vector<16xi32>], vector<16xf32>,
      %add3A_293 = arith.addf %add3A_289, %gather3A_292 : vector<16xf32>
      %broadcast_in_dim3A_294 = arith.constant 11 : i32
      %broadcast_in_dim3A_295 = vector.broadcast %broadcast_in_dim3A_294 : i32 to vector<16xi32>
      %gather3A_296 = tpu.vector_load_idx %arg20[%add3A_249, %broadcast_in_dim3A_295] : memref<80x17xf32, #tpu.memory_space<vmem>>[vector<16xi32>, vector<16xi32>], vector<16xf32>,
      %add3A_297 = arith.addf %add3A_293, %gather3A_296 : vector<16xf32>
      %broadcast_in_dim3A_298 = arith.constant 12 : i32
      %broadcast_in_dim3A_299 = vector.broadcast %broadcast_in_dim3A_298 : i32 to vector<16xi32>
      %gather3A_300 = tpu.vector_load_idx %arg20[%add3A_249, %broadcast_in_dim3A_299] : memref<80x17xf32, #tpu.memory_space<vmem>>[vector<16xi32>, vector<16xi32>], vector<16xf32>,
      %add3A_301 = arith.addf %add3A_297, %gather3A_300 : vector<16xf32>
      %broadcast_in_dim3A_302 = arith.constant 13 : i32
      %broadcast_in_dim3A_303 = vector.broadcast %broadcast_in_dim3A_302 : i32 to vector<16xi32>
      %gather3A_304 = tpu.vector_load_idx %arg20[%add3A_249, %broadcast_in_dim3A_303] : memref<80x17xf32, #tpu.memory_space<vmem>>[vector<16xi32>, vector<16xi32>], vector<16xf32>,
      %add3A_305 = arith.addf %add3A_301, %gather3A_304 : vector<16xf32>
      %broadcast_in_dim3A_306 = arith.constant 14 : i32
      %broadcast_in_dim3A_307 = vector.broadcast %broadcast_in_dim3A_306 : i32 to vector<16xi32>
      %gather3A_308 = tpu.vector_load_idx %arg20[%add3A_249, %broadcast_in_dim3A_307] : memref<80x17xf32, #tpu.memory_space<vmem>>[vector<16xi32>, vector<16xi32>], vector<16xf32>,
      %add3A_309 = arith.addf %add3A_305, %gather3A_308 : vector<16xf32>
      %broadcast_in_dim3A_310 = arith.constant 15 : i32
      %broadcast_in_dim3A_311 = vector.broadcast %broadcast_in_dim3A_310 : i32 to vector<16xi32>
      %gather3A_312 = tpu.vector_load_idx %arg20[%add3A_249, %broadcast_in_dim3A_311] : memref<80x17xf32, #tpu.memory_space<vmem>>[vector<16xi32>, vector<16xi32>], vector<16xf32>,
      %add3A_313 = arith.addf %add3A_309, %gather3A_312 : vector<16xf32>
      %swap3A_314 = arith.constant 0 : i32
      %swap3A_315 = arith.index_cast %swap3A_314 : i32 to index
      %swap3A_316 = arith.constant 16 : index
      %swap3A_317 = tpu.vector_load %arg19[%swap3A_315, %swap3A_316] {strides = array<i32>} : memref<2x80xf32, #tpu.memory_space<vmem>>, vector<16xf32>,
      tpu.vector_store %arg19[%swap3A_315, %swap3A_316], %add3A_313 {strides = array<i32>} : memref<2x80xf32, #tpu.memory_space<vmem>>, vector<16xf32>,
      %add3A_318 = arith.constant 32 : i32
      %add3A_319 = vector.broadcast %add3A_318 : i32 to vector<16xi32>
      %add3A_320 = arith.addi %add3A_319, %iota3A : vector<16xi32>
      %broadcast_in_dim3A_321 = arith.constant 0 : i32
      %broadcast_in_dim3A_322 = vector.broadcast %broadcast_in_dim3A_321 : i32 to vector<16xi32>
      %gather3A_323 = tpu.vector_load_idx %arg20[%add3A_320, %broadcast_in_dim3A_322] : memref<80x17xf32, #tpu.memory_space<vmem>>[vector<16xi32>, vector<16xi32>], vector<16xf32>,
      %add3A_324 = arith.addf %broadcast_in_dim3A_3, %gather3A_323 : vector<16xf32>
      %broadcast_in_dim3A_325 = arith.constant 1 : i32
      %broadcast_in_dim3A_326 = vector.broadcast %broadcast_in_dim3A_325 : i32 to vector<16xi32>
      %gather3A_327 = tpu.vector_load_idx %arg20[%add3A_320, %broadcast_in_dim3A_326] : memref<80x17xf32, #tpu.memory_space<vmem>>[vector<16xi32>, vector<16xi32>], vector<16xf32>,
      %add3A_328 = arith.addf %add3A_324, %gather3A_327 : vector<16xf32>
      %broadcast_in_dim3A_329 = arith.constant 2 : i32
      %broadcast_in_dim3A_330 = vector.broadcast %broadcast_in_dim3A_329 : i32 to vector<16xi32>
      %gather3A_331 = tpu.vector_load_idx %arg20[%add3A_320, %broadcast_in_dim3A_330] : memref<80x17xf32, #tpu.memory_space<vmem>>[vector<16xi32>, vector<16xi32>], vector<16xf32>,
      %add3A_332 = arith.addf %add3A_328, %gather3A_331 : vector<16xf32>
      %broadcast_in_dim3A_333 = arith.constant 3 : i32
      %broadcast_in_dim3A_334 = vector.broadcast %broadcast_in_dim3A_333 : i32 to vector<16xi32>
      %gather3A_335 = tpu.vector_load_idx %arg20[%add3A_320, %broadcast_in_dim3A_334] : memref<80x17xf32, #tpu.memory_space<vmem>>[vector<16xi32>, vector<16xi32>], vector<16xf32>,
      %add3A_336 = arith.addf %add3A_332, %gather3A_335 : vector<16xf32>
      %broadcast_in_dim3A_337 = arith.constant 4 : i32
      %broadcast_in_dim3A_338 = vector.broadcast %broadcast_in_dim3A_337 : i32 to vector<16xi32>
      %gather3A_339 = tpu.vector_load_idx %arg20[%add3A_320, %broadcast_in_dim3A_338] : memref<80x17xf32, #tpu.memory_space<vmem>>[vector<16xi32>, vector<16xi32>], vector<16xf32>,
      %add3A_340 = arith.addf %add3A_336, %gather3A_339 : vector<16xf32>
      %broadcast_in_dim3A_341 = arith.constant 5 : i32
      %broadcast_in_dim3A_342 = vector.broadcast %broadcast_in_dim3A_341 : i32 to vector<16xi32>
      %gather3A_343 = tpu.vector_load_idx %arg20[%add3A_320, %broadcast_in_dim3A_342] : memref<80x17xf32, #tpu.memory_space<vmem>>[vector<16xi32>, vector<16xi32>], vector<16xf32>,
      %add3A_344 = arith.addf %add3A_340, %gather3A_343 : vector<16xf32>
      %broadcast_in_dim3A_345 = arith.constant 6 : i32
      %broadcast_in_dim3A_346 = vector.broadcast %broadcast_in_dim3A_345 : i32 to vector<16xi32>
      %gather3A_347 = tpu.vector_load_idx %arg20[%add3A_320, %broadcast_in_dim3A_346] : memref<80x17xf32, #tpu.memory_space<vmem>>[vector<16xi32>, vector<16xi32>], vector<16xf32>,
      %add3A_348 = arith.addf %add3A_344, %gather3A_347 : vector<16xf32>
      %broadcast_in_dim3A_349 = arith.constant 7 : i32
      %broadcast_in_dim3A_350 = vector.broadcast %broadcast_in_dim3A_349 : i32 to vector<16xi32>
      %gather3A_351 = tpu.vector_load_idx %arg20[%add3A_320, %broadcast_in_dim3A_350] : memref<80x17xf32, #tpu.memory_space<vmem>>[vector<16xi32>, vector<16xi32>], vector<16xf32>,
      %add3A_352 = arith.addf %add3A_348, %gather3A_351 : vector<16xf32>
      %broadcast_in_dim3A_353 = arith.constant 8 : i32
      %broadcast_in_dim3A_354 = vector.broadcast %broadcast_in_dim3A_353 : i32 to vector<16xi32>
      %gather3A_355 = tpu.vector_load_idx %arg20[%add3A_320, %broadcast_in_dim3A_354] : memref<80x17xf32, #tpu.memory_space<vmem>>[vector<16xi32>, vector<16xi32>], vector<16xf32>,
      %add3A_356 = arith.addf %add3A_352, %gather3A_355 : vector<16xf32>
      %broadcast_in_dim3A_357 = arith.constant 9 : i32
      %broadcast_in_dim3A_358 = vector.broadcast %broadcast_in_dim3A_357 : i32 to vector<16xi32>
      %gather3A_359 = tpu.vector_load_idx %arg20[%add3A_320, %broadcast_in_dim3A_358] : memref<80x17xf32, #tpu.memory_space<vmem>>[vector<16xi32>, vector<16xi32>], vector<16xf32>,
      %add3A_360 = arith.addf %add3A_356, %gather3A_359 : vector<16xf32>
      %broadcast_in_dim3A_361 = arith.constant 10 : i32
      %broadcast_in_dim3A_362 = vector.broadcast %broadcast_in_dim3A_361 : i32 to vector<16xi32>
      %gather3A_363 = tpu.vector_load_idx %arg20[%add3A_320, %broadcast_in_dim3A_362] : memref<80x17xf32, #tpu.memory_space<vmem>>[vector<16xi32>, vector<16xi32>], vector<16xf32>,
      %add3A_364 = arith.addf %add3A_360, %gather3A_363 : vector<16xf32>
      %broadcast_in_dim3A_365 = arith.constant 11 : i32
      %broadcast_in_dim3A_366 = vector.broadcast %broadcast_in_dim3A_365 : i32 to vector<16xi32>
      %gather3A_367 = tpu.vector_load_idx %arg20[%add3A_320, %broadcast_in_dim3A_366] : memref<80x17xf32, #tpu.memory_space<vmem>>[vector<16xi32>, vector<16xi32>], vector<16xf32>,
      %add3A_368 = arith.addf %add3A_364, %gather3A_367 : vector<16xf32>
      %broadcast_in_dim3A_369 = arith.constant 12 : i32
      %broadcast_in_dim3A_370 = vector.broadcast %broadcast_in_dim3A_369 : i32 to vector<16xi32>
      %gather3A_371 = tpu.vector_load_idx %arg20[%add3A_320, %broadcast_in_dim3A_370] : memref<80x17xf32, #tpu.memory_space<vmem>>[vector<16xi32>, vector<16xi32>], vector<16xf32>,
      %add3A_372 = arith.addf %add3A_368, %gather3A_371 : vector<16xf32>
      %broadcast_in_dim3A_373 = arith.constant 13 : i32
      %broadcast_in_dim3A_374 = vector.broadcast %broadcast_in_dim3A_373 : i32 to vector<16xi32>
      %gather3A_375 = tpu.vector_load_idx %arg20[%add3A_320, %broadcast_in_dim3A_374] : memref<80x17xf32, #tpu.memory_space<vmem>>[vector<16xi32>, vector<16xi32>], vector<16xf32>,
      %add3A_376 = arith.addf %add3A_372, %gather3A_375 : vector<16xf32>
      %broadcast_in_dim3A_377 = arith.constant 14 : i32
      %broadcast_in_dim3A_378 = vector.broadcast %broadcast_in_dim3A_377 : i32 to vector<16xi32>
      %gather3A_379 = tpu.vector_load_idx %arg20[%add3A_320, %broadcast_in_dim3A_378] : memref<80x17xf32, #tpu.memory_space<vmem>>[vector<16xi32>, vector<16xi32>], vector<16xf32>,
      %add3A_380 = arith.addf %add3A_376, %gather3A_379 : vector<16xf32>
      %broadcast_in_dim3A_381 = arith.constant 15 : i32
      %broadcast_in_dim3A_382 = vector.broadcast %broadcast_in_dim3A_381 : i32 to vector<16xi32>
      %gather3A_383 = tpu.vector_load_idx %arg20[%add3A_320, %broadcast_in_dim3A_382] : memref<80x17xf32, #tpu.memory_space<vmem>>[vector<16xi32>, vector<16xi32>], vector<16xf32>,
      %add3A_384 = arith.addf %add3A_380, %gather3A_383 : vector<16xf32>
      %swap3A_385 = arith.constant 0 : i32
      %swap3A_386 = arith.index_cast %swap3A_385 : i32 to index
      %swap3A_387 = arith.constant 32 : index
      %swap3A_388 = tpu.vector_load %arg19[%swap3A_386, %swap3A_387] {strides = array<i32>} : memref<2x80xf32, #tpu.memory_space<vmem>>, vector<16xf32>,
      tpu.vector_store %arg19[%swap3A_386, %swap3A_387], %add3A_384 {strides = array<i32>} : memref<2x80xf32, #tpu.memory_space<vmem>>, vector<16xf32>,
      %add3A_389 = arith.constant 48 : i32
      %add3A_390 = vector.broadcast %add3A_389 : i32 to vector<16xi32>
      %add3A_391 = arith.addi %add3A_390, %iota3A : vector<16xi32>
      %broadcast_in_dim3A_392 = arith.constant 0 : i32
      %broadcast_in_dim3A_393 = vector.broadcast %broadcast_in_dim3A_392 : i32 to vector<16xi32>
      %gather3A_394 = tpu.vector_load_idx %arg20[%add3A_391, %broadcast_in_dim3A_393] : memref<80x17xf32, #tpu.memory_space<vmem>>[vector<16xi32>, vector<16xi32>], vector<16xf32>,
      %add3A_395 = arith.addf %broadcast_in_dim3A_3, %gather3A_394 : vector<16xf32>
      %broadcast_in_dim3A_396 = arith.constant 1 : i32
      %broadcast_in_dim3A_397 = vector.broadcast %broadcast_in_dim3A_396 : i32 to vector<16xi32>
      %gather3A_398 = tpu.vector_load_idx %arg20[%add3A_391, %broadcast_in_dim3A_397] : memref<80x17xf32, #tpu.memory_space<vmem>>[vector<16xi32>, vector<16xi32>], vector<16xf32>,
      %add3A_399 = arith.addf %add3A_395, %gather3A_398 : vector<16xf32>
      %broadcast_in_dim3A_400 = arith.constant 2 : i32
      %broadcast_in_dim3A_401 = vector.broadcast %broadcast_in_dim3A_400 : i32 to vector<16xi32>
      %gather3A_402 = tpu.vector_load_idx %arg20[%add3A_391, %broadcast_in_dim3A_401] : memref<80x17xf32, #tpu.memory_space<vmem>>[vector<16xi32>, vector<16xi32>], vector<16xf32>,
      %add3A_403 = arith.addf %add3A_399, %gather3A_402 : vector<16xf32>
      %broadcast_in_dim3A_404 = arith.constant 3 : i32
      %broadcast_in_dim3A_405 = vector.broadcast %broadcast_in_dim3A_404 : i32 to vector<16xi32>
      %gather3A_406 = tpu.vector_load_idx %arg20[%add3A_391, %broadcast_in_dim3A_405] : memref<80x17xf32, #tpu.memory_space<vmem>>[vector<16xi32>, vector<16xi32>], vector<16xf32>,
      %add3A_407 = arith.addf %add3A_403, %gather3A_406 : vector<16xf32>
      %broadcast_in_dim3A_408 = arith.constant 4 : i32
      %broadcast_in_dim3A_409 = vector.broadcast %broadcast_in_dim3A_408 : i32 to vector<16xi32>
      %gather3A_410 = tpu.vector_load_idx %arg20[%add3A_391, %broadcast_in_dim3A_409] : memref<80x17xf32, #tpu.memory_space<vmem>>[vector<16xi32>, vector<16xi32>], vector<16xf32>,
      %add3A_411 = arith.addf %add3A_407, %gather3A_410 : vector<16xf32>
      %broadcast_in_dim3A_412 = arith.constant 5 : i32
      %broadcast_in_dim3A_413 = vector.broadcast %broadcast_in_dim3A_412 : i32 to vector<16xi32>
      %gather3A_414 = tpu.vector_load_idx %arg20[%add3A_391, %broadcast_in_dim3A_413] : memref<80x17xf32, #tpu.memory_space<vmem>>[vector<16xi32>, vector<16xi32>], vector<16xf32>,
      %add3A_415 = arith.addf %add3A_411, %gather3A_414 : vector<16xf32>
      %broadcast_in_dim3A_416 = arith.constant 6 : i32
      %broadcast_in_dim3A_417 = vector.broadcast %broadcast_in_dim3A_416 : i32 to vector<16xi32>
      %gather3A_418 = tpu.vector_load_idx %arg20[%add3A_391, %broadcast_in_dim3A_417] : memref<80x17xf32, #tpu.memory_space<vmem>>[vector<16xi32>, vector<16xi32>], vector<16xf32>,
      %add3A_419 = arith.addf %add3A_415, %gather3A_418 : vector<16xf32>
      %broadcast_in_dim3A_420 = arith.constant 7 : i32
      %broadcast_in_dim3A_421 = vector.broadcast %broadcast_in_dim3A_420 : i32 to vector<16xi32>
      %gather3A_422 = tpu.vector_load_idx %arg20[%add3A_391, %broadcast_in_dim3A_421] : memref<80x17xf32, #tpu.memory_space<vmem>>[vector<16xi32>, vector<16xi32>], vector<16xf32>,
      %add3A_423 = arith.addf %add3A_419, %gather3A_422 : vector<16xf32>
      %broadcast_in_dim3A_424 = arith.constant 8 : i32
      %broadcast_in_dim3A_425 = vector.broadcast %broadcast_in_dim3A_424 : i32 to vector<16xi32>
      %gather3A_426 = tpu.vector_load_idx %arg20[%add3A_391, %broadcast_in_dim3A_425] : memref<80x17xf32, #tpu.memory_space<vmem>>[vector<16xi32>, vector<16xi32>], vector<16xf32>,
      %add3A_427 = arith.addf %add3A_423, %gather3A_426 : vector<16xf32>
      %broadcast_in_dim3A_428 = arith.constant 9 : i32
      %broadcast_in_dim3A_429 = vector.broadcast %broadcast_in_dim3A_428 : i32 to vector<16xi32>
      %gather3A_430 = tpu.vector_load_idx %arg20[%add3A_391, %broadcast_in_dim3A_429] : memref<80x17xf32, #tpu.memory_space<vmem>>[vector<16xi32>, vector<16xi32>], vector<16xf32>,
      %add3A_431 = arith.addf %add3A_427, %gather3A_430 : vector<16xf32>
      %broadcast_in_dim3A_432 = arith.constant 10 : i32
      %broadcast_in_dim3A_433 = vector.broadcast %broadcast_in_dim3A_432 : i32 to vector<16xi32>
      %gather3A_434 = tpu.vector_load_idx %arg20[%add3A_391, %broadcast_in_dim3A_433] : memref<80x17xf32, #tpu.memory_space<vmem>>[vector<16xi32>, vector<16xi32>], vector<16xf32>,
      %add3A_435 = arith.addf %add3A_431, %gather3A_434 : vector<16xf32>
      %broadcast_in_dim3A_436 = arith.constant 11 : i32
      %broadcast_in_dim3A_437 = vector.broadcast %broadcast_in_dim3A_436 : i32 to vector<16xi32>
      %gather3A_438 = tpu.vector_load_idx %arg20[%add3A_391, %broadcast_in_dim3A_437] : memref<80x17xf32, #tpu.memory_space<vmem>>[vector<16xi32>, vector<16xi32>], vector<16xf32>,
      %add3A_439 = arith.addf %add3A_435, %gather3A_438 : vector<16xf32>
      %broadcast_in_dim3A_440 = arith.constant 12 : i32
      %broadcast_in_dim3A_441 = vector.broadcast %broadcast_in_dim3A_440 : i32 to vector<16xi32>
      %gather3A_442 = tpu.vector_load_idx %arg20[%add3A_391, %broadcast_in_dim3A_441] : memref<80x17xf32, #tpu.memory_space<vmem>>[vector<16xi32>, vector<16xi32>], vector<16xf32>,
      %add3A_443 = arith.addf %add3A_439, %gather3A_442 : vector<16xf32>
      %broadcast_in_dim3A_444 = arith.constant 13 : i32
      %broadcast_in_dim3A_445 = vector.broadcast %broadcast_in_dim3A_444 : i32 to vector<16xi32>
      %gather3A_446 = tpu.vector_load_idx %arg20[%add3A_391, %broadcast_in_dim3A_445] : memref<80x17xf32, #tpu.memory_space<vmem>>[vector<16xi32>, vector<16xi32>], vector<16xf32>,
      %add3A_447 = arith.addf %add3A_443, %gather3A_446 : vector<16xf32>
      %broadcast_in_dim3A_448 = arith.constant 14 : i32
      %broadcast_in_dim3A_449 = vector.broadcast %broadcast_in_dim3A_448 : i32 to vector<16xi32>
      %gather3A_450 = tpu.vector_load_idx %arg20[%add3A_391, %broadcast_in_dim3A_449] : memref<80x17xf32, #tpu.memory_space<vmem>>[vector<16xi32>, vector<16xi32>], vector<16xf32>,
      %add3A_451 = arith.addf %add3A_447, %gather3A_450 : vector<16xf32>
      %broadcast_in_dim3A_452 = arith.constant 15 : i32
      %broadcast_in_dim3A_453 = vector.broadcast %broadcast_in_dim3A_452 : i32 to vector<16xi32>
      %gather3A_454 = tpu.vector_load_idx %arg20[%add3A_391, %broadcast_in_dim3A_453] : memref<80x17xf32, #tpu.memory_space<vmem>>[vector<16xi32>, vector<16xi32>], vector<16xf32>,
      %add3A_455 = arith.addf %add3A_451, %gather3A_454 : vector<16xf32>
      %swap3A_456 = arith.constant 0 : i32
      %swap3A_457 = arith.index_cast %swap3A_456 : i32 to index
      %swap3A_458 = arith.constant 48 : index
      %swap3A_459 = tpu.vector_load %arg19[%swap3A_457, %swap3A_458] {strides = array<i32>} : memref<2x80xf32, #tpu.memory_space<vmem>>, vector<16xf32>,
      tpu.vector_store %arg19[%swap3A_457, %swap3A_458], %add3A_455 {strides = array<i32>} : memref<2x80xf32, #tpu.memory_space<vmem>>, vector<16xf32>,
      %add3A_460 = arith.constant 64 : i32
      %add3A_461 = vector.broadcast %add3A_460 : i32 to vector<16xi32>
      %add3A_462 = arith.addi %add3A_461, %iota3A : vector<16xi32>
      %broadcast_in_dim3A_463 = arith.constant 0 : i32
      %broadcast_in_dim3A_464 = vector.broadcast %broadcast_in_dim3A_463 : i32 to vector<16xi32>
      %gather3A_465 = tpu.vector_load_idx %arg20[%add3A_462, %broadcast_in_dim3A_464] : memref<80x17xf32, #tpu.memory_space<vmem>>[vector<16xi32>, vector<16xi32>], vector<16xf32>,
      %add3A_466 = arith.addf %broadcast_in_dim3A_3, %gather3A_465 : vector<16xf32>
      %broadcast_in_dim3A_467 = arith.constant 1 : i32
      %broadcast_in_dim3A_468 = vector.broadcast %broadcast_in_dim3A_467 : i32 to vector<16xi32>
      %gather3A_469 = tpu.vector_load_idx %arg20[%add3A_462, %broadcast_in_dim3A_468] : memref<80x17xf32, #tpu.memory_space<vmem>>[vector<16xi32>, vector<16xi32>], vector<16xf32>,
      %add3A_470 = arith.addf %add3A_466, %gather3A_469 : vector<16xf32>
      %broadcast_in_dim3A_471 = arith.constant 2 : i32
      %broadcast_in_dim3A_472 = vector.broadcast %broadcast_in_dim3A_471 : i32 to vector<16xi32>
      %gather3A_473 = tpu.vector_load_idx %arg20[%add3A_462, %broadcast_in_dim3A_472] : memref<80x17xf32, #tpu.memory_space<vmem>>[vector<16xi32>, vector<16xi32>], vector<16xf32>,
      %add3A_474 = arith.addf %add3A_470, %gather3A_473 : vector<16xf32>
      %broadcast_in_dim3A_475 = arith.constant 3 : i32
      %broadcast_in_dim3A_476 = vector.broadcast %broadcast_in_dim3A_475 : i32 to vector<16xi32>
      %gather3A_477 = tpu.vector_load_idx %arg20[%add3A_462, %broadcast_in_dim3A_476] : memref<80x17xf32, #tpu.memory_space<vmem>>[vector<16xi32>, vector<16xi32>], vector<16xf32>,
      %add3A_478 = arith.addf %add3A_474, %gather3A_477 : vector<16xf32>
      %broadcast_in_dim3A_479 = arith.constant 4 : i32
      %broadcast_in_dim3A_480 = vector.broadcast %broadcast_in_dim3A_479 : i32 to vector<16xi32>
      %gather3A_481 = tpu.vector_load_idx %arg20[%add3A_462, %broadcast_in_dim3A_480] : memref<80x17xf32, #tpu.memory_space<vmem>>[vector<16xi32>, vector<16xi32>], vector<16xf32>,
      %add3A_482 = arith.addf %add3A_478, %gather3A_481 : vector<16xf32>
      %broadcast_in_dim3A_483 = arith.constant 5 : i32
      %broadcast_in_dim3A_484 = vector.broadcast %broadcast_in_dim3A_483 : i32 to vector<16xi32>
      %gather3A_485 = tpu.vector_load_idx %arg20[%add3A_462, %broadcast_in_dim3A_484] : memref<80x17xf32, #tpu.memory_space<vmem>>[vector<16xi32>, vector<16xi32>], vector<16xf32>,
      %add3A_486 = arith.addf %add3A_482, %gather3A_485 : vector<16xf32>
      %broadcast_in_dim3A_487 = arith.constant 6 : i32
      %broadcast_in_dim3A_488 = vector.broadcast %broadcast_in_dim3A_487 : i32 to vector<16xi32>
      %gather3A_489 = tpu.vector_load_idx %arg20[%add3A_462, %broadcast_in_dim3A_488] : memref<80x17xf32, #tpu.memory_space<vmem>>[vector<16xi32>, vector<16xi32>], vector<16xf32>,
      %add3A_490 = arith.addf %add3A_486, %gather3A_489 : vector<16xf32>
      %broadcast_in_dim3A_491 = arith.constant 7 : i32
      %broadcast_in_dim3A_492 = vector.broadcast %broadcast_in_dim3A_491 : i32 to vector<16xi32>
      %gather3A_493 = tpu.vector_load_idx %arg20[%add3A_462, %broadcast_in_dim3A_492] : memref<80x17xf32, #tpu.memory_space<vmem>>[vector<16xi32>, vector<16xi32>], vector<16xf32>,
      %add3A_494 = arith.addf %add3A_490, %gather3A_493 : vector<16xf32>
      %broadcast_in_dim3A_495 = arith.constant 8 : i32
      %broadcast_in_dim3A_496 = vector.broadcast %broadcast_in_dim3A_495 : i32 to vector<16xi32>
      %gather3A_497 = tpu.vector_load_idx %arg20[%add3A_462, %broadcast_in_dim3A_496] : memref<80x17xf32, #tpu.memory_space<vmem>>[vector<16xi32>, vector<16xi32>], vector<16xf32>,
      %add3A_498 = arith.addf %add3A_494, %gather3A_497 : vector<16xf32>
      %broadcast_in_dim3A_499 = arith.constant 9 : i32
      %broadcast_in_dim3A_500 = vector.broadcast %broadcast_in_dim3A_499 : i32 to vector<16xi32>
      %gather3A_501 = tpu.vector_load_idx %arg20[%add3A_462, %broadcast_in_dim3A_500] : memref<80x17xf32, #tpu.memory_space<vmem>>[vector<16xi32>, vector<16xi32>], vector<16xf32>,
      %add3A_502 = arith.addf %add3A_498, %gather3A_501 : vector<16xf32>
      %broadcast_in_dim3A_503 = arith.constant 10 : i32
      %broadcast_in_dim3A_504 = vector.broadcast %broadcast_in_dim3A_503 : i32 to vector<16xi32>
      %gather3A_505 = tpu.vector_load_idx %arg20[%add3A_462, %broadcast_in_dim3A_504] : memref<80x17xf32, #tpu.memory_space<vmem>>[vector<16xi32>, vector<16xi32>], vector<16xf32>,
      %add3A_506 = arith.addf %add3A_502, %gather3A_505 : vector<16xf32>
      %broadcast_in_dim3A_507 = arith.constant 11 : i32
      %broadcast_in_dim3A_508 = vector.broadcast %broadcast_in_dim3A_507 : i32 to vector<16xi32>
      %gather3A_509 = tpu.vector_load_idx %arg20[%add3A_462, %broadcast_in_dim3A_508] : memref<80x17xf32, #tpu.memory_space<vmem>>[vector<16xi32>, vector<16xi32>], vector<16xf32>,
      %add3A_510 = arith.addf %add3A_506, %gather3A_509 : vector<16xf32>
      %broadcast_in_dim3A_511 = arith.constant 12 : i32
      %broadcast_in_dim3A_512 = vector.broadcast %broadcast_in_dim3A_511 : i32 to vector<16xi32>
      %gather3A_513 = tpu.vector_load_idx %arg20[%add3A_462, %broadcast_in_dim3A_512] : memref<80x17xf32, #tpu.memory_space<vmem>>[vector<16xi32>, vector<16xi32>], vector<16xf32>,
      %add3A_514 = arith.addf %add3A_510, %gather3A_513 : vector<16xf32>
      %broadcast_in_dim3A_515 = arith.constant 13 : i32
      %broadcast_in_dim3A_516 = vector.broadcast %broadcast_in_dim3A_515 : i32 to vector<16xi32>
      %gather3A_517 = tpu.vector_load_idx %arg20[%add3A_462, %broadcast_in_dim3A_516] : memref<80x17xf32, #tpu.memory_space<vmem>>[vector<16xi32>, vector<16xi32>], vector<16xf32>,
      %add3A_518 = arith.addf %add3A_514, %gather3A_517 : vector<16xf32>
      %broadcast_in_dim3A_519 = arith.constant 14 : i32
      %broadcast_in_dim3A_520 = vector.broadcast %broadcast_in_dim3A_519 : i32 to vector<16xi32>
      %gather3A_521 = tpu.vector_load_idx %arg20[%add3A_462, %broadcast_in_dim3A_520] : memref<80x17xf32, #tpu.memory_space<vmem>>[vector<16xi32>, vector<16xi32>], vector<16xf32>,
      %add3A_522 = arith.addf %add3A_518, %gather3A_521 : vector<16xf32>
      %broadcast_in_dim3A_523 = arith.constant 15 : i32
      %broadcast_in_dim3A_524 = vector.broadcast %broadcast_in_dim3A_523 : i32 to vector<16xi32>
      %gather3A_525 = tpu.vector_load_idx %arg20[%add3A_462, %broadcast_in_dim3A_524] : memref<80x17xf32, #tpu.memory_space<vmem>>[vector<16xi32>, vector<16xi32>], vector<16xf32>,
      %add3A_526 = arith.addf %add3A_522, %gather3A_525 : vector<16xf32>
      %swap3A_527 = arith.constant 0 : i32
      %swap3A_528 = arith.index_cast %swap3A_527 : i32 to index
      %swap3A_529 = arith.constant 64 : index
      %swap3A_530 = tpu.vector_load %arg19[%swap3A_528, %swap3A_529] {strides = array<i32>} : memref<2x80xf32, #tpu.memory_space<vmem>>, vector<16xf32>,
      tpu.vector_store %arg19[%swap3A_528, %swap3A_529], %add3A_526 {strides = array<i32>} : memref<2x80xf32, #tpu.memory_space<vmem>>, vector<16xf32>,
      %dma_start3A_531 = arith.constant 0 : i32
      %dma_start3A_532 = arith.constant 0 : i32
      %dma_start3A_533 = arith.constant 0 : i32
      %dma_start3A_534 = tpu.memref_slice %arg19[%dma_start3A_531, %dma_start3A_533] : memref<2x80xf32, #tpu.memory_space<vmem>> -> memref<1x80xf32, #tpu.memory_space<vmem>>
      %dma_start3A_535 = tpu.memref_squeeze %dma_start3A_534 : memref<1x80xf32, #tpu.memory_space<vmem>> -> memref<80xf32, #tpu.memory_space<vmem>>
      %dma_start3A_536 = arith.constant 0 : i32
      %dma_start3A_537 = tpu.memref_slice %arg15[%dma_start3A_532, %dma_start3A_536] : memref<2x80xi32, #tpu.memory_space<vmem>> -> memref<1x80xi32, #tpu.memory_space<vmem>>
      %dma_start3A_538 = tpu.memref_squeeze %dma_start3A_537 : memref<1x80xi32, #tpu.memory_space<vmem>> -> memref<80xi32, #tpu.memory_space<vmem>>
      %dma_start3A_539 = arith.constant 0 : i32
      %dma_start3A_540 = tpu.memref_slice %arg24[%dma_start3A_539] : memref<40192xf32, #tpu.memory_space<vmem_shared>> -> memref<40192xf32, #tpu.memory_space<vmem_shared>>
      tpu.enqueue_indirect_dma source(%dma_start3A_535 : memref<80xf32, #tpu.memory_space<vmem>>) target(%dma_start3A_540 : memref<40192xf32, #tpu.memory_space<vmem_shared>>) offsets(%dma_start3A_538 : memref<80xi32, #tpu.memory_space<vmem>>) semaphore(%arg28 : memref<!tpu.dma_semaphore, #tpu.memory_space<semaphore_mem>>) {add = true}
      %dma_start3A_541 = arith.constant 0 : i32
      %dma_start3A_542 = arith.constant 0 : i32
      %dma_start3A_543 = tpu.memref_slice %arg15[%dma_start3A_541, %dma_start3A_542] : memref<2x80xi32, #tpu.memory_space<vmem>> -> memref<1x80xi32, #tpu.memory_space<vmem>>
      %dma_start3A_544 = tpu.memref_squeeze %dma_start3A_543 : memref<1x80xi32, #tpu.memory_space<vmem>> -> memref<80xi32, #tpu.memory_space<vmem>>
      %dma_start3A_545 = arith.constant 0 : i32
      %dma_start3A_546 = tpu.memref_slice %arg25[%dma_start3A_545] : memref<40192xf32, #tpu.memory_space<vmem_shared>> -> memref<40192xf32, #tpu.memory_space<vmem_shared>>
      tpu.enqueue_indirect_dma source(%arg21 : memref<80xf32, #tpu.memory_space<vmem>>) target(%dma_start3A_546 : memref<40192xf32, #tpu.memory_space<vmem_shared>>) offsets(%dma_start3A_544 : memref<80xi32, #tpu.memory_space<vmem>>) semaphore(%arg28 : memref<!tpu.dma_semaphore, #tpu.memory_space<semaphore_mem>>) {add = true}
      %mul3A_547 = arith.constant 2 : i32
      %mul3A_548 = arith.muli %mul3A_547, %add3A_120 : i32
      %add3A_549 = arith.constant 1 : i32
      %add3A_550 = arith.addi %mul3A_548, %add3A_549 : i32
      %add3A_551 = arith.constant 1 : i32
      %add3A_552 = arith.addi %add3A_550, %add3A_551 : i32
      %lt3A_553 = arith.constant 64 : i32
      %lt3A_554 = arith.cmpi slt, %add3A_552, %lt3A_553 : i32
      %convert_element_type3A_555 = arith.extui %lt3A_554 : i1 to i32
      %cond3A_556 = arith.constant 0 : i32
      %cond3A_557 = arith.cmpi ne, %convert_element_type3A_555, %cond3A_556 : i32
      scf.if %cond3A_557 {
        %add3A_979 = arith.constant 1 : i32
        %add3A_980 = arith.addi %add3A_550, %add3A_979 : i32
        %mul3A_981 = arith.constant 80 : i32
        %mul3A_982 = arith.muli %add3A_980, %mul3A_981 : i32
        %add3A_983 = arith.addi %mul3A_2, %mul3A_982 : i32
        %dma_start3A_984 = arith.constant 0 : i32
        %dma_start3A_985 = arith.constant 0 : i32
        %dma_start3A_986 = arith.constant 0 : i32
        %dma_start3A_987 = tpu.memref_slice %arg16[%dma_start3A_984, %dma_start3A_985, %dma_start3A_986] : memref<2x80x128xi32, #tpu.memory_space<vmem>> -> memref<1x80x128xi32, #tpu.memory_space<vmem>>
        %dma_start3A_988 = tpu.memref_squeeze %dma_start3A_987 : memref<1x80x128xi32, #tpu.memory_space<vmem>> -> memref<80x128xi32, #tpu.memory_space<vmem>>
        %dma_start3A_989 = tpu.memref_slice %arg12[%mul3A_982] : memref<5120xi32, #tpu.memory_space<vmem>> -> memref<80xi32, #tpu.memory_space<vmem>>
        %dma_start3A_990 = arith.constant 0 : i32
        %dma_start3A_991 = arith.constant 0 : i32
        %dma_start3A_992 = tpu.memref_slice %arg2[%dma_start3A_990, %dma_start3A_991] : memref<1000x128xi32, #tpu.memory_space<hbm>> -> memref<1000x128xi32, #tpu.memory_space<hbm>>
        tpu.enqueue_indirect_dma source(%dma_start3A_992 : memref<1000x128xi32, #tpu.memory_space<hbm>>) target(%dma_start3A_988 : memref<80x128xi32, #tpu.memory_space<vmem>>) offsets(%dma_start3A_989 : memref<80xi32, #tpu.memory_space<vmem>>) semaphore(%arg26 : memref<!tpu.dma_semaphore, #tpu.memory_space<semaphore_mem>>)
        %dma_start3A_993 = arith.constant 0 : i32
        %dma_start3A_994 = arith.constant 0 : i32
        %dma_start3A_995 = arith.constant 0 : i32
        %dma_start3A_996 = tpu.memref_slice %arg17[%dma_start3A_993, %dma_start3A_994, %dma_start3A_995] : memref<2x80x128xf32, #tpu.memory_space<vmem>> -> memref<1x80x128xf32, #tpu.memory_space<vmem>>
        %dma_start3A_997 = tpu.memref_squeeze %dma_start3A_996 : memref<1x80x128xf32, #tpu.memory_space<vmem>> -> memref<80x128xf32, #tpu.memory_space<vmem>>
        %dma_start3A_998 = tpu.memref_slice %arg13[%mul3A_982] : memref<5120xi32, #tpu.memory_space<vmem>> -> memref<80xi32, #tpu.memory_space<vmem>>
        %dma_start3A_999 = arith.constant 0 : i32
        %dma_start3A_1000 = arith.constant 0 : i32
        %dma_start3A_1001 = tpu.memref_slice %arg3[%dma_start3A_999, %dma_start3A_1000] : memref<10000x128xf32, #tpu.memory_space<hbm>> -> memref<10000x128xf32, #tpu.memory_space<hbm>>
        tpu.enqueue_indirect_dma source(%dma_start3A_1001 : memref<10000x128xf32, #tpu.memory_space<hbm>>) target(%dma_start3A_997 : memref<80x128xf32, #tpu.memory_space<vmem>>) offsets(%dma_start3A_998 : memref<80xi32, #tpu.memory_space<vmem>>) semaphore(%arg26 : memref<!tpu.dma_semaphore, #tpu.memory_space<semaphore_mem>>)
        %dma_start3A_1002 = arith.constant 0 : i32
        %dma_start3A_1003 = arith.constant 0 : i32
        %dma_start3A_1004 = arith.constant 0 : i32
        %dma_start3A_1005 = tpu.memref_slice %arg18[%dma_start3A_1002, %dma_start3A_1003, %dma_start3A_1004] : memref<2x80x128xf32, #tpu.memory_space<vmem>> -> memref<1x80x128xf32, #tpu.memory_space<vmem>>
        %dma_start3A_1006 = tpu.memref_squeeze %dma_start3A_1005 : memref<1x80x128xf32, #tpu.memory_space<vmem>> -> memref<80x128xf32, #tpu.memory_space<vmem>>
        %dma_start3A_1007 = tpu.memref_slice %arg14[%mul3A_982] : memref<5120xi32, #tpu.memory_space<vmem>> -> memref<80xi32, #tpu.memory_space<vmem>>
        %dma_start3A_1008 = arith.constant 0 : i32
        %dma_start3A_1009 = arith.constant 0 : i32
        %dma_start3A_1010 = tpu.memref_slice %arg4[%dma_start3A_1008, %dma_start3A_1009] : memref<10000x128xf32, #tpu.memory_space<hbm>> -> memref<10000x128xf32, #tpu.memory_space<hbm>>
        tpu.enqueue_indirect_dma source(%dma_start3A_1010 : memref<10000x128xf32, #tpu.memory_space<hbm>>) target(%dma_start3A_1006 : memref<80x128xf32, #tpu.memory_space<vmem>>) offsets(%dma_start3A_1007 : memref<80xi32, #tpu.memory_space<vmem>>) semaphore(%arg26 : memref<!tpu.dma_semaphore, #tpu.memory_space<semaphore_mem>>)
        %dma_start3A_1011 = arith.constant 0 : i32
        %dma_start3A_1012 = arith.constant 0 : i32
        %dma_start3A_1013 = tpu.memref_slice %arg15[%dma_start3A_1011, %dma_start3A_1012] : memref<2x80xi32, #tpu.memory_space<vmem>> -> memref<1x80xi32, #tpu.memory_space<vmem>>
        %dma_start3A_1014 = tpu.memref_squeeze %dma_start3A_1013 : memref<1x80xi32, #tpu.memory_space<vmem>> -> memref<80xi32, #tpu.memory_space<vmem>>
        %dma_start3A_1015 = tpu.memref_slice %arg8[%add3A_983] : memref<163840xi32, #tpu.memory_space<hbm>> -> memref<80xi32, #tpu.memory_space<hbm>>
        %dma_start3A_1016 = arith.constant 0 : i32
        %dma_start3A_1017 = tpu.memref_slice %arg15[%dma_start3A_1011, %dma_start3A_1016] : memref<2x80xi32, #tpu.memory_space<vmem>> -> memref<1x80xi32, #tpu.memory_space<vmem>>
        %dma_start3A_1018 = tpu.memref_squeeze %dma_start3A_1017 : memref<1x80xi32, #tpu.memory_space<vmem>> -> memref<80xi32, #tpu.memory_space<vmem>>
        %dma_start3A_1019 = tpu.memref_slice %arg8[%add3A_983] : memref<163840xi32, #tpu.memory_space<hbm>> -> memref<80xi32, #tpu.memory_space<hbm>>
        tpu.enqueue_dma source(%dma_start3A_1019 : memref<80xi32, #tpu.memory_space<hbm>>) target(%dma_start3A_1018 : memref<80xi32, #tpu.memory_space<vmem>>) target_semaphore(%arg26 : memref<!tpu.dma_semaphore, #tpu.memory_space<semaphore_mem>>)
      } else {
      }
      %mul3A_558 = arith.constant 80 : i32
      %mul3A_559 = arith.muli %add3A_550, %mul3A_558 : i32
      %add3A_560 = arith.addi %mul3A_2, %mul3A_559 : i32
      %dma_wait3A_561 = arith.constant 1 : i32
      %dma_wait3A_562 = arith.constant 0 : i32
      %dma_wait3A_563 = arith.constant 0 : i32
      %dma_wait3A_564 = tpu.memref_slice %arg16[%dma_wait3A_561, %dma_wait3A_562, %dma_wait3A_563] : memref<2x80x128xi32, #tpu.memory_space<vmem>> -> memref<1x80x128xi32, #tpu.memory_space<vmem>>
      %dma_wait3A_565 = tpu.memref_squeeze %dma_wait3A_564 : memref<1x80x128xi32, #tpu.memory_space<vmem>> -> memref<80x128xi32, #tpu.memory_space<vmem>>
      %dma_wait3A_566 = tpu.memref_slice %arg12[%mul3A_559] : memref<5120xi32, #tpu.memory_space<vmem>> -> memref<80xi32, #tpu.memory_space<vmem>>
      %dma_wait3A_567 = arith.constant 0 : i32
      %dma_wait3A_568 = arith.constant 0 : i32
      %dma_wait3A_569 = tpu.memref_slice %arg2[%dma_wait3A_567, %dma_wait3A_568] : memref<1000x128xi32, #tpu.memory_space<hbm>> -> memref<1000x128xi32, #tpu.memory_space<hbm>>
      tpu.wait_indirect_dma semaphore(%arg27 : memref<!tpu.dma_semaphore, #tpu.memory_space<semaphore_mem>>) src(%dma_wait3A_569 : memref<1000x128xi32, #tpu.memory_space<hbm>>) dst(%dma_wait3A_565 : memref<80x128xi32, #tpu.memory_space<vmem>>)
      %dma_wait3A_570 = arith.constant 1 : i32
      %dma_wait3A_571 = arith.constant 0 : i32
      %dma_wait3A_572 = arith.constant 0 : i32
      %dma_wait3A_573 = tpu.memref_slice %arg17[%dma_wait3A_570, %dma_wait3A_571, %dma_wait3A_572] : memref<2x80x128xf32, #tpu.memory_space<vmem>> -> memref<1x80x128xf32, #tpu.memory_space<vmem>>
      %dma_wait3A_574 = tpu.memref_squeeze %dma_wait3A_573 : memref<1x80x128xf32, #tpu.memory_space<vmem>> -> memref<80x128xf32, #tpu.memory_space<vmem>>
      %dma_wait3A_575 = tpu.memref_slice %arg13[%mul3A_559] : memref<5120xi32, #tpu.memory_space<vmem>> -> memref<80xi32, #tpu.memory_space<vmem>>
      %dma_wait3A_576 = arith.constant 0 : i32
      %dma_wait3A_577 = arith.constant 0 : i32
      %dma_wait3A_578 = tpu.memref_slice %arg3[%dma_wait3A_576, %dma_wait3A_577] : memref<10000x128xf32, #tpu.memory_space<hbm>> -> memref<10000x128xf32, #tpu.memory_space<hbm>>
      tpu.wait_indirect_dma semaphore(%arg27 : memref<!tpu.dma_semaphore, #tpu.memory_space<semaphore_mem>>) src(%dma_wait3A_578 : memref<10000x128xf32, #tpu.memory_space<hbm>>) dst(%dma_wait3A_574 : memref<80x128xf32, #tpu.memory_space<vmem>>)
      %dma_wait3A_579 = arith.constant 1 : i32
      %dma_wait3A_580 = arith.constant 0 : i32
      %dma_wait3A_581 = arith.constant 0 : i32
      %dma_wait3A_582 = tpu.memref_slice %arg18[%dma_wait3A_579, %dma_wait3A_580, %dma_wait3A_581] : memref<2x80x128xf32, #tpu.memory_space<vmem>> -> memref<1x80x128xf32, #tpu.memory_space<vmem>>
      %dma_wait3A_583 = tpu.memref_squeeze %dma_wait3A_582 : memref<1x80x128xf32, #tpu.memory_space<vmem>> -> memref<80x128xf32, #tpu.memory_space<vmem>>
      %dma_wait3A_584 = tpu.memref_slice %arg14[%mul3A_559] : memref<5120xi32, #tpu.memory_space<vmem>> -> memref<80xi32, #tpu.memory_space<vmem>>
      %dma_wait3A_585 = arith.constant 0 : i32
      %dma_wait3A_586 = arith.constant 0 : i32
      %dma_wait3A_587 = tpu.memref_slice %arg4[%dma_wait3A_585, %dma_wait3A_586] : memref<10000x128xf32, #tpu.memory_space<hbm>> -> memref<10000x128xf32, #tpu.memory_space<hbm>>
      tpu.wait_indirect_dma semaphore(%arg27 : memref<!tpu.dma_semaphore, #tpu.memory_space<semaphore_mem>>) src(%dma_wait3A_587 : memref<10000x128xf32, #tpu.memory_space<hbm>>) dst(%dma_wait3A_583 : memref<80x128xf32, #tpu.memory_space<vmem>>)
      %dma_wait3A_588 = arith.constant 1 : i32
      %dma_wait3A_589 = arith.constant 0 : i32
      %dma_wait3A_590 = tpu.memref_slice %arg15[%dma_wait3A_588, %dma_wait3A_589] : memref<2x80xi32, #tpu.memory_space<vmem>> -> memref<1x80xi32, #tpu.memory_space<vmem>>
      %dma_wait3A_591 = tpu.memref_squeeze %dma_wait3A_590 : memref<1x80xi32, #tpu.memory_space<vmem>> -> memref<80xi32, #tpu.memory_space<vmem>>
      %dma_wait3A_592 = tpu.memref_slice %arg8[%add3A_560] : memref<163840xi32, #tpu.memory_space<hbm>> -> memref<80xi32, #tpu.memory_space<hbm>>
      %dma_wait3A_593 = arith.constant 0 : i32
      %dma_wait3A_594 = tpu.memref_slice %arg15[%dma_wait3A_588, %dma_wait3A_593] : memref<2x80xi32, #tpu.memory_space<vmem>> -> memref<1x80xi32, #tpu.memory_space<vmem>>
      %dma_wait3A_595 = tpu.memref_squeeze %dma_wait3A_594 : memref<1x80xi32, #tpu.memory_space<vmem>> -> memref<80xi32, #tpu.memory_space<vmem>>
      %dma_wait3A_596 = tpu.memref_slice %arg8[%add3A_560] : memref<163840xi32, #tpu.memory_space<hbm>> -> memref<80xi32, #tpu.memory_space<hbm>>
      tpu.wait_dma2 semaphore(%arg27 : memref<!tpu.dma_semaphore, #tpu.memory_space<semaphore_mem>>) src(%dma_wait3A_596 : memref<80xi32, #tpu.memory_space<hbm>>) dst(%dma_wait3A_595 : memref<80xi32, #tpu.memory_space<vmem>>)
      %ge3A_597 = arith.constant 2 : i32
      %ge3A_598 = arith.cmpi sge, %add3A_550, %ge3A_597 : i32
      %convert_element_type3A_599 = arith.extui %ge3A_598 : i1 to i32
      %cond3A_600 = arith.constant 0 : i32
      %cond3A_601 = arith.cmpi ne, %convert_element_type3A_599, %cond3A_600 : i32
      scf.if %cond3A_601 {
        %dma_wait3A_979 = arith.constant 1 : i32
        %dma_wait3A_980 = arith.constant 1 : i32
        %dma_wait3A_981 = arith.constant 0 : i32
        %dma_wait3A_982 = tpu.memref_slice %arg19[%dma_wait3A_979, %dma_wait3A_981] : memref<2x80xf32, #tpu.memory_space<vmem>> -> memref<1x80xf32, #tpu.memory_space<vmem>>
        %dma_wait3A_983 = tpu.memref_squeeze %dma_wait3A_982 : memref<1x80xf32, #tpu.memory_space<vmem>> -> memref<80xf32, #tpu.memory_space<vmem>>
        %dma_wait3A_984 = arith.constant 0 : i32
        %dma_wait3A_985 = tpu.memref_slice %arg15[%dma_wait3A_980, %dma_wait3A_984] : memref<2x80xi32, #tpu.memory_space<vmem>> -> memref<1x80xi32, #tpu.memory_space<vmem>>
        %dma_wait3A_986 = tpu.memref_squeeze %dma_wait3A_985 : memref<1x80xi32, #tpu.memory_space<vmem>> -> memref<80xi32, #tpu.memory_space<vmem>>
        %dma_wait3A_987 = arith.constant 0 : i32
        %dma_wait3A_988 = tpu.memref_slice %arg24[%dma_wait3A_987] : memref<40192xf32, #tpu.memory_space<vmem_shared>> -> memref<40192xf32, #tpu.memory_space<vmem_shared>>
        tpu.wait_indirect_dma semaphore(%arg29 : memref<!tpu.dma_semaphore, #tpu.memory_space<semaphore_mem>>) src(%dma_wait3A_983 : memref<80xf32, #tpu.memory_space<vmem>>) dst(%dma_wait3A_988 : memref<40192xf32, #tpu.memory_space<vmem_shared>>)
        %dma_wait3A_989 = arith.constant 1 : i32
        %dma_wait3A_990 = arith.constant 0 : i32
        %dma_wait3A_991 = tpu.memref_slice %arg15[%dma_wait3A_989, %dma_wait3A_990] : memref<2x80xi32, #tpu.memory_space<vmem>> -> memref<1x80xi32, #tpu.memory_space<vmem>>
        %dma_wait3A_992 = tpu.memref_squeeze %dma_wait3A_991 : memref<1x80xi32, #tpu.memory_space<vmem>> -> memref<80xi32, #tpu.memory_space<vmem>>
        %dma_wait3A_993 = arith.constant 0 : i32
        %dma_wait3A_994 = tpu.memref_slice %arg25[%dma_wait3A_993] : memref<40192xf32, #tpu.memory_space<vmem_shared>> -> memref<40192xf32, #tpu.memory_space<vmem_shared>>
        tpu.wait_indirect_dma semaphore(%arg29 : memref<!tpu.dma_semaphore, #tpu.memory_space<semaphore_mem>>) src(%arg21 : memref<80xf32, #tpu.memory_space<vmem>>) dst(%dma_wait3A_994 : memref<40192xf32, #tpu.memory_space<vmem_shared>>)
      } else {
      }
      %parallel_loop3A_602 = arith.constant 0 : i32
      %parallel_loop3A_603 = arith.constant 80 : i32
      %parallel_loop3A_604 = arith.constant 1 : i32
      %parallel_loop3A_605 = arith.constant 1 : i32
      %parallel_loop3A_606 = arith.constant 1 : i32
      %parallel_loop3A_607 = arith.constant 1 : i32
      scf.for %parallel_loop3A_979 = %parallel_loop3A_602 to %parallel_loop3A_603 step %parallel_loop3A_604  : i32 {
        %parallel_loop3A_980 = arith.constant 0.000000e+00 : f32
        %parallel_loop3A_981 = vector.broadcast %parallel_loop3A_980 : f32 to vector<16xf32>
        %parallel_loop3A_982 = arith.constant 0 : i32
        %parallel_loop3A_983 = arith.constant 0 : i32
        %parallel_loop3A_984 = tpu.memref_slice %arg16[%parallel_loop3A_605, %parallel_loop3A_982, %parallel_loop3A_983] : memref<2x80x128xi32, #tpu.memory_space<vmem>> -> memref<1x80x128xi32, #tpu.memory_space<vmem>>
        %parallel_loop3A_985 = tpu.memref_squeeze %parallel_loop3A_984 : memref<1x80x128xi32, #tpu.memory_space<vmem>> -> memref<80x128xi32, #tpu.memory_space<vmem>>
        %parallel_loop3A_986 = arith.index_cast %parallel_loop3A_979 : i32 to index
        %parallel_loop3A_987 = arith.constant 0 : index
        %parallel_loop3A_988 = tpu.vector_load %parallel_loop3A_985[%parallel_loop3A_986, %parallel_loop3A_987] {strides = array<i32>} : memref<80x128xi32, #tpu.memory_space<vmem>>, vector<16xi32>,
        %parallel_loop3A_989 = vector.bitcast %parallel_loop3A_988 : vector<16xi32> to vector<32xbf16>
        %parallel_loop3A_990 = tpu.unpack_subelements %parallel_loop3A_989, 0 {pack_format = #tpu.pack_format<interleaved>} : vector<32xbf16> -> vector<16xf32>
        %parallel_loop3A_991 = tpu.unpack_subelements %parallel_loop3A_989, 1 {pack_format = #tpu.pack_format<interleaved>} : vector<32xbf16> -> vector<16xf32>
        %parallel_loop3A_992 = arith.constant 0 : i32
        %parallel_loop3A_993 = arith.constant 0 : i32
        %parallel_loop3A_994 = tpu.memref_slice %arg16[%parallel_loop3A_605, %parallel_loop3A_992, %parallel_loop3A_993] : memref<2x80x128xi32, #tpu.memory_space<vmem>> -> memref<1x80x128xi32, #tpu.memory_space<vmem>>
        %parallel_loop3A_995 = tpu.memref_squeeze %parallel_loop3A_994 : memref<1x80x128xi32, #tpu.memory_space<vmem>> -> memref<80x128xi32, #tpu.memory_space<vmem>>
        %parallel_loop3A_996 = arith.index_cast %parallel_loop3A_979 : i32 to index
        %parallel_loop3A_997 = arith.constant 64 : index
        %parallel_loop3A_998 = tpu.vector_load %parallel_loop3A_995[%parallel_loop3A_996, %parallel_loop3A_997] {strides = array<i32>} : memref<80x128xi32, #tpu.memory_space<vmem>>, vector<16xi32>,
        %parallel_loop3A_999 = vector.bitcast %parallel_loop3A_998 : vector<16xi32> to vector<32xbf16>
        %parallel_loop3A_1000 = tpu.unpack_subelements %parallel_loop3A_999, 0 {pack_format = #tpu.pack_format<interleaved>} : vector<32xbf16> -> vector<16xf32>
        %parallel_loop3A_1001 = tpu.unpack_subelements %parallel_loop3A_999, 1 {pack_format = #tpu.pack_format<interleaved>} : vector<32xbf16> -> vector<16xf32>
        %parallel_loop3A_1002 = arith.constant 0 : i32
        %parallel_loop3A_1003 = arith.constant 0 : i32
        %parallel_loop3A_1004 = tpu.memref_slice %arg17[%parallel_loop3A_606, %parallel_loop3A_1002, %parallel_loop3A_1003] : memref<2x80x128xf32, #tpu.memory_space<vmem>> -> memref<1x80x128xf32, #tpu.memory_space<vmem>>
        %parallel_loop3A_1005 = tpu.memref_squeeze %parallel_loop3A_1004 : memref<1x80x128xf32, #tpu.memory_space<vmem>> -> memref<80x128xf32, #tpu.memory_space<vmem>>
        %parallel_loop3A_1006 = arith.index_cast %parallel_loop3A_979 : i32 to index
        %parallel_loop3A_1007 = arith.constant 0 : index
        %parallel_loop3A_1008 = tpu.vector_load %parallel_loop3A_1005[%parallel_loop3A_1006, %parallel_loop3A_1007] {strides = array<i32>} : memref<80x128xf32, #tpu.memory_space<vmem>>, vector<16xf32>,
        %parallel_loop3A_1009 = arith.addf %parallel_loop3A_990, %parallel_loop3A_1008 : vector<16xf32>
        %parallel_loop3A_1010 = arith.constant 0 : i32
        %parallel_loop3A_1011 = arith.constant 0 : i32
        %parallel_loop3A_1012 = tpu.memref_slice %arg18[%parallel_loop3A_607, %parallel_loop3A_1010, %parallel_loop3A_1011] : memref<2x80x128xf32, #tpu.memory_space<vmem>> -> memref<1x80x128xf32, #tpu.memory_space<vmem>>
        %parallel_loop3A_1013 = tpu.memref_squeeze %parallel_loop3A_1012 : memref<1x80x128xf32, #tpu.memory_space<vmem>> -> memref<80x128xf32, #tpu.memory_space<vmem>>
        %parallel_loop3A_1014 = arith.index_cast %parallel_loop3A_979 : i32 to index
        %parallel_loop3A_1015 = arith.constant 0 : index
        %parallel_loop3A_1016 = tpu.vector_load %parallel_loop3A_1013[%parallel_loop3A_1014, %parallel_loop3A_1015] {strides = array<i32>} : memref<80x128xf32, #tpu.memory_space<vmem>>, vector<16xf32>,
        %parallel_loop3A_1017 = arith.addf %parallel_loop3A_1000, %parallel_loop3A_1016 : vector<16xf32>
        %parallel_loop3A_1018 = arith.constant 0.000000e+00 : f32
        %parallel_loop3A_1019 = vector.broadcast %parallel_loop3A_1018 : f32 to vector<16xf32>
        %parallel_loop3A_1020 = arith.subf %parallel_loop3A_1019, %parallel_loop3A_1009 : vector<16xf32>
        %parallel_loop3A_1021 = math.exp %parallel_loop3A_1020 : vector<16xf32>
        %parallel_loop3A_1022 = arith.constant 0.000000e+00 : f32
        %parallel_loop3A_1023 = vector.broadcast %parallel_loop3A_1022 : f32 to vector<16xf32>
        %parallel_loop3A_1024 = arith.subf %parallel_loop3A_1023, %parallel_loop3A_1017 : vector<16xf32>
        %parallel_loop3A_1025 = math.exp %parallel_loop3A_1024 : vector<16xf32>
        %parallel_loop3A_1026 = arith.subf %parallel_loop3A_1025, %parallel_loop3A_1021 : vector<16xf32>
        %parallel_loop3A_1027 = arith.constant 1.000000e+00 : f32
        %parallel_loop3A_1028 = vector.broadcast %parallel_loop3A_1027 : f32 to vector<16xf32>
        %parallel_loop3A_1029 = arith.addf %parallel_loop3A_1028, %parallel_loop3A_1021 : vector<16xf32>
        %parallel_loop3A_1030 = arith.constant 1.000000e+00 : f32
        %parallel_loop3A_1031 = vector.broadcast %parallel_loop3A_1030 : f32 to vector<16xf32>
        %parallel_loop3A_1032 = arith.addf %parallel_loop3A_1031, %parallel_loop3A_1025 : vector<16xf32>
        %parallel_loop3A_1033 = arith.mulf %parallel_loop3A_1029, %parallel_loop3A_1032 : vector<16xf32>
        %parallel_loop3A_1034 = arith.divf %parallel_loop3A_1026, %parallel_loop3A_1033 : vector<16xf32>
        %parallel_loop3A_1035 = arith.mulf %get3A_21, %parallel_loop3A_1034 : vector<16xf32>
        %parallel_loop3A_1036 = arith.addf %parallel_loop3A_981, %parallel_loop3A_1035 : vector<16xf32>
        %parallel_loop3A_1037 = arith.constant 0 : i32
        %parallel_loop3A_1038 = arith.constant 0 : i32
        %parallel_loop3A_1039 = tpu.memref_slice %arg17[%parallel_loop3A_606, %parallel_loop3A_1037, %parallel_loop3A_1038] : memref<2x80x128xf32, #tpu.memory_space<vmem>> -> memref<1x80x128xf32, #tpu.memory_space<vmem>>
        %parallel_loop3A_1040 = tpu.memref_squeeze %parallel_loop3A_1039 : memref<1x80x128xf32, #tpu.memory_space<vmem>> -> memref<80x128xf32, #tpu.memory_space<vmem>>
        %parallel_loop3A_1041 = arith.index_cast %parallel_loop3A_979 : i32 to index
        %parallel_loop3A_1042 = arith.constant 16 : index
        %parallel_loop3A_1043 = tpu.vector_load %parallel_loop3A_1040[%parallel_loop3A_1041, %parallel_loop3A_1042] {strides = array<i32>} : memref<80x128xf32, #tpu.memory_space<vmem>>, vector<16xf32>,
        %parallel_loop3A_1044 = arith.addf %parallel_loop3A_991, %parallel_loop3A_1043 : vector<16xf32>
        %parallel_loop3A_1045 = arith.constant 0 : i32
        %parallel_loop3A_1046 = arith.constant 0 : i32
        %parallel_loop3A_1047 = tpu.memref_slice %arg18[%parallel_loop3A_607, %parallel_loop3A_1045, %parallel_loop3A_1046] : memref<2x80x128xf32, #tpu.memory_space<vmem>> -> memref<1x80x128xf32, #tpu.memory_space<vmem>>
        %parallel_loop3A_1048 = tpu.memref_squeeze %parallel_loop3A_1047 : memref<1x80x128xf32, #tpu.memory_space<vmem>> -> memref<80x128xf32, #tpu.memory_space<vmem>>
        %parallel_loop3A_1049 = arith.index_cast %parallel_loop3A_979 : i32 to index
        %parallel_loop3A_1050 = arith.constant 16 : index
        %parallel_loop3A_1051 = tpu.vector_load %parallel_loop3A_1048[%parallel_loop3A_1049, %parallel_loop3A_1050] {strides = array<i32>} : memref<80x128xf32, #tpu.memory_space<vmem>>, vector<16xf32>,
        %parallel_loop3A_1052 = arith.addf %parallel_loop3A_1001, %parallel_loop3A_1051 : vector<16xf32>
        %parallel_loop3A_1053 = arith.constant 0.000000e+00 : f32
        %parallel_loop3A_1054 = vector.broadcast %parallel_loop3A_1053 : f32 to vector<16xf32>
        %parallel_loop3A_1055 = arith.subf %parallel_loop3A_1054, %parallel_loop3A_1044 : vector<16xf32>
        %parallel_loop3A_1056 = math.exp %parallel_loop3A_1055 : vector<16xf32>
        %parallel_loop3A_1057 = arith.constant 0.000000e+00 : f32
        %parallel_loop3A_1058 = vector.broadcast %parallel_loop3A_1057 : f32 to vector<16xf32>
        %parallel_loop3A_1059 = arith.subf %parallel_loop3A_1058, %parallel_loop3A_1052 : vector<16xf32>
        %parallel_loop3A_1060 = math.exp %parallel_loop3A_1059 : vector<16xf32>
        %parallel_loop3A_1061 = arith.subf %parallel_loop3A_1060, %parallel_loop3A_1056 : vector<16xf32>
        %parallel_loop3A_1062 = arith.constant 1.000000e+00 : f32
        %parallel_loop3A_1063 = vector.broadcast %parallel_loop3A_1062 : f32 to vector<16xf32>
        %parallel_loop3A_1064 = arith.addf %parallel_loop3A_1063, %parallel_loop3A_1056 : vector<16xf32>
        %parallel_loop3A_1065 = arith.constant 1.000000e+00 : f32
        %parallel_loop3A_1066 = vector.broadcast %parallel_loop3A_1065 : f32 to vector<16xf32>
        %parallel_loop3A_1067 = arith.addf %parallel_loop3A_1066, %parallel_loop3A_1060 : vector<16xf32>
        %parallel_loop3A_1068 = arith.mulf %parallel_loop3A_1064, %parallel_loop3A_1067 : vector<16xf32>
        %parallel_loop3A_1069 = arith.divf %parallel_loop3A_1061, %parallel_loop3A_1068 : vector<16xf32>
        %parallel_loop3A_1070 = arith.mulf %get3A_23, %parallel_loop3A_1069 : vector<16xf32>
        %parallel_loop3A_1071 = arith.addf %parallel_loop3A_1036, %parallel_loop3A_1070 : vector<16xf32>
        %parallel_loop3A_1072 = arith.constant 0 : i32
        %parallel_loop3A_1073 = arith.constant 0 : i32
        %parallel_loop3A_1074 = tpu.memref_slice %arg16[%parallel_loop3A_605, %parallel_loop3A_1072, %parallel_loop3A_1073] : memref<2x80x128xi32, #tpu.memory_space<vmem>> -> memref<1x80x128xi32, #tpu.memory_space<vmem>>
        %parallel_loop3A_1075 = tpu.memref_squeeze %parallel_loop3A_1074 : memref<1x80x128xi32, #tpu.memory_space<vmem>> -> memref<80x128xi32, #tpu.memory_space<vmem>>
        %parallel_loop3A_1076 = arith.index_cast %parallel_loop3A_979 : i32 to index
        %parallel_loop3A_1077 = arith.constant 16 : index
        %parallel_loop3A_1078 = tpu.vector_load %parallel_loop3A_1075[%parallel_loop3A_1076, %parallel_loop3A_1077] {strides = array<i32>} : memref<80x128xi32, #tpu.memory_space<vmem>>, vector<16xi32>,
        %parallel_loop3A_1079 = vector.bitcast %parallel_loop3A_1078 : vector<16xi32> to vector<32xbf16>
        %parallel_loop3A_1080 = tpu.unpack_subelements %parallel_loop3A_1079, 0 {pack_format = #tpu.pack_format<interleaved>} : vector<32xbf16> -> vector<16xf32>
        %parallel_loop3A_1081 = tpu.unpack_subelements %parallel_loop3A_1079, 1 {pack_format = #tpu.pack_format<interleaved>} : vector<32xbf16> -> vector<16xf32>
        %parallel_loop3A_1082 = arith.constant 0 : i32
        %parallel_loop3A_1083 = arith.constant 0 : i32
        %parallel_loop3A_1084 = tpu.memref_slice %arg16[%parallel_loop3A_605, %parallel_loop3A_1082, %parallel_loop3A_1083] : memref<2x80x128xi32, #tpu.memory_space<vmem>> -> memref<1x80x128xi32, #tpu.memory_space<vmem>>
        %parallel_loop3A_1085 = tpu.memref_squeeze %parallel_loop3A_1084 : memref<1x80x128xi32, #tpu.memory_space<vmem>> -> memref<80x128xi32, #tpu.memory_space<vmem>>
        %parallel_loop3A_1086 = arith.index_cast %parallel_loop3A_979 : i32 to index
        %parallel_loop3A_1087 = arith.constant 80 : index
        %parallel_loop3A_1088 = tpu.vector_load %parallel_loop3A_1085[%parallel_loop3A_1086, %parallel_loop3A_1087] {strides = array<i32>} : memref<80x128xi32, #tpu.memory_space<vmem>>, vector<16xi32>,
        %parallel_loop3A_1089 = vector.bitcast %parallel_loop3A_1088 : vector<16xi32> to vector<32xbf16>
        %parallel_loop3A_1090 = tpu.unpack_subelements %parallel_loop3A_1089, 0 {pack_format = #tpu.pack_format<interleaved>} : vector<32xbf16> -> vector<16xf32>
        %parallel_loop3A_1091 = tpu.unpack_subelements %parallel_loop3A_1089, 1 {pack_format = #tpu.pack_format<interleaved>} : vector<32xbf16> -> vector<16xf32>
        %parallel_loop3A_1092 = arith.constant 0 : i32
        %parallel_loop3A_1093 = arith.constant 0 : i32
        %parallel_loop3A_1094 = tpu.memref_slice %arg17[%parallel_loop3A_606, %parallel_loop3A_1092, %parallel_loop3A_1093] : memref<2x80x128xf32, #tpu.memory_space<vmem>> -> memref<1x80x128xf32, #tpu.memory_space<vmem>>
        %parallel_loop3A_1095 = tpu.memref_squeeze %parallel_loop3A_1094 : memref<1x80x128xf32, #tpu.memory_space<vmem>> -> memref<80x128xf32, #tpu.memory_space<vmem>>
        %parallel_loop3A_1096 = arith.index_cast %parallel_loop3A_979 : i32 to index
        %parallel_loop3A_1097 = arith.constant 32 : index
        %parallel_loop3A_1098 = tpu.vector_load %parallel_loop3A_1095[%parallel_loop3A_1096, %parallel_loop3A_1097] {strides = array<i32>} : memref<80x128xf32, #tpu.memory_space<vmem>>, vector<16xf32>,
        %parallel_loop3A_1099 = arith.addf %parallel_loop3A_1080, %parallel_loop3A_1098 : vector<16xf32>
        %parallel_loop3A_1100 = arith.constant 0 : i32
        %parallel_loop3A_1101 = arith.constant 0 : i32
        %parallel_loop3A_1102 = tpu.memref_slice %arg18[%parallel_loop3A_607, %parallel_loop3A_1100, %parallel_loop3A_1101] : memref<2x80x128xf32, #tpu.memory_space<vmem>> -> memref<1x80x128xf32, #tpu.memory_space<vmem>>
        %parallel_loop3A_1103 = tpu.memref_squeeze %parallel_loop3A_1102 : memref<1x80x128xf32, #tpu.memory_space<vmem>> -> memref<80x128xf32, #tpu.memory_space<vmem>>
        %parallel_loop3A_1104 = arith.index_cast %parallel_loop3A_979 : i32 to index
        %parallel_loop3A_1105 = arith.constant 32 : index
        %parallel_loop3A_1106 = tpu.vector_load %parallel_loop3A_1103[%parallel_loop3A_1104, %parallel_loop3A_1105] {strides = array<i32>} : memref<80x128xf32, #tpu.memory_space<vmem>>, vector<16xf32>,
        %parallel_loop3A_1107 = arith.addf %parallel_loop3A_1090, %parallel_loop3A_1106 : vector<16xf32>
        %parallel_loop3A_1108 = arith.constant 0.000000e+00 : f32
        %parallel_loop3A_1109 = vector.broadcast %parallel_loop3A_1108 : f32 to vector<16xf32>
        %parallel_loop3A_1110 = arith.subf %parallel_loop3A_1109, %parallel_loop3A_1099 : vector<16xf32>
        %parallel_loop3A_1111 = math.exp %parallel_loop3A_1110 : vector<16xf32>
        %parallel_loop3A_1112 = arith.constant 0.000000e+00 : f32
        %parallel_loop3A_1113 = vector.broadcast %parallel_loop3A_1112 : f32 to vector<16xf32>
        %parallel_loop3A_1114 = arith.subf %parallel_loop3A_1113, %parallel_loop3A_1107 : vector<16xf32>
        %parallel_loop3A_1115 = math.exp %parallel_loop3A_1114 : vector<16xf32>
        %parallel_loop3A_1116 = arith.subf %parallel_loop3A_1115, %parallel_loop3A_1111 : vector<16xf32>
        %parallel_loop3A_1117 = arith.constant 1.000000e+00 : f32
        %parallel_loop3A_1118 = vector.broadcast %parallel_loop3A_1117 : f32 to vector<16xf32>
        %parallel_loop3A_1119 = arith.addf %parallel_loop3A_1118, %parallel_loop3A_1111 : vector<16xf32>
        %parallel_loop3A_1120 = arith.constant 1.000000e+00 : f32
        %parallel_loop3A_1121 = vector.broadcast %parallel_loop3A_1120 : f32 to vector<16xf32>
        %parallel_loop3A_1122 = arith.addf %parallel_loop3A_1121, %parallel_loop3A_1115 : vector<16xf32>
        %parallel_loop3A_1123 = arith.mulf %parallel_loop3A_1119, %parallel_loop3A_1122 : vector<16xf32>
        %parallel_loop3A_1124 = arith.divf %parallel_loop3A_1116, %parallel_loop3A_1123 : vector<16xf32>
        %parallel_loop3A_1125 = arith.mulf %get3A_25, %parallel_loop3A_1124 : vector<16xf32>
        %parallel_loop3A_1126 = arith.addf %parallel_loop3A_1071, %parallel_loop3A_1125 : vector<16xf32>
        %parallel_loop3A_1127 = arith.constant 0 : i32
        %parallel_loop3A_1128 = arith.constant 0 : i32
        %parallel_loop3A_1129 = tpu.memref_slice %arg17[%parallel_loop3A_606, %parallel_loop3A_1127, %parallel_loop3A_1128] : memref<2x80x128xf32, #tpu.memory_space<vmem>> -> memref<1x80x128xf32, #tpu.memory_space<vmem>>
        %parallel_loop3A_1130 = tpu.memref_squeeze %parallel_loop3A_1129 : memref<1x80x128xf32, #tpu.memory_space<vmem>> -> memref<80x128xf32, #tpu.memory_space<vmem>>
        %parallel_loop3A_1131 = arith.index_cast %parallel_loop3A_979 : i32 to index
        %parallel_loop3A_1132 = arith.constant 48 : index
        %parallel_loop3A_1133 = tpu.vector_load %parallel_loop3A_1130[%parallel_loop3A_1131, %parallel_loop3A_1132] {strides = array<i32>} : memref<80x128xf32, #tpu.memory_space<vmem>>, vector<16xf32>,
        %parallel_loop3A_1134 = arith.addf %parallel_loop3A_1081, %parallel_loop3A_1133 : vector<16xf32>
        %parallel_loop3A_1135 = arith.constant 0 : i32
        %parallel_loop3A_1136 = arith.constant 0 : i32
        %parallel_loop3A_1137 = tpu.memref_slice %arg18[%parallel_loop3A_607, %parallel_loop3A_1135, %parallel_loop3A_1136] : memref<2x80x128xf32, #tpu.memory_space<vmem>> -> memref<1x80x128xf32, #tpu.memory_space<vmem>>
        %parallel_loop3A_1138 = tpu.memref_squeeze %parallel_loop3A_1137 : memref<1x80x128xf32, #tpu.memory_space<vmem>> -> memref<80x128xf32, #tpu.memory_space<vmem>>
        %parallel_loop3A_1139 = arith.index_cast %parallel_loop3A_979 : i32 to index
        %parallel_loop3A_1140 = arith.constant 48 : index
        %parallel_loop3A_1141 = tpu.vector_load %parallel_loop3A_1138[%parallel_loop3A_1139, %parallel_loop3A_1140] {strides = array<i32>} : memref<80x128xf32, #tpu.memory_space<vmem>>, vector<16xf32>,
        %parallel_loop3A_1142 = arith.addf %parallel_loop3A_1091, %parallel_loop3A_1141 : vector<16xf32>
        %parallel_loop3A_1143 = arith.constant 0.000000e+00 : f32
        %parallel_loop3A_1144 = vector.broadcast %parallel_loop3A_1143 : f32 to vector<16xf32>
        %parallel_loop3A_1145 = arith.subf %parallel_loop3A_1144, %parallel_loop3A_1134 : vector<16xf32>
        %parallel_loop3A_1146 = math.exp %parallel_loop3A_1145 : vector<16xf32>
        %parallel_loop3A_1147 = arith.constant 0.000000e+00 : f32
        %parallel_loop3A_1148 = vector.broadcast %parallel_loop3A_1147 : f32 to vector<16xf32>
        %parallel_loop3A_1149 = arith.subf %parallel_loop3A_1148, %parallel_loop3A_1142 : vector<16xf32>
        %parallel_loop3A_1150 = math.exp %parallel_loop3A_1149 : vector<16xf32>
        %parallel_loop3A_1151 = arith.subf %parallel_loop3A_1150, %parallel_loop3A_1146 : vector<16xf32>
        %parallel_loop3A_1152 = arith.constant 1.000000e+00 : f32
        %parallel_loop3A_1153 = vector.broadcast %parallel_loop3A_1152 : f32 to vector<16xf32>
        %parallel_loop3A_1154 = arith.addf %parallel_loop3A_1153, %parallel_loop3A_1146 : vector<16xf32>
        %parallel_loop3A_1155 = arith.constant 1.000000e+00 : f32
        %parallel_loop3A_1156 = vector.broadcast %parallel_loop3A_1155 : f32 to vector<16xf32>
        %parallel_loop3A_1157 = arith.addf %parallel_loop3A_1156, %parallel_loop3A_1150 : vector<16xf32>
        %parallel_loop3A_1158 = arith.mulf %parallel_loop3A_1154, %parallel_loop3A_1157 : vector<16xf32>
        %parallel_loop3A_1159 = arith.divf %parallel_loop3A_1151, %parallel_loop3A_1158 : vector<16xf32>
        %parallel_loop3A_1160 = arith.mulf %get3A_27, %parallel_loop3A_1159 : vector<16xf32>
        %parallel_loop3A_1161 = arith.addf %parallel_loop3A_1126, %parallel_loop3A_1160 : vector<16xf32>
        %parallel_loop3A_1162 = arith.constant 0 : i32
        %parallel_loop3A_1163 = arith.constant 0 : i32
        %parallel_loop3A_1164 = tpu.memref_slice %arg16[%parallel_loop3A_605, %parallel_loop3A_1162, %parallel_loop3A_1163] : memref<2x80x128xi32, #tpu.memory_space<vmem>> -> memref<1x80x128xi32, #tpu.memory_space<vmem>>
        %parallel_loop3A_1165 = tpu.memref_squeeze %parallel_loop3A_1164 : memref<1x80x128xi32, #tpu.memory_space<vmem>> -> memref<80x128xi32, #tpu.memory_space<vmem>>
        %parallel_loop3A_1166 = arith.index_cast %parallel_loop3A_979 : i32 to index
        %parallel_loop3A_1167 = arith.constant 32 : index
        %parallel_loop3A_1168 = tpu.vector_load %parallel_loop3A_1165[%parallel_loop3A_1166, %parallel_loop3A_1167] {strides = array<i32>} : memref<80x128xi32, #tpu.memory_space<vmem>>, vector<16xi32>,
        %parallel_loop3A_1169 = vector.bitcast %parallel_loop3A_1168 : vector<16xi32> to vector<32xbf16>
        %parallel_loop3A_1170 = tpu.unpack_subelements %parallel_loop3A_1169, 0 {pack_format = #tpu.pack_format<interleaved>} : vector<32xbf16> -> vector<16xf32>
        %parallel_loop3A_1171 = tpu.unpack_subelements %parallel_loop3A_1169, 1 {pack_format = #tpu.pack_format<interleaved>} : vector<32xbf16> -> vector<16xf32>
        %parallel_loop3A_1172 = arith.constant 0 : i32
        %parallel_loop3A_1173 = arith.constant 0 : i32
        %parallel_loop3A_1174 = tpu.memref_slice %arg16[%parallel_loop3A_605, %parallel_loop3A_1172, %parallel_loop3A_1173] : memref<2x80x128xi32, #tpu.memory_space<vmem>> -> memref<1x80x128xi32, #tpu.memory_space<vmem>>
        %parallel_loop3A_1175 = tpu.memref_squeeze %parallel_loop3A_1174 : memref<1x80x128xi32, #tpu.memory_space<vmem>> -> memref<80x128xi32, #tpu.memory_space<vmem>>
        %parallel_loop3A_1176 = arith.index_cast %parallel_loop3A_979 : i32 to index
        %parallel_loop3A_1177 = arith.constant 96 : index
        %parallel_loop3A_1178 = tpu.vector_load %parallel_loop3A_1175[%parallel_loop3A_1176, %parallel_loop3A_1177] {strides = array<i32>} : memref<80x128xi32, #tpu.memory_space<vmem>>, vector<16xi32>,
        %parallel_loop3A_1179 = vector.bitcast %parallel_loop3A_1178 : vector<16xi32> to vector<32xbf16>
        %parallel_loop3A_1180 = tpu.unpack_subelements %parallel_loop3A_1179, 0 {pack_format = #tpu.pack_format<interleaved>} : vector<32xbf16> -> vector<16xf32>
        %parallel_loop3A_1181 = tpu.unpack_subelements %parallel_loop3A_1179, 1 {pack_format = #tpu.pack_format<interleaved>} : vector<32xbf16> -> vector<16xf32>
        %parallel_loop3A_1182 = arith.constant 0 : i32
        %parallel_loop3A_1183 = arith.constant 0 : i32
        %parallel_loop3A_1184 = tpu.memref_slice %arg17[%parallel_loop3A_606, %parallel_loop3A_1182, %parallel_loop3A_1183] : memref<2x80x128xf32, #tpu.memory_space<vmem>> -> memref<1x80x128xf32, #tpu.memory_space<vmem>>
        %parallel_loop3A_1185 = tpu.memref_squeeze %parallel_loop3A_1184 : memref<1x80x128xf32, #tpu.memory_space<vmem>> -> memref<80x128xf32, #tpu.memory_space<vmem>>
        %parallel_loop3A_1186 = arith.index_cast %parallel_loop3A_979 : i32 to index
        %parallel_loop3A_1187 = arith.constant 64 : index
        %parallel_loop3A_1188 = tpu.vector_load %parallel_loop3A_1185[%parallel_loop3A_1186, %parallel_loop3A_1187] {strides = array<i32>} : memref<80x128xf32, #tpu.memory_space<vmem>>, vector<16xf32>,
        %parallel_loop3A_1189 = arith.addf %parallel_loop3A_1170, %parallel_loop3A_1188 : vector<16xf32>
        %parallel_loop3A_1190 = arith.constant 0 : i32
        %parallel_loop3A_1191 = arith.constant 0 : i32
        %parallel_loop3A_1192 = tpu.memref_slice %arg18[%parallel_loop3A_607, %parallel_loop3A_1190, %parallel_loop3A_1191] : memref<2x80x128xf32, #tpu.memory_space<vmem>> -> memref<1x80x128xf32, #tpu.memory_space<vmem>>
        %parallel_loop3A_1193 = tpu.memref_squeeze %parallel_loop3A_1192 : memref<1x80x128xf32, #tpu.memory_space<vmem>> -> memref<80x128xf32, #tpu.memory_space<vmem>>
        %parallel_loop3A_1194 = arith.index_cast %parallel_loop3A_979 : i32 to index
        %parallel_loop3A_1195 = arith.constant 64 : index
        %parallel_loop3A_1196 = tpu.vector_load %parallel_loop3A_1193[%parallel_loop3A_1194, %parallel_loop3A_1195] {strides = array<i32>} : memref<80x128xf32, #tpu.memory_space<vmem>>, vector<16xf32>,
        %parallel_loop3A_1197 = arith.addf %parallel_loop3A_1180, %parallel_loop3A_1196 : vector<16xf32>
        %parallel_loop3A_1198 = arith.constant 0.000000e+00 : f32
        %parallel_loop3A_1199 = vector.broadcast %parallel_loop3A_1198 : f32 to vector<16xf32>
        %parallel_loop3A_1200 = arith.subf %parallel_loop3A_1199, %parallel_loop3A_1189 : vector<16xf32>
        %parallel_loop3A_1201 = math.exp %parallel_loop3A_1200 : vector<16xf32>
        %parallel_loop3A_1202 = arith.constant 0.000000e+00 : f32
        %parallel_loop3A_1203 = vector.broadcast %parallel_loop3A_1202 : f32 to vector<16xf32>
        %parallel_loop3A_1204 = arith.subf %parallel_loop3A_1203, %parallel_loop3A_1197 : vector<16xf32>
        %parallel_loop3A_1205 = math.exp %parallel_loop3A_1204 : vector<16xf32>
        %parallel_loop3A_1206 = arith.subf %parallel_loop3A_1205, %parallel_loop3A_1201 : vector<16xf32>
        %parallel_loop3A_1207 = arith.constant 1.000000e+00 : f32
        %parallel_loop3A_1208 = vector.broadcast %parallel_loop3A_1207 : f32 to vector<16xf32>
        %parallel_loop3A_1209 = arith.addf %parallel_loop3A_1208, %parallel_loop3A_1201 : vector<16xf32>
        %parallel_loop3A_1210 = arith.constant 1.000000e+00 : f32
        %parallel_loop3A_1211 = vector.broadcast %parallel_loop3A_1210 : f32 to vector<16xf32>
        %parallel_loop3A_1212 = arith.addf %parallel_loop3A_1211, %parallel_loop3A_1205 : vector<16xf32>
        %parallel_loop3A_1213 = arith.mulf %parallel_loop3A_1209, %parallel_loop3A_1212 : vector<16xf32>
        %parallel_loop3A_1214 = arith.divf %parallel_loop3A_1206, %parallel_loop3A_1213 : vector<16xf32>
        %parallel_loop3A_1215 = arith.mulf %get3A_29, %parallel_loop3A_1214 : vector<16xf32>
        %parallel_loop3A_1216 = arith.addf %parallel_loop3A_1161, %parallel_loop3A_1215 : vector<16xf32>
        %parallel_loop3A_1217 = arith.constant 0 : i32
        %parallel_loop3A_1218 = arith.constant 0 : i32
        %parallel_loop3A_1219 = tpu.memref_slice %arg17[%parallel_loop3A_606, %parallel_loop3A_1217, %parallel_loop3A_1218] : memref<2x80x128xf32, #tpu.memory_space<vmem>> -> memref<1x80x128xf32, #tpu.memory_space<vmem>>
        %parallel_loop3A_1220 = tpu.memref_squeeze %parallel_loop3A_1219 : memref<1x80x128xf32, #tpu.memory_space<vmem>> -> memref<80x128xf32, #tpu.memory_space<vmem>>
        %parallel_loop3A_1221 = arith.index_cast %parallel_loop3A_979 : i32 to index
        %parallel_loop3A_1222 = arith.constant 80 : index
        %parallel_loop3A_1223 = tpu.vector_load %parallel_loop3A_1220[%parallel_loop3A_1221, %parallel_loop3A_1222] {strides = array<i32>} : memref<80x128xf32, #tpu.memory_space<vmem>>, vector<16xf32>,
        %parallel_loop3A_1224 = arith.addf %parallel_loop3A_1171, %parallel_loop3A_1223 : vector<16xf32>
        %parallel_loop3A_1225 = arith.constant 0 : i32
        %parallel_loop3A_1226 = arith.constant 0 : i32
        %parallel_loop3A_1227 = tpu.memref_slice %arg18[%parallel_loop3A_607, %parallel_loop3A_1225, %parallel_loop3A_1226] : memref<2x80x128xf32, #tpu.memory_space<vmem>> -> memref<1x80x128xf32, #tpu.memory_space<vmem>>
        %parallel_loop3A_1228 = tpu.memref_squeeze %parallel_loop3A_1227 : memref<1x80x128xf32, #tpu.memory_space<vmem>> -> memref<80x128xf32, #tpu.memory_space<vmem>>
        %parallel_loop3A_1229 = arith.index_cast %parallel_loop3A_979 : i32 to index
        %parallel_loop3A_1230 = arith.constant 80 : index
        %parallel_loop3A_1231 = tpu.vector_load %parallel_loop3A_1228[%parallel_loop3A_1229, %parallel_loop3A_1230] {strides = array<i32>} : memref<80x128xf32, #tpu.memory_space<vmem>>, vector<16xf32>,
        %parallel_loop3A_1232 = arith.addf %parallel_loop3A_1181, %parallel_loop3A_1231 : vector<16xf32>
        %parallel_loop3A_1233 = arith.constant 0.000000e+00 : f32
        %parallel_loop3A_1234 = vector.broadcast %parallel_loop3A_1233 : f32 to vector<16xf32>
        %parallel_loop3A_1235 = arith.subf %parallel_loop3A_1234, %parallel_loop3A_1224 : vector<16xf32>
        %parallel_loop3A_1236 = math.exp %parallel_loop3A_1235 : vector<16xf32>
        %parallel_loop3A_1237 = arith.constant 0.000000e+00 : f32
        %parallel_loop3A_1238 = vector.broadcast %parallel_loop3A_1237 : f32 to vector<16xf32>
        %parallel_loop3A_1239 = arith.subf %parallel_loop3A_1238, %parallel_loop3A_1232 : vector<16xf32>
        %parallel_loop3A_1240 = math.exp %parallel_loop3A_1239 : vector<16xf32>
        %parallel_loop3A_1241 = arith.subf %parallel_loop3A_1240, %parallel_loop3A_1236 : vector<16xf32>
        %parallel_loop3A_1242 = arith.constant 1.000000e+00 : f32
        %parallel_loop3A_1243 = vector.broadcast %parallel_loop3A_1242 : f32 to vector<16xf32>
        %parallel_loop3A_1244 = arith.addf %parallel_loop3A_1243, %parallel_loop3A_1236 : vector<16xf32>
        %parallel_loop3A_1245 = arith.constant 1.000000e+00 : f32
        %parallel_loop3A_1246 = vector.broadcast %parallel_loop3A_1245 : f32 to vector<16xf32>
        %parallel_loop3A_1247 = arith.addf %parallel_loop3A_1246, %parallel_loop3A_1240 : vector<16xf32>
        %parallel_loop3A_1248 = arith.mulf %parallel_loop3A_1244, %parallel_loop3A_1247 : vector<16xf32>
        %parallel_loop3A_1249 = arith.divf %parallel_loop3A_1241, %parallel_loop3A_1248 : vector<16xf32>
        %parallel_loop3A_1250 = arith.mulf %get3A_31, %parallel_loop3A_1249 : vector<16xf32>
        %parallel_loop3A_1251 = arith.addf %parallel_loop3A_1216, %parallel_loop3A_1250 : vector<16xf32>
        %parallel_loop3A_1252 = arith.constant 0 : i32
        %parallel_loop3A_1253 = arith.constant 0 : i32
        %parallel_loop3A_1254 = tpu.memref_slice %arg16[%parallel_loop3A_605, %parallel_loop3A_1252, %parallel_loop3A_1253] : memref<2x80x128xi32, #tpu.memory_space<vmem>> -> memref<1x80x128xi32, #tpu.memory_space<vmem>>
        %parallel_loop3A_1255 = tpu.memref_squeeze %parallel_loop3A_1254 : memref<1x80x128xi32, #tpu.memory_space<vmem>> -> memref<80x128xi32, #tpu.memory_space<vmem>>
        %parallel_loop3A_1256 = arith.index_cast %parallel_loop3A_979 : i32 to index
        %parallel_loop3A_1257 = arith.constant 48 : index
        %parallel_loop3A_1258 = tpu.vector_load %parallel_loop3A_1255[%parallel_loop3A_1256, %parallel_loop3A_1257] {strides = array<i32>} : memref<80x128xi32, #tpu.memory_space<vmem>>, vector<16xi32>,
        %parallel_loop3A_1259 = vector.bitcast %parallel_loop3A_1258 : vector<16xi32> to vector<32xbf16>
        %parallel_loop3A_1260 = tpu.unpack_subelements %parallel_loop3A_1259, 0 {pack_format = #tpu.pack_format<interleaved>} : vector<32xbf16> -> vector<16xf32>
        %parallel_loop3A_1261 = tpu.unpack_subelements %parallel_loop3A_1259, 1 {pack_format = #tpu.pack_format<interleaved>} : vector<32xbf16> -> vector<16xf32>
        %parallel_loop3A_1262 = arith.constant 0 : i32
        %parallel_loop3A_1263 = arith.constant 0 : i32
        %parallel_loop3A_1264 = tpu.memref_slice %arg16[%parallel_loop3A_605, %parallel_loop3A_1262, %parallel_loop3A_1263] : memref<2x80x128xi32, #tpu.memory_space<vmem>> -> memref<1x80x128xi32, #tpu.memory_space<vmem>>
        %parallel_loop3A_1265 = tpu.memref_squeeze %parallel_loop3A_1264 : memref<1x80x128xi32, #tpu.memory_space<vmem>> -> memref<80x128xi32, #tpu.memory_space<vmem>>
        %parallel_loop3A_1266 = arith.index_cast %parallel_loop3A_979 : i32 to index
        %parallel_loop3A_1267 = arith.constant 112 : index
        %parallel_loop3A_1268 = tpu.vector_load %parallel_loop3A_1265[%parallel_loop3A_1266, %parallel_loop3A_1267] {strides = array<i32>} : memref<80x128xi32, #tpu.memory_space<vmem>>, vector<16xi32>,
        %parallel_loop3A_1269 = vector.bitcast %parallel_loop3A_1268 : vector<16xi32> to vector<32xbf16>
        %parallel_loop3A_1270 = tpu.unpack_subelements %parallel_loop3A_1269, 0 {pack_format = #tpu.pack_format<interleaved>} : vector<32xbf16> -> vector<16xf32>
        %parallel_loop3A_1271 = tpu.unpack_subelements %parallel_loop3A_1269, 1 {pack_format = #tpu.pack_format<interleaved>} : vector<32xbf16> -> vector<16xf32>
        %parallel_loop3A_1272 = arith.constant 0 : i32
        %parallel_loop3A_1273 = arith.constant 0 : i32
        %parallel_loop3A_1274 = tpu.memref_slice %arg17[%parallel_loop3A_606, %parallel_loop3A_1272, %parallel_loop3A_1273] : memref<2x80x128xf32, #tpu.memory_space<vmem>> -> memref<1x80x128xf32, #tpu.memory_space<vmem>>
        %parallel_loop3A_1275 = tpu.memref_squeeze %parallel_loop3A_1274 : memref<1x80x128xf32, #tpu.memory_space<vmem>> -> memref<80x128xf32, #tpu.memory_space<vmem>>
        %parallel_loop3A_1276 = arith.index_cast %parallel_loop3A_979 : i32 to index
        %parallel_loop3A_1277 = arith.constant 96 : index
        %parallel_loop3A_1278 = tpu.vector_load %parallel_loop3A_1275[%parallel_loop3A_1276, %parallel_loop3A_1277] {strides = array<i32>} : memref<80x128xf32, #tpu.memory_space<vmem>>, vector<16xf32>,
        %parallel_loop3A_1279 = arith.addf %parallel_loop3A_1260, %parallel_loop3A_1278 : vector<16xf32>
        %parallel_loop3A_1280 = arith.constant 0 : i32
        %parallel_loop3A_1281 = arith.constant 0 : i32
        %parallel_loop3A_1282 = tpu.memref_slice %arg18[%parallel_loop3A_607, %parallel_loop3A_1280, %parallel_loop3A_1281] : memref<2x80x128xf32, #tpu.memory_space<vmem>> -> memref<1x80x128xf32, #tpu.memory_space<vmem>>
        %parallel_loop3A_1283 = tpu.memref_squeeze %parallel_loop3A_1282 : memref<1x80x128xf32, #tpu.memory_space<vmem>> -> memref<80x128xf32, #tpu.memory_space<vmem>>
        %parallel_loop3A_1284 = arith.index_cast %parallel_loop3A_979 : i32 to index
        %parallel_loop3A_1285 = arith.constant 96 : index
        %parallel_loop3A_1286 = tpu.vector_load %parallel_loop3A_1283[%parallel_loop3A_1284, %parallel_loop3A_1285] {strides = array<i32>} : memref<80x128xf32, #tpu.memory_space<vmem>>, vector<16xf32>,
        %parallel_loop3A_1287 = arith.addf %parallel_loop3A_1270, %parallel_loop3A_1286 : vector<16xf32>
        %parallel_loop3A_1288 = arith.constant 0.000000e+00 : f32
        %parallel_loop3A_1289 = vector.broadcast %parallel_loop3A_1288 : f32 to vector<16xf32>
        %parallel_loop3A_1290 = arith.subf %parallel_loop3A_1289, %parallel_loop3A_1279 : vector<16xf32>
        %parallel_loop3A_1291 = math.exp %parallel_loop3A_1290 : vector<16xf32>
        %parallel_loop3A_1292 = arith.constant 0.000000e+00 : f32
        %parallel_loop3A_1293 = vector.broadcast %parallel_loop3A_1292 : f32 to vector<16xf32>
        %parallel_loop3A_1294 = arith.subf %parallel_loop3A_1293, %parallel_loop3A_1287 : vector<16xf32>
        %parallel_loop3A_1295 = math.exp %parallel_loop3A_1294 : vector<16xf32>
        %parallel_loop3A_1296 = arith.subf %parallel_loop3A_1295, %parallel_loop3A_1291 : vector<16xf32>
        %parallel_loop3A_1297 = arith.constant 1.000000e+00 : f32
        %parallel_loop3A_1298 = vector.broadcast %parallel_loop3A_1297 : f32 to vector<16xf32>
        %parallel_loop3A_1299 = arith.addf %parallel_loop3A_1298, %parallel_loop3A_1291 : vector<16xf32>
        %parallel_loop3A_1300 = arith.constant 1.000000e+00 : f32
        %parallel_loop3A_1301 = vector.broadcast %parallel_loop3A_1300 : f32 to vector<16xf32>
        %parallel_loop3A_1302 = arith.addf %parallel_loop3A_1301, %parallel_loop3A_1295 : vector<16xf32>
        %parallel_loop3A_1303 = arith.mulf %parallel_loop3A_1299, %parallel_loop3A_1302 : vector<16xf32>
        %parallel_loop3A_1304 = arith.divf %parallel_loop3A_1296, %parallel_loop3A_1303 : vector<16xf32>
        %parallel_loop3A_1305 = arith.mulf %get3A_33, %parallel_loop3A_1304 : vector<16xf32>
        %parallel_loop3A_1306 = arith.addf %parallel_loop3A_1251, %parallel_loop3A_1305 : vector<16xf32>
        %parallel_loop3A_1307 = arith.constant 0 : i32
        %parallel_loop3A_1308 = arith.constant 0 : i32
        %parallel_loop3A_1309 = tpu.memref_slice %arg17[%parallel_loop3A_606, %parallel_loop3A_1307, %parallel_loop3A_1308] : memref<2x80x128xf32, #tpu.memory_space<vmem>> -> memref<1x80x128xf32, #tpu.memory_space<vmem>>
        %parallel_loop3A_1310 = tpu.memref_squeeze %parallel_loop3A_1309 : memref<1x80x128xf32, #tpu.memory_space<vmem>> -> memref<80x128xf32, #tpu.memory_space<vmem>>
        %parallel_loop3A_1311 = arith.index_cast %parallel_loop3A_979 : i32 to index
        %parallel_loop3A_1312 = arith.constant 112 : index
        %parallel_loop3A_1313 = tpu.vector_load %parallel_loop3A_1310[%parallel_loop3A_1311, %parallel_loop3A_1312] {strides = array<i32>} : memref<80x128xf32, #tpu.memory_space<vmem>>, vector<16xf32>,
        %parallel_loop3A_1314 = arith.addf %parallel_loop3A_1261, %parallel_loop3A_1313 : vector<16xf32>
        %parallel_loop3A_1315 = arith.constant 0 : i32
        %parallel_loop3A_1316 = arith.constant 0 : i32
        %parallel_loop3A_1317 = tpu.memref_slice %arg18[%parallel_loop3A_607, %parallel_loop3A_1315, %parallel_loop3A_1316] : memref<2x80x128xf32, #tpu.memory_space<vmem>> -> memref<1x80x128xf32, #tpu.memory_space<vmem>>
        %parallel_loop3A_1318 = tpu.memref_squeeze %parallel_loop3A_1317 : memref<1x80x128xf32, #tpu.memory_space<vmem>> -> memref<80x128xf32, #tpu.memory_space<vmem>>
        %parallel_loop3A_1319 = arith.index_cast %parallel_loop3A_979 : i32 to index
        %parallel_loop3A_1320 = arith.constant 112 : index
        %parallel_loop3A_1321 = tpu.vector_load %parallel_loop3A_1318[%parallel_loop3A_1319, %parallel_loop3A_1320] {strides = array<i32>} : memref<80x128xf32, #tpu.memory_space<vmem>>, vector<16xf32>,
        %parallel_loop3A_1322 = arith.addf %parallel_loop3A_1271, %parallel_loop3A_1321 : vector<16xf32>
        %parallel_loop3A_1323 = arith.constant 0.000000e+00 : f32
        %parallel_loop3A_1324 = vector.broadcast %parallel_loop3A_1323 : f32 to vector<16xf32>
        %parallel_loop3A_1325 = arith.subf %parallel_loop3A_1324, %parallel_loop3A_1314 : vector<16xf32>
        %parallel_loop3A_1326 = math.exp %parallel_loop3A_1325 : vector<16xf32>
        %parallel_loop3A_1327 = arith.constant 0.000000e+00 : f32
        %parallel_loop3A_1328 = vector.broadcast %parallel_loop3A_1327 : f32 to vector<16xf32>
        %parallel_loop3A_1329 = arith.subf %parallel_loop3A_1328, %parallel_loop3A_1322 : vector<16xf32>
        %parallel_loop3A_1330 = math.exp %parallel_loop3A_1329 : vector<16xf32>
        %parallel_loop3A_1331 = arith.subf %parallel_loop3A_1330, %parallel_loop3A_1326 : vector<16xf32>
        %parallel_loop3A_1332 = arith.constant 1.000000e+00 : f32
        %parallel_loop3A_1333 = vector.broadcast %parallel_loop3A_1332 : f32 to vector<16xf32>
        %parallel_loop3A_1334 = arith.addf %parallel_loop3A_1333, %parallel_loop3A_1326 : vector<16xf32>
        %parallel_loop3A_1335 = arith.constant 1.000000e+00 : f32
        %parallel_loop3A_1336 = vector.broadcast %parallel_loop3A_1335 : f32 to vector<16xf32>
        %parallel_loop3A_1337 = arith.addf %parallel_loop3A_1336, %parallel_loop3A_1330 : vector<16xf32>
        %parallel_loop3A_1338 = arith.mulf %parallel_loop3A_1334, %parallel_loop3A_1337 : vector<16xf32>
        %parallel_loop3A_1339 = arith.divf %parallel_loop3A_1331, %parallel_loop3A_1338 : vector<16xf32>
        %parallel_loop3A_1340 = arith.mulf %get3A_35, %parallel_loop3A_1339 : vector<16xf32>
        %parallel_loop3A_1341 = arith.addf %parallel_loop3A_1306, %parallel_loop3A_1340 : vector<16xf32>
        %parallel_loop3A_1342 = arith.index_cast %parallel_loop3A_979 : i32 to index
        %parallel_loop3A_1343 = arith.constant 0 : index
        %parallel_loop3A_1344 = tpu.vector_load %arg20[%parallel_loop3A_1342, %parallel_loop3A_1343] {strides = array<i32>} : memref<80x17xf32, #tpu.memory_space<vmem>>, vector<16xf32>,
        tpu.vector_store %arg20[%parallel_loop3A_1342, %parallel_loop3A_1343], %parallel_loop3A_1341 {strides = array<i32>} : memref<80x17xf32, #tpu.memory_space<vmem>>, vector<16xf32>,
      } {sc.loop_unroll_factor = 2 : i64, sc.parallel_access}
      %add3A_608 = arith.constant 0 : i32
      %add3A_609 = vector.broadcast %add3A_608 : i32 to vector<16xi32>
      %add3A_610 = arith.addi %add3A_609, %iota3A : vector<16xi32>
      %broadcast_in_dim3A_611 = arith.constant 0 : i32
      %broadcast_in_dim3A_612 = vector.broadcast %broadcast_in_dim3A_611 : i32 to vector<16xi32>
      %gather3A_613 = tpu.vector_load_idx %arg20[%add3A_610, %broadcast_in_dim3A_612] : memref<80x17xf32, #tpu.memory_space<vmem>>[vector<16xi32>, vector<16xi32>], vector<16xf32>,
      %add3A_614 = arith.addf %broadcast_in_dim3A_3, %gather3A_613 : vector<16xf32>
      %broadcast_in_dim3A_615 = arith.constant 1 : i32
      %broadcast_in_dim3A_616 = vector.broadcast %broadcast_in_dim3A_615 : i32 to vector<16xi32>
      %gather3A_617 = tpu.vector_load_idx %arg20[%add3A_610, %broadcast_in_dim3A_616] : memref<80x17xf32, #tpu.memory_space<vmem>>[vector<16xi32>, vector<16xi32>], vector<16xf32>,
      %add3A_618 = arith.addf %add3A_614, %gather3A_617 : vector<16xf32>
      %broadcast_in_dim3A_619 = arith.constant 2 : i32
      %broadcast_in_dim3A_620 = vector.broadcast %broadcast_in_dim3A_619 : i32 to vector<16xi32>
      %gather3A_621 = tpu.vector_load_idx %arg20[%add3A_610, %broadcast_in_dim3A_620] : memref<80x17xf32, #tpu.memory_space<vmem>>[vector<16xi32>, vector<16xi32>], vector<16xf32>,
      %add3A_622 = arith.addf %add3A_618, %gather3A_621 : vector<16xf32>
      %broadcast_in_dim3A_623 = arith.constant 3 : i32
      %broadcast_in_dim3A_624 = vector.broadcast %broadcast_in_dim3A_623 : i32 to vector<16xi32>
      %gather3A_625 = tpu.vector_load_idx %arg20[%add3A_610, %broadcast_in_dim3A_624] : memref<80x17xf32, #tpu.memory_space<vmem>>[vector<16xi32>, vector<16xi32>], vector<16xf32>,
      %add3A_626 = arith.addf %add3A_622, %gather3A_625 : vector<16xf32>
      %broadcast_in_dim3A_627 = arith.constant 4 : i32
      %broadcast_in_dim3A_628 = vector.broadcast %broadcast_in_dim3A_627 : i32 to vector<16xi32>
      %gather3A_629 = tpu.vector_load_idx %arg20[%add3A_610, %broadcast_in_dim3A_628] : memref<80x17xf32, #tpu.memory_space<vmem>>[vector<16xi32>, vector<16xi32>], vector<16xf32>,
      %add3A_630 = arith.addf %add3A_626, %gather3A_629 : vector<16xf32>
      %broadcast_in_dim3A_631 = arith.constant 5 : i32
      %broadcast_in_dim3A_632 = vector.broadcast %broadcast_in_dim3A_631 : i32 to vector<16xi32>
      %gather3A_633 = tpu.vector_load_idx %arg20[%add3A_610, %broadcast_in_dim3A_632] : memref<80x17xf32, #tpu.memory_space<vmem>>[vector<16xi32>, vector<16xi32>], vector<16xf32>,
      %add3A_634 = arith.addf %add3A_630, %gather3A_633 : vector<16xf32>
      %broadcast_in_dim3A_635 = arith.constant 6 : i32
      %broadcast_in_dim3A_636 = vector.broadcast %broadcast_in_dim3A_635 : i32 to vector<16xi32>
      %gather3A_637 = tpu.vector_load_idx %arg20[%add3A_610, %broadcast_in_dim3A_636] : memref<80x17xf32, #tpu.memory_space<vmem>>[vector<16xi32>, vector<16xi32>], vector<16xf32>,
      %add3A_638 = arith.addf %add3A_634, %gather3A_637 : vector<16xf32>
      %broadcast_in_dim3A_639 = arith.constant 7 : i32
      %broadcast_in_dim3A_640 = vector.broadcast %broadcast_in_dim3A_639 : i32 to vector<16xi32>
      %gather3A_641 = tpu.vector_load_idx %arg20[%add3A_610, %broadcast_in_dim3A_640] : memref<80x17xf32, #tpu.memory_space<vmem>>[vector<16xi32>, vector<16xi32>], vector<16xf32>,
      %add3A_642 = arith.addf %add3A_638, %gather3A_641 : vector<16xf32>
      %broadcast_in_dim3A_643 = arith.constant 8 : i32
      %broadcast_in_dim3A_644 = vector.broadcast %broadcast_in_dim3A_643 : i32 to vector<16xi32>
      %gather3A_645 = tpu.vector_load_idx %arg20[%add3A_610, %broadcast_in_dim3A_644] : memref<80x17xf32, #tpu.memory_space<vmem>>[vector<16xi32>, vector<16xi32>], vector<16xf32>,
      %add3A_646 = arith.addf %add3A_642, %gather3A_645 : vector<16xf32>
      %broadcast_in_dim3A_647 = arith.constant 9 : i32
      %broadcast_in_dim3A_648 = vector.broadcast %broadcast_in_dim3A_647 : i32 to vector<16xi32>
      %gather3A_649 = tpu.vector_load_idx %arg20[%add3A_610, %broadcast_in_dim3A_648] : memref<80x17xf32, #tpu.memory_space<vmem>>[vector<16xi32>, vector<16xi32>], vector<16xf32>,
      %add3A_650 = arith.addf %add3A_646, %gather3A_649 : vector<16xf32>
      %broadcast_in_dim3A_651 = arith.constant 10 : i32
      %broadcast_in_dim3A_652 = vector.broadcast %broadcast_in_dim3A_651 : i32 to vector<16xi32>
      %gather3A_653 = tpu.vector_load_idx %arg20[%add3A_610, %broadcast_in_dim3A_652] : memref<80x17xf32, #tpu.memory_space<vmem>>[vector<16xi32>, vector<16xi32>], vector<16xf32>,
      %add3A_654 = arith.addf %add3A_650, %gather3A_653 : vector<16xf32>
      %broadcast_in_dim3A_655 = arith.constant 11 : i32
      %broadcast_in_dim3A_656 = vector.broadcast %broadcast_in_dim3A_655 : i32 to vector<16xi32>
      %gather3A_657 = tpu.vector_load_idx %arg20[%add3A_610, %broadcast_in_dim3A_656] : memref<80x17xf32, #tpu.memory_space<vmem>>[vector<16xi32>, vector<16xi32>], vector<16xf32>,
      %add3A_658 = arith.addf %add3A_654, %gather3A_657 : vector<16xf32>
      %broadcast_in_dim3A_659 = arith.constant 12 : i32
      %broadcast_in_dim3A_660 = vector.broadcast %broadcast_in_dim3A_659 : i32 to vector<16xi32>
      %gather3A_661 = tpu.vector_load_idx %arg20[%add3A_610, %broadcast_in_dim3A_660] : memref<80x17xf32, #tpu.memory_space<vmem>>[vector<16xi32>, vector<16xi32>], vector<16xf32>,
      %add3A_662 = arith.addf %add3A_658, %gather3A_661 : vector<16xf32>
      %broadcast_in_dim3A_663 = arith.constant 13 : i32
      %broadcast_in_dim3A_664 = vector.broadcast %broadcast_in_dim3A_663 : i32 to vector<16xi32>
      %gather3A_665 = tpu.vector_load_idx %arg20[%add3A_610, %broadcast_in_dim3A_664] : memref<80x17xf32, #tpu.memory_space<vmem>>[vector<16xi32>, vector<16xi32>], vector<16xf32>,
      %add3A_666 = arith.addf %add3A_662, %gather3A_665 : vector<16xf32>
      %broadcast_in_dim3A_667 = arith.constant 14 : i32
      %broadcast_in_dim3A_668 = vector.broadcast %broadcast_in_dim3A_667 : i32 to vector<16xi32>
      %gather3A_669 = tpu.vector_load_idx %arg20[%add3A_610, %broadcast_in_dim3A_668] : memref<80x17xf32, #tpu.memory_space<vmem>>[vector<16xi32>, vector<16xi32>], vector<16xf32>,
      %add3A_670 = arith.addf %add3A_666, %gather3A_669 : vector<16xf32>
      %broadcast_in_dim3A_671 = arith.constant 15 : i32
      %broadcast_in_dim3A_672 = vector.broadcast %broadcast_in_dim3A_671 : i32 to vector<16xi32>
      %gather3A_673 = tpu.vector_load_idx %arg20[%add3A_610, %broadcast_in_dim3A_672] : memref<80x17xf32, #tpu.memory_space<vmem>>[vector<16xi32>, vector<16xi32>], vector<16xf32>,
      %add3A_674 = arith.addf %add3A_670, %gather3A_673 : vector<16xf32>
      %swap3A_675 = arith.constant 1 : i32
      %swap3A_676 = arith.index_cast %swap3A_675 : i32 to index
      %swap3A_677 = arith.constant 0 : index
      %swap3A_678 = tpu.vector_load %arg19[%swap3A_676, %swap3A_677] {strides = array<i32>} : memref<2x80xf32, #tpu.memory_space<vmem>>, vector<16xf32>,
      tpu.vector_store %arg19[%swap3A_676, %swap3A_677], %add3A_674 {strides = array<i32>} : memref<2x80xf32, #tpu.memory_space<vmem>>, vector<16xf32>,
      %add3A_679 = arith.constant 16 : i32
      %add3A_680 = vector.broadcast %add3A_679 : i32 to vector<16xi32>
      %add3A_681 = arith.addi %add3A_680, %iota3A : vector<16xi32>
      %broadcast_in_dim3A_682 = arith.constant 0 : i32
      %broadcast_in_dim3A_683 = vector.broadcast %broadcast_in_dim3A_682 : i32 to vector<16xi32>
      %gather3A_684 = tpu.vector_load_idx %arg20[%add3A_681, %broadcast_in_dim3A_683] : memref<80x17xf32, #tpu.memory_space<vmem>>[vector<16xi32>, vector<16xi32>], vector<16xf32>,
      %add3A_685 = arith.addf %broadcast_in_dim3A_3, %gather3A_684 : vector<16xf32>
      %broadcast_in_dim3A_686 = arith.constant 1 : i32
      %broadcast_in_dim3A_687 = vector.broadcast %broadcast_in_dim3A_686 : i32 to vector<16xi32>
      %gather3A_688 = tpu.vector_load_idx %arg20[%add3A_681, %broadcast_in_dim3A_687] : memref<80x17xf32, #tpu.memory_space<vmem>>[vector<16xi32>, vector<16xi32>], vector<16xf32>,
      %add3A_689 = arith.addf %add3A_685, %gather3A_688 : vector<16xf32>
      %broadcast_in_dim3A_690 = arith.constant 2 : i32
      %broadcast_in_dim3A_691 = vector.broadcast %broadcast_in_dim3A_690 : i32 to vector<16xi32>
      %gather3A_692 = tpu.vector_load_idx %arg20[%add3A_681, %broadcast_in_dim3A_691] : memref<80x17xf32, #tpu.memory_space<vmem>>[vector<16xi32>, vector<16xi32>], vector<16xf32>,
      %add3A_693 = arith.addf %add3A_689, %gather3A_692 : vector<16xf32>
      %broadcast_in_dim3A_694 = arith.constant 3 : i32
      %broadcast_in_dim3A_695 = vector.broadcast %broadcast_in_dim3A_694 : i32 to vector<16xi32>
      %gather3A_696 = tpu.vector_load_idx %arg20[%add3A_681, %broadcast_in_dim3A_695] : memref<80x17xf32, #tpu.memory_space<vmem>>[vector<16xi32>, vector<16xi32>], vector<16xf32>,
      %add3A_697 = arith.addf %add3A_693, %gather3A_696 : vector<16xf32>
      %broadcast_in_dim3A_698 = arith.constant 4 : i32
      %broadcast_in_dim3A_699 = vector.broadcast %broadcast_in_dim3A_698 : i32 to vector<16xi32>
      %gather3A_700 = tpu.vector_load_idx %arg20[%add3A_681, %broadcast_in_dim3A_699] : memref<80x17xf32, #tpu.memory_space<vmem>>[vector<16xi32>, vector<16xi32>], vector<16xf32>,
      %add3A_701 = arith.addf %add3A_697, %gather3A_700 : vector<16xf32>
      %broadcast_in_dim3A_702 = arith.constant 5 : i32
      %broadcast_in_dim3A_703 = vector.broadcast %broadcast_in_dim3A_702 : i32 to vector<16xi32>
      %gather3A_704 = tpu.vector_load_idx %arg20[%add3A_681, %broadcast_in_dim3A_703] : memref<80x17xf32, #tpu.memory_space<vmem>>[vector<16xi32>, vector<16xi32>], vector<16xf32>,
      %add3A_705 = arith.addf %add3A_701, %gather3A_704 : vector<16xf32>
      %broadcast_in_dim3A_706 = arith.constant 6 : i32
      %broadcast_in_dim3A_707 = vector.broadcast %broadcast_in_dim3A_706 : i32 to vector<16xi32>
      %gather3A_708 = tpu.vector_load_idx %arg20[%add3A_681, %broadcast_in_dim3A_707] : memref<80x17xf32, #tpu.memory_space<vmem>>[vector<16xi32>, vector<16xi32>], vector<16xf32>,
      %add3A_709 = arith.addf %add3A_705, %gather3A_708 : vector<16xf32>
      %broadcast_in_dim3A_710 = arith.constant 7 : i32
      %broadcast_in_dim3A_711 = vector.broadcast %broadcast_in_dim3A_710 : i32 to vector<16xi32>
      %gather3A_712 = tpu.vector_load_idx %arg20[%add3A_681, %broadcast_in_dim3A_711] : memref<80x17xf32, #tpu.memory_space<vmem>>[vector<16xi32>, vector<16xi32>], vector<16xf32>,
      %add3A_713 = arith.addf %add3A_709, %gather3A_712 : vector<16xf32>
      %broadcast_in_dim3A_714 = arith.constant 8 : i32
      %broadcast_in_dim3A_715 = vector.broadcast %broadcast_in_dim3A_714 : i32 to vector<16xi32>
      %gather3A_716 = tpu.vector_load_idx %arg20[%add3A_681, %broadcast_in_dim3A_715] : memref<80x17xf32, #tpu.memory_space<vmem>>[vector<16xi32>, vector<16xi32>], vector<16xf32>,
      %add3A_717 = arith.addf %add3A_713, %gather3A_716 : vector<16xf32>
      %broadcast_in_dim3A_718 = arith.constant 9 : i32
      %broadcast_in_dim3A_719 = vector.broadcast %broadcast_in_dim3A_718 : i32 to vector<16xi32>
      %gather3A_720 = tpu.vector_load_idx %arg20[%add3A_681, %broadcast_in_dim3A_719] : memref<80x17xf32, #tpu.memory_space<vmem>>[vector<16xi32>, vector<16xi32>], vector<16xf32>,
      %add3A_721 = arith.addf %add3A_717, %gather3A_720 : vector<16xf32>
      %broadcast_in_dim3A_722 = arith.constant 10 : i32
      %broadcast_in_dim3A_723 = vector.broadcast %broadcast_in_dim3A_722 : i32 to vector<16xi32>
      %gather3A_724 = tpu.vector_load_idx %arg20[%add3A_681, %broadcast_in_dim3A_723] : memref<80x17xf32, #tpu.memory_space<vmem>>[vector<16xi32>, vector<16xi32>], vector<16xf32>,
      %add3A_725 = arith.addf %add3A_721, %gather3A_724 : vector<16xf32>
      %broadcast_in_dim3A_726 = arith.constant 11 : i32
      %broadcast_in_dim3A_727 = vector.broadcast %broadcast_in_dim3A_726 : i32 to vector<16xi32>
      %gather3A_728 = tpu.vector_load_idx %arg20[%add3A_681, %broadcast_in_dim3A_727] : memref<80x17xf32, #tpu.memory_space<vmem>>[vector<16xi32>, vector<16xi32>], vector<16xf32>,
      %add3A_729 = arith.addf %add3A_725, %gather3A_728 : vector<16xf32>
      %broadcast_in_dim3A_730 = arith.constant 12 : i32
      %broadcast_in_dim3A_731 = vector.broadcast %broadcast_in_dim3A_730 : i32 to vector<16xi32>
      %gather3A_732 = tpu.vector_load_idx %arg20[%add3A_681, %broadcast_in_dim3A_731] : memref<80x17xf32, #tpu.memory_space<vmem>>[vector<16xi32>, vector<16xi32>], vector<16xf32>,
      %add3A_733 = arith.addf %add3A_729, %gather3A_732 : vector<16xf32>
      %broadcast_in_dim3A_734 = arith.constant 13 : i32
      %broadcast_in_dim3A_735 = vector.broadcast %broadcast_in_dim3A_734 : i32 to vector<16xi32>
      %gather3A_736 = tpu.vector_load_idx %arg20[%add3A_681, %broadcast_in_dim3A_735] : memref<80x17xf32, #tpu.memory_space<vmem>>[vector<16xi32>, vector<16xi32>], vector<16xf32>,
      %add3A_737 = arith.addf %add3A_733, %gather3A_736 : vector<16xf32>
      %broadcast_in_dim3A_738 = arith.constant 14 : i32
      %broadcast_in_dim3A_739 = vector.broadcast %broadcast_in_dim3A_738 : i32 to vector<16xi32>
      %gather3A_740 = tpu.vector_load_idx %arg20[%add3A_681, %broadcast_in_dim3A_739] : memref<80x17xf32, #tpu.memory_space<vmem>>[vector<16xi32>, vector<16xi32>], vector<16xf32>,
      %add3A_741 = arith.addf %add3A_737, %gather3A_740 : vector<16xf32>
      %broadcast_in_dim3A_742 = arith.constant 15 : i32
      %broadcast_in_dim3A_743 = vector.broadcast %broadcast_in_dim3A_742 : i32 to vector<16xi32>
      %gather3A_744 = tpu.vector_load_idx %arg20[%add3A_681, %broadcast_in_dim3A_743] : memref<80x17xf32, #tpu.memory_space<vmem>>[vector<16xi32>, vector<16xi32>], vector<16xf32>,
      %add3A_745 = arith.addf %add3A_741, %gather3A_744 : vector<16xf32>
      %swap3A_746 = arith.constant 1 : i32
      %swap3A_747 = arith.index_cast %swap3A_746 : i32 to index
      %swap3A_748 = arith.constant 16 : index
      %swap3A_749 = tpu.vector_load %arg19[%swap3A_747, %swap3A_748] {strides = array<i32>} : memref<2x80xf32, #tpu.memory_space<vmem>>, vector<16xf32>,
      tpu.vector_store %arg19[%swap3A_747, %swap3A_748], %add3A_745 {strides = array<i32>} : memref<2x80xf32, #tpu.memory_space<vmem>>, vector<16xf32>,
      %add3A_750 = arith.constant 32 : i32
      %add3A_751 = vector.broadcast %add3A_750 : i32 to vector<16xi32>
      %add3A_752 = arith.addi %add3A_751, %iota3A : vector<16xi32>
      %broadcast_in_dim3A_753 = arith.constant 0 : i32
      %broadcast_in_dim3A_754 = vector.broadcast %broadcast_in_dim3A_753 : i32 to vector<16xi32>
      %gather3A_755 = tpu.vector_load_idx %arg20[%add3A_752, %broadcast_in_dim3A_754] : memref<80x17xf32, #tpu.memory_space<vmem>>[vector<16xi32>, vector<16xi32>], vector<16xf32>,
      %add3A_756 = arith.addf %broadcast_in_dim3A_3, %gather3A_755 : vector<16xf32>
      %broadcast_in_dim3A_757 = arith.constant 1 : i32
      %broadcast_in_dim3A_758 = vector.broadcast %broadcast_in_dim3A_757 : i32 to vector<16xi32>
      %gather3A_759 = tpu.vector_load_idx %arg20[%add3A_752, %broadcast_in_dim3A_758] : memref<80x17xf32, #tpu.memory_space<vmem>>[vector<16xi32>, vector<16xi32>], vector<16xf32>,
      %add3A_760 = arith.addf %add3A_756, %gather3A_759 : vector<16xf32>
      %broadcast_in_dim3A_761 = arith.constant 2 : i32
      %broadcast_in_dim3A_762 = vector.broadcast %broadcast_in_dim3A_761 : i32 to vector<16xi32>
      %gather3A_763 = tpu.vector_load_idx %arg20[%add3A_752, %broadcast_in_dim3A_762] : memref<80x17xf32, #tpu.memory_space<vmem>>[vector<16xi32>, vector<16xi32>], vector<16xf32>,
      %add3A_764 = arith.addf %add3A_760, %gather3A_763 : vector<16xf32>
      %broadcast_in_dim3A_765 = arith.constant 3 : i32
      %broadcast_in_dim3A_766 = vector.broadcast %broadcast_in_dim3A_765 : i32 to vector<16xi32>
      %gather3A_767 = tpu.vector_load_idx %arg20[%add3A_752, %broadcast_in_dim3A_766] : memref<80x17xf32, #tpu.memory_space<vmem>>[vector<16xi32>, vector<16xi32>], vector<16xf32>,
      %add3A_768 = arith.addf %add3A_764, %gather3A_767 : vector<16xf32>
      %broadcast_in_dim3A_769 = arith.constant 4 : i32
      %broadcast_in_dim3A_770 = vector.broadcast %broadcast_in_dim3A_769 : i32 to vector<16xi32>
      %gather3A_771 = tpu.vector_load_idx %arg20[%add3A_752, %broadcast_in_dim3A_770] : memref<80x17xf32, #tpu.memory_space<vmem>>[vector<16xi32>, vector<16xi32>], vector<16xf32>,
      %add3A_772 = arith.addf %add3A_768, %gather3A_771 : vector<16xf32>
      %broadcast_in_dim3A_773 = arith.constant 5 : i32
      %broadcast_in_dim3A_774 = vector.broadcast %broadcast_in_dim3A_773 : i32 to vector<16xi32>
      %gather3A_775 = tpu.vector_load_idx %arg20[%add3A_752, %broadcast_in_dim3A_774] : memref<80x17xf32, #tpu.memory_space<vmem>>[vector<16xi32>, vector<16xi32>], vector<16xf32>,
      %add3A_776 = arith.addf %add3A_772, %gather3A_775 : vector<16xf32>
      %broadcast_in_dim3A_777 = arith.constant 6 : i32
      %broadcast_in_dim3A_778 = vector.broadcast %broadcast_in_dim3A_777 : i32 to vector<16xi32>
      %gather3A_779 = tpu.vector_load_idx %arg20[%add3A_752, %broadcast_in_dim3A_778] : memref<80x17xf32, #tpu.memory_space<vmem>>[vector<16xi32>, vector<16xi32>], vector<16xf32>,
      %add3A_780 = arith.addf %add3A_776, %gather3A_779 : vector<16xf32>
      %broadcast_in_dim3A_781 = arith.constant 7 : i32
      %broadcast_in_dim3A_782 = vector.broadcast %broadcast_in_dim3A_781 : i32 to vector<16xi32>
      %gather3A_783 = tpu.vector_load_idx %arg20[%add3A_752, %broadcast_in_dim3A_782] : memref<80x17xf32, #tpu.memory_space<vmem>>[vector<16xi32>, vector<16xi32>], vector<16xf32>,
      %add3A_784 = arith.addf %add3A_780, %gather3A_783 : vector<16xf32>
      %broadcast_in_dim3A_785 = arith.constant 8 : i32
      %broadcast_in_dim3A_786 = vector.broadcast %broadcast_in_dim3A_785 : i32 to vector<16xi32>
      %gather3A_787 = tpu.vector_load_idx %arg20[%add3A_752, %broadcast_in_dim3A_786] : memref<80x17xf32, #tpu.memory_space<vmem>>[vector<16xi32>, vector<16xi32>], vector<16xf32>,
      %add3A_788 = arith.addf %add3A_784, %gather3A_787 : vector<16xf32>
      %broadcast_in_dim3A_789 = arith.constant 9 : i32
      %broadcast_in_dim3A_790 = vector.broadcast %broadcast_in_dim3A_789 : i32 to vector<16xi32>
      %gather3A_791 = tpu.vector_load_idx %arg20[%add3A_752, %broadcast_in_dim3A_790] : memref<80x17xf32, #tpu.memory_space<vmem>>[vector<16xi32>, vector<16xi32>], vector<16xf32>,
      %add3A_792 = arith.addf %add3A_788, %gather3A_791 : vector<16xf32>
      %broadcast_in_dim3A_793 = arith.constant 10 : i32
      %broadcast_in_dim3A_794 = vector.broadcast %broadcast_in_dim3A_793 : i32 to vector<16xi32>
      %gather3A_795 = tpu.vector_load_idx %arg20[%add3A_752, %broadcast_in_dim3A_794] : memref<80x17xf32, #tpu.memory_space<vmem>>[vector<16xi32>, vector<16xi32>], vector<16xf32>,
      %add3A_796 = arith.addf %add3A_792, %gather3A_795 : vector<16xf32>
      %broadcast_in_dim3A_797 = arith.constant 11 : i32
      %broadcast_in_dim3A_798 = vector.broadcast %broadcast_in_dim3A_797 : i32 to vector<16xi32>
      %gather3A_799 = tpu.vector_load_idx %arg20[%add3A_752, %broadcast_in_dim3A_798] : memref<80x17xf32, #tpu.memory_space<vmem>>[vector<16xi32>, vector<16xi32>], vector<16xf32>,
      %add3A_800 = arith.addf %add3A_796, %gather3A_799 : vector<16xf32>
      %broadcast_in_dim3A_801 = arith.constant 12 : i32
      %broadcast_in_dim3A_802 = vector.broadcast %broadcast_in_dim3A_801 : i32 to vector<16xi32>
      %gather3A_803 = tpu.vector_load_idx %arg20[%add3A_752, %broadcast_in_dim3A_802] : memref<80x17xf32, #tpu.memory_space<vmem>>[vector<16xi32>, vector<16xi32>], vector<16xf32>,
      %add3A_804 = arith.addf %add3A_800, %gather3A_803 : vector<16xf32>
      %broadcast_in_dim3A_805 = arith.constant 13 : i32
      %broadcast_in_dim3A_806 = vector.broadcast %broadcast_in_dim3A_805 : i32 to vector<16xi32>
      %gather3A_807 = tpu.vector_load_idx %arg20[%add3A_752, %broadcast_in_dim3A_806] : memref<80x17xf32, #tpu.memory_space<vmem>>[vector<16xi32>, vector<16xi32>], vector<16xf32>,
      %add3A_808 = arith.addf %add3A_804, %gather3A_807 : vector<16xf32>
      %broadcast_in_dim3A_809 = arith.constant 14 : i32
      %broadcast_in_dim3A_810 = vector.broadcast %broadcast_in_dim3A_809 : i32 to vector<16xi32>
      %gather3A_811 = tpu.vector_load_idx %arg20[%add3A_752, %broadcast_in_dim3A_810] : memref<80x17xf32, #tpu.memory_space<vmem>>[vector<16xi32>, vector<16xi32>], vector<16xf32>,
      %add3A_812 = arith.addf %add3A_808, %gather3A_811 : vector<16xf32>
      %broadcast_in_dim3A_813 = arith.constant 15 : i32
      %broadcast_in_dim3A_814 = vector.broadcast %broadcast_in_dim3A_813 : i32 to vector<16xi32>
      %gather3A_815 = tpu.vector_load_idx %arg20[%add3A_752, %broadcast_in_dim3A_814] : memref<80x17xf32, #tpu.memory_space<vmem>>[vector<16xi32>, vector<16xi32>], vector<16xf32>,
      %add3A_816 = arith.addf %add3A_812, %gather3A_815 : vector<16xf32>
      %swap3A_817 = arith.constant 1 : i32
      %swap3A_818 = arith.index_cast %swap3A_817 : i32 to index
      %swap3A_819 = arith.constant 32 : index
      %swap3A_820 = tpu.vector_load %arg19[%swap3A_818, %swap3A_819] {strides = array<i32>} : memref<2x80xf32, #tpu.memory_space<vmem>>, vector<16xf32>,
      tpu.vector_store %arg19[%swap3A_818, %swap3A_819], %add3A_816 {strides = array<i32>} : memref<2x80xf32, #tpu.memory_space<vmem>>, vector<16xf32>,
      %add3A_821 = arith.constant 48 : i32
      %add3A_822 = vector.broadcast %add3A_821 : i32 to vector<16xi32>
      %add3A_823 = arith.addi %add3A_822, %iota3A : vector<16xi32>
      %broadcast_in_dim3A_824 = arith.constant 0 : i32
      %broadcast_in_dim3A_825 = vector.broadcast %broadcast_in_dim3A_824 : i32 to vector<16xi32>
      %gather3A_826 = tpu.vector_load_idx %arg20[%add3A_823, %broadcast_in_dim3A_825] : memref<80x17xf32, #tpu.memory_space<vmem>>[vector<16xi32>, vector<16xi32>], vector<16xf32>,
      %add3A_827 = arith.addf %broadcast_in_dim3A_3, %gather3A_826 : vector<16xf32>
      %broadcast_in_dim3A_828 = arith.constant 1 : i32
      %broadcast_in_dim3A_829 = vector.broadcast %broadcast_in_dim3A_828 : i32 to vector<16xi32>
      %gather3A_830 = tpu.vector_load_idx %arg20[%add3A_823, %broadcast_in_dim3A_829] : memref<80x17xf32, #tpu.memory_space<vmem>>[vector<16xi32>, vector<16xi32>], vector<16xf32>,
      %add3A_831 = arith.addf %add3A_827, %gather3A_830 : vector<16xf32>
      %broadcast_in_dim3A_832 = arith.constant 2 : i32
      %broadcast_in_dim3A_833 = vector.broadcast %broadcast_in_dim3A_832 : i32 to vector<16xi32>
      %gather3A_834 = tpu.vector_load_idx %arg20[%add3A_823, %broadcast_in_dim3A_833] : memref<80x17xf32, #tpu.memory_space<vmem>>[vector<16xi32>, vector<16xi32>], vector<16xf32>,
      %add3A_835 = arith.addf %add3A_831, %gather3A_834 : vector<16xf32>
      %broadcast_in_dim3A_836 = arith.constant 3 : i32
      %broadcast_in_dim3A_837 = vector.broadcast %broadcast_in_dim3A_836 : i32 to vector<16xi32>
      %gather3A_838 = tpu.vector_load_idx %arg20[%add3A_823, %broadcast_in_dim3A_837] : memref<80x17xf32, #tpu.memory_space<vmem>>[vector<16xi32>, vector<16xi32>], vector<16xf32>,
      %add3A_839 = arith.addf %add3A_835, %gather3A_838 : vector<16xf32>
      %broadcast_in_dim3A_840 = arith.constant 4 : i32
      %broadcast_in_dim3A_841 = vector.broadcast %broadcast_in_dim3A_840 : i32 to vector<16xi32>
      %gather3A_842 = tpu.vector_load_idx %arg20[%add3A_823, %broadcast_in_dim3A_841] : memref<80x17xf32, #tpu.memory_space<vmem>>[vector<16xi32>, vector<16xi32>], vector<16xf32>,
      %add3A_843 = arith.addf %add3A_839, %gather3A_842 : vector<16xf32>
      %broadcast_in_dim3A_844 = arith.constant 5 : i32
      %broadcast_in_dim3A_845 = vector.broadcast %broadcast_in_dim3A_844 : i32 to vector<16xi32>
      %gather3A_846 = tpu.vector_load_idx %arg20[%add3A_823, %broadcast_in_dim3A_845] : memref<80x17xf32, #tpu.memory_space<vmem>>[vector<16xi32>, vector<16xi32>], vector<16xf32>,
      %add3A_847 = arith.addf %add3A_843, %gather3A_846 : vector<16xf32>
      %broadcast_in_dim3A_848 = arith.constant 6 : i32
      %broadcast_in_dim3A_849 = vector.broadcast %broadcast_in_dim3A_848 : i32 to vector<16xi32>
      %gather3A_850 = tpu.vector_load_idx %arg20[%add3A_823, %broadcast_in_dim3A_849] : memref<80x17xf32, #tpu.memory_space<vmem>>[vector<16xi32>, vector<16xi32>], vector<16xf32>,
      %add3A_851 = arith.addf %add3A_847, %gather3A_850 : vector<16xf32>
      %broadcast_in_dim3A_852 = arith.constant 7 : i32
      %broadcast_in_dim3A_853 = vector.broadcast %broadcast_in_dim3A_852 : i32 to vector<16xi32>
      %gather3A_854 = tpu.vector_load_idx %arg20[%add3A_823, %broadcast_in_dim3A_853] : memref<80x17xf32, #tpu.memory_space<vmem>>[vector<16xi32>, vector<16xi32>], vector<16xf32>,
      %add3A_855 = arith.addf %add3A_851, %gather3A_854 : vector<16xf32>
      %broadcast_in_dim3A_856 = arith.constant 8 : i32
      %broadcast_in_dim3A_857 = vector.broadcast %broadcast_in_dim3A_856 : i32 to vector<16xi32>
      %gather3A_858 = tpu.vector_load_idx %arg20[%add3A_823, %broadcast_in_dim3A_857] : memref<80x17xf32, #tpu.memory_space<vmem>>[vector<16xi32>, vector<16xi32>], vector<16xf32>,
      %add3A_859 = arith.addf %add3A_855, %gather3A_858 : vector<16xf32>
      %broadcast_in_dim3A_860 = arith.constant 9 : i32
      %broadcast_in_dim3A_861 = vector.broadcast %broadcast_in_dim3A_860 : i32 to vector<16xi32>
      %gather3A_862 = tpu.vector_load_idx %arg20[%add3A_823, %broadcast_in_dim3A_861] : memref<80x17xf32, #tpu.memory_space<vmem>>[vector<16xi32>, vector<16xi32>], vector<16xf32>,
      %add3A_863 = arith.addf %add3A_859, %gather3A_862 : vector<16xf32>
      %broadcast_in_dim3A_864 = arith.constant 10 : i32
      %broadcast_in_dim3A_865 = vector.broadcast %broadcast_in_dim3A_864 : i32 to vector<16xi32>
      %gather3A_866 = tpu.vector_load_idx %arg20[%add3A_823, %broadcast_in_dim3A_865] : memref<80x17xf32, #tpu.memory_space<vmem>>[vector<16xi32>, vector<16xi32>], vector<16xf32>,
      %add3A_867 = arith.addf %add3A_863, %gather3A_866 : vector<16xf32>
      %broadcast_in_dim3A_868 = arith.constant 11 : i32
      %broadcast_in_dim3A_869 = vector.broadcast %broadcast_in_dim3A_868 : i32 to vector<16xi32>
      %gather3A_870 = tpu.vector_load_idx %arg20[%add3A_823, %broadcast_in_dim3A_869] : memref<80x17xf32, #tpu.memory_space<vmem>>[vector<16xi32>, vector<16xi32>], vector<16xf32>,
      %add3A_871 = arith.addf %add3A_867, %gather3A_870 : vector<16xf32>
      %broadcast_in_dim3A_872 = arith.constant 12 : i32
      %broadcast_in_dim3A_873 = vector.broadcast %broadcast_in_dim3A_872 : i32 to vector<16xi32>
      %gather3A_874 = tpu.vector_load_idx %arg20[%add3A_823, %broadcast_in_dim3A_873] : memref<80x17xf32, #tpu.memory_space<vmem>>[vector<16xi32>, vector<16xi32>], vector<16xf32>,
      %add3A_875 = arith.addf %add3A_871, %gather3A_874 : vector<16xf32>
      %broadcast_in_dim3A_876 = arith.constant 13 : i32
      %broadcast_in_dim3A_877 = vector.broadcast %broadcast_in_dim3A_876 : i32 to vector<16xi32>
      %gather3A_878 = tpu.vector_load_idx %arg20[%add3A_823, %broadcast_in_dim3A_877] : memref<80x17xf32, #tpu.memory_space<vmem>>[vector<16xi32>, vector<16xi32>], vector<16xf32>,
      %add3A_879 = arith.addf %add3A_875, %gather3A_878 : vector<16xf32>
      %broadcast_in_dim3A_880 = arith.constant 14 : i32
      %broadcast_in_dim3A_881 = vector.broadcast %broadcast_in_dim3A_880 : i32 to vector<16xi32>
      %gather3A_882 = tpu.vector_load_idx %arg20[%add3A_823, %broadcast_in_dim3A_881] : memref<80x17xf32, #tpu.memory_space<vmem>>[vector<16xi32>, vector<16xi32>], vector<16xf32>,
      %add3A_883 = arith.addf %add3A_879, %gather3A_882 : vector<16xf32>
      %broadcast_in_dim3A_884 = arith.constant 15 : i32
      %broadcast_in_dim3A_885 = vector.broadcast %broadcast_in_dim3A_884 : i32 to vector<16xi32>
      %gather3A_886 = tpu.vector_load_idx %arg20[%add3A_823, %broadcast_in_dim3A_885] : memref<80x17xf32, #tpu.memory_space<vmem>>[vector<16xi32>, vector<16xi32>], vector<16xf32>,
      %add3A_887 = arith.addf %add3A_883, %gather3A_886 : vector<16xf32>
      %swap3A_888 = arith.constant 1 : i32
      %swap3A_889 = arith.index_cast %swap3A_888 : i32 to index
      %swap3A_890 = arith.constant 48 : index
      %swap3A_891 = tpu.vector_load %arg19[%swap3A_889, %swap3A_890] {strides = array<i32>} : memref<2x80xf32, #tpu.memory_space<vmem>>, vector<16xf32>,
      tpu.vector_store %arg19[%swap3A_889, %swap3A_890], %add3A_887 {strides = array<i32>} : memref<2x80xf32, #tpu.memory_space<vmem>>, vector<16xf32>,
      %add3A_892 = arith.constant 64 : i32
      %add3A_893 = vector.broadcast %add3A_892 : i32 to vector<16xi32>
      %add3A_894 = arith.addi %add3A_893, %iota3A : vector<16xi32>
      %broadcast_in_dim3A_895 = arith.constant 0 : i32
      %broadcast_in_dim3A_896 = vector.broadcast %broadcast_in_dim3A_895 : i32 to vector<16xi32>
      %gather3A_897 = tpu.vector_load_idx %arg20[%add3A_894, %broadcast_in_dim3A_896] : memref<80x17xf32, #tpu.memory_space<vmem>>[vector<16xi32>, vector<16xi32>], vector<16xf32>,
      %add3A_898 = arith.addf %broadcast_in_dim3A_3, %gather3A_897 : vector<16xf32>
      %broadcast_in_dim3A_899 = arith.constant 1 : i32
      %broadcast_in_dim3A_900 = vector.broadcast %broadcast_in_dim3A_899 : i32 to vector<16xi32>
      %gather3A_901 = tpu.vector_load_idx %arg20[%add3A_894, %broadcast_in_dim3A_900] : memref<80x17xf32, #tpu.memory_space<vmem>>[vector<16xi32>, vector<16xi32>], vector<16xf32>,
      %add3A_902 = arith.addf %add3A_898, %gather3A_901 : vector<16xf32>
      %broadcast_in_dim3A_903 = arith.constant 2 : i32
      %broadcast_in_dim3A_904 = vector.broadcast %broadcast_in_dim3A_903 : i32 to vector<16xi32>
      %gather3A_905 = tpu.vector_load_idx %arg20[%add3A_894, %broadcast_in_dim3A_904] : memref<80x17xf32, #tpu.memory_space<vmem>>[vector<16xi32>, vector<16xi32>], vector<16xf32>,
      %add3A_906 = arith.addf %add3A_902, %gather3A_905 : vector<16xf32>
      %broadcast_in_dim3A_907 = arith.constant 3 : i32
      %broadcast_in_dim3A_908 = vector.broadcast %broadcast_in_dim3A_907 : i32 to vector<16xi32>
      %gather3A_909 = tpu.vector_load_idx %arg20[%add3A_894, %broadcast_in_dim3A_908] : memref<80x17xf32, #tpu.memory_space<vmem>>[vector<16xi32>, vector<16xi32>], vector<16xf32>,
      %add3A_910 = arith.addf %add3A_906, %gather3A_909 : vector<16xf32>
      %broadcast_in_dim3A_911 = arith.constant 4 : i32
      %broadcast_in_dim3A_912 = vector.broadcast %broadcast_in_dim3A_911 : i32 to vector<16xi32>
      %gather3A_913 = tpu.vector_load_idx %arg20[%add3A_894, %broadcast_in_dim3A_912] : memref<80x17xf32, #tpu.memory_space<vmem>>[vector<16xi32>, vector<16xi32>], vector<16xf32>,
      %add3A_914 = arith.addf %add3A_910, %gather3A_913 : vector<16xf32>
      %broadcast_in_dim3A_915 = arith.constant 5 : i32
      %broadcast_in_dim3A_916 = vector.broadcast %broadcast_in_dim3A_915 : i32 to vector<16xi32>
      %gather3A_917 = tpu.vector_load_idx %arg20[%add3A_894, %broadcast_in_dim3A_916] : memref<80x17xf32, #tpu.memory_space<vmem>>[vector<16xi32>, vector<16xi32>], vector<16xf32>,
      %add3A_918 = arith.addf %add3A_914, %gather3A_917 : vector<16xf32>
      %broadcast_in_dim3A_919 = arith.constant 6 : i32
      %broadcast_in_dim3A_920 = vector.broadcast %broadcast_in_dim3A_919 : i32 to vector<16xi32>
      %gather3A_921 = tpu.vector_load_idx %arg20[%add3A_894, %broadcast_in_dim3A_920] : memref<80x17xf32, #tpu.memory_space<vmem>>[vector<16xi32>, vector<16xi32>], vector<16xf32>,
      %add3A_922 = arith.addf %add3A_918, %gather3A_921 : vector<16xf32>
      %broadcast_in_dim3A_923 = arith.constant 7 : i32
      %broadcast_in_dim3A_924 = vector.broadcast %broadcast_in_dim3A_923 : i32 to vector<16xi32>
      %gather3A_925 = tpu.vector_load_idx %arg20[%add3A_894, %broadcast_in_dim3A_924] : memref<80x17xf32, #tpu.memory_space<vmem>>[vector<16xi32>, vector<16xi32>], vector<16xf32>,
      %add3A_926 = arith.addf %add3A_922, %gather3A_925 : vector<16xf32>
      %broadcast_in_dim3A_927 = arith.constant 8 : i32
      %broadcast_in_dim3A_928 = vector.broadcast %broadcast_in_dim3A_927 : i32 to vector<16xi32>
      %gather3A_929 = tpu.vector_load_idx %arg20[%add3A_894, %broadcast_in_dim3A_928] : memref<80x17xf32, #tpu.memory_space<vmem>>[vector<16xi32>, vector<16xi32>], vector<16xf32>,
      %add3A_930 = arith.addf %add3A_926, %gather3A_929 : vector<16xf32>
      %broadcast_in_dim3A_931 = arith.constant 9 : i32
      %broadcast_in_dim3A_932 = vector.broadcast %broadcast_in_dim3A_931 : i32 to vector<16xi32>
      %gather3A_933 = tpu.vector_load_idx %arg20[%add3A_894, %broadcast_in_dim3A_932] : memref<80x17xf32, #tpu.memory_space<vmem>>[vector<16xi32>, vector<16xi32>], vector<16xf32>,
      %add3A_934 = arith.addf %add3A_930, %gather3A_933 : vector<16xf32>
      %broadcast_in_dim3A_935 = arith.constant 10 : i32
      %broadcast_in_dim3A_936 = vector.broadcast %broadcast_in_dim3A_935 : i32 to vector<16xi32>
      %gather3A_937 = tpu.vector_load_idx %arg20[%add3A_894, %broadcast_in_dim3A_936] : memref<80x17xf32, #tpu.memory_space<vmem>>[vector<16xi32>, vector<16xi32>], vector<16xf32>,
      %add3A_938 = arith.addf %add3A_934, %gather3A_937 : vector<16xf32>
      %broadcast_in_dim3A_939 = arith.constant 11 : i32
      %broadcast_in_dim3A_940 = vector.broadcast %broadcast_in_dim3A_939 : i32 to vector<16xi32>
      %gather3A_941 = tpu.vector_load_idx %arg20[%add3A_894, %broadcast_in_dim3A_940] : memref<80x17xf32, #tpu.memory_space<vmem>>[vector<16xi32>, vector<16xi32>], vector<16xf32>,
      %add3A_942 = arith.addf %add3A_938, %gather3A_941 : vector<16xf32>
      %broadcast_in_dim3A_943 = arith.constant 12 : i32
      %broadcast_in_dim3A_944 = vector.broadcast %broadcast_in_dim3A_943 : i32 to vector<16xi32>
      %gather3A_945 = tpu.vector_load_idx %arg20[%add3A_894, %broadcast_in_dim3A_944] : memref<80x17xf32, #tpu.memory_space<vmem>>[vector<16xi32>, vector<16xi32>], vector<16xf32>,
      %add3A_946 = arith.addf %add3A_942, %gather3A_945 : vector<16xf32>
      %broadcast_in_dim3A_947 = arith.constant 13 : i32
      %broadcast_in_dim3A_948 = vector.broadcast %broadcast_in_dim3A_947 : i32 to vector<16xi32>
      %gather3A_949 = tpu.vector_load_idx %arg20[%add3A_894, %broadcast_in_dim3A_948] : memref<80x17xf32, #tpu.memory_space<vmem>>[vector<16xi32>, vector<16xi32>], vector<16xf32>,
      %add3A_950 = arith.addf %add3A_946, %gather3A_949 : vector<16xf32>
      %broadcast_in_dim3A_951 = arith.constant 14 : i32
      %broadcast_in_dim3A_952 = vector.broadcast %broadcast_in_dim3A_951 : i32 to vector<16xi32>
      %gather3A_953 = tpu.vector_load_idx %arg20[%add3A_894, %broadcast_in_dim3A_952] : memref<80x17xf32, #tpu.memory_space<vmem>>[vector<16xi32>, vector<16xi32>], vector<16xf32>,
      %add3A_954 = arith.addf %add3A_950, %gather3A_953 : vector<16xf32>
      %broadcast_in_dim3A_955 = arith.constant 15 : i32
      %broadcast_in_dim3A_956 = vector.broadcast %broadcast_in_dim3A_955 : i32 to vector<16xi32>
      %gather3A_957 = tpu.vector_load_idx %arg20[%add3A_894, %broadcast_in_dim3A_956] : memref<80x17xf32, #tpu.memory_space<vmem>>[vector<16xi32>, vector<16xi32>], vector<16xf32>,
      %add3A_958 = arith.addf %add3A_954, %gather3A_957 : vector<16xf32>
      %swap3A_959 = arith.constant 1 : i32
      %swap3A_960 = arith.index_cast %swap3A_959 : i32 to index
      %swap3A_961 = arith.constant 64 : index
      %swap3A_962 = tpu.vector_load %arg19[%swap3A_960, %swap3A_961] {strides = array<i32>} : memref<2x80xf32, #tpu.memory_space<vmem>>, vector<16xf32>,
      tpu.vector_store %arg19[%swap3A_960, %swap3A_961], %add3A_958 {strides = array<i32>} : memref<2x80xf32, #tpu.memory_space<vmem>>, vector<16xf32>,
      %dma_start3A_963 = arith.constant 1 : i32
      %dma_start3A_964 = arith.constant 1 : i32
      %dma_start3A_965 = arith.constant 0 : i32
      %dma_start3A_966 = tpu.memref_slice %arg19[%dma_start3A_963, %dma_start3A_965] : memref<2x80xf32, #tpu.memory_space<vmem>> -> memref<1x80xf32, #tpu.memory_space<vmem>>
      %dma_start3A_967 = tpu.memref_squeeze %dma_start3A_966 : memref<1x80xf32, #tpu.memory_space<vmem>> -> memref<80xf32, #tpu.memory_space<vmem>>
      %dma_start3A_968 = arith.constant 0 : i32
      %dma_start3A_969 = tpu.memref_slice %arg15[%dma_start3A_964, %dma_start3A_968] : memref<2x80xi32, #tpu.memory_space<vmem>> -> memref<1x80xi32, #tpu.memory_space<vmem>>
      %dma_start3A_970 = tpu.memref_squeeze %dma_start3A_969 : memref<1x80xi32, #tpu.memory_space<vmem>> -> memref<80xi32, #tpu.memory_space<vmem>>
      %dma_start3A_971 = arith.constant 0 : i32
      %dma_start3A_972 = tpu.memref_slice %arg24[%dma_start3A_971] : memref<40192xf32, #tpu.memory_space<vmem_shared>> -> memref<40192xf32, #tpu.memory_space<vmem_shared>>
      tpu.enqueue_indirect_dma source(%dma_start3A_967 : memref<80xf32, #tpu.memory_space<vmem>>) target(%dma_start3A_972 : memref<40192xf32, #tpu.memory_space<vmem_shared>>) offsets(%dma_start3A_970 : memref<80xi32, #tpu.memory_space<vmem>>) semaphore(%arg29 : memref<!tpu.dma_semaphore, #tpu.memory_space<semaphore_mem>>) {add = true}
      %dma_start3A_973 = arith.constant 1 : i32
      %dma_start3A_974 = arith.constant 0 : i32
      %dma_start3A_975 = tpu.memref_slice %arg15[%dma_start3A_973, %dma_start3A_974] : memref<2x80xi32, #tpu.memory_space<vmem>> -> memref<1x80xi32, #tpu.memory_space<vmem>>
      %dma_start3A_976 = tpu.memref_squeeze %dma_start3A_975 : memref<1x80xi32, #tpu.memory_space<vmem>> -> memref<80xi32, #tpu.memory_space<vmem>>
      %dma_start3A_977 = arith.constant 0 : i32
      %dma_start3A_978 = tpu.memref_slice %arg25[%dma_start3A_977] : memref<40192xf32, #tpu.memory_space<vmem_shared>> -> memref<40192xf32, #tpu.memory_space<vmem_shared>>
      tpu.enqueue_indirect_dma source(%arg21 : memref<80xf32, #tpu.memory_space<vmem>>) target(%dma_start3A_978 : memref<40192xf32, #tpu.memory_space<vmem_shared>>) offsets(%dma_start3A_976 : memref<80xi32, #tpu.memory_space<vmem>>) semaphore(%arg29 : memref<!tpu.dma_semaphore, #tpu.memory_space<semaphore_mem>>) {add = true}
    }
    %scan3A_80 = arith.constant 32 : i32
    %dma_wait3A = arith.constant 0 : i32
    %dma_wait3A_81 = arith.constant 0 : i32
    %dma_wait3A_82 = arith.constant 0 : i32
    %dma_wait3A_83 = tpu.memref_slice %arg19[%dma_wait3A, %dma_wait3A_82] : memref<2x80xf32, #tpu.memory_space<vmem>> -> memref<1x80xf32, #tpu.memory_space<vmem>>
    %dma_wait3A_84 = tpu.memref_squeeze %dma_wait3A_83 : memref<1x80xf32, #tpu.memory_space<vmem>> -> memref<80xf32, #tpu.memory_space<vmem>>
    %dma_wait3A_85 = arith.constant 0 : i32
    %dma_wait3A_86 = tpu.memref_slice %arg15[%dma_wait3A_81, %dma_wait3A_85] : memref<2x80xi32, #tpu.memory_space<vmem>> -> memref<1x80xi32, #tpu.memory_space<vmem>>
    %dma_wait3A_87 = tpu.memref_squeeze %dma_wait3A_86 : memref<1x80xi32, #tpu.memory_space<vmem>> -> memref<80xi32, #tpu.memory_space<vmem>>
    %dma_wait3A_88 = arith.constant 0 : i32
    %dma_wait3A_89 = tpu.memref_slice %arg24[%dma_wait3A_88] : memref<40192xf32, #tpu.memory_space<vmem_shared>> -> memref<40192xf32, #tpu.memory_space<vmem_shared>>
    tpu.wait_indirect_dma semaphore(%arg28 : memref<!tpu.dma_semaphore, #tpu.memory_space<semaphore_mem>>) src(%dma_wait3A_84 : memref<80xf32, #tpu.memory_space<vmem>>) dst(%dma_wait3A_89 : memref<40192xf32, #tpu.memory_space<vmem_shared>>)
    %dma_wait3A_90 = arith.constant 0 : i32
    %dma_wait3A_91 = arith.constant 0 : i32
    %dma_wait3A_92 = tpu.memref_slice %arg15[%dma_wait3A_90, %dma_wait3A_91] : memref<2x80xi32, #tpu.memory_space<vmem>> -> memref<1x80xi32, #tpu.memory_space<vmem>>
    %dma_wait3A_93 = tpu.memref_squeeze %dma_wait3A_92 : memref<1x80xi32, #tpu.memory_space<vmem>> -> memref<80xi32, #tpu.memory_space<vmem>>
    %dma_wait3A_94 = arith.constant 0 : i32
    %dma_wait3A_95 = tpu.memref_slice %arg25[%dma_wait3A_94] : memref<40192xf32, #tpu.memory_space<vmem_shared>> -> memref<40192xf32, #tpu.memory_space<vmem_shared>>
    tpu.wait_indirect_dma semaphore(%arg28 : memref<!tpu.dma_semaphore, #tpu.memory_space<semaphore_mem>>) src(%arg21 : memref<80xf32, #tpu.memory_space<vmem>>) dst(%dma_wait3A_95 : memref<40192xf32, #tpu.memory_space<vmem_shared>>)
    %dma_wait3A_96 = arith.constant 1 : i32
    %dma_wait3A_97 = arith.constant 1 : i32
    %dma_wait3A_98 = arith.constant 0 : i32
    %dma_wait3A_99 = tpu.memref_slice %arg19[%dma_wait3A_96, %dma_wait3A_98] : memref<2x80xf32, #tpu.memory_space<vmem>> -> memref<1x80xf32, #tpu.memory_space<vmem>>
    %dma_wait3A_100 = tpu.memref_squeeze %dma_wait3A_99 : memref<1x80xf32, #tpu.memory_space<vmem>> -> memref<80xf32, #tpu.memory_space<vmem>>
    %dma_wait3A_101 = arith.constant 0 : i32
    %dma_wait3A_102 = tpu.memref_slice %arg15[%dma_wait3A_97, %dma_wait3A_101] : memref<2x80xi32, #tpu.memory_space<vmem>> -> memref<1x80xi32, #tpu.memory_space<vmem>>
    %dma_wait3A_103 = tpu.memref_squeeze %dma_wait3A_102 : memref<1x80xi32, #tpu.memory_space<vmem>> -> memref<80xi32, #tpu.memory_space<vmem>>
    %dma_wait3A_104 = arith.constant 0 : i32
    %dma_wait3A_105 = tpu.memref_slice %arg24[%dma_wait3A_104] : memref<40192xf32, #tpu.memory_space<vmem_shared>> -> memref<40192xf32, #tpu.memory_space<vmem_shared>>
    tpu.wait_indirect_dma semaphore(%arg29 : memref<!tpu.dma_semaphore, #tpu.memory_space<semaphore_mem>>) src(%dma_wait3A_100 : memref<80xf32, #tpu.memory_space<vmem>>) dst(%dma_wait3A_105 : memref<40192xf32, #tpu.memory_space<vmem_shared>>)
    %dma_wait3A_106 = arith.constant 1 : i32
    %dma_wait3A_107 = arith.constant 0 : i32
    %dma_wait3A_108 = tpu.memref_slice %arg15[%dma_wait3A_106, %dma_wait3A_107] : memref<2x80xi32, #tpu.memory_space<vmem>> -> memref<1x80xi32, #tpu.memory_space<vmem>>
    %dma_wait3A_109 = tpu.memref_squeeze %dma_wait3A_108 : memref<1x80xi32, #tpu.memory_space<vmem>> -> memref<80xi32, #tpu.memory_space<vmem>>
    %dma_wait3A_110 = arith.constant 0 : i32
    %dma_wait3A_111 = tpu.memref_slice %arg25[%dma_wait3A_110] : memref<40192xf32, #tpu.memory_space<vmem_shared>> -> memref<40192xf32, #tpu.memory_space<vmem_shared>>
    tpu.wait_indirect_dma semaphore(%arg29 : memref<!tpu.dma_semaphore, #tpu.memory_space<semaphore_mem>>) src(%arg21 : memref<80xf32, #tpu.memory_space<vmem>>) dst(%dma_wait3A_111 : memref<40192xf32, #tpu.memory_space<vmem_shared>>)
    %barrier3A_112 = arith.constant 0 : index
    tpu.barrier barrier_id(%barrier3A_112)
    %mul3A_113 = arith.constant 40192 : i32
    %mul3A_114 = arith.muli %arg0, %mul3A_113 : i32
    %add3A_115 = arith.addi %mul3A_114, %mul3A_20 : i32
    "tpu.region"() ({
      %run_scoped3A = tpu.sem_alloc : memref<!tpu.dma_semaphore, #tpu.memory_space<semaphore_mem>>
      %dma_start3A_116 = tpu.memref_slice %arg24[%mul3A_20] : memref<40192xf32, #tpu.memory_space<vmem_shared>> -> memref<2512xf32, #tpu.memory_space<vmem_shared>>
      %dma_start3A_117 = tpu.memref_slice %arg24[%mul3A_20] : memref<40192xf32, #tpu.memory_space<vmem_shared>> -> memref<2512xf32, #tpu.memory_space<vmem_shared>>
      tpu.enqueue_dma source(%dma_start3A_117 : memref<2512xf32, #tpu.memory_space<vmem_shared>>) target(%arg22 : memref<2512xf32, #tpu.memory_space<vmem>>) target_semaphore(%run_scoped3A : memref<!tpu.dma_semaphore, #tpu.memory_space<semaphore_mem>>)
      %dma_wait3A_118 = tpu.memref_slice %arg24[%mul3A_20] : memref<40192xf32, #tpu.memory_space<vmem_shared>> -> memref<2512xf32, #tpu.memory_space<vmem_shared>>
      %dma_wait3A_119 = tpu.memref_slice %arg24[%mul3A_20] : memref<40192xf32, #tpu.memory_space<vmem_shared>> -> memref<2512xf32, #tpu.memory_space<vmem_shared>>
      tpu.wait_dma2 semaphore(%run_scoped3A : memref<!tpu.dma_semaphore, #tpu.memory_space<semaphore_mem>>) src(%dma_wait3A_119 : memref<2512xf32, #tpu.memory_space<vmem_shared>>) dst(%arg22 : memref<2512xf32, #tpu.memory_space<vmem>>)
      tpu.yield
    }) : () -> ()
    "tpu.region"() ({
      %run_scoped3A = tpu.sem_alloc : memref<!tpu.dma_semaphore, #tpu.memory_space<semaphore_mem>>
      %dma_start3A_116 = tpu.memref_slice %arg10[%add3A_115] : memref<80384xf32, #tpu.memory_space<hbm>> -> memref<2512xf32, #tpu.memory_space<hbm>>
      %dma_start3A_117 = tpu.memref_slice %arg10[%add3A_115] : memref<80384xf32, #tpu.memory_space<hbm>> -> memref<2512xf32, #tpu.memory_space<hbm>>
      tpu.enqueue_dma source(%arg22 : memref<2512xf32, #tpu.memory_space<vmem>>) target(%dma_start3A_117 : memref<2512xf32, #tpu.memory_space<hbm>>) target_semaphore(%run_scoped3A : memref<!tpu.dma_semaphore, #tpu.memory_space<semaphore_mem>>)
      %dma_wait3A_118 = tpu.memref_slice %arg10[%add3A_115] : memref<80384xf32, #tpu.memory_space<hbm>> -> memref<2512xf32, #tpu.memory_space<hbm>>
      %dma_wait3A_119 = tpu.memref_slice %arg10[%add3A_115] : memref<80384xf32, #tpu.memory_space<hbm>> -> memref<2512xf32, #tpu.memory_space<hbm>>
      tpu.wait_dma2 semaphore(%run_scoped3A : memref<!tpu.dma_semaphore, #tpu.memory_space<semaphore_mem>>) src(%arg22 : memref<2512xf32, #tpu.memory_space<vmem>>) dst(%dma_wait3A_119 : memref<2512xf32, #tpu.memory_space<hbm>>)
      tpu.yield
    }) : () -> ()
    "tpu.region"() ({
      %run_scoped3A = tpu.sem_alloc : memref<!tpu.dma_semaphore, #tpu.memory_space<semaphore_mem>>
      %dma_start3A_116 = tpu.memref_slice %arg25[%mul3A_20] : memref<40192xf32, #tpu.memory_space<vmem_shared>> -> memref<2512xf32, #tpu.memory_space<vmem_shared>>
      %dma_start3A_117 = tpu.memref_slice %arg25[%mul3A_20] : memref<40192xf32, #tpu.memory_space<vmem_shared>> -> memref<2512xf32, #tpu.memory_space<vmem_shared>>
      tpu.enqueue_dma source(%dma_start3A_117 : memref<2512xf32, #tpu.memory_space<vmem_shared>>) target(%arg22 : memref<2512xf32, #tpu.memory_space<vmem>>) target_semaphore(%run_scoped3A : memref<!tpu.dma_semaphore, #tpu.memory_space<semaphore_mem>>)
      %dma_wait3A_118 = tpu.memref_slice %arg25[%mul3A_20] : memref<40192xf32, #tpu.memory_space<vmem_shared>> -> memref<2512xf32, #tpu.memory_space<vmem_shared>>
      %dma_wait3A_119 = tpu.memref_slice %arg25[%mul3A_20] : memref<40192xf32, #tpu.memory_space<vmem_shared>> -> memref<2512xf32, #tpu.memory_space<vmem_shared>>
      tpu.wait_dma2 semaphore(%run_scoped3A : memref<!tpu.dma_semaphore, #tpu.memory_space<semaphore_mem>>) src(%dma_wait3A_119 : memref<2512xf32, #tpu.memory_space<vmem_shared>>) dst(%arg22 : memref<2512xf32, #tpu.memory_space<vmem>>)
      tpu.yield
    }) : () -> ()
    "tpu.region"() ({
      %run_scoped3A = tpu.sem_alloc : memref<!tpu.dma_semaphore, #tpu.memory_space<semaphore_mem>>
      %dma_start3A_116 = tpu.memref_slice %arg11[%add3A_115] : memref<80384xf32, #tpu.memory_space<hbm>> -> memref<2512xf32, #tpu.memory_space<hbm>>
      %dma_start3A_117 = tpu.memref_slice %arg11[%add3A_115] : memref<80384xf32, #tpu.memory_space<hbm>> -> memref<2512xf32, #tpu.memory_space<hbm>>
      tpu.enqueue_dma source(%arg22 : memref<2512xf32, #tpu.memory_space<vmem>>) target(%dma_start3A_117 : memref<2512xf32, #tpu.memory_space<hbm>>) target_semaphore(%run_scoped3A : memref<!tpu.dma_semaphore, #tpu.memory_space<semaphore_mem>>)
      %dma_wait3A_118 = tpu.memref_slice %arg11[%add3A_115] : memref<80384xf32, #tpu.memory_space<hbm>> -> memref<2512xf32, #tpu.memory_space<hbm>>
      %dma_wait3A_119 = tpu.memref_slice %arg11[%add3A_115] : memref<80384xf32, #tpu.memory_space<hbm>> -> memref<2512xf32, #tpu.memory_space<hbm>>
      tpu.wait_dma2 semaphore(%run_scoped3A : memref<!tpu.dma_semaphore, #tpu.memory_space<semaphore_mem>>) src(%arg22 : memref<2512xf32, #tpu.memory_space<vmem>>) dst(%dma_wait3A_119 : memref<2512xf32, #tpu.memory_space<hbm>>)
      tpu.yield
    }) : () -> ()
    return
  }
}

module attributes {stable_mosaic.version = 14 : i64} {
  func.func @_prep_body(%arg0: i32, %arg1: memref<2000x128xf32, #tpu.memory_space<vmem>>, %arg2: memref<2000x128xf32, #tpu.memory_space<vmem>>, %arg3: memref<1000x128xf32, #tpu.memory_space<vmem>>, %arg4: memref<128x128xf32, #tpu.memory_space<vmem>>, %arg5: memref<128x128xf32, #tpu.memory_space<vmem>>, %arg6: memref<128x128xf32, #tpu.memory_space<vmem>>, %arg7: memref<128x128xf32, #tpu.memory_space<vmem>>, %arg8: memref<1x128xf32, #tpu.memory_space<vmem>>, %arg9: memref<1x128xf32, #tpu.memory_space<vmem>>, %arg10: memref<2000x128xf32, #tpu.memory_space<vmem>>, %arg11: memref<2000x128xf32, #tpu.memory_space<vmem>>, %arg12: memref<1000x256xf32, #tpu.memory_space<vmem>>) attributes {dimension_semantics = [#tpu.dimension_semantics<arbitrary>], iteration_bounds = array<i64: 5>, scalar_prefetch = 0 : i64, scratch_operands = 0 : i64, tpu.core_type = #tpu.core_type<tc>, window_params = [{transform_indices = @transform_0, window_bounds = array<i64: 2000, 128>}, {transform_indices = @transform_1, window_bounds = array<i64: 2000, 128>}, {pipeline_mode = #tpu.pipeline_mode<synchronous>, transform_indices = @transform_2, window_bounds = array<i64: 1000, 128>}, {pipeline_mode = #tpu.pipeline_mode<synchronous>, transform_indices = @transform_3, window_bounds = array<i64: 128, 128>}, {pipeline_mode = #tpu.pipeline_mode<synchronous>, transform_indices = @transform_4, window_bounds = array<i64: 128, 128>}, {pipeline_mode = #tpu.pipeline_mode<synchronous>, transform_indices = @transform_5, window_bounds = array<i64: 128, 128>}, {pipeline_mode = #tpu.pipeline_mode<synchronous>, transform_indices = @transform_6, window_bounds = array<i64: 128, 128>}, {pipeline_mode = #tpu.pipeline_mode<synchronous>, transform_indices = @transform_7, window_bounds = array<i64: 1, 128>}, {pipeline_mode = #tpu.pipeline_mode<synchronous>, transform_indices = @transform_8, window_bounds = array<i64: 1, 128>}, {transform_indices = @transform_9, window_bounds = array<i64: 2000, 128>}, {transform_indices = @transform_10, window_bounds = array<i64: 2000, 128>}, {pipeline_mode = #tpu.pipeline_mode<synchronous>, transform_indices = @transform_11, window_bounds = array<i64: 1000, 256>}]} {
    %get3A = arith.constant 0 : index
    %get3A_0 = arith.constant 0 : index
    %get3A_1 = vector.load %arg1[%get3A, %get3A_0] : memref<2000x128xf32, #tpu.memory_space<vmem>>, vector<2000x128xf32>
    %get3A_2 = arith.constant 0 : index
    %get3A_3 = arith.constant 0 : index
    %get3A_4 = vector.load %arg4[%get3A_2, %get3A_3] : memref<128x128xf32, #tpu.memory_space<vmem>>, vector<128x128xf32>
    %dot_general3A = arith.constant dense<0.000000e+00> : vector<2000x128xf32>
    %dot_general3A_5 = tpu.matmul %get3A_1, %get3A_4, %dot_general3A {dimension_numbers = #tpu.dot_dimension_numbers<[1], [0], [0], [1], [0, 0, 1, 1], [], []>, transpose_lhs_hint = false} : vector<2000x128xf32>, vector<128x128xf32>, vector<2000x128xf32> -> vector<2000x128xf32>
    %swap3A = arith.constant 0 : index
    %swap3A_6 = arith.constant 0 : index
    %swap3A_7 = vector.load %arg10[%swap3A, %swap3A_6] : memref<2000x128xf32, #tpu.memory_space<vmem>>, vector<2000x128xf32>
    tpu.vector_store %arg10[%swap3A, %swap3A_6], %dot_general3A_5 {strides = array<i32>} : memref<2000x128xf32, #tpu.memory_space<vmem>>, vector<2000x128xf32>,
    %get3A_8 = arith.constant 0 : index
    %get3A_9 = arith.constant 0 : index
    %get3A_10 = vector.load %arg2[%get3A_8, %get3A_9] : memref<2000x128xf32, #tpu.memory_space<vmem>>, vector<2000x128xf32>
    %get3A_11 = arith.constant 0 : index
    %get3A_12 = arith.constant 0 : index
    %get3A_13 = vector.load %arg5[%get3A_11, %get3A_12] : memref<128x128xf32, #tpu.memory_space<vmem>>, vector<128x128xf32>
    %dot_general3A_14 = arith.constant dense<0.000000e+00> : vector<2000x128xf32>
    %dot_general3A_15 = tpu.matmul %get3A_10, %get3A_13, %dot_general3A_14 {dimension_numbers = #tpu.dot_dimension_numbers<[1], [0], [0], [1], [0, 0, 1, 1], [], []>, transpose_lhs_hint = false} : vector<2000x128xf32>, vector<128x128xf32>, vector<2000x128xf32> -> vector<2000x128xf32>
    %swap3A_16 = arith.constant 0 : index
    %swap3A_17 = arith.constant 0 : index
    %swap3A_18 = vector.load %arg11[%swap3A_16, %swap3A_17] : memref<2000x128xf32, #tpu.memory_space<vmem>>, vector<2000x128xf32>
    tpu.vector_store %arg11[%swap3A_16, %swap3A_17], %dot_general3A_15 {strides = array<i32>} : memref<2000x128xf32, #tpu.memory_space<vmem>>, vector<2000x128xf32>,
    %eq3A = arith.constant 0 : i32
    %eq3A_19 = arith.cmpi eq, %arg0, %eq3A : i32
    %convert_element_type3A = arith.extui %eq3A_19 : i1 to i32
    %cond3A = arith.constant 0 : i32
    %cond3A_20 = arith.cmpi ne, %convert_element_type3A, %cond3A : i32
    scf.if %cond3A_20 {
      %get3A_21 = arith.constant 0 : index
      %get3A_22 = arith.constant 0 : index
      %get3A_23 = vector.load %arg3[%get3A_21, %get3A_22] : memref<1000x128xf32, #tpu.memory_space<vmem>>, vector<1000x128xf32>
      %get3A_24 = arith.constant 0 : index
      %get3A_25 = arith.constant 0 : index
      %get3A_26 = vector.load %arg6[%get3A_24, %get3A_25] : memref<128x128xf32, #tpu.memory_space<vmem>>, vector<128x128xf32>
      %dot_general3A_27 = arith.constant dense<0.000000e+00> : vector<1000x128xf32>
      %dot_general3A_28 = tpu.matmul %get3A_23, %get3A_26, %dot_general3A_27 {dimension_numbers = #tpu.dot_dimension_numbers<[1], [0], [0], [1], [0, 0, 1, 1], [], []>, transpose_lhs_hint = false} : vector<1000x128xf32>, vector<128x128xf32>, vector<1000x128xf32> -> vector<1000x128xf32>
      %get3A_29 = arith.constant 0 : index
      %get3A_30 = arith.constant 0 : index
      %get3A_31 = vector.load %arg8[%get3A_29, %get3A_30] : memref<1x128xf32, #tpu.memory_space<vmem>>, vector<1x128xf32>
      %add3A = vector.broadcast %get3A_31 : vector<1x128xf32> to vector<1000x128xf32>
      %add3A_32 = arith.addf %dot_general3A_28, %add3A : vector<1000x128xf32>
      %swap3A_33 = arith.constant 0 : index
      %swap3A_34 = arith.constant 0 : index
      %swap3A_35 = vector.load %arg12[%swap3A_33, %swap3A_34] : memref<1000x256xf32, #tpu.memory_space<vmem>>, vector<1000x128xf32>
      tpu.vector_store %arg12[%swap3A_33, %swap3A_34], %add3A_32 {strides = array<i32>} : memref<1000x256xf32, #tpu.memory_space<vmem>>, vector<1000x128xf32>,
      %get3A_36 = arith.constant 0 : index
      %get3A_37 = arith.constant 0 : index
      %get3A_38 = vector.load %arg3[%get3A_36, %get3A_37] : memref<1000x128xf32, #tpu.memory_space<vmem>>, vector<1000x128xf32>
      %get3A_39 = arith.constant 0 : index
      %get3A_40 = arith.constant 0 : index
      %get3A_41 = vector.load %arg7[%get3A_39, %get3A_40] : memref<128x128xf32, #tpu.memory_space<vmem>>, vector<128x128xf32>
      %dot_general3A_42 = arith.constant dense<0.000000e+00> : vector<1000x128xf32>
      %dot_general3A_43 = tpu.matmul %get3A_38, %get3A_41, %dot_general3A_42 {dimension_numbers = #tpu.dot_dimension_numbers<[1], [0], [0], [1], [0, 0, 1, 1], [], []>, transpose_lhs_hint = false} : vector<1000x128xf32>, vector<128x128xf32>, vector<1000x128xf32> -> vector<1000x128xf32>
      %get3A_44 = arith.constant 0 : index
      %get3A_45 = arith.constant 0 : index
      %get3A_46 = vector.load %arg9[%get3A_44, %get3A_45] : memref<1x128xf32, #tpu.memory_space<vmem>>, vector<1x128xf32>
      %add3A_47 = vector.broadcast %get3A_46 : vector<1x128xf32> to vector<1000x128xf32>
      %add3A_48 = arith.addf %dot_general3A_43, %add3A_47 : vector<1000x128xf32>
      %swap3A_49 = arith.constant 0 : index
      %swap3A_50 = arith.constant 128 : index
      %swap3A_51 = vector.load %arg12[%swap3A_49, %swap3A_50] : memref<1000x256xf32, #tpu.memory_space<vmem>>, vector<1000x128xf32>
      tpu.vector_store %arg12[%swap3A_49, %swap3A_50], %add3A_48 {strides = array<i32>} : memref<1000x256xf32, #tpu.memory_space<vmem>>, vector<1000x128xf32>,
    } else {
    }
    return
  }
  func.func @transform_0(%arg0: i32) -> (i32, i32) {
    %c0_i32 = arith.constant 0 : i32
    %c0_i32_0 = arith.constant 0 : i32
    return %arg0, %c0_i32 : i32, i32
  }
  func.func @transform_1(%arg0: i32) -> (i32, i32) {
    %c0_i32 = arith.constant 0 : i32
    %c0_i32_0 = arith.constant 0 : i32
    return %arg0, %c0_i32 : i32, i32
  }
  func.func @transform_2(%arg0: i32) -> (i32, i32) {
    %c0_i32 = arith.constant 0 : i32
    %c0_i32_0 = arith.constant 0 : i32
    %c0_i32_1 = arith.constant 0 : i32
    return %c0_i32, %c0_i32_0 : i32, i32
  }
  func.func @transform_3(%arg0: i32) -> (i32, i32) {
    %c0_i32 = arith.constant 0 : i32
    %c0_i32_0 = arith.constant 0 : i32
    %c0_i32_1 = arith.constant 0 : i32
    return %c0_i32, %c0_i32_0 : i32, i32
  }
  func.func @transform_4(%arg0: i32) -> (i32, i32) {
    %c0_i32 = arith.constant 0 : i32
    %c0_i32_0 = arith.constant 0 : i32
    %c0_i32_1 = arith.constant 0 : i32
    return %c0_i32, %c0_i32_0 : i32, i32
  }
  func.func @transform_5(%arg0: i32) -> (i32, i32) {
    %c0_i32 = arith.constant 0 : i32
    %c0_i32_0 = arith.constant 0 : i32
    %c0_i32_1 = arith.constant 0 : i32
    return %c0_i32, %c0_i32_0 : i32, i32
  }
  func.func @transform_6(%arg0: i32) -> (i32, i32) {
    %c0_i32 = arith.constant 0 : i32
    %c0_i32_0 = arith.constant 0 : i32
    %c0_i32_1 = arith.constant 0 : i32
    return %c0_i32, %c0_i32_0 : i32, i32
  }
  func.func @transform_7(%arg0: i32) -> (i32, i32) {
    %c0_i32 = arith.constant 0 : i32
    %c0_i32_0 = arith.constant 0 : i32
    %c0_i32_1 = arith.constant 0 : i32
    return %c0_i32, %c0_i32_0 : i32, i32
  }
  func.func @transform_8(%arg0: i32) -> (i32, i32) {
    %c0_i32 = arith.constant 0 : i32
    %c0_i32_0 = arith.constant 0 : i32
    %c0_i32_1 = arith.constant 0 : i32
    return %c0_i32, %c0_i32_0 : i32, i32
  }
  func.func @transform_9(%arg0: i32) -> (i32, i32) {
    %c0_i32 = arith.constant 0 : i32
    %c0_i32_0 = arith.constant 0 : i32
    return %arg0, %c0_i32 : i32, i32
  }
  func.func @transform_10(%arg0: i32) -> (i32, i32) {
    %c0_i32 = arith.constant 0 : i32
    %c0_i32_0 = arith.constant 0 : i32
    return %arg0, %c0_i32 : i32, i32
  }
  func.func @transform_11(%arg0: i32) -> (i32, i32) {
    %c0_i32 = arith.constant 0 : i32
    %c0_i32_0 = arith.constant 0 : i32
    %c0_i32_1 = arith.constant 0 : i32
    return %c0_i32, %c0_i32_0 : i32, i32
  }
}

module attributes {stable_mosaic.version = 14 : i64} {
  func.func @_fin_body(%arg0: memref<2x314x128xf32, #tpu.memory_space<vmem>>, %arg1: memref<2x314x128xf32, #tpu.memory_space<vmem>>, %arg2: memref<1x128xf32, #tpu.memory_space<vmem>>, %arg3: memref<314x128xf32, #tpu.memory_space<vmem>>) attributes {dimension_semantics = [], scalar_prefetch = 0 : i64, scratch_operands = 0 : i64, tpu.core_type = #tpu.core_type<tc>} {
    %get3A = arith.constant 0 : index
    %get3A_0 = arith.constant 0 : index
    %get3A_1 = arith.constant 0 : index
    %get3A_2 = vector.load %arg0[%get3A, %get3A_0, %get3A_1] : memref<2x314x128xf32, #tpu.memory_space<vmem>>, vector<1x314x128xf32>
    %get3A_3 = vector.shape_cast %get3A_2 : vector<1x314x128xf32> to vector<314x128xf32>
    %get3A_4 = arith.constant 1 : index
    %get3A_5 = arith.constant 0 : index
    %get3A_6 = arith.constant 0 : index
    %get3A_7 = vector.load %arg0[%get3A_4, %get3A_5, %get3A_6] : memref<2x314x128xf32, #tpu.memory_space<vmem>>, vector<1x314x128xf32>
    %get3A_8 = vector.shape_cast %get3A_7 : vector<1x314x128xf32> to vector<314x128xf32>
    %add3A = arith.addf %get3A_3, %get3A_8 : vector<314x128xf32>
    %get3A_9 = arith.constant 0 : index
    %get3A_10 = arith.constant 0 : index
    %get3A_11 = arith.constant 0 : index
    %get3A_12 = vector.load %arg1[%get3A_9, %get3A_10, %get3A_11] : memref<2x314x128xf32, #tpu.memory_space<vmem>>, vector<1x314x128xf32>
    %get3A_13 = vector.shape_cast %get3A_12 : vector<1x314x128xf32> to vector<314x128xf32>
    %get3A_14 = arith.constant 1 : index
    %get3A_15 = arith.constant 0 : index
    %get3A_16 = arith.constant 0 : index
    %get3A_17 = vector.load %arg1[%get3A_14, %get3A_15, %get3A_16] : memref<2x314x128xf32, #tpu.memory_space<vmem>>, vector<1x314x128xf32>
    %get3A_18 = vector.shape_cast %get3A_17 : vector<1x314x128xf32> to vector<314x128xf32>
    %add3A_19 = arith.addf %get3A_13, %get3A_18 : vector<314x128xf32>
    %max3A = arith.constant 1.000000e+00 : f32
    %max3A_20 = vector.broadcast %max3A : f32 to vector<314x128xf32>
    %max3A_21 = arith.maximumf %add3A_19, %max3A_20 : vector<314x128xf32>
    %div3A = arith.divf %add3A, %max3A_21 : vector<314x128xf32>
    %get3A_22 = arith.constant 0 : index
    %get3A_23 = arith.constant 0 : index
    %get3A_24 = vector.load %arg2[%get3A_22, %get3A_23] : memref<1x128xf32, #tpu.memory_space<vmem>>, vector<1x128xf32>
    %add3A_25 = vector.broadcast %get3A_24 : vector<1x128xf32> to vector<314x128xf32>
    %add3A_26 = arith.addf %div3A, %add3A_25 : vector<314x128xf32>
    %neg3A = arith.constant 0.000000e+00 : f32
    %neg3A_27 = vector.broadcast %neg3A : f32 to vector<314x128xf32>
    %neg3A_28 = arith.subf %neg3A_27, %add3A_26 : vector<314x128xf32>
    %exp3A = math.exp %neg3A_28 : vector<314x128xf32>
    %add3A_29 = arith.constant 1.000000e+00 : f32
    %add3A_30 = vector.broadcast %add3A_29 : f32 to vector<314x128xf32>
    %add3A_31 = arith.addf %add3A_30, %exp3A : vector<314x128xf32>
    %div3A_32 = arith.constant 1.000000e+00 : f32
    %div3A_33 = vector.broadcast %div3A_32 : f32 to vector<314x128xf32>
    %div3A_34 = arith.divf %div3A_33, %add3A_31 : vector<314x128xf32>
    %swap3A = arith.constant 0 : index
    %swap3A_35 = arith.constant 0 : index
    %swap3A_36 = vector.load %arg3[%swap3A, %swap3A_35] : memref<314x128xf32, #tpu.memory_space<vmem>>, vector<314x128xf32>
    tpu.vector_store %arg3[%swap3A, %swap3A_35], %div3A_34 {strides = array<i32>} : memref<314x128xf32, #tpu.memory_space<vmem>>, vector<314x128xf32>,
    return
  }
}

</mosaic_0001>

<sc_bundles>
// kernel: kernel.5.cloned.1.call-start
scs
__scs_entry_jumppad:
0x0: {  	(pc) =	sbr.rel $0x88, $3  }
0x1: {  	(tag) =	ssettag $0x0;
	lr =	simm.s32 $0x1  }
0x2: {  	[smem:$0x3F94] =	sst lr;
	_ =	strace $0xD0000000  }
0x3: {  	_ = 	snop  }
0x4: {  	_ = 	snop  }
0x5: {  	_ = 	snop  }
0x6: {  	_ = 	snop  }
0x7: {  	_ = 	snop  }
__scs_overlays_trampoline_lowered:
0x8: {  	[smem:$0x3FA3] =	sst s0  }
0x9: {  	[smem:$0x3FA4] =	sst s1  }
0xa: {  	[smem:$0x3FA5] =	sst s2  }
0xb: {  	[smem:$0x3FA6] =	sst s3  }
0xc: {  	[smem:$0x3FA7] =	sst s4  }
0xd: {  	[smem:$0x3FA8] =	sst s5  }
0xe: {  	[smem:$0x3FA9] =	sst s6  }
0xf: {  	[smem:$0x3FAA] =	sst s7  }
0x10: {  	[smem:$0x3FAB] =	sst s8  }
0x11: {  	[smem:$0x3FAC] =	sst s9;
	s0 =	simm.s32 @!p0 $0x0  }
0x12: {  	s1 =	sld [smem:$0x3F92];
	s0 =	simm.s32 @p0 $0x1  }
0x13: {  	[smem:$0x3FAD] =	sst s0;
	s0 =	simm.s32 @!p1 $0x0  }
0x14: {  	s2 =	sld [smem:$0x3F91];
	s0 =	simm.s32 @p1 $0x1  }
0x15: {  	[smem:$0x3FAE] =	sst s0;
	s0 =	simm.s32 @!p2 $0x0  }
0x16: {  	s3 =	sld [smem:$0x3FDB];
	s0 =	simm.s32 @p2 $0x1  }
0x17: {  	s4 =	simm.s32 $0x1BF5;
	[smem:$0x3FB0] =	sst s0  }
0x18: {  	s0 =	sld [smem:$0x3F93];
	_ =	swait.ge [sflag:s4], $0x0  }
0x19: {  	s7 =	sld [smem:$0x3F94]  }
0x1a: {  	s8 =	sadd.s32 $0xFFFFE003, lr  }
0x1b: {  	s9 =	sadd.s32 $0xFFFFFEF7, lr;
	s5 =	simm.s32 $0xFFFFFFFF;
	p2 =	slt.u32 s8, $0xFFFFF086  }
0x1c: {  	p1 =	slt.u32 s9, $0xF7A;
	s5 =	simm.s32 @!p2 $0x0  }
0x1d: {  	s5 =	simm.s32 @p1 $0x1;
	p0 =	seq.s32 s7, s2  }
0x1e: {  	s7 =	smul.u32 @!p0 $0xF7A, s2;
	p2 =	seq.s32 @!p0 s5, $0x0  }
0x1f: {  	s9 =	smul.u32 $0xF7A, s1;
	s8 =	simm.s32 @!p0 $0x1BF5;
	p2 =	por !p2, p0  }
0x20: {  	[sflag:s8] =	ssyncset.s32 @!p0 $0xFFFFF086;
	s6 =	sadd.s32 @!p0 s3, s7;
	s7 =	simm.s32 @!p0 $0x108  }
0x21: {  	s3 =	sadd.s32 s3, s9;
	s6 =	sadd.s32 @!p0 $0x88, s6;
	s7 =	simm.s32 @p2 $0x1082  }
0x22: {  	[simem:s7], [sflag:s8] =	dma.local @!p0 [hbm:s6], $0xF7A  }
0x23: {  	s9 =	sor.u32 $0xD0000000, s2;
	s6 =	simm.s32 $0x108;
	_ =	swait.ge @!p0 [sflag:s8], $0x0  }
0x24: {  	s3 =	sadd.s32 $0x88, s3;
	s6 =	simm.s32 @!p1 $0x1082;
	[sflag:s4] =	ssyncset.s32 $0xFFFFF086  }
0x25: {  	[simem:s6], [sflag:s4] =	dma.local [hbm:s3], $0xF7A  }
0x26: {  	[smem:$0x3F94] =	sst s1;
	(tag) =	ssettag s2;
	_ =	strace s9  }
0x27: {  	s1 =	sld [smem:$0x3FA4]  }
0x28: {  	s2 =	sld [smem:$0x3FA5]  }
0x29: {  	s4 =	sld [smem:$0x3FA7]  }
0x2a: {  	p0 =	seq.s32 s5, $0x0;
	s5 =	sld [smem:$0x3FA8]  }
0x2b: {  	s6 =	sld [smem:$0x3FA9]  }
0x2c: {  	s7 =	sld [smem:$0x3FAA]  }
0x2d: {  	s3 =	simm.s32 $0x108;
	s8 =	sld [smem:$0x3FAB]  }
0x2e: {  	s3 =	simm.s32 @!p0 $0x1082;
	s9 =	sld [smem:$0x3FAC]  }
0x2f: {  	lr =	sadd.s32 s0, s3;
	s0 =	sld [smem:$0x3FA3]  }
0x30: {  	s3 =	sld [smem:$0x3FA6]  }
0x31: {  	[smem:$0x3FAF] =	sst s10  }
0x32: {  	s10 =	sld [smem:$0x3FAD];
	_ =	sdelay $0x3  }
0x33: {  	p0 =	seq.s32 s10, $0x1;
	s10 =	sld [smem:$0x3FAF];
	_ =	sdelay $0x3  }
0x34: {  	[smem:$0x3FAF] =	sst s10  }
0x35: {  	s10 =	sld [smem:$0x3FAE];
	_ =	sdelay $0x3  }
0x36: {  	p1 =	seq.s32 s10, $0x1;
	s10 =	sld [smem:$0x3FAF];
	_ =	sdelay $0x3  }
0x37: {  	[smem:$0x3FAF] =	sst s10  }
0x38: {  	s10 =	sld [smem:$0x3FB0]  }
0x39: {  	_ = 	snop;
	(pc) =	sbr.ind lr, $3  }
0x3a: {  	_ = 	snop  }
0x3b: {  	_ = 	snop  }
0x3c: {  	p2 =	seq.s32 s10, $0x1;
	s10 =	sld [smem:$0x3FAF]  }
0x3d: {  	_ =	shalt  }
0x3e: {  	_ =	shalt  }
0x3f: {  	_ =	shalt  }
0x40: {  	_ =	shalt  }
0x41: {  	_ =	shalt  }
0x42: {  	_ =	shalt  }
0x43: {  	_ =	shalt  }
0x44: {  	_ =	shalt  }
0x45: {  	_ =	shalt  }
0x46: {  	_ =	shalt  }
0x47: {  	_ =	shalt  }
0x48: {  	_ =	shalt  }
0x49: {  	_ =	shalt  }
0x4a: {  	_ =	shalt  }
0x4b: {  	_ =	shalt  }
0x4c: {  	_ =	shalt  }
0x4d: {  	_ =	shalt  }
0x4e: {  	_ =	shalt  }
0x4f: {  	_ =	shalt  }
0x50: {  	_ =	shalt  }
0x51: {  	_ =	shalt  }
0x52: {  	_ =	shalt  }
0x53: {  	_ =	shalt  }
0x54: {  	_ =	shalt  }
0x55: {  	_ =	shalt  }
0x56: {  	_ =	shalt  }
0x57: {  	_ =	shalt  }
0x58: {  	_ =	shalt  }
0x59: {  	_ =	shalt  }
0x5a: {  	_ =	shalt  }
0x5b: {  	_ =	shalt  }
0x5c: {  	_ =	shalt  }
0x5d: {  	_ =	shalt  }
0x5e: {  	_ =	shalt  }
0x5f: {  	_ =	shalt  }
0x60: {  	_ =	shalt  }
0x61: {  	_ =	shalt  }
0x62: {  	_ =	shalt  }
0x63: {  	_ =	shalt  }
0x64: {  	_ =	shalt  }
0x65: {  	_ =	shalt  }
0x66: {  	_ =	shalt  }
0x67: {  	_ =	shalt  }
0x68: {  	_ =	shalt  }
0x69: {  	_ =	shalt  }
0x6a: {  	_ =	shalt  }
0x6b: {  	_ =	shalt  }
0x6c: {  	_ =	shalt  }
0x6d: {  	_ =	shalt  }
0x6e: {  	_ =	shalt  }
0x6f: {  	_ =	shalt  }
0x70: {  	_ =	shalt  }
0x71: {  	_ =	shalt  }
0x72: {  	_ =	shalt  }
0x73: {  	_ =	shalt  }
0x74: {  	_ =	shalt  }
0x75: {  	_ =	shalt  }
0x76: {  	_ =	shalt  }
0x77: {  	_ =	shalt  }
0x78: {  	_ =	shalt  }
0x79: {  	_ =	shalt  }
0x7a: {  	_ =	shalt  }
0x7b: {  	_ =	shalt  }
0x7c: {  	_ =	shalt  }
0x7d: {  	_ =	shalt  }
0x7e: {  	_ =	shalt  }
0x7f: {  	_ =	shalt  }
0x80: {  	_ =	shalt  }
0x81: {  	_ =	shalt  }
0x82: {  	_ =	shalt  }
0x83: {  	_ =	shalt  }
0x84: {  	_ =	shalt  }
0x85: {  	_ =	shalt  }
0x86: {  	_ =	shalt  }
0x87: {  	_ =	shalt  }
.Lfunc_end0:
.L_simem_size_0:
called_computation_lowered:
.L_overlay_start_0:
0x88: {  	s2 =	sld [smem:$0x3FD9]  }
0x89: {  	s3 =	sld [smem:$0x3FFE];
	_ =	sdelay $0x1  }
0x8a: {  	s1 =	srdreg.scid  }
0x8b: {  	s0 =	sand.u32 $0x1, s1  }
0x8c: {  	s17 =	sshll.u32 s0, $0xA;
	s2 =	sadd.s32 s3, s2  }
0x8d: {  	s2 =	sadd.s32 s2, s17  }
0x8e: {  	[smem:$0x3FBB] =	sst s2  }
0x8f: {  	_ = 	snop  }
0x90: {  	s2 =	sld [smem:$0x3FD0];
	(tm) =	ssettm $0x1  }
0x91: {  	s18 =	sld [smem:$0x3FFB];
	_ =	sdelay $0x3  }
0x92: {  	_ =	strace s18  }
0x93: {  	s3 =	sld [smem:$0x3FFC];
	_ =	sdelay $0x3  }
0x94: {  	_ =	strace s3  }
0x95: {  	s3 =	sld [smem:$0x3FFD];
	_ =	sdelay $0x3  }
0x96: {  	_ =	strace s3  }
0x97: {  	_ =	strace $0x8FFFFFFF  }
0x98: {  	s19 =	sld [smem:$0x3FDB];
	_ =	sdelay $0x1  }
0x99: {  	s4 =	simm.s32 $_scs_section_size  }
0x9a: {  	s5 =	simm.s32 $_size__tile_overlayer_lowered;
	s6 =	simm.s32 $_tile_overlayer_lowered  }
0x9b: {  	s22 =	simm.s32 $0x1BFF;
	s21 =	sshll.u32 s6, $0x1;
	s3 =	sadd.s32 s4, s19  }
0x9c: {  	s7 =	simm.s32 $0x0;
	s20 =	sshll.u32 s5, $0x1;
	s5 =	sadd.s32 s21, s3  }
0x9d: {  	[timem:s7], [sflag:s22] =	dma.local [hbm:s5], s20  }
0x9e: {  	_ =	swait.ge [sflag:s22], s20  }
0x9f: {  	s4 =	ssub.s32 $0x0, s20;
	[sflag:s22] =	ssyncset.done $0x0  }
0xa0: {  	[sflag:s22] =	ssyncadd.s32 s4;
	_ =	sdelay $0x1  }
0xa1: {  	s23 =	simm.s32 $0x1B8B  }
0xa2: {  	_ =	swait.ge [sflag:s23], $0x1  }
0xa3: {  	[sflag:s23] =	ssyncset.done $0x0  }
0xa4: {  	s25 =	simm.s32 $0x1B8E;
	s24 =	sld [smem:$0x3FFE];
	[sflag:s23] =	ssyncadd.s32 $0xFFFFFFFF  }
0xa5: {  	s26 =	simm.s32 $execute0_lowered;
	[smem:$0x3FD2] =	sst s25  }
0xa6: {  	s5 =	sshll.u32 s26, $0x1;
	_ =	strace $0x80000046;
	[dreg:$0x1] =	wrdreg $0xFFFFFFFF  }
0xa7: {  	s28 =	simm.s32 $_size_execute0_lowered;
	s3 =	sadd.s32 s3, s5;
	[dreg:$0x0] =	wrdreg $0x0  }
0xa8: {  	s5 =	sshll.u32 s28, $0x1;
	[dreg:$0x2] =	wrdreg s3  }
0xa9: {  	[dreg:$0x3] =	wrdreg s5  }
0xaa: {  	[dreg:$0x4] =	wrdreg $0xC0  }
0xab: {  	_ =	task [dreg:s7], $0x5FFFF  }
0xac: {  	[dreg:$0x1] =	wrdreg $0xFFFFFFFF  }
0xad: {  	[dreg:$0x0] =	wrdreg $0x60  }
0xae: {  	[dreg:$0x2] =	wrdreg s24  }
0xaf: {  	[dreg:$0x3] =	wrdreg s2  }
0xb0: {  	[dreg:$0x4] =	wrdreg $0x161000  }
0xb1: {  	[dreg:$0x5] =	wrdreg $0x16AD00  }
0xb2: {  	[dreg:$0x6] =	wrdreg $0x9  }
0xb3: {  	_ =	task.clear_ibuf [dreg:s7], $0x7FFFF;
	_ =	strace $0x90000046  }
0xb4: {  	s29 =	simm.s32 $0x9;
	_ =	strace $0x80000048  }
0xb5: {  	_ =	swait.ge [sflag:s29], $0x1  }
0xb6: {  	[sflag:s29] =	ssyncadd.s32 $0xFFFFFFFF  }
0xb7: {  	_ =	strace $0x90000048  }
0xb8: {  	_ =	sfence  }
0xb9: {  	s30 =	sld [smem:$0x0];
	_ =	sdelay $0x2  }
0xba: {  	s31 =	sshll.u32 s1, $0xD;
	s1 =	sshrl.u32 s1, $0x2  }
0xbb: {  	s3 =	sand.u32 $0x4000, s31;
	s1 =	sadd.s32 s1, s30  }
0xbc: {  	s0 =	sor.u32 s3, s0;
	s1 =	sshll.u32 s1, $0x11  }
0xbd: {  	s0 =	sor.u32 s1, s0  }
0xbe: {  	s0 =	sadd.s32 $0x8F2B, s0  }
0xbf: {  	[sflag:s0] =	ssyncadd.remote.s32 $0x1  }
0xc0: {  	_ =	sfence.sel $0xFFFF  }
0xc1: {  	[dreg:$0x0] =	wrdreg $0xFFFFFFFF;
	(pc) =	sbr.abs _section_cstart, $3  }
0xc2: {  	[dreg:$0x1] =	wrdreg $0xFFFFFFFF  }
0xc3: {  	_ =	task.clear_ibuf [dreg:s7], $0x2FFFF;
	_ =	strace $0x9FFFFFFF  }
0xc4: {  	(tm) =	ssettm $0x7FFFFFFF  }
0xc5: {  	_ =	shalt  }
tec
execute0_lowered:
.L_overlay_start_1:
0x0: {  	(tag) =	ssettag $0x1  }
0x1: {  	s0 =	rddreg [dreg:$0x0]  }
0x2: {  	s1 =	srdreg.scid;
	s3 =	rddreg [dreg:$0x2]  }
0x3: {  	s7 =	stileid.u32;
	s4 =	rddreg [dreg:$0x3]  }
0x4: {  	s6 =	simm.s32 $0x0;
	s18 =	simm.s32 $0x15680;
	s30 =	simm.s32 $0x3C00  }
0x5: {  	s31 =	simm.s32 $0x6500;
	s28 =	simm.s32 $0x12D00;
	s29 =	simm.s32 $0x15600  }
0x6: {  	s1 =	sand.u32 $0x1, s1;
	s2 =	sshll.u32 s7, $0x1;
	s20 =	smul.u32 $0x9D0, s7  }
0x7: {  	[smem:$0x7FF] =	sst s6;
	s7 =	sadd.s32 $0x50600, s0;
	s8 =	sadd.s32 $0x2200, s0  }
0x8: {  	s9 =	sadd.s32 $0x29400, s0;
	s2 =	sor.u32 s1, s2;
	s10 =	smul.u32 $0x9D00, s1  }
0x9: {  	_ =	strace $0x80000047;
	s1 =	ssub.s32 $0x2, s1;
	s5 =	smul.u32 $0x1400, s2  }
0xa: {  	s21 =	sshrl.u32 s1, $0x1;
	s14 =	sadd.s32 s20, s3;
	s15 =	sadd.s32 s20, s4  }
0xb: {  	s2 =	simm.s32 $0xB500;
	s10 =	sadd.s32 s20, s10;
	[dreg:$0x8] =	wrdreg s14  }
0xc: {  	v0 =	vlaneseq.u32;
	s1 =	ssub.s32 s1, s21;
	[dreg:$0x9] =	wrdreg s15;
	s11 =	sshrl.u32 s5, $0x3  }
0xd: {  	v0 =	vmul.u32 $0x80, v0;
	s13 =	sshrl.u32 s10, $0x3;
	s10 =	sadd.s32 $0x63600, s0;
	s26 =	smax.u32 s1, $0x1  }
0xe: {  	s12 =	sadd.s32 s11, s0;
	s24 =	sadd.s32 s10, s11;
	[dreg:$0xd] =	wrdreg s26  }
0xf: {  	v2 =	vor.u32 $0x1, v0;
	[tilespmem:$0x1FFE0] =	vst v0;
	s21 =	simm.s32 $0x5;
	s22 =	sadd.s32 $0x54600, s12;
	[dreg:$0xa] =	wrdreg s24  }
0x10: {  	s20 =	simm.s32 $0x1;
	[tilespmem:$0x1FF90] =	vst v2;
	v2 =	vor.u32 $0x2, v0;
	s23 =	sadd.s32 $0x59600, s12;
	[dreg:$0x5] =	wrdreg s22  }
0x11: {  	[tilespmem:$0x1FFA0] =	vst v2;
	v2 =	vor.u32 $0x3, v0;
	s0 =	sadd.s32 s13, s0;
	s12 =	sadd.s32 $0x5E600, s12;
	[dreg:$0x6] =	wrdreg s23  }
0x12: {  	s1 =	simm.s32 $0x3C80;
	[tilespmem:$0x1FFB0] =	vst v2;
	v2 =	vor.u32 $0x4, v0;
	s25 =	sadd.s32 $0x68600, s0;
	[dreg:$0x7] =	wrdreg s12  }
0x13: {  	s26 =	simm.s32 $0x12E00;
	s0 =	sadd.s32 $0x6AE00, s0;
	[tilespmem:$0x1FFC0] =	vst v2;
	v2 =	vor.u32 $0x5, v0;
	[dreg:$0xb] =	wrdreg s25  }
0x14: {  	s13 =	simm.s32 $0x0;
	v0 =	vor.u32 $0x6, v0;
	[dreg:$0xc] =	wrdreg s0;
	s25 =	simm.s32 $0x50;
	[tilespmem:$0x1FFD0] =	vst v2  }
0x15: {  	v1 =	vimm.f32 $0.0e+00;
	s0 =	simm.s32 $0x10500;
	s22 =	simm.s32 $0x2;
	s23 =	simm.s32 $0x12D80;
	[tilespmem:$0x1FFF0] =	vst v0  }
.LBB2_1:
0x16: {  	s11 =	simm.s32 $0x40;
	s12 =	simm.s32 $0x0  }
.LBB2_2:
0x17: {  	p0 =	sne.s32 s11, $0x2700;
	[tilespmem:s12+$0x15680] =	vst v1;
	s12 =	smov.u32 s11;
	s11 =	sadd.s32 $0x40, s11  }
.Ltmp0:
0x18: {  	(pc) =	sbr.rel @p0 .LBB2_2-.Ltmp0, $2  }
0x19: {  	_ =	sdelay $0x2  }
0x1a: {  	s12 =	sshra.s32 s12, $0x2  }
0x1b: {  	[tilespmem:s12+$0x15680] =	vst v1;
	v0 =	vimm.f32 $1.000000000e+00  }
0x1c: {  	[tilespmem:$0x15600] =	vst v0  }
0x1d: {  	[tilespmem:$0x15610] =	vst v0  }
0x1e: {  	[tilespmem:$0x15620] =	vst v0  }
0x1f: {  	[tilespmem:$0x15630] =	vst v0  }
0x20: {  	s16 =	simm.s32 $0x0;
	s11 =	rddreg [dreg:$0x1];
	s24 =	simm.s32 $0x16080;
	[tilespmem:$0x15640] =	vst v0  }
0x21: {  	[tilespmem:s24], [sflag:$0x5] =	stream.linear.gather [hbm4b:s11+s16], $0x80, $0x38;
	[tilespmem:$0x174A0] =	vst v63  }
0x22: {  	_ =	swait.ge [sflag:s21], $0x80  }
0x23: {  	[sflag:s21] =	ssyncset.done $0x0  }
0x24: {  	s12 =	rddreg [dreg:$0x5];
	[sflag:s21] =	ssyncadd.s32 $0xFFFFFF80  }
0x25: {  	[tilespmem:s16], [sflag:$0x5] =	stream.linear.gather [hbm4b:s12+s16], $0x1400, $0x38;
	[tilespmem:$0x174A0] =	vst v63  }
0x26: {  	_ =	swait.ge [sflag:s21], $0x1400  }
0x27: {  	[sflag:s21] =	ssyncset.done $0x0  }
0x28: {  	s19 =	simm.s32 $0x1400;
	s17 =	rddreg [dreg:$0x6];
	[sflag:s21] =	ssyncadd.s32 $0xFFFFEC00  }
0x29: {  	[tilespmem:s19], [sflag:$0x5] =	stream.linear.gather [hbm4b:s17+s16], $0x1400, $0x38;
	[tilespmem:$0x174A0] =	vst v63  }
0x2a: {  	_ =	swait.ge [sflag:s21], $0x1400  }
0x2b: {  	[sflag:s21] =	ssyncset.done $0x0  }
0x2c: {  	s17 =	simm.s32 $0x2800;
	s24 =	rddreg [dreg:$0x7];
	[sflag:s21] =	ssyncadd.s32 $0xFFFFEC00  }
0x2d: {  	[tilespmem:s17], [sflag:$0x5] =	stream.linear.gather [hbm4b:s24+s16], $0x1400, $0x38;
	[tilespmem:$0x174A0] =	vst v63  }
0x2e: {  	_ =	swait.ge [sflag:s21], $0x1400  }
0x2f: {  	[sflag:s21] =	ssyncset.done $0x0  }
0x30: {  	[sflag:s21] =	ssyncadd.s32 $0xFFFFEC00  }
0x31: {  	[spmem:s14] =	stream.linear.scatter [tilespmem:s18], [sflag:$0x5], $0x9D0, $0x38;
	[tilespmem:$0x174A0] =	vst v63  }
0x32: {  	_ =	swait.ge [sflag:s21], $0x9D0  }
0x33: {  	[sflag:s21] =	ssyncset.done $0x0  }
0x34: {  	[sflag:s21] =	ssyncadd.s32 $0xFFFFF630  }
0x35: {  	[spmem:s15] =	stream.linear.scatter [tilespmem:s18], [sflag:$0x5], $0x9D0, $0x38;
	[tilespmem:$0x174A0] =	vst v63  }
0x36: {  	_ =	swait.ge [sflag:s21], $0x9D0  }
0x37: {  	[sflag:s21] =	ssyncset.done $0x0  }
0x38: {  	[sflag:s21] =	ssyncadd.s32 $0xFFFFF630  }
0x39: {  	[bflag:$0x0] =	sbarrier.arrive $0xFFFF  }
0x3a: {  	v9 =	vld [tilespmem:$0x16080]  }
0x3b: {  	v10 =	vld [tilespmem:$0x16090]  }
0x3c: {  	v11 =	vld [tilespmem:$0x160A0]  }
0x3d: {  	v12 =	vld [tilespmem:$0x160B0]  }
0x3e: {  	v13 =	vld [tilespmem:$0x160C0]  }
0x3f: {  	v14 =	vld [tilespmem:$0x160D0]  }
0x40: {  	s15 =	simm.s32 $0x3D00;
	v15 =	vld [tilespmem:$0x160E0]  }
0x41: {  	v16 =	vld [tilespmem:$0x160F0];
	[tilespmem:s15], [sflag:$0x1] =	stream.indirect.gather [hbm4b:s7+s25], $0x80, s16, s25, $0xb8  }
0x42: {  	s18 =	simm.s32 $0x8D00  }
0x43: {  	[tilespmem:s18], [sflag:$0x1] =	stream.indirect.gather [hbm4b:s8+s25], $0x80, s19, s25, $0xb8;
	[tilespmem:$0x174A0] =	vst v63  }
0x44: {  	s19 =	simm.s32 $0xDD00  }
0x45: {  	[tilespmem:s19], [sflag:$0x1] =	stream.indirect.gather [hbm4b:s9+s25], $0x80, s17, s25, $0xb8;
	[tilespmem:$0x174A0] =	vst v63  }
0x46: {  	s24 =	rddreg [dreg:$0xa]  }
0x47: {  	[tilespmem:s30], [sflag:$0x1] =	stream.linear.gather [hbm4b:s24+s16], $0x50, $0x38;
	[tilespmem:$0x174A0] =	vst v63  }
.LBB2_4:
0x48: {  	s17 =	smul.u32 $0xA0, s16;
	_ =	sdelay $0x1  }
0x49: {  	s11 =	sadd.s32 $0x50, s17  }
0x4a: {  	[tilespmem:s31], [sflag:$0x2] =	stream.indirect.gather [hbm4b:s7+s25], $0x80, s11, s25, $0xb8;
	[tilespmem:$0x174A0] =	vst v63  }
0x4b: {  	s12 =	sadd.s32 $0x1450, s17;
	s11 =	sadd.s32 s5, s11  }
0x4c: {  	[tilespmem:s2], [sflag:$0x2] =	stream.indirect.gather [hbm4b:s8+s25], $0x80, s12, s25, $0xb8;
	[tilespmem:$0x174A0] =	vst v63  }
0x4d: {  	s18 =	sadd.s32 $0x2850, s17;
	s11 =	sshrl.u32 s11, $0x3  }
0x4e: {  	[tilespmem:s0], [sflag:$0x2] =	stream.indirect.gather [hbm4b:s9+s25], $0x80, s18, s25, $0xb8;
	[tilespmem:$0x174A0] =	vst v63  }
0x4f: {  	s11 =	sadd.s32 s10, s11  }
0x50: {  	[tilespmem:s1], [sflag:$0x2] =	stream.linear.gather [hbm4b:s11+s6], $0x50, $0x38;
	[tilespmem:$0x174A0] =	vst v63  }
0x51: {  	_ =	swait.ge [sflag:s20], $0x2800  }
0x52: {  	[sflag:s20] =	ssyncset.done $0x0  }
0x53: {  	[sflag:s20] =	ssyncadd.s32 $0xFFFFD800  }
0x54: {  	_ =	swait.ge [sflag:s20], $0x2800  }
0x55: {  	[sflag:s20] =	ssyncset.done $0x0  }
0x56: {  	[sflag:s20] =	ssyncadd.s32 $0xFFFFD800  }
0x57: {  	_ =	swait.ge [sflag:s20], $0x2800  }
0x58: {  	[sflag:s20] =	ssyncset.done $0x0  }
0x59: {  	[sflag:s20] =	ssyncadd.s32 $0xFFFFD800  }
0x5a: {  	_ =	swait.ge [sflag:s20], $0x50  }
0x5b: {  	p0 =	seq.s32 s16, $0x0;
	[sflag:s20] =	ssyncset.done $0x0  }
0x5c: {  	s11 =	simm.s32 @!p0 $0x3;
	[sflag:s20] =	ssyncadd.s32 $0xFFFFFFB0  }
0x5d: {  	_ =	swait.ge @!p0 [sflag:s11], $0x50  }
0x5e: {  	[sflag:s11] =	ssyncset.done @!p0 $0x0  }
0x5f: {  	[sflag:s11] =	ssyncadd.s32 @!p0 $0xFFFFFFB0  }
0x60: {  	_ =	swait.ge @!p0 [sflag:s11], $0x50  }
0x61: {  	[sflag:s11] =	ssyncset.done @!p0 $0x0  }
0x62: {  	s19 =	simm.s32 $0x8D80;
	[sflag:s11] =	ssyncadd.s32 @!p0 $0xFFFFFFB0  }
0x63: {  	s24 =	simm.s32 $0xDD80;
	v2 =	vld [tilespmem:s19+$0x70]  }
0x64: {  	v3 =	vld [tilespmem:s24+$0x70]  }
0x65: {  	v4 =	vld [tilespmem:s19+$0x60]  }
0x66: {  	s14 =	simm.s32 $0x3D80;
	v5 =	vld [tilespmem:s24+$0x60]  }
0x67: {  	v6 =	vld [tilespmem:s14+$0x30]  }
0x68: {  	v7 =	vld [tilespmem:s14+$0x70]  }
0x69: {  	v18 =	vld [tilespmem:s19+$0x40]  }
0x6a: {  	v19 =	vld [tilespmem:s24+$0x40]  }
0x6b: {  	v20 =	vld [tilespmem:s14+$0x20]  }
0x6c: {  	v21 =	vld [tilespmem:s14+$0x60]  }
0x6d: {  	v22 =	vld [tilespmem:s19+$0x30]  }
0x6e: {  	v23 =	vld [tilespmem:s24+$0x30]  }
0x6f: {  	v24 =	vld [tilespmem:s14+$0x10]  }
0x70: {  	v25 =	vld [tilespmem:s14+$0x50]  }
0x71: {  	v26 =	vld [tilespmem:s19+$0x20]  }
0x72: {  	v29 =	vld [tilespmem:s24+$0x20];
	v27 =	vunpack.i.u.bf16.f32 v6;
	v28 =	vunpack.i.u.bf16.f32 v7;
	v30 =	vunpack.i.u.bf16.f32 v20  }
0x73: {  	v31 =	vld [tilespmem:s14+$0x0];
	v6 =	vunpack.i.l.bf16.f32 v6;
	v7 =	vunpack.i.l.bf16.f32 v7;
	v20 =	vunpack.i.l.bf16.f32 v20  }
0x74: {  	v33 =	vld [tilespmem:s19+$0x0];
	v32 =	vunpack.i.u.bf16.f32 v21;
	v21 =	vunpack.i.l.bf16.f32 v21;
	v34 =	vunpack.i.u.bf16.f32 v24  }
0x75: {  	v2 =	vadd.f32 v2, v27;
	v3 =	vadd.f32 v3, v28;
	v27 =	vld [tilespmem:s14+$0x40];
	v28 =	vunpack.i.u.bf16.f32 v25  }
0x76: {  	v4 =	vadd.f32 v4, v6;
	v5 =	vadd.f32 v5, v7;
	v6 =	vld [tilespmem:s24+$0x0];
	v7 =	vunpack.i.l.bf16.f32 v24  }
0x77: {  	v24 =	vld [tilespmem:s19+$0x10];
	v25 =	vunpack.i.l.bf16.f32 v25;
	v18 =	vadd.f32 v18, v20;
	v19 =	vadd.f32 v19, v21  }
0x78: {  	v20 =	vunpack.i.u.bf16.f32 v31;
	v21 =	vld [tilespmem:s24+$0x10];
	v22 =	vadd.f32 v22, v34;
	v23 =	vadd.f32 v23, v28  }
0x79: {  	v28 =	vunpack.i.l.bf16.f32 v31;
	v7 =	vadd.f32 v26, v7;
	v2 =	vsub.f32 $0.0e+00, v2  }
0x7a: {  	v25 =	vadd.f32 v29, v25;
	v28 =	vadd.f32 v33, v28;
	v26 =	vunpack.i.l.bf16.f32 v27  }
0x7b: {  	v4 =	vsub.f32 $0.0e+00, v4;
	v2 =	vmul.f32 $1.442695020e+00, v2;
	v6 =	vadd.f32 v6, v26  }
0x7c: {  	v27 =	vunpack.i.u.bf16.f32 v27;
	v20 =	vadd.f32 v24, v20;
	v26 =	vsub.f32 $0.0e+00, v28  }
0x7d: {  	v21 =	vadd.f32 v21, v27;
	v6 =	vsub.f32 $0.0e+00, v6  }
0x7e: {  	v4 =	vmul.f32 $1.442695020e+00, v4;
	(erf) = vpow2.f32 v2;
	v20 =	vsub.f32 $0.0e+00, v20  }
0x7f: {  	v24 =	vmul.f32 $1.442695020e+00, v26;
	v2 =	vmul.f32 $1.442695020e+00, v6;
	v6 =	vsub.f32 $0.0e+00, v21  }
0x80: {  	v7 =	vsub.f32 $0.0e+00, v7;
	(erf) = vpow2.f32 v4;
	v4 =	vmul.f32 $1.442695020e+00, v20  }
0x81: {  	v8 =	vld [tilespmem:s19+$0x50];
	v20 =	vsub.f32 $0.0e+00, v25;
	(erf) = vpow2.f32 v24;
	v6 =	vmul.f32 $1.442695020e+00, v6  }
0x82: {  	v17 =	vld [tilespmem:s24+$0x50];
	(erf) = vpow2.f32 v2;
	v2 =	vmul.f32 $1.442695020e+00, v7;
	v7 =	vsub.f32 $0.0e+00, v22  }
0x83: {  	(erf) = vpow2.f32 v4;
	v4 =	vmul.f32 $1.442695020e+00, v20;
	v20 =	vsub.f32 $0.0e+00, v23  }
0x84: {  	(erf) = vpow2.f32 v6;
	v6 =	vmul.f32 $1.442695020e+00, v7;
	v7 =	vsub.f32 $0.0e+00, v18  }
0x85: {  	(erf) = vpow2.f32 v2;
	v2 =	vmul.f32 $1.442695020e+00, v20  }
0x86: {  	v8 =	vadd.f32 v8, v30;
	(erf) = vpow2.f32 v4;
	v4 =	vmul.f32 $1.442695020e+00, v7  }
0x87: {  	v17 =	vadd.f32 v17, v32;
	v18 =	vsub.f32 $0.0e+00, v19  }
0x88: {  	(erf) = vpow2.f32 v6  }
0x89: {  	v7 =	vsub.f32 $0.0e+00, v8;
	v8 =	vsub.f32 $0.0e+00, v17;
	(erf) = vpow2.f32 v2;
	v2 =	vpop (erf)  }
0x8a: {  	v5 =	vsub.f32 $0.0e+00, v5;
	(erf) = vpow2.f32 v4;
	v4 =	vpop (erf)  }
0x8b: {  	v17 =	vld [tilespmem:s14+$0xFFFFFF80];
	v6 =	vmul.f32 $1.442695020e+00, v18;
	v8 =	vmul.f32 $1.442695020e+00, v8;
	v18 =	vpop (erf)  }
0x8c: {  	v3 =	vsub.f32 $0.0e+00, v3;
	v5 =	vmul.f32 $1.442695020e+00, v5;
	v7 =	vmul.f32 $1.442695020e+00, v7;
	v19 =	vpop (erf)  }
0x8d: {  	v36 =	vld [tilespmem:s19+$0xFFFFFF90];
	(erf) = vpow2.f32 v6;
	v20 =	vadd.f32 $1.000000000e+00, v18;
	v21 =	vadd.f32 $1.000000000e+00, v19  }
0x8e: {  	v3 =	vmul.f32 $1.442695020e+00, v3;
	v6 =	vld [tilespmem:s14+$0xFFFFFFC0];
	(erf) = vpow2.f32 v7;
	v22 =	vpop (erf)  }
0x8f: {  	v7 =	vld [tilespmem:s19+$0xFFFFFF80];
	(erf) = vpow2.f32 v8;
	v8 =	vpop (erf);
	v20 =	vmul.f32 v21, v20  }
0x90: {  	v30 =	vld [tilespmem:s14+$0xFFFFFFD0];
	v25 =	vunpack.i.l.bf16.f32 v17;
	v21 =	vadd.f32 $1.000000000e+00, v22;
	v23 =	vadd.f32 $1.000000000e+00, v8;
	v24 =	vpop (erf)  }
0x91: {  	v29 =	vld [tilespmem:s14+$0xFFFFFF90];
	v17 =	vunpack.i.u.bf16.f32 v17;
	(erf) = vpow2.f32 v5;
	v26 =	vadd.f32 $1.000000000e+00, v24;
	v27 =	vpop (erf)  }
0x92: {  	v5 =	vld [tilespmem:s24+$0xFFFFFF80];
	(erf) = vpow2.f32 v3;
	v3 =	vmul.f32 v23, v21;
	v21 =	vadd.f32 $1.000000000e+00, v27  }
0x93: {  	v17 =	vadd.f32 v36, v17;
	(erf) = vrcp.f32 v20;
	v20 =	vpop (erf)  }
0x94: {  	v23 =	vunpack.i.l.bf16.f32 v6;
	v7 =	vadd.f32 v7, v25;
	v21 =	vmul.f32 v21, v26;
	v28 =	vpop (erf)  }
0x95: {  	v61 =	vunpack.i.l.bf16.f32 v30;
	v25 =	vadd.f32 $1.000000000e+00, v20;
	v26 =	vadd.f32 $1.000000000e+00, v28  }
0x96: {  	v62 =	vld [tilespmem:s24+$0xFFFFFF90];
	v37 =	vunpack.i.l.bf16.f32 v29;
	v18 =	vsub.f32 v19, v18;
	(erf) = vrcp.f32 v3;
	v3 =	vpop (erf)  }
0x97: {  	v17 =	vsub.f32 $0.0e+00, v17;
	v5 =	vadd.f32 v5, v23;
	v23 =	vpop (erf);
	v25 =	vmul.f32 v26, v25  }
0x98: {  	(erf) = vrcp.f32 v21;
	v31 =	vadd.f32 $1.000000000e+00, v3;
	v21 =	vpop (erf);
	v26 =	vadd.f32 $1.000000000e+00, v23  }
0x99: {  	v8 =	vsub.f32 v8, v22;
	v6 =	vunpack.i.u.bf16.f32 v6;
	v57 =	vpop (erf);
	v58 =	vadd.f32 $1.000000000e+00, v21  }
0x9a: {  	v59 =	vadd.f32 $1.000000000e+00, v57;
	v26 =	vmul.f32 v26, v31;
	v31 =	vadd.f32 $1.000000000e+00, v4  }
0x9b: {  	v24 =	vsub.f32 v27, v24;
	v6 =	vadd.f32 v62, v6;
	(erf) = vrcp.f32 v25;
	v25 =	vpop (erf)  }
0x9c: {  	v19 =	vmul.f32 v59, v58;
	(erf) = vrcp.f32 v26;
	v35 =	vadd.f32 $1.000000000e+00, v25;
	v60 =	vpop (erf)  }
0x9d: {  	v17 =	vmul.f32 $1.442695020e+00, v17;
	v7 =	vsub.f32 $0.0e+00, v7;
	v22 =	vadd.f32 $1.000000000e+00, v60  }
0x9e: {  	v26 =	vmul.f32 v35, v31;
	v31 =	vpop (erf);
	(erf) = vrcp.f32 v19;
	v19 =	vadd.f32 $1.000000000e+00, v2  }
0x9f: {  	v6 =	vsub.f32 $0.0e+00, v6;
	v7 =	vmul.f32 $1.442695020e+00, v7;
	v18 =	vmul.f32 v31, v18  }
0xa0: {  	v5 =	vsub.f32 $0.0e+00, v5;
	v31 =	vpop (erf);
	(erf) = vrcp.f32 v26;
	v19 =	vmul.f32 v22, v19  }
0xa1: {  	v20 =	vsub.f32 v28, v20;
	v8 =	vmul.f32 v31, v8;
	v18 =	vmul.f32 v18, v9  }
0xa2: {  	v6 =	vmul.f32 $1.442695020e+00, v6;
	v5 =	vmul.f32 $1.442695020e+00, v5;
	v3 =	vsub.f32 v23, v3;
	v22 =	vpop (erf)  }
0xa3: {  	v27 =	vld [tilespmem:s14+$0xFFFFFFE0];
	v8 =	vmul.f32 v8, v10;
	v22 =	vmul.f32 v22, v24;
	v18 =	vadd.f32 $0.0e+00, v18  }
0xa4: {  	v21 =	vsub.f32 v57, v21;
	v4 =	vsub.f32 v25, v4;
	(erf) = vrcp.f32 v19;
	v24 =	vld [tilespmem:s19+$0xFFFFFFA0];
	v19 =	vpop (erf)  }
0xa5: {  	v8 =	vadd.f32 v8, v18;
	v18 =	vmul.f32 v22, v11;
	v19 =	vmul.f32 v19, v20;
	v20 =	vld [tilespmem:s24+$0xFFFFFFA0];
	v23 =	vpop (erf)  }
0xa6: {  	v2 =	vsub.f32 v60, v2;
	(erf) = vpow2.f32 v7;
	v3 =	vmul.f32 v23, v3;
	v23 =	vld [tilespmem:s24+$0xFFFFFFB0]  }
0xa7: {  	(erf) = vpow2.f32 v5;
	v8 =	vadd.f32 v18, v8;
	v18 =	vmul.f32 v19, v12;
	v19 =	vld [tilespmem:s19+$0xFFFFFFB0]  }
0xa8: {  	v26 =	vunpack.i.u.bf16.f32 v30;
	v5 =	vld [tilespmem:s24+$0xFFFFFFC0];
	v22 =	vunpack.i.u.bf16.f32 v29;
	(erf) = vpow2.f32 v17;
	v25 =	vpop (erf)  }
0xa9: {  	v3 =	vmul.f32 v3, v13;
	v21 =	vmul.f32 v25, v21;
	v8 =	vadd.f32 v18, v8;
	v18 =	vld [tilespmem:s14+$0xFFFFFFA0];
	v25 =	vpop (erf)  }
0xaa: {  	(erf) = vpow2.f32 v6;
	v24 =	vadd.f32 v24, v37;
	v4 =	vmul.f32 v25, v4  }
0xab: {  	v28 =	vld [tilespmem:s14+$0xFFFFFFB0];
	v7 =	vmul.f32 v21, v14;
	v20 =	vadd.f32 v20, v61;
	v3 =	vadd.f32 v3, v8  }
0xac: {  	v21 =	vld [tilespmem:s19+$0xFFFFFFC0];
	v19 =	vadd.f32 v19, v22;
	v22 =	vadd.f32 v23, v26;
	v26 =	vunpack.i.l.bf16.f32 v27  }
0xad: {  	v4 =	vmul.f32 v4, v15;
	v20 =	vsub.f32 $0.0e+00, v20;
	v23 =	vld [tilespmem:s24+$0xFFFFFFD0];
	v8 =	vpop (erf);
	v5 =	vadd.f32 v5, v26  }
0xae: {  	v2 =	vmul.f32 v8, v2;
	v8 =	vsub.f32 $0.0e+00, v24;
	v24 =	vld [tilespmem:s19+$0xFFFFFFD0];
	v25 =	vunpack.i.l.bf16.f32 v18  }
0xaf: {  	v17 =	vmul.f32 $1.442695020e+00, v20;
	v20 =	vld [tilespmem:s14+$0xFFFFFFF0];
	v6 =	vsub.f32 $0.0e+00, v22;
	v5 =	vsub.f32 $0.0e+00, v5  }
0xb0: {  	v19 =	vsub.f32 $0.0e+00, v19;
	v18 =	vunpack.i.u.bf16.f32 v18;
	v8 =	vmul.f32 $1.442695020e+00, v8  }
0xb1: {  	v21 =	vadd.f32 v21, v25;
	v6 =	vmul.f32 $1.442695020e+00, v6;
	v5 =	vmul.f32 $1.442695020e+00, v5  }
0xb2: {  	v22 =	vunpack.i.u.bf16.f32 v27;
	v25 =	vld [tilespmem:s19+$0xFFFFFFE0];
	(erf) = vpow2.f32 v8;
	v8 =	vmul.f32 $1.442695020e+00, v19  }
0xb3: {  	v19 =	vsub.f32 $0.0e+00, v21;
	v21 =	vld [tilespmem:s24+$0xFFFFFFE0];
	(erf) = vpow2.f32 v17;
	v17 =	vadd.f32 v24, v18  }
0xb4: {  	v18 =	vadd.f32 v23, v22;
	v22 =	vunpack.i.l.bf16.f32 v28;
	v23 =	vld [tilespmem:s19+$0xFFFFFFF0];
	v24 =	vunpack.i.l.bf16.f32 v20  }
0xb5: {  	v26 =	vld [tilespmem:s24+$0xFFFFFFF0];
	v20 =	vunpack.i.u.bf16.f32 v20;
	v19 =	vmul.f32 $1.442695020e+00, v19;
	(erf) = vpow2.f32 v8  }
0xb6: {  	v17 =	vsub.f32 $0.0e+00, v17;
	v8 =	vsub.f32 $0.0e+00, v18;
	(erf) = vpow2.f32 v6  }
0xb7: {  	v6 =	vunpack.i.u.bf16.f32 v28;
	v18 =	vadd.f32 v25, v22;
	(erf) = vpow2.f32 v19  }
0xb8: {  	v21 =	vadd.f32 v21, v24;
	v17 =	vmul.f32 $1.442695020e+00, v17;
	v8 =	vmul.f32 $1.442695020e+00, v8  }
0xb9: {  	(erf) = vpow2.f32 v5;
	v18 =	vsub.f32 $0.0e+00, v18;
	v19 =	vpop (erf);
	v6 =	vadd.f32 v23, v6  }
0xba: {  	v5 =	vpop (erf);
	v21 =	vsub.f32 $0.0e+00, v21;
	(erf) = vpow2.f32 v17;
	v17 =	vadd.f32 v26, v20  }
0xbb: {  	v20 =	vadd.f32 $1.000000000e+00, v19;
	v18 =	vmul.f32 $1.442695020e+00, v18;
	v22 =	vpop (erf);
	v23 =	vadd.f32 $1.000000000e+00, v5  }
0xbc: {  	(erf) = vpow2.f32 v8;
	v6 =	vsub.f32 $0.0e+00, v6;
	v8 =	vpop (erf);
	v21 =	vmul.f32 $1.442695020e+00, v21  }
0xbd: {  	v17 =	vsub.f32 $0.0e+00, v17;
	v24 =	vpop (erf);
	v20 =	vmul.f32 v23, v20;
	v23 =	vadd.f32 $1.000000000e+00, v22  }
0xbe: {  	v3 =	vadd.f32 v7, v3;
	v6 =	vmul.f32 $1.442695020e+00, v6;
	v25 =	vpop (erf);
	(erf) = vpow2.f32 v18  }
0xbf: {  	v18 =	vadd.f32 $1.000000000e+00, v8;
	v17 =	vmul.f32 $1.442695020e+00, v17;
	v26 =	vpop (erf);
	(erf) = vpow2.f32 v21  }
0xc0: {  	v21 =	vadd.f32 $1.000000000e+00, v24;
	v27 =	vpop (erf);
	(erf) = vrcp.f32 v20;
	v20 =	vadd.f32 $1.000000000e+00, v25  }
0xc1: {  	v18 =	vmul.f32 v18, v23;
	v23 =	vpop (erf);
	(erf) = vpow2.f32 v6;
	v6 =	vadd.f32 $1.000000000e+00, v26  }
0xc2: {  	s18 =	simm.s32 $0xDE80;
	v28 =	vadd.f32 $1.000000000e+00, v27;
	v29 =	vpop (erf);
	(erf) = vpow2.f32 v17;
	v7 =	vmul.f32 v20, v21  }
0xc3: {  	v45 =	vld [tilespmem:s18+$0x30];
	v17 =	vadd.f32 $1.000000000e+00, v23;
	(erf) = vrcp.f32 v18;
	v18 =	vadd.f32 $1.000000000e+00, v29  }
0xc4: {  	v47 =	vld [tilespmem:s18+$0x20];
	s19 =	simm.s32 $0x3E80;
	v6 =	vmul.f32 v28, v6;
	v20 =	vpop (erf)  }
0xc5: {  	v3 =	vadd.f32 v4, v3;
	v43 =	vld [tilespmem:s19+$0x20];
	(erf) = vrcp.f32 v7;
	v21 =	vpop (erf);
	v7 =	vmul.f32 v18, v17  }
0xc6: {  	v2 =	vmul.f32 v2, v16;
	v44 =	vld [tilespmem:s19+$0x60];
	v30 =	vadd.f32 $1.000000000e+00, v20;
	v31 =	vadd.f32 $1.000000000e+00, v21  }
0xc7: {  	s15 =	simm.s32 $0x8E80;
	v38 =	vld [tilespmem:s19+$0x0];
	v23 =	vsub.f32 v29, v23;
	(erf) = vrcp.f32 v6  }
0xc8: {  	v28 =	vld [tilespmem:s15+$0x70];
	v17 =	vadd.f32 v2, v3;
	v2 =	vsub.f32 v5, v19;
	v6 =	vpop (erf);
	v4 =	vmul.f32 v31, v30  }
0xc9: {  	v29 =	vld [tilespmem:s15+$0x40];
	v5 =	vsub.f32 v25, v24;
	v24 =	vsub.f32 v27, v26;
	(erf) = vrcp.f32 v7;
	v7 =	vpop (erf)  }
0xca: {  	v18 =	vld [tilespmem:s15+$0x60];
	v26 =	vadd.f32 $1.000000000e+00, v6;
	(erf) = vrcp.f32 v4;
	v3 =	vpop (erf);
	v27 =	vadd.f32 $1.000000000e+00, v7  }
0xcb: {  	v19 =	vld [tilespmem:s19+$0x70];
	v4 =	vsub.f32 v8, v22;
	v22 =	vpop (erf)  }
0xcc: {  	v48 =	vunpack.i.u.bf16.f32 v43;
	v25 =	vld [tilespmem:s18+$0x50];
	v2 =	vmul.f32 v3, v2;
	v3 =	vpop (erf);
	v26 =	vmul.f32 v27, v26  }
0xcd: {  	v35 =	vunpack.i.l.bf16.f32 v43;
	v30 =	vld [tilespmem:s18+$0x60];
	v27 =	vadd.f32 $1.000000000e+00, v22;
	v40 =	vpop (erf);
	v41 =	vadd.f32 $1.000000000e+00, v3  }
0xce: {  	v39 =	vunpack.i.u.bf16.f32 v44;
	v31 =	vld [tilespmem:s19+$0x30];
	v2 =	vmul.f32 v2, v9;
	v4 =	vmul.f32 v40, v4  }
0xcf: {  	v20 =	vsub.f32 v21, v20;
	v8 =	vld [tilespmem:s15+$0x50];
	v7 =	vsub.f32 v7, v6;
	v42 =	vpop (erf);
	v6 =	vmul.f32 v41, v27  }
0xd0: {  	(erf) = vrcp.f32 v26;
	v40 =	vld [tilespmem:s15+$0x0];
	v2 =	vadd.f32 $0.0e+00, v2;
	v4 =	vmul.f32 v4, v10;
	v26 =	vpop (erf)  }
0xd1: {  	v29 =	vadd.f32 v29, v35;
	v25 =	vadd.f32 v25, v39;
	v27 =	vld [tilespmem:s15+$0x30];
	v24 =	vmul.f32 v26, v24  }
0xd2: {  	v26 =	vpop (erf);
	(erf) = vrcp.f32 v6;
	v46 =	vadd.f32 v4, v2;
	v2 =	vsub.f32 v3, v22;
	v22 =	vld [tilespmem:s19+$0x10]  }
0xd3: {  	v3 =	vmul.f32 v26, v23;
	v23 =	vld [tilespmem:s15+$0x20];
	v26 =	vunpack.i.u.bf16.f32 v19;
	v19 =	vunpack.i.l.bf16.f32 v19;
	v6 =	vpop (erf)  }
0xd4: {  	v4 =	vmul.f32 v24, v12;
	v24 =	vunpack.i.u.bf16.f32 v31;
	v6 =	vmul.f32 v6, v20;
	v20 =	vld [tilespmem:s19+$0x50]  }
0xd5: {  	v31 =	vunpack.i.l.bf16.f32 v31;
	v19 =	vadd.f32 v30, v19;
	v24 =	vadd.f32 v28, v24;
	v28 =	vld [tilespmem:s19+$0x40]  }
0xd6: {  	v52 =	vunpack.i.l.bf16.f32 v38;
	v18 =	vadd.f32 v18, v31;
	v31 =	vadd.f32 v8, v48;
	v8 =	vld [tilespmem:s15+$0x10]  }
0xd7: {  	v34 =	vunpack.i.l.bf16.f32 v44;
	v30 =	vld [tilespmem:s18+$0x0];
	v33 =	vadd.f32 v40, v52;
	v24 =	vsub.f32 $0.0e+00, v24  }
0xd8: {  	v51 =	vld [tilespmem:s18+$0x10];
	v18 =	vsub.f32 $0.0e+00, v18;
	v41 =	vunpack.i.u.bf16.f32 v22;
	v22 =	vunpack.i.l.bf16.f32 v22  }
0xd9: {  	v50 =	vunpack.i.u.bf16.f32 v38;
	v27 =	vadd.f32 v27, v41;
	v22 =	vadd.f32 v23, v22  }
0xda: {  	v24 =	vmul.f32 $1.442695020e+00, v24;
	v49 =	vunpack.i.u.bf16.f32 v20;
	v20 =	vunpack.i.l.bf16.f32 v20  }
0xdb: {  	v23 =	vunpack.i.l.bf16.f32 v28;
	v8 =	vadd.f32 v8, v50;
	v32 =	vadd.f32 v45, v49  }
0xdc: {  	v28 =	vunpack.i.u.bf16.f32 v28;
	v20 =	vadd.f32 v47, v20;
	v23 =	vadd.f32 v30, v23  }
0xdd: {  	v18 =	vmul.f32 $1.442695020e+00, v18;
	v30 =	vsub.f32 $0.0e+00, v33;
	v28 =	vadd.f32 v51, v28  }
0xde: {  	(erf) = vpow2.f32 v24;
	v8 =	vsub.f32 $0.0e+00, v8;
	v23 =	vsub.f32 $0.0e+00, v23  }
0xdf: {  	v21 =	vld [tilespmem:s18+$0x40];
	(erf) = vpow2.f32 v18;
	v18 =	vsub.f32 $0.0e+00, v22;
	v30 =	vmul.f32 $1.442695020e+00, v30  }
0xe0: {  	v24 =	vsub.f32 $0.0e+00, v28;
	v8 =	vmul.f32 $1.442695020e+00, v8;
	v23 =	vmul.f32 $1.442695020e+00, v23  }
0xe1: {  	v20 =	vsub.f32 $0.0e+00, v20;
	v18 =	vmul.f32 $1.442695020e+00, v18;
	(erf) = vpow2.f32 v30  }
0xe2: {  	v22 =	vmul.f32 $1.442695020e+00, v24;
	v24 =	vsub.f32 $0.0e+00, v29;
	(erf) = vpow2.f32 v23  }
0xe3: {  	v63 =	vld [tilespmem:s18+$0x70];
	(erf) = vpow2.f32 v8;
	v8 =	vmul.f32 $1.442695020e+00, v20;
	v20 =	vsub.f32 $0.0e+00, v32  }
0xe4: {  	v21 =	vadd.f32 v21, v34;
	v23 =	vsub.f32 $0.0e+00, v27;
	v24 =	vmul.f32 $1.442695020e+00, v24  }
0xe5: {  	v25 =	vsub.f32 $0.0e+00, v25;
	(erf) = vpow2.f32 v22;
	v20 =	vmul.f32 $1.442695020e+00, v20  }
0xe6: {  	v23 =	vmul.f32 $1.442695020e+00, v23;
	(erf) = vpow2.f32 v18  }
0xe7: {  	v21 =	vsub.f32 $0.0e+00, v21;
	v25 =	vmul.f32 $1.442695020e+00, v25;
	v18 =	vpop (erf);
	(erf) = vpow2.f32 v8  }
0xe8: {  	v5 =	vmul.f32 v42, v5;
	v26 =	vadd.f32 v63, v26;
	v8 =	vpop (erf);
	(erf) = vpow2.f32 v23  }
0xe9: {  	v21 =	vmul.f32 $1.442695020e+00, v21;
	v27 =	vsub.f32 $0.0e+00, v31;
	(erf) = vpow2.f32 v20;
	v20 =	vpop (erf)  }
0xea: {  	v5 =	vmul.f32 v5, v11;
	v19 =	vsub.f32 $0.0e+00, v19;
	v22 =	vld [tilespmem:s19+$0xFFFFFF80];
	(erf) = vpow2.f32 v24;
	v24 =	vpop (erf)  }
0xeb: {  	v3 =	vmul.f32 v3, v13;
	v27 =	vmul.f32 $1.442695020e+00, v27;
	v30 =	vpop (erf)  }
0xec: {  	v19 =	vmul.f32 $1.442695020e+00, v19;
	v28 =	vld [tilespmem:s15+$0xFFFFFF80];
	(erf) = vpow2.f32 v21;
	v21 =	vsub.f32 $0.0e+00, v26;
	v26 =	vpop (erf)  }
0xed: {  	v44 =	vld [tilespmem:s15+$0xFFFFFF90];
	(erf) = vpow2.f32 v27;
	v31 =	vadd.f32 $1.000000000e+00, v30;
	v53 =	vadd.f32 $1.000000000e+00, v26  }
0xee: {  	v5 =	vadd.f32 v5, v46;
	v23 =	vld [tilespmem:s19+$0xFFFFFFC0];
	v33 =	vpop (erf);
	(erf) = vpow2.f32 v25;
	v21 =	vmul.f32 $1.442695020e+00, v21  }
0xef: {  	v29 =	vunpack.i.l.bf16.f32 v22;
	v27 =	vld [tilespmem:s18+$0xFFFFFF80];
	v34 =	vpop (erf);
	(erf) = vpow2.f32 v19;
	v19 =	vmul.f32 v53, v31  }
0xf0: {  	v22 =	vunpack.i.u.bf16.f32 v22;
	v31 =	vadd.f32 $1.000000000e+00, v33;
	v54 =	vadd.f32 $1.000000000e+00, v34;
	v55 =	vpop (erf)  }
0xf1: {  	v28 =	vadd.f32 v28, v29;
	v51 =	vadd.f32 $1.000000000e+00, v20;
	(erf) = vpow2.f32 v21;
	v56 =	vpop (erf)  }
0xf2: {  	v29 =	vadd.f32 $1.000000000e+00, v55;
	v31 =	vmul.f32 v54, v31;
	v57 =	vadd.f32 $1.000000000e+00, v56  }
0xf3: {  	v38 =	vld [tilespmem:s19+$0xFFFFFFD0];
	v22 =	vadd.f32 v44, v22;
	v25 =	vunpack.i.l.bf16.f32 v23;
	(erf) = vrcp.f32 v19;
	v19 =	vpop (erf)  }
0xf4: {  	v48 =	vld [tilespmem:s18+$0xFFFFFF90];
	v46 =	vadd.f32 $1.000000000e+00, v24;
	v25 =	vadd.f32 v27, v25;
	v29 =	vmul.f32 v57, v29;
	v58 =	vpop (erf)  }
0xf5: {  	v6 =	vmul.f32 v6, v14;
	v27 =	vadd.f32 $1.000000000e+00, v19;
	v59 =	vadd.f32 $1.000000000e+00, v58  }
0xf6: {  	v28 =	vsub.f32 $0.0e+00, v28;
	v22 =	vsub.f32 $0.0e+00, v22;
	(erf) = vrcp.f32 v31;
	v31 =	vpop (erf)  }
0xf7: {  	v26 =	vsub.f32 v26, v30;
	(erf) = vrcp.f32 v29;
	v61 =	vpop (erf);
	v27 =	vmul.f32 v59, v27  }
0xf8: {  	v23 =	vunpack.i.u.bf16.f32 v23;
	v60 =	vadd.f32 $1.000000000e+00, v31;
	v62 =	vadd.f32 $1.000000000e+00, v61;
	v29 =	vpop (erf)  }
0xf9: {  	v45 =	vunpack.i.l.bf16.f32 v38;
	v23 =	vadd.f32 v48, v23;
	v42 =	vadd.f32 $1.000000000e+00, v29;
	v43 =	vpop (erf)  }
0xfa: {  	v32 =	vmul.f32 v62, v60;
	v63 =	vadd.f32 $1.000000000e+00, v43;
	(erf) = vrcp.f32 v27  }
0xfb: {  	v28 =	vmul.f32 $1.442695020e+00, v28;
	v22 =	vmul.f32 $1.442695020e+00, v22;
	v21 =	vld [tilespmem:s19+$0xFFFFFF90];
	v23 =	vsub.f32 $0.0e+00, v23;
	v27 =	vpop (erf)  }
0xfc: {  	v33 =	vsub.f32 v34, v33;
	v30 =	vmul.f32 v63, v42;
	(erf) = vrcp.f32 v32;
	v49 =	vpop (erf)  }
0xfd: {  	v23 =	vmul.f32 $1.442695020e+00, v23;
	v47 =	vadd.f32 $1.000000000e+00, v27;
	v52 =	vadd.f32 $1.000000000e+00, v49;
	v53 =	vpop (erf)  }
0xfe: {  	v55 =	vsub.f32 v56, v55;
	(erf) = vrcp.f32 v30;
	v26 =	vmul.f32 v53, v26  }
0xff: {  	v25 =	vsub.f32 $0.0e+00, v25;
	v50 =	vmul.f32 v47, v46;
	v54 =	vpop (erf);
	v30 =	vmul.f32 v52, v51  }
0x100: {  	v41 =	vunpack.i.l.bf16.f32 v21;
	v33 =	vmul.f32 v54, v33;
	v56 =	vpop (erf);
	v26 =	vmul.f32 v26, v9  }
0x101: {  	v19 =	vsub.f32 v58, v19;
	(erf) = vrcp.f32 v50;
	v57 =	vmul.f32 v56, v55  }
0x102: {  	(erf) = vrcp.f32 v30;
	v30 =	vmul.f32 v33, v10;
	v26 =	vadd.f32 $0.0e+00, v26  }
0x103: {  	v25 =	vmul.f32 $1.442695020e+00, v25;
	v31 =	vsub.f32 v61, v31;
	v59 =	vld [tilespmem:s15+$0xFFFFFFA0];
	v58 =	vpop (erf);
	(erf) = vpow2.f32 v28  }
0x104: {  	v61 =	vld [tilespmem:s18+$0xFFFFFFA0];
	v19 =	vmul.f32 v58, v19;
	v26 =	vadd.f32 v30, v26;
	v30 =	vmul.f32 v57, v11  }
0x105: {  	v21 =	vunpack.i.u.bf16.f32 v21;
	v29 =	vsub.f32 v43, v29;
	v28 =	vld [tilespmem:s19+$0xFFFFFFE0];
	(erf) = vpow2.f32 v25;
	v60 =	vpop (erf)  }
0x106: {  	v19 =	vmul.f32 v19, v12;
	v26 =	vadd.f32 v30, v26;
	v30 =	vmul.f32 v60, v31;
	v31 =	vld [tilespmem:s15+$0xFFFFFFB0]  }
0x107: {  	v62 =	vunpack.i.u.bf16.f32 v38;
	v24 =	vsub.f32 v27, v24;
	(erf) = vpow2.f32 v22;
	v27 =	vpop (erf)  }
0x108: {  	v38 =	vld [tilespmem:s18+$0xFFFFFFC0];
	v27 =	vmul.f32 v27, v29;
	v19 =	vadd.f32 v19, v26;
	v26 =	vmul.f32 v30, v13  }
0x109: {  	v35 =	vadd.f32 v59, v41;
	v20 =	vsub.f32 v49, v20;
	(erf) = vpow2.f32 v23;
	v29 =	vld [tilespmem:s19+$0xFFFFFFA0]  }
0x10a: {  	v63 =	vld [tilespmem:s18+$0xFFFFFFB0];
	v40 =	vunpack.i.l.bf16.f32 v28;
	v30 =	vpop (erf);
	v19 =	vadd.f32 v26, v19;
	v26 =	vmul.f32 v27, v14  }
0x10b: {  	v27 =	vadd.f32 v61, v45;
	v24 =	vmul.f32 v30, v24;
	v21 =	vadd.f32 v31, v21;
	v31 =	vld [tilespmem:s18+$0xFFFFFFD0]  }
0x10c: {  	v25 =	vld [tilespmem:s15+$0xFFFFFFC0];
	v28 =	vunpack.i.u.bf16.f32 v28;
	v30 =	vpop (erf);
	v19 =	vadd.f32 v26, v19;
	v26 =	vsub.f32 $0.0e+00, v35  }
0x10d: {  	v41 =	vld [tilespmem:s19+$0xFFFFFFB0];
	v20 =	vmul.f32 v30, v20;
	v27 =	vsub.f32 $0.0e+00, v27;
	v24 =	vmul.f32 v24, v15  }
0x10e: {  	v30 =	vld [tilespmem:s15+$0xFFFFFFD0];
	v39 =	vunpack.i.l.bf16.f32 v29;
	v21 =	vsub.f32 $0.0e+00, v21;
	v26 =	vmul.f32 $1.442695020e+00, v26  }
0x10f: {  	v22 =	vmul.f32 $1.442695020e+00, v27;
	v27 =	vld [tilespmem:s19+$0xFFFFFFF0];
	v19 =	vadd.f32 v24, v19;
	v24 =	vadd.f32 v63, v62  }
0x110: {  	v21 =	vmul.f32 $1.442695020e+00, v21;
	(erf) = vpow2.f32 v26;
	v28 =	vadd.f32 v31, v28  }
0x111: {  	v42 =	vld [tilespmem:s15+$0xFFFFFFE0];
	v23 =	vsub.f32 $0.0e+00, v24;
	v24 =	vadd.f32 v25, v39;
	(erf) = vpow2.f32 v22  }
0x112: {  	v25 =	vunpack.i.u.bf16.f32 v29;
	v29 =	vadd.f32 v38, v40;
	(erf) = vpow2.f32 v21  }
0x113: {  	v26 =	vld [tilespmem:s18+$0xFFFFFFE0];
	v24 =	vsub.f32 $0.0e+00, v24;
	v22 =	vmul.f32 $1.442695020e+00, v23;
	v23 =	vadd.f32 v30, v25  }
0x114: {  	v31 =	vld [tilespmem:s15+$0xFFFFFFF0];
	v25 =	vsub.f32 $0.0e+00, v29;
	v29 =	vunpack.i.l.bf16.f32 v41;
	v30 =	vunpack.i.l.bf16.f32 v27  }
0x115: {  	v27 =	vunpack.i.u.bf16.f32 v27;
	v24 =	vmul.f32 $1.442695020e+00, v24;
	v23 =	vsub.f32 $0.0e+00, v23  }
0x116: {  	v29 =	vadd.f32 v42, v29;
	v21 =	vmul.f32 $1.442695020e+00, v25;
	v25 =	vsub.f32 $0.0e+00, v28;
	v28 =	vld [tilespmem:s18+$0xFFFFFFF0]  }
0x117: {  	(erf) = vpow2.f32 v22;
	v22 =	vunpack.i.u.bf16.f32 v41;
	v23 =	vmul.f32 $1.442695020e+00, v23  }
0x118: {  	v26 =	vadd.f32 v26, v30;
	(erf) = vpow2.f32 v24;
	v25 =	vmul.f32 $1.442695020e+00, v25  }
0x119: {  	v29 =	vsub.f32 $0.0e+00, v29;
	v22 =	vadd.f32 v31, v22;
	(erf) = vpow2.f32 v21;
	v24 =	vpop (erf)  }
0x11a: {  	v26 =	vsub.f32 $0.0e+00, v26;
	(erf) = vpow2.f32 v23;
	v21 =	vpop (erf);
	v30 =	vadd.f32 $1.000000000e+00, v24  }
0x11b: {  	(erf) = vpow2.f32 v25;
	v27 =	vadd.f32 v28, v27;
	v23 =	vpop (erf);
	v28 =	vadd.f32 $1.000000000e+00, v21  }
0x11c: {  	v20 =	vmul.f32 v20, v16;
	v29 =	vmul.f32 $1.442695020e+00, v29;
	v22 =	vsub.f32 $0.0e+00, v22;
	v25 =	vpop (erf)  }
0x11d: {  	v4 =	vadd.f32 v4, v5;
	v26 =	vmul.f32 $1.442695020e+00, v26;
	v31 =	vpop (erf);
	v28 =	vmul.f32 v28, v30  }
0x11e: {  	v22 =	vmul.f32 $1.442695020e+00, v22;
	v30 =	vadd.f32 $1.000000000e+00, v23;
	v44 =	vadd.f32 $1.000000000e+00, v25;
	v43 =	vpop (erf)  }
0x11f: {  	v27 =	vsub.f32 $0.0e+00, v27;
	v45 =	vpop (erf);
	(erf) = vpow2.f32 v29;
	v29 =	vadd.f32 $1.000000000e+00, v31  }
0x120: {  	v3 =	vadd.f32 v3, v4;
	v30 =	vmul.f32 v44, v30;
	v46 =	vpop (erf);
	(erf) = vpow2.f32 v26  }
0x121: {  	v27 =	vmul.f32 $1.442695020e+00, v27;
	v26 =	vadd.f32 $1.000000000e+00, v43;
	(erf) = vrcp.f32 v28;
	v28 =	vpop (erf)  }
0x122: {  	v3 =	vadd.f32 v6, v3;
	v7 =	vmul.f32 v18, v7;
	v49 =	vpop (erf);
	(erf) = vpow2.f32 v22  }
0x123: {  	s19 =	simm.s32 $0x3F80;
	v19 =	vadd.f32 v20, v19;
	v22 =	vmul.f32 v26, v29;
	v29 =	vpop (erf);
	(erf) = vpow2.f32 v27  }
0x124: {  	v52 =	vld [tilespmem:s19+$0x70];
	v47 =	vadd.f32 $1.000000000e+00, v45;
	v48 =	vadd.f32 $1.000000000e+00, v46;
	(erf) = vrcp.f32 v30;
	v30 =	vpop (erf)  }
0x125: {  	v7 =	vmul.f32 v7, v15;
	v50 =	vadd.f32 $1.000000000e+00, v29;
	v51 =	vadd.f32 $1.000000000e+00, v30  }
0x126: {  	v26 =	vadd.f32 $1.000000000e+00, v28;
	v27 =	vadd.f32 $1.000000000e+00, v49;
	v33 =	vmul.f32 v48, v47  }
0x127: {  	v20 =	vsub.f32 v21, v24;
	(erf) = vrcp.f32 v22;
	v24 =	vmul.f32 v51, v50  }
0x128: {  	s24 =	simm.s32 $0x8F80;
	v8 =	vmul.f32 v8, v2;
	v61 =	vld [tilespmem:s19+$0x60];
	v18 =	vmul.f32 v27, v26  }
0x129: {  	v3 =	vadd.f32 v7, v3;
	v57 =	vld [tilespmem:s24+$0x40];
	v63 =	vunpack.i.u.bf16.f32 v52;
	s18 =	simm.s32 $0xDF80;
	(erf) = vrcp.f32 v33  }
0x12a: {  	v60 =	vld [tilespmem:s18+$0x40];
	v23 =	vsub.f32 v25, v23;
	v25 =	vsub.f32 v43, v31;
	(erf) = vrcp.f32 v18;
	v26 =	vpop (erf)  }
0x12b: {  	v62 =	vld [tilespmem:s19+$0x50];
	v28 =	vsub.f32 v49, v28;
	v29 =	vsub.f32 v30, v29;
	(erf) = vrcp.f32 v24;
	v24 =	vpop (erf)  }
0x12c: {  	v32 =	vunpack.i.l.bf16.f32 v52;
	v49 =	vld [tilespmem:s19+$0x0];
	v30 =	vadd.f32 $1.000000000e+00, v26;
	v53 =	vpop (erf);
	v54 =	vadd.f32 $1.000000000e+00, v24  }
0x12d: {  	v27 =	vsub.f32 v46, v45;
	v33 =	vunpack.i.l.bf16.f32 v61;
	v51 =	vld [tilespmem:s24+$0x0];
	v5 =	vpop (erf);
	v2 =	vmul.f32 v53, v20  }
0x12e: {  	v50 =	vunpack.i.u.bf16.f32 v61;
	v20 =	vsub.f32 v24, v26;
	v53 =	vld [tilespmem:s19+$0x40];
	v26 =	vpop (erf);
	v30 =	vmul.f32 v54, v30  }
0x12f: {  	v38 =	vld [tilespmem:s24+$0x70];
	v33 =	vadd.f32 v60, v33;
	v56 =	vadd.f32 $1.000000000e+00, v5;
	v4 =	vpop (erf);
	v58 =	vmul.f32 v2, v9  }
0x130: {  	v59 =	vadd.f32 $1.000000000e+00, v26;
	v2 =	vsub.f32 v26, v5;
	v26 =	vld [tilespmem:s19+$0x20];
	v4 =	vmul.f32 v4, v23;
	v23 =	vpop (erf)  }
0x131: {  	v21 =	vld [tilespmem:s24+$0x60];
	(erf) = vrcp.f32 v30;
	v5 =	vmul.f32 v23, v25;
	v23 =	vadd.f32 $0.0e+00, v58  }
0x132: {  	v31 =	vld [tilespmem:s19+$0x30];
	v25 =	vmul.f32 v59, v56;
	v59 =	vunpack.i.l.bf16.f32 v49;
	v30 =	vpop (erf);
	v4 =	vmul.f32 v4, v10  }
0x133: {  	v56 =	vld [tilespmem:s24+$0x10];
	v60 =	vadd.f32 v51, v59;
	v37 =	vunpack.i.u.bf16.f32 v53;
	v6 =	vmul.f32 v30, v27  }
0x134: {  	v58 =	vld [tilespmem:s18+$0x10];
	v27 =	vpop (erf);
	v5 =	vmul.f32 v5, v11;
	(erf) = vrcp.f32 v25;
	v23 =	vadd.f32 v4, v23  }
0x135: {  	v18 =	vld [tilespmem:s18+$0x60];
	v27 =	vmul.f32 v27, v28;
	v48 =	vunpack.i.u.bf16.f32 v26;
	v26 =	vunpack.i.l.bf16.f32 v26  }
0x136: {  	v25 =	vld [tilespmem:s18+$0x30];
	v7 =	vmul.f32 v6, v12;
	v26 =	vadd.f32 v57, v26;
	v57 =	vunpack.i.u.bf16.f32 v49;
	v4 =	vpop (erf)  }
0x137: {  	v28 =	vld [tilespmem:s19+$0x10];
	v6 =	vmul.f32 v27, v13;
	v27 =	vunpack.i.u.bf16.f32 v31;
	v29 =	vmul.f32 v4, v29  }
0x138: {  	v31 =	vunpack.i.l.bf16.f32 v31;
	v4 =	vmul.f32 v8, v16;
	v8 =	vadd.f32 v5, v23;
	v23 =	vld [tilespmem:s24+$0x20]  }
0x139: {  	v34 =	vadd.f32 v56, v57;
	v61 =	vadd.f32 v58, v37;
	v5 =	vmul.f32 v29, v14;
	v29 =	vld [tilespmem:s18+$0x20]  }
0x13a: {  	v36 =	vunpack.i.l.bf16.f32 v62;
	v21 =	vadd.f32 v21, v31;
	v31 =	vadd.f32 v18, v32;
	v18 =	vld [tilespmem:s18+$0x0]  }
0x13b: {  	v54 =	vunpack.i.u.bf16.f32 v62;
	v27 =	vadd.f32 v38, v27;
	v26 =	vsub.f32 $0.0e+00, v26  }
0x13c: {  	v25 =	vadd.f32 v25, v54;
	v34 =	vsub.f32 $0.0e+00, v34;
	v52 =	vunpack.i.u.bf16.f32 v28  }
0x13d: {  	v30 =	vld [tilespmem:s24+$0x30];
	v28 =	vunpack.i.l.bf16.f32 v28;
	v27 =	vsub.f32 $0.0e+00, v27;
	v21 =	vsub.f32 $0.0e+00, v21  }
0x13e: {  	v23 =	vadd.f32 v23, v28;
	v28 =	vadd.f32 v29, v36;
	v29 =	vunpack.i.l.bf16.f32 v53  }
0x13f: {  	v25 =	vsub.f32 $0.0e+00, v25;
	v18 =	vadd.f32 v18, v29  }
0x140: {  	v26 =	vmul.f32 $1.442695020e+00, v26;
	v27 =	vmul.f32 $1.442695020e+00, v27;
	v29 =	vsub.f32 $0.0e+00, v60  }
0x141: {  	v21 =	vmul.f32 $1.442695020e+00, v21;
	v25 =	vmul.f32 $1.442695020e+00, v25;
	v18 =	vsub.f32 $0.0e+00, v18  }
0x142: {  	v30 =	vadd.f32 v30, v52;
	(erf) = vpow2.f32 v27;
	v29 =	vmul.f32 $1.442695020e+00, v29  }
0x143: {  	v55 =	vld [tilespmem:s24+$0x50];
	v27 =	vsub.f32 $0.0e+00, v61;
	(erf) = vpow2.f32 v21;
	v18 =	vmul.f32 $1.442695020e+00, v18  }
0x144: {  	v24 =	vld [tilespmem:s18+$0x50];
	v21 =	vmul.f32 $1.442695020e+00, v34;
	v23 =	vsub.f32 $0.0e+00, v23;
	(erf) = vpow2.f32 v29  }
0x145: {  	v27 =	vmul.f32 $1.442695020e+00, v27;
	v28 =	vsub.f32 $0.0e+00, v28;
	(erf) = vpow2.f32 v18  }
0x146: {  	v18 =	vmul.f32 $1.442695020e+00, v23;
	v23 =	vsub.f32 $0.0e+00, v30;
	(erf) = vpow2.f32 v21  }
0x147: {  	v28 =	vmul.f32 $1.442695020e+00, v28;
	(erf) = vpow2.f32 v27  }
0x148: {  	v22 =	vld [tilespmem:s18+$0x70];
	v55 =	vadd.f32 v55, v48;
	v23 =	vmul.f32 $1.442695020e+00, v23;
	(erf) = vpow2.f32 v18  }
0x149: {  	v24 =	vadd.f32 v24, v50;
	v29 =	vsub.f32 $0.0e+00, v33;
	v21 =	vpop (erf);
	(erf) = vpow2.f32 v28  }
0x14a: {  	v30 =	vsub.f32 $0.0e+00, v31;
	v18 =	vpop (erf);
	v28 =	vsub.f32 $0.0e+00, v55;
	(erf) = vpow2.f32 v23  }
0x14b: {  	v24 =	vsub.f32 $0.0e+00, v24;
	v29 =	vmul.f32 $1.442695020e+00, v29;
	(erf) = vpow2.f32 v25;
	v25 =	vpop (erf)  }
0x14c: {  	v28 =	vmul.f32 $1.442695020e+00, v28;
	(erf) = vpow2.f32 v26;
	v26 =	vpop (erf)  }
0x14d: {  	v22 =	vadd.f32 v22, v63;
	v24 =	vmul.f32 $1.442695020e+00, v24;
	v27 =	vld [tilespmem:s19+$0xFFFFFF80];
	v63 =	vpop (erf);
	(erf) = vpow2.f32 v29  }
0x14e: {  	v31 =	vld [tilespmem:s24+$0xFFFFFF80];
	v29 =	vmul.f32 $1.442695020e+00, v30;
	v30 =	vpop (erf);
	(erf) = vpow2.f32 v28  }
0x14f: {  	v57 =	vld [tilespmem:s24+$0xFFFFFF90];
	v47 =	vadd.f32 $1.000000000e+00, v63;
	v48 =	vadd.f32 $1.000000000e+00, v30;
	v36 =	vpop (erf);
	(erf) = vpow2.f32 v24  }
0x150: {  	v22 =	vsub.f32 $0.0e+00, v22;
	v23 =	vld [tilespmem:s19+$0xFFFFFFC0];
	v37 =	vpop (erf);
	(erf) = vpow2.f32 v29  }
0x151: {  	v28 =	vld [tilespmem:s18+$0xFFFFFF80];
	v49 =	vadd.f32 $1.000000000e+00, v36;
	v29 =	vmul.f32 v48, v47;
	v50 =	vadd.f32 $1.000000000e+00, v37  }
0x152: {  	v22 =	vmul.f32 $1.442695020e+00, v22;
	v62 =	vunpack.i.l.bf16.f32 v27;
	v27 =	vunpack.i.u.bf16.f32 v27;
	v38 =	vpop (erf)  }
0x153: {  	v61 =	vadd.f32 $1.000000000e+00, v25;
	v31 =	vadd.f32 v31, v62;
	v39 =	vpop (erf);
	v34 =	vmul.f32 v50, v49  }
0x154: {  	(erf) = vpow2.f32 v22;
	v51 =	vadd.f32 $1.000000000e+00, v38;
	v52 =	vadd.f32 $1.000000000e+00, v39  }
0x155: {  	v41 =	vld [tilespmem:s19+$0xFFFFFFD0];
	v27 =	vadd.f32 v57, v27;
	v24 =	vunpack.i.l.bf16.f32 v23;
	(erf) = vrcp.f32 v29;
	v29 =	vpop (erf)  }
0x156: {  	v31 =	vsub.f32 $0.0e+00, v31;
	v24 =	vadd.f32 v28, v24;
	v32 =	vmul.f32 v52, v51;
	v40 =	vpop (erf)  }
0x157: {  	v28 =	vadd.f32 $1.000000000e+00, v29;
	(erf) = vrcp.f32 v34;
	v53 =	vadd.f32 $1.000000000e+00, v40;
	v34 =	vpop (erf)  }
0x158: {  	v23 =	vunpack.i.u.bf16.f32 v23;
	v30 =	vsub.f32 v30, v63;
	v27 =	vsub.f32 $0.0e+00, v27;
	v43 =	vpop (erf)  }
0x159: {  	v22 =	vld [tilespmem:s19+$0xFFFFFF90];
	v54 =	vadd.f32 $1.000000000e+00, v34;
	v28 =	vmul.f32 v53, v28;
	v55 =	vadd.f32 $1.000000000e+00, v43  }
0x15a: {  	v48 =	vunpack.i.l.bf16.f32 v41;
	v36 =	vsub.f32 v37, v36;
	v31 =	vmul.f32 $1.442695020e+00, v31  }
0x15b: {  	v57 =	vld [tilespmem:s24+$0xFFFFFFA0];
	v49 =	vadd.f32 $1.000000000e+00, v26;
	(erf) = vrcp.f32 v32;
	v32 =	vpop (erf);
	v35 =	vmul.f32 v55, v54  }
0x15c: {  	v27 =	vmul.f32 $1.442695020e+00, v27;
	v24 =	vsub.f32 $0.0e+00, v24;
	v52 =	vsub.f32 v39, v38;
	v46 =	vpop (erf)  }
0x15d: {  	v51 =	vld [tilespmem:s18+$0xFFFFFF90];
	v56 =	vadd.f32 $1.000000000e+00, v32;
	v58 =	vadd.f32 $1.000000000e+00, v46;
	(erf) = vrcp.f32 v28;
	v28 =	vpop (erf)  }
0x15e: {  	v44 =	vunpack.i.l.bf16.f32 v22;
	v22 =	vunpack.i.u.bf16.f32 v22;
	v50 =	vadd.f32 $1.000000000e+00, v28  }
0x15f: {  	v29 =	vsub.f32 v40, v29;
	v59 =	vmul.f32 v58, v56;
	(erf) = vrcp.f32 v35;
	v35 =	vpop (erf)  }
0x160: {  	v24 =	vmul.f32 $1.442695020e+00, v24;
	v38 =	vadd.f32 v57, v44;
	v60 =	vmul.f32 v50, v49;
	v63 =	vpop (erf)  }
0x161: {  	v34 =	vsub.f32 v43, v34;
	(erf) = vrcp.f32 v59;
	v30 =	vmul.f32 v63, v30  }
0x162: {  	v23 =	vadd.f32 v51, v23;
	v62 =	vadd.f32 $1.000000000e+00, v35;
	v50 =	vpop (erf);
	(erf) = vrcp.f32 v60  }
0x163: {  	v43 =	vld [tilespmem:s19+$0xFFFFFFA0];
	v32 =	vsub.f32 v46, v32;
	v30 =	vmul.f32 v30, v9;
	v36 =	vmul.f32 v50, v36  }
0x164: {  	v23 =	vsub.f32 $0.0e+00, v23;
	v26 =	vsub.f32 v28, v26;
	v49 =	vmul.f32 v62, v61;
	v60 =	vld [tilespmem:s18+$0xFFFFFFA0];
	v53 =	vpop (erf)  }
0x165: {  	v62 =	vld [tilespmem:s24+$0xFFFFFFB0];
	v55 =	vmul.f32 v53, v52;
	v30 =	vadd.f32 $0.0e+00, v30;
	v54 =	vmul.f32 v36, v10  }
0x166: {  	v23 =	vmul.f32 $1.442695020e+00, v23;
	v25 =	vsub.f32 v35, v25;
	(erf) = vrcp.f32 v49;
	v56 =	vpop (erf)  }
0x167: {  	v42 =	vld [tilespmem:s18+$0xFFFFFFB0];
	v29 =	vmul.f32 v56, v29;
	v58 =	vmul.f32 v55, v11;
	v30 =	vadd.f32 v54, v30  }
0x168: {  	v63 =	vunpack.i.u.bf16.f32 v41;
	v49 =	vunpack.i.l.bf16.f32 v43;
	(erf) = vpow2.f32 v31;
	v59 =	vpop (erf)  }
0x169: {  	v47 =	vld [tilespmem:s24+$0xFFFFFFD0];
	v29 =	vmul.f32 v29, v12;
	v61 =	vmul.f32 v59, v34;
	v30 =	vadd.f32 v58, v30  }
0x16a: {  	(erf) = vpow2.f32 v24;
	v46 =	vadd.f32 v60, v48;
	v22 =	vadd.f32 v62, v22;
	v28 =	vpop (erf)  }
0x16b: {  	v31 =	vld [tilespmem:s19+$0xFFFFFFE0];
	v28 =	vmul.f32 v28, v32;
	v29 =	vadd.f32 v29, v30;
	v30 =	vmul.f32 v61, v13  }
0x16c: {  	v48 =	vadd.f32 v42, v63;
	(erf) = vpow2.f32 v27;
	v27 =	vunpack.i.u.bf16.f32 v43;
	v45 =	vpop (erf)  }
0x16d: {  	v28 =	vmul.f32 v28, v14;
	v26 =	vmul.f32 v45, v26;
	v29 =	vadd.f32 v30, v29  }
0x16e: {  	v24 =	vld [tilespmem:s24+$0xFFFFFFC0];
	(erf) = vpow2.f32 v23;
	v27 =	vadd.f32 v47, v27;
	v33 =	vsub.f32 $0.0e+00, v46  }
0x16f: {  	v22 =	vsub.f32 $0.0e+00, v22;
	v26 =	vmul.f32 v26, v15;
	v30 =	vpop (erf);
	v28 =	vadd.f32 v28, v29;
	v29 =	vld [tilespmem:s18+$0xFFFFFFC0]  }
0x170: {  	v23 =	vsub.f32 $0.0e+00, v48;
	v50 =	vunpack.i.l.bf16.f32 v31;
	v25 =	vmul.f32 v30, v25  }
0x171: {  	v31 =	vunpack.i.u.bf16.f32 v31;
	v30 =	vsub.f32 $0.0e+00, v38;
	v26 =	vadd.f32 v26, v28;
	v28 =	vld [tilespmem:s18+$0xFFFFFFD0]  }
0x172: {  	v51 =	vld [tilespmem:s19+$0xFFFFFFB0];
	v27 =	vsub.f32 $0.0e+00, v27;
	v22 =	vmul.f32 $1.442695020e+00, v22;
	v25 =	vmul.f32 v25, v16  }
0x173: {  	v53 =	vld [tilespmem:s24+$0xFFFFFFE0];
	v24 =	vadd.f32 v24, v49;
	v23 =	vmul.f32 $1.442695020e+00, v23;
	v30 =	vmul.f32 $1.442695020e+00, v30  }
0x174: {  	v52 =	vadd.f32 v25, v26;
	v25 =	vld [tilespmem:s19+$0xFFFFFFF0];
	v26 =	vmul.f32 $1.442695020e+00, v33;
	v29 =	vadd.f32 v29, v50  }
0x175: {  	v27 =	vmul.f32 $1.442695020e+00, v27;
	v24 =	vsub.f32 $0.0e+00, v24;
	(erf) = vpow2.f32 v30;
	v30 =	vld [tilespmem:s18+$0xFFFFFFE0]  }
0x176: {  	v55 =	vld [tilespmem:s18+$0xFFFFFFF0];
	(erf) = vpow2.f32 v26;
	v26 =	vsub.f32 $0.0e+00, v29;
	v28 =	vadd.f32 v28, v31  }
0x177: {  	v54 =	vld [tilespmem:s24+$0xFFFFFFF0];
	v24 =	vmul.f32 $1.442695020e+00, v24;
	v29 =	vunpack.i.l.bf16.f32 v51;
	(erf) = vpow2.f32 v22  }
0x178: {  	v22 =	vmul.f32 $1.442695020e+00, v26;
	v26 =	vsub.f32 $0.0e+00, v28;
	(erf) = vpow2.f32 v23  }
0x179: {  	v23 =	vunpack.i.u.bf16.f32 v51;
	v28 =	vadd.f32 v53, v29;
	v31 =	vunpack.i.l.bf16.f32 v25  }
0x17a: {  	(erf) = vpow2.f32 v24;
	v29 =	vadd.f32 v30, v31;
	v30 =	vunpack.i.u.bf16.f32 v25  }
0x17b: {  	v25 =	vpop (erf);
	v24 =	vmul.f32 $1.442695020e+00, v26;
	v28 =	vsub.f32 $0.0e+00, v28;
	(erf) = vpow2.f32 v22  }
0x17c: {  	v31 =	vadd.f32 v54, v23;
	v30 =	vadd.f32 v55, v30;
	v26 =	vpop (erf);
	(erf) = vpow2.f32 v27  }
0x17d: {  	v29 =	vsub.f32 $0.0e+00, v29;
	v27 =	vadd.f32 $1.000000000e+00, v25;
	v22 =	vpop (erf);
	(erf) = vpow2.f32 v24  }
0x17e: {  	v20 =	vmul.f32 v21, v20;
	v28 =	vmul.f32 $1.442695020e+00, v28;
	v31 =	vsub.f32 $0.0e+00, v31;
	v23 =	vpop (erf)  }
0x17f: {  	v56 =	vadd.f32 $1.000000000e+00, v26;
	v30 =	vsub.f32 $0.0e+00, v30;
	v29 =	vmul.f32 $1.442695020e+00, v29;
	v24 =	vpop (erf)  }
0x180: {  	v57 =	vadd.f32 $1.000000000e+00, v22;
	v60 =	vmul.f32 $1.442695020e+00, v31;
	(erf) = vpow2.f32 v28;
	v21 =	vpop (erf)  }
0x181: {  	v32 =	vmul.f32 v56, v27;
	v58 =	vadd.f32 $1.000000000e+00, v23;
	v30 =	vmul.f32 $1.442695020e+00, v30;
	v27 =	vpop (erf)  }
0x182: {  	v59 =	vadd.f32 $1.000000000e+00, v24;
	(erf) = vpow2.f32 v29;
	v31 =	vadd.f32 $1.000000000e+00, v21;
	v28 =	vpop (erf)  }
0x183: {  	s14 =	simm.s32 $0x12E80;
	v61 =	vmul.f32 v58, v57;
	(erf) = vrcp.f32 v32;
	v62 =	vadd.f32 $1.000000000e+00, v27;
	v29 =	vpop (erf)  }
0x184: {  	[tilespmem:s14+$0x0] =	vst v17;
	s15 =	simm.s32 $0x12F80;
	(erf) = vpow2.f32 v60;
	v31 =	vmul.f32 v31, v59;
	v63 =	vadd.f32 $1.000000000e+00, v28;
	v17 =	vpop (erf)  }
0x185: {  	[tilespmem:s15+$0x0] =	vst v19;
	s24 =	simm.s32 $0x13080;
	(erf) = vpow2.f32 v30;
	v33 =	vadd.f32 $1.000000000e+00, v29;
	v34 =	vadd.f32 $1.000000000e+00, v17;
	v19 =	vpop (erf)  }
0x186: {  	s12 =	simm.s32 $0x9080;
	s11 =	simm.s32 $0x4;
	[tilespmem:s24+$0x0] =	vst v52;
	(erf) = vrcp.f32 v61;
	v35 =	vmul.f32 v63, v62;
	v32 =	vadd.f32 $1.000000000e+00, v19;
	v30 =	vpop (erf)  }
.LBB2_5:
0x187: {  	v36 =	vld [tilespmem:s12+$0x70];
	v33 =	vmul.f32 v34, v33;
	v34 =	vadd.f32 $1.000000000e+00, v30;
	s18 =	sadd.s32 $0x100, s18;
	(erf) = vrcp.f32 v31  }
0x188: {  	v25 =	vsub.f32 v26, v25;
	v22 =	vsub.f32 v23, v22;
	v31 =	vld [tilespmem:s18+$0x70];
	(erf) = vrcp.f32 v35  }
0x189: {  	v21 =	vsub.f32 v21, v24;
	v23 =	vld [tilespmem:s12+$0x60];
	v0 =	vmul.f32 v34, v32;
	(erf) = vrcp.f32 v33  }
0x18a: {  	v27 =	vsub.f32 v28, v27;
	v28 =	vsub.f32 v17, v29;
	s19 =	sadd.s32 $0x100, s19;
	v20 =	vmul.f32 v20, v15;
	v26 =	vld [tilespmem:s18+$0x60];
	v17 =	vpop (erf)  }
0x18b: {  	v19 =	vsub.f32 v30, v19;
	v29 =	vld [tilespmem:s19+$0x30];
	v30 =	vadd.f32 $1.000000000e+00, v17;
	(erf) = vrcp.f32 v0;
	v24 =	vpop (erf)  }
0x18c: {  	v7 =	vadd.f32 v7, v8;
	v8 =	vmul.f32 v18, v2;
	v32 =	vld [tilespmem:s19+$0x70];
	v0 =	vadd.f32 $1.000000000e+00, v24;
	v34 =	vpop (erf)  }
0x18d: {  	v3 =	vadd.f32 v4, v3;
	v17 =	vsub.f32 v24, v17;
	v18 =	vld [tilespmem:s12+$0x50];
	v2 =	vmul.f32 v34, v25;
	v24 =	vpop (erf)  }
0x18e: {  	v6 =	vadd.f32 v6, v7;
	v25 =	vld [tilespmem:s18+$0x50];
	v4 =	vmul.f32 v0, v30;
	v30 =	vadd.f32 $1.000000000e+00, v24;
	v33 =	vpop (erf)  }
0x18f: {  	v34 =	vld [tilespmem:s12+$0x40];
	v7 =	vmul.f32 v2, v9;
	v2 =	vsub.f32 v33, v24;
	v24 =	vadd.f32 $1.000000000e+00, v33;
	v33 =	vpop (erf);
	[tilespmem:s14+$0xFFFFFF80] =	vst v3;
	s14 =	smov.u32 s15;
	s15 =	smov.u32 s24  }
0x190: {  	v35 =	vld [tilespmem:s18+$0x40];
	v3 =	vmul.f32 v33, v22;
	v22 =	vpop (erf);
	(erf) = vrcp.f32 v4;
	v4 =	vadd.f32 v5, v6  }
0x191: {  	v33 =	vld [tilespmem:s19+$0x20];
	v5 =	vadd.f32 $0.0e+00, v7;
	v6 =	vmul.f32 v22, v21;
	v7 =	vmul.f32 v24, v30;
	v21 =	vpop (erf)  }
0x192: {  	v22 =	vld [tilespmem:s19+$0x60];
	v24 =	vmul.f32 v3, v10;
	v21 =	vmul.f32 v21, v27;
	v27 =	vpop (erf);
	v3 =	vadd.f32 v20, v4  }
0x193: {  	v20 =	vld [tilespmem:s12+$0x30];
	v6 =	vmul.f32 v6, v11;
	(erf) = vrcp.f32 v7  }
0x194: {  	v30 =	vld [tilespmem:s18+$0x30];
	v5 =	vadd.f32 v24, v5;
	v7 =	vmul.f32 v21, v12;
	v21 =	vmul.f32 v27, v28;
	v4 =	vpop (erf)  }
0x195: {  	v24 =	vld [tilespmem:s19+$0x10];
	v19 =	vmul.f32 v4, v19;
	v4 =	vmul.f32 v8, v16  }
0x196: {  	v27 =	vld [tilespmem:s19+$0x50];
	v8 =	vadd.f32 v6, v5;
	v6 =	vmul.f32 v21, v13  }
0x197: {  	v37 =	vunpack.i.u.bf16.f32 v32;
	v28 =	vunpack.i.u.bf16.f32 v29;
	v21 =	vld [tilespmem:s12+$0x20];
	v5 =	vmul.f32 v19, v14  }
0x198: {  	v32 =	vunpack.i.l.bf16.f32 v32;
	v29 =	vunpack.i.l.bf16.f32 v29;
	v39 =	vunpack.i.u.bf16.f32 v33;
	v38 =	vld [tilespmem:s18+$0x20]  }
0x199: {  	v33 =	vunpack.i.l.bf16.f32 v33;
	v41 =	vunpack.i.u.bf16.f32 v22;
	v22 =	vunpack.i.l.bf16.f32 v22;
	v40 =	vld [tilespmem:s19+$0x0];
	v19 =	vpop (erf)  }
0x19a: {  	v44 =	vadd.f32 v31, v37;
	v28 =	vadd.f32 v36, v28;
	v42 =	vld [tilespmem:s12+$0x0];
	v43 =	vunpack.i.u.bf16.f32 v24  }
0x19b: {  	s11 =	sadd.s32 $0x2, s11;
	v23 =	vadd.f32 v23, v29;
	v29 =	vadd.f32 v26, v32;
	v31 =	vld [tilespmem:s19+$0x40];
	v36 =	vunpack.i.u.bf16.f32 v27  }
0x19c: {  	p1 =	slt.u32 s11, $0x4E;
	v32 =	vadd.f32 v18, v39;
	v45 =	vadd.f32 v25, v41;
	v24 =	vunpack.i.l.bf16.f32 v24;
	v26 =	vld [tilespmem:s18+$0x0];
	v18 =	vpop (erf)  }
0x19d: {  	v33 =	vadd.f32 v34, v33;
	v22 =	vadd.f32 v35, v22;
	v27 =	vunpack.i.l.bf16.f32 v27;
	v25 =	vld [tilespmem:s12+$0x10]  }
0x19e: {  	v20 =	vadd.f32 v20, v43;
	v30 =	vadd.f32 v30, v36;
	v34 =	vunpack.i.u.bf16.f32 v40;
	v35 =	vld [tilespmem:s18+$0x10]  }
0x19f: {  	v21 =	vadd.f32 v21, v24;
	v24 =	vadd.f32 v38, v27;
	v36 =	vunpack.i.l.bf16.f32 v40;
	v41 =	vld [tilespmem:s19+$0xFFFFFFC0]  }
0x1a0: {  	v28 =	vsub.f32 $0.0e+00, v28;
	v36 =	vadd.f32 v42, v36;
	v43 =	vld [tilespmem:s19+$0xFFFFFF80];
	v27 =	vunpack.i.l.bf16.f32 v31  }
0x1a1: {  	v23 =	vsub.f32 $0.0e+00, v23;
	v31 =	vunpack.i.u.bf16.f32 v31;
	v46 =	vld [tilespmem:s12+$0xFFFFFF80];
	v26 =	vadd.f32 v26, v27  }
0x1a2: {  	v28 =	vmul.f32 $1.442695020e+00, v28;
	v27 =	vsub.f32 $0.0e+00, v36;
	v47 =	vld [tilespmem:s18+$0xFFFFFF80];
	v25 =	vadd.f32 v25, v34  }
0x1a3: {  	v23 =	vmul.f32 $1.442695020e+00, v23;
	v39 =	vld [tilespmem:s12+$0xFFFFFF90];
	v26 =	vsub.f32 $0.0e+00, v26;
	v31 =	vadd.f32 v35, v31  }
0x1a4: {  	v27 =	vmul.f32 $1.442695020e+00, v27;
	v38 =	vld [tilespmem:s18+$0xFFFFFF90];
	v25 =	vsub.f32 $0.0e+00, v25;
	(erf) = vpow2.f32 v28  }
0x1a5: {  	v37 =	vld [tilespmem:s19+$0xFFFFFF90];
	v26 =	vmul.f32 $1.442695020e+00, v26;
	v28 =	vsub.f32 $0.0e+00, v31;
	(erf) = vpow2.f32 v23  }
0x1a6: {  	v21 =	vsub.f32 $0.0e+00, v21;
	v36 =	vld [tilespmem:s19+$0xFFFFFFD0];
	v23 =	vmul.f32 $1.442695020e+00, v25;
	(erf) = vpow2.f32 v27  }
0x1a7: {  	v24 =	vsub.f32 $0.0e+00, v24;
	v34 =	vld [tilespmem:s12+$0xFFFFFFA0];
	v27 =	vmul.f32 $1.442695020e+00, v28;
	(erf) = vpow2.f32 v26  }
0x1a8: {  	v20 =	vsub.f32 $0.0e+00, v20;
	v21 =	vmul.f32 $1.442695020e+00, v21;
	v31 =	vld [tilespmem:s18+$0xFFFFFFA0];
	(erf) = vpow2.f32 v23  }
0x1a9: {  	v23 =	vmul.f32 $1.442695020e+00, v24;
	v24 =	vsub.f32 $0.0e+00, v30;
	v25 =	vld [tilespmem:s12+$0xFFFFFFB0];
	(erf) = vpow2.f32 v27  }
0x1aa: {  	v28 =	vsub.f32 $0.0e+00, v33;
	v27 =	vmul.f32 $1.442695020e+00, v20;
	v26 =	vld [tilespmem:s18+$0xFFFFFFB0];
	(erf) = vpow2.f32 v21  }
0x1ab: {  	v22 =	vsub.f32 $0.0e+00, v22;
	v24 =	vmul.f32 $1.442695020e+00, v24;
	v20 =	vld [tilespmem:s19+$0xFFFFFFA0];
	(erf) = vpow2.f32 v23  }
0x1ac: {  	v30 =	vsub.f32 $0.0e+00, v32;
	v23 =	vmul.f32 $1.442695020e+00, v28;
	v21 =	vld [tilespmem:s19+$0xFFFFFFE0];
	(erf) = vpow2.f32 v27  }
0x1ad: {  	v22 =	vmul.f32 $1.442695020e+00, v22;
	v32 =	vsub.f32 $0.0e+00, v45;
	v27 =	vld [tilespmem:s12+$0xFFFFFFC0];
	(erf) = vpow2.f32 v24;
	v40 =	vpop (erf)  }
0x1ae: {  	v33 =	vsub.f32 $0.0e+00, v29;
	v30 =	vmul.f32 $1.442695020e+00, v30;
	v28 =	vld [tilespmem:s18+$0xFFFFFFC0];
	(erf) = vpow2.f32 v23;
	v42 =	vpop (erf)  }
0x1af: {  	v35 =	vunpack.i.l.bf16.f32 v43;
	v23 =	vmul.f32 $1.442695020e+00, v32;
	v24 =	vld [tilespmem:s12+$0xFFFFFFD0];
	v45 =	vpop (erf);
	(erf) = vpow2.f32 v22  }
0x1b0: {  	v32 =	vmul.f32 $1.442695020e+00, v33;
	v33 =	vsub.f32 $0.0e+00, v44;
	v29 =	vld [tilespmem:s18+$0xFFFFFFD0];
	v44 =	vpop (erf);
	(erf) = vpow2.f32 v30  }
0x1b1: {  	v30 =	vadd.f32 $1.000000000e+00, v45;
	v22 =	vld [tilespmem:s19+$0xFFFFFFB0];
	v48 =	vadd.f32 $1.000000000e+00, v44;
	v49 =	vpop (erf);
	(erf) = vpow2.f32 v23  }
0x1b2: {  	v50 =	vunpack.i.l.bf16.f32 v41;
	v33 =	vmul.f32 $1.442695020e+00, v33;
	v23 =	vld [tilespmem:s19+$0xFFFFFFF0];
	v51 =	vpop (erf);
	(erf) = vpow2.f32 v32  }
0x1b3: {  	v52 =	vadd.f32 $1.000000000e+00, v49;
	v32 =	vld [tilespmem:s12+$0xFFFFFFE0];
	v0 =	vmul.f32 v48, v30;
	v53 =	vadd.f32 $1.000000000e+00, v51;
	v54 =	vpop (erf)  }
0x1b4: {  	v46 =	vadd.f32 v46, v35;
	v35 =	vld [tilespmem:s18+$0xFFFFFFE0];
	v55 =	vadd.f32 $1.000000000e+00, v54;
	v56 =	vpop (erf);
	(erf) = vpow2.f32 v33  }
0x1b5: {  	v30 =	vld [tilespmem:s12+$0xFFFFFFF0];
	v1 =	vmul.f32 v53, v52;
	v53 =	vadd.f32 $1.000000000e+00, v56;
	(erf) = vrcp.f32 v0;
	v48 =	vpop (erf)  }
0x1b6: {  	v43 =	vunpack.i.u.bf16.f32 v43;
	v47 =	vadd.f32 v47, v50;
	v33 =	vld [tilespmem:s18+$0xFFFFFFF0];
	v50 =	vadd.f32 $1.000000000e+00, v48;
	v57 =	vpop (erf)  }
0x1b7: {  	v0 =	vmul.f32 v53, v55;
	v55 =	vadd.f32 $1.000000000e+00, v57;
	(erf) = vrcp.f32 v1;
	v52 =	vpop (erf)  }
0x1b8: {  	v59 =	vpop (erf)  }
0x1b9: {  	v58 =	vadd.f32 $1.000000000e+00, v52;
	v1 =	vmul.f32 v55, v50;
	v55 =	vadd.f32 $1.000000000e+00, v59  }
0x1ba: {  	v41 =	vunpack.i.u.bf16.f32 v41;
	v46 =	vsub.f32 $0.0e+00, v46  }
0x1bb: {  	(erf) = vrcp.f32 v0;
	v53 =	vpop (erf);
	v55 =	vmul.f32 v55, v58  }
0x1bc: {  	v47 =	vsub.f32 $0.0e+00, v47;
	v60 =	vunpack.i.l.bf16.f32 v37;
	v61 =	vadd.f32 $1.000000000e+00, v53;
	v62 =	vpop (erf)  }
0x1bd: {  	v58 =	vadd.f32 $1.000000000e+00, v62;
	(erf) = vrcp.f32 v1;
	v50 =	vpop (erf)  }
0x1be: {  	v63 =	vunpack.i.l.bf16.f32 v36;
	v1 =	vadd.f32 $1.000000000e+00, v42;
	v0 =	vadd.f32 $1.000000000e+00, v50  }
0x1bf: {  	v44 =	vsub.f32 v44, v45;
	v45 =	vmul.f32 v58, v61;
	(erf) = vrcp.f32 v55;
	v55 =	vpop (erf)  }
0x1c0: {  	v0 =	vmul.f32 v0, v1;
	v1 =	vadd.f32 $1.000000000e+00, v40;
	v58 =	vadd.f32 $1.000000000e+00, v55;
	v61 =	vpop (erf)  }
0x1c1: {  	v49 =	vsub.f32 v51, v49;
	v44 =	vmul.f32 v61, v44;
	(erf) = vrcp.f32 v45  }
0x1c2: {  	v39 =	vadd.f32 v39, v43;
	v1 =	vmul.f32 v58, v1;
	v43 =	vpop (erf);
	(erf) = vrcp.f32 v0  }
0x1c3: {  	v0 =	vmul.f32 v44, v9;
	v43 =	vmul.f32 v43, v49;
	v44 =	vsub.f32 v56, v54  }
0x1c4: {  	v38 =	vadd.f32 v38, v41;
	v41 =	vsub.f32 v57, v48;
	v45 =	vpop (erf);
	(erf) = vrcp.f32 v1  }
0x1c5: {  	v0 =	vadd.f32 $0.0e+00, v0;
	v1 =	vmul.f32 v43, v10;
	v43 =	vmul.f32 v45, v44  }
0x1c6: {  	v44 =	vmul.f32 $1.442695020e+00, v46;
	v45 =	vmul.f32 $1.442695020e+00, v47;
	v46 =	vsub.f32 v59, v52;
	v47 =	vpop (erf)  }
0x1c7: {  	v0 =	vadd.f32 v1, v0;
	v1 =	vmul.f32 v43, v11;
	v41 =	vmul.f32 v47, v41  }
0x1c8: {  	v39 =	vsub.f32 $0.0e+00, v39;
	v37 =	vunpack.i.u.bf16.f32 v37;
	v48 =	vsub.f32 v62, v53;
	v47 =	vpop (erf)  }
0x1c9: {  	v0 =	vadd.f32 v1, v0;
	v1 =	vmul.f32 v41, v12;
	v41 =	vmul.f32 v47, v46  }
0x1ca: {  	v38 =	vsub.f32 $0.0e+00, v38;
	v36 =	vunpack.i.u.bf16.f32 v36;
	v47 =	vsub.f32 v50, v42;
	v46 =	vpop (erf)  }
0x1cb: {  	v0 =	vadd.f32 v1, v0;
	v1 =	vmul.f32 v41, v13;
	v41 =	vmul.f32 v46, v48;
	v43 =	vpop (erf)  }
0x1cc: {  	v34 =	vadd.f32 v34, v60;
	v40 =	vsub.f32 v55, v40;
	(erf) = vpow2.f32 v44  }
0x1cd: {  	v0 =	vadd.f32 v1, v0;
	v1 =	vmul.f32 v41, v14;
	v41 =	vmul.f32 v43, v47;
	v42 =	vpop (erf)  }
0x1ce: {  	v39 =	vmul.f32 $1.442695020e+00, v39;
	v31 =	vadd.f32 v31, v63;
	(erf) = vpow2.f32 v45  }
0x1cf: {  	v40 =	vmul.f32 v42, v40;
	v0 =	vadd.f32 v1, v0;
	v1 =	vmul.f32 v41, v15  }
0x1d0: {  	v38 =	vmul.f32 $1.442695020e+00, v38;
	v34 =	vsub.f32 $0.0e+00, v34;
	v31 =	vsub.f32 $0.0e+00, v31  }
0x1d1: {  	v25 =	vadd.f32 v25, v37;
	v0 =	vadd.f32 v1, v0;
	v1 =	vmul.f32 v40, v16  }
0x1d2: {  	v26 =	vadd.f32 v26, v36;
	v36 =	vunpack.i.l.bf16.f32 v20;
	v37 =	vunpack.i.l.bf16.f32 v21  }
0x1d3: {  	v34 =	vmul.f32 $1.442695020e+00, v34;
	v0 =	vadd.f32 v1, v0;
	(erf) = vpow2.f32 v39  }
0x1d4: {  	s24 =	sadd.s32 $0x100, s24;
	v1 =	vmul.f32 $1.442695020e+00, v31;
	v31 =	vsub.f32 $0.0e+00, v25;
	(erf) = vpow2.f32 v38  }
0x1d5: {  	v20 =	vunpack.i.u.bf16.f32 v20;
	v36 =	vadd.f32 v27, v36;
	v38 =	vsub.f32 $0.0e+00, v26;
	[tilespmem:s24+$0x0] =	vst v0;
	v25 =	vpop (erf)  }
0x1d6: {  	v0 =	vunpack.i.u.bf16.f32 v21;
	v21 =	vadd.f32 v28, v37;
	(erf) = vpow2.f32 v34  }
0x1d7: {  	v27 =	vmul.f32 $1.442695020e+00, v31;
	v28 =	vsub.f32 $0.0e+00, v36;
	v26 =	vpop (erf);
	(erf) = vpow2.f32 v1  }
0x1d8: {  	v20 =	vadd.f32 v24, v20;
	v1 =	vmul.f32 $1.442695020e+00, v38;
	v21 =	vsub.f32 $0.0e+00, v21  }
0x1d9: {  	v24 =	vunpack.i.l.bf16.f32 v22;
	v0 =	vadd.f32 v29, v0;
	v29 =	vunpack.i.l.bf16.f32 v23  }
0x1da: {  	v20 =	vsub.f32 $0.0e+00, v20;
	v28 =	vmul.f32 $1.442695020e+00, v28;
	(erf) = vpow2.f32 v27  }
0x1db: {  	v0 =	vsub.f32 $0.0e+00, v0;
	v21 =	vmul.f32 $1.442695020e+00, v21;
	(erf) = vpow2.f32 v1  }
0x1dc: {  	v31 =	vadd.f32 v32, v24;
	v27 =	vadd.f32 v35, v29;
	v1 =	vunpack.i.u.bf16.f32 v22;
	v22 =	vpop (erf)  }
0x1dd: {  	v20 =	vmul.f32 $1.442695020e+00, v20;
	v29 =	vunpack.i.u.bf16.f32 v23;
	v23 =	vpop (erf);
	(erf) = vpow2.f32 v28  }
0x1de: {  	v0 =	vmul.f32 $1.442695020e+00, v0;
	v28 =	vsub.f32 $0.0e+00, v31;
	(erf) = vpow2.f32 v21  }
0x1df: {  	v27 =	vsub.f32 $0.0e+00, v27;
	v1 =	vadd.f32 v30, v1;
	v24 =	vpop (erf);
	(erf) = vpow2.f32 v20  }
0x1e0: {  	v30 =	vadd.f32 $1.000000000e+00, v25;
	v20 =	vadd.f32 v33, v29;
	v21 =	vpop (erf);
	(erf) = vpow2.f32 v0  }
0x1e1: {  	v31 =	vmul.f32 $1.442695020e+00, v27;
	v29 =	vmul.f32 $1.442695020e+00, v28;
	v0 =	vadd.f32 $1.000000000e+00, v26  }
0x1e2: {  	v1 =	vsub.f32 $0.0e+00, v1;
	v32 =	vsub.f32 $0.0e+00, v20;
	v20 =	vmul.f32 v19, v17  }
0x1e3: {  	v17 =	vadd.f32 $1.000000000e+00, v22;
	v19 =	vadd.f32 $1.000000000e+00, v23;
	v0 =	vmul.f32 v0, v30;
	v27 =	vpop (erf)  }
0x1e4: {  	v1 =	vmul.f32 $1.442695020e+00, v1;
	v30 =	vadd.f32 $1.000000000e+00, v24;
	v28 =	vpop (erf);
	(erf) = vpow2.f32 v29  }
.Ltmp1:
0x1e5: {  	v33 =	vadd.f32 $1.000000000e+00, v21;
	v32 =	vmul.f32 $1.442695020e+00, v32;
	(erf) = vpow2.f32 v31;
	(pc) =	sbr.rel @p1 .LBB2_5-.Ltmp1, $4  }
0x1e6: {  	v36 =	vmul.f32 v19, v17;
	v35 =	vadd.f32 $1.000000000e+00, v27;
	(erf) = vrcp.f32 v0;
	v29 =	vpop (erf)  }
0x1e7: {  	v31 =	vmul.f32 v33, v30;
	v0 =	vadd.f32 $1.000000000e+00, v28;
	v17 =	vpop (erf);
	(erf) = vpow2.f32 v1  }
0x1e8: {  	v33 =	vadd.f32 $1.000000000e+00, v29;
	v34 =	vadd.f32 $1.000000000e+00, v17;
	v19 =	vpop (erf);
	(erf) = vpow2.f32 v32  }
0x1e9: {  	s12 =	sadd.s32 $0x100, s12;
	v35 =	vmul.f32 v0, v35;
	v32 =	vadd.f32 $1.000000000e+00, v19;
	(erf) = vrcp.f32 v36;
	v30 =	vpop (erf)  }
0x1ea: {  	_ = 	snop  }
0x1eb: {  	(erf) = vrcp.f32 v31;
	_ =	sdelay $0x1  }
0x1ec: {  	v0 =	vadd.f32 $1.000000000e+00, v30;
	v1 =	vpop (erf)  }
0x1ed: {  	v38 =	vmul.f32 v34, v33;
	(erf) = vrcp.f32 v35;
	v39 =	vpop (erf)  }
0x1ee: {  	v25 =	vsub.f32 v26, v25;
	v0 =	vmul.f32 v0, v32;
	v40 =	vpop (erf)  }
0x1ef: {  	(erf) = vrcp.f32 v38;
	v41 =	vadd.f32 $1.000000000e+00, v1;
	v42 =	vadd.f32 $1.000000000e+00, v39;
	v43 =	vpop (erf)  }
0x1f0: {  	v22 =	vsub.f32 v23, v22;
	(erf) = vrcp.f32 v0;
	v0 =	vmul.f32 v40, v25;
	v44 =	vpop (erf)  }
0x1f1: {  	v45 =	vmul.f32 v42, v41;
	v46 =	vadd.f32 $1.000000000e+00, v43;
	v47 =	vadd.f32 $1.000000000e+00, v44;
	v48 =	vpop (erf)  }
0x1f2: {  	v21 =	vsub.f32 v21, v24;
	v0 =	vmul.f32 v0, v9;
	v22 =	vmul.f32 v48, v22  }
0x1f3: {  	v49 =	vpop (erf);
	(erf) = vrcp.f32 v45;
	v50 =	vmul.f32 v47, v46  }
0x1f4: {  	v51 =	vsub.f32 v28, v27;
	v21 =	vmul.f32 v49, v21  }
0x1f5: {  	v0 =	vadd.f32 $0.0e+00, v0;
	v22 =	vmul.f32 v22, v10;
	(erf) = vrcp.f32 v50  }
0x1f6: {  	v17 =	vsub.f32 v17, v29;
	v52 =	vpop (erf)  }
0x1f7: {  	v24 =	vmul.f32 v52, v51;
	v21 =	vmul.f32 v21, v11;
	v0 =	vadd.f32 v22, v0  }
0x1f8: {  	v19 =	vsub.f32 v30, v19;
	v7 =	vadd.f32 v7, v8;
	v53 =	vpop (erf)  }
0x1f9: {  	v17 =	vmul.f32 v53, v17;
	v24 =	vmul.f32 v24, v12;
	v0 =	vadd.f32 v21, v0  }
0x1fa: {  	v6 =	vadd.f32 v6, v7;
	v1 =	vsub.f32 v39, v1;
	v8 =	vpop (erf)  }
0x1fb: {  	v8 =	vmul.f32 v8, v19;
	v17 =	vmul.f32 v17, v13;
	v0 =	vadd.f32 v24, v0  }
0x1fc: {  	v7 =	vsub.f32 v44, v43;
	v19 =	vpop (erf)  }
0x1fd: {  	v8 =	vmul.f32 v8, v14;
	v1 =	vmul.f32 v19, v1;
	v0 =	vadd.f32 v17, v0  }
0x1fe: {  	v2 =	vmul.f32 v18, v2;
	v5 =	vadd.f32 v5, v6;
	v17 =	vmul.f32 v20, v15;
	v6 =	vpop (erf)  }
0x1ff: {  	v1 =	vmul.f32 v1, v15;
	v0 =	vadd.f32 v8, v0;
	v6 =	vmul.f32 v6, v7  }
0x200: {  	v2 =	vmul.f32 v2, v16;
	v5 =	vadd.f32 v17, v5  }
0x201: {  	v3 =	vadd.f32 v4, v3;
	v0 =	vadd.f32 v1, v0;
	v1 =	vmul.f32 v6, v16  }
0x202: {  	v2 =	vadd.f32 v2, v5  }
0x203: {  	[tilespmem:s14+$0xFFFFFF80] =	vst v3;
	v0 =	vadd.f32 v1, v0  }
0x204: {  	[tilespmem:s15+$0xFFFFFF80] =	vst v2  }
0x205: {  	[tilespmem:s24+$0xFFFFFF80] =	vst v0  }
0x206: {  	v4 =	vld [tilespmem:$0x1FFE0];
	_ =	sdelay $0x1  }
0x207: {  	v1 =	vld [tilespmem:$0x1FF90];
	_ =	sdelay $0x1  }
0x208: {  	v2 =	vld [tilespmem:$0x1FFA0];
	_ =	sdelay $0x1  }
0x209: {  	v3 =	vld [tilespmem:$0x1FFB0];
	_ =	sdelay $0x1  }
0x20a: {  	v0 =	vld.idx.msk [tilespmem:v4+s26+$0x0], $0xffff;
	_ =	sdelay $0x1  }
0x20b: {  	v1 =	vld.idx.msk [tilespmem:v1+s26+$0x0], $0xffff;
	_ =	sdelay $0x1  }
0x20c: {  	v2 =	vld.idx.msk [tilespmem:v2+s26+$0x0], $0xffff  }
0x20d: {  	v0 =	vadd.f32 $0.0e+00, v0  }
0x20e: {  	v3 =	vld.idx.msk [tilespmem:v3+s26+$0x0], $0xffff  }
0x20f: {  	v0 =	vadd.f32 v1, v0;
	v1 =	vld [tilespmem:$0x1FFC0];
	_ =	sdelay $0x1  }
0x210: {  	v0 =	vadd.f32 v2, v0;
	v2 =	vld [tilespmem:$0x1FFD0];
	_ =	sdelay $0x1  }
0x211: {  	v0 =	vadd.f32 v3, v0;
	v3 =	vld [tilespmem:$0x1FFF0];
	_ =	sdelay $0x3  }
0x212: {  	v1 =	vld.idx.msk [tilespmem:v1+s26+$0x0], $0xffff  }
0x213: {  	v5 =	vor.u32 $0x7, v4  }
0x214: {  	v2 =	vld.idx.msk [tilespmem:v2+s26+$0x0], $0xffff  }
0x215: {  	v6 =	vor.u32 $0x8, v4  }
0x216: {  	v3 =	vld.idx.msk [tilespmem:v3+s26+$0x0], $0xffff  }
0x217: {  	v7 =	vor.u32 $0x9, v4;
	v0 =	vadd.f32 v1, v0  }
0x218: {  	v1 =	vld.idx.msk [tilespmem:v5+s26+$0x0], $0xffff  }
0x219: {  	[tilespmem:$0x1FB00] =	vst v5;
	v5 =	vor.u32 $0xA, v4;
	v0 =	vadd.f32 v2, v0  }
0x21a: {  	v2 =	vld.idx.msk [tilespmem:v6+s26+$0x0], $0xffff  }
0x21b: {  	[tilespmem:$0x1FB10] =	vst v6;
	v6 =	vor.u32 $0xB, v4;
	v0 =	vadd.f32 v3, v0  }
0x21c: {  	v3 =	vld.idx.msk [tilespmem:v7+s26+$0x0], $0xffff  }
0x21d: {  	[tilespmem:$0x1FB20] =	vst v7;
	v7 =	vor.u32 $0xC, v4;
	v0 =	vadd.f32 v1, v0  }
0x21e: {  	v1 =	vld.idx.msk [tilespmem:v5+s26+$0x0], $0xffff  }
0x21f: {  	[tilespmem:$0x1FB30] =	vst v5;
	v5 =	vor.u32 $0xD, v4;
	v0 =	vadd.f32 v2, v0  }
0x220: {  	v2 =	vld.idx.msk [tilespmem:v6+s26+$0x0], $0xffff  }
0x221: {  	[tilespmem:$0x1FB40] =	vst v6;
	v6 =	vor.u32 $0xE, v4;
	v0 =	vadd.f32 v3, v0  }
0x222: {  	v3 =	vld.idx.msk [tilespmem:v7+s26+$0x0], $0xffff  }
0x223: {  	[tilespmem:$0x1FB50] =	vst v7;
	v7 =	vor.u32 $0xF, v4;
	v0 =	vadd.f32 v1, v0  }
0x224: {  	v1 =	vld.idx.msk [tilespmem:v5+s26+$0x0], $0xffff  }
0x225: {  	v0 =	vadd.f32 v2, v0  }
0x226: {  	v2 =	vld.idx.msk [tilespmem:v6+s26+$0x0], $0xffff  }
0x227: {  	v0 =	vadd.f32 v3, v0  }
0x228: {  	v3 =	vld.idx.msk [tilespmem:v7+s26+$0x0], $0xffff  }
0x229: {  	v0 =	vadd.f32 v1, v0;
	_ =	sdelay $0x1  }
0x22a: {  	v1 =	vor.u32 $0x800, v4;
	v0 =	vadd.f32 v2, v0;
	_ =	sdelay $0x1  }
0x22b: {  	v2 =	vor.u32 $0x801, v4;
	v0 =	vadd.f32 v3, v0;
	_ =	sdelay $0x1  }
0x22c: {  	v3 =	vor.u32 $0x802, v4;
	[tilespmem:$0x12D00] =	vst v0  }
0x22d: {  	v0 =	vld.idx.msk [tilespmem:v1+s26+$0x0], $0xffff  }
0x22e: {  	[tilespmem:$0x1FB60] =	vst v5;
	v5 =	vor.u32 $0x803, v4  }
0x22f: {  	[tilespmem:$0x1FB90] =	vst v1;
	v1 =	vld.idx.msk [tilespmem:v2+s26+$0x0], $0xffff  }
0x230: {  	[tilespmem:$0x1FB70] =	vst v6;
	v6 =	vor.u32 $0x804, v4  }
0x231: {  	[tilespmem:$0x1FBA0] =	vst v2;
	v2 =	vld.idx.msk [tilespmem:v3+s26+$0x0], $0xffff  }
0x232: {  	[tilespmem:$0x1FB80] =	vst v7;
	v7 =	vor.u32 $0x805, v4;
	v0 =	vadd.f32 $0.0e+00, v0  }
0x233: {  	[tilespmem:$0x1FBB0] =	vst v3;
	v3 =	vld.idx.msk [tilespmem:v5+s26+$0x0], $0xffff  }
0x234: {  	[tilespmem:$0x1FBC0] =	vst v5;
	v5 =	vor.u32 $0x806, v4;
	v0 =	vadd.f32 v1, v0  }
0x235: {  	v1 =	vld.idx.msk [tilespmem:v6+s26+$0x0], $0xffff  }
0x236: {  	[tilespmem:$0x1FBD0] =	vst v6;
	v6 =	vor.u32 $0x807, v4;
	v0 =	vadd.f32 v2, v0  }
0x237: {  	v2 =	vld.idx.msk [tilespmem:v7+s26+$0x0], $0xffff  }
0x238: {  	[tilespmem:$0x1FBE0] =	vst v7;
	v7 =	vor.u32 $0x808, v4;
	v0 =	vadd.f32 v3, v0  }
0x239: {  	v3 =	vld.idx.msk [tilespmem:v5+s26+$0x0], $0xffff  }
0x23a: {  	[tilespmem:$0x1FBF0] =	vst v5;
	v5 =	vor.u32 $0x809, v4;
	v0 =	vadd.f32 v1, v0  }
0x23b: {  	v1 =	vld.idx.msk [tilespmem:v6+s26+$0x0], $0xffff  }
0x23c: {  	[tilespmem:$0x1FC00] =	vst v6;
	v6 =	vor.u32 $0x80A, v4;
	v0 =	vadd.f32 v2, v0  }
0x23d: {  	v2 =	vld.idx.msk [tilespmem:v7+s26+$0x0], $0xffff  }
0x23e: {  	[tilespmem:$0x1FC10] =	vst v7;
	v7 =	vor.u32 $0x80B, v4;
	v0 =	vadd.f32 v3, v0  }
0x23f: {  	v3 =	vld.idx.msk [tilespmem:v5+s26+$0x0], $0xffff  }
0x240: {  	[tilespmem:$0x1FC20] =	vst v5;
	v5 =	vor.u32 $0x80C, v4;
	v0 =	vadd.f32 v1, v0  }
0x241: {  	v1 =	vld.idx.msk [tilespmem:v6+s26+$0x0], $0xffff  }
0x242: {  	[tilespmem:$0x1FC30] =	vst v6;
	v6 =	vor.u32 $0x80D, v4;
	v0 =	vadd.f32 v2, v0  }
0x243: {  	v2 =	vld.idx.msk [tilespmem:v7+s26+$0x0], $0xffff  }
0x244: {  	[tilespmem:$0x1FC40] =	vst v7;
	v7 =	vor.u32 $0x80E, v4;
	v0 =	vadd.f32 v3, v0  }
0x245: {  	v3 =	vld.idx.msk [tilespmem:v5+s26+$0x0], $0xffff  }
0x246: {  	[tilespmem:$0x1FC50] =	vst v5;
	v5 =	vor.u32 $0x80F, v4;
	v0 =	vadd.f32 v1, v0  }
0x247: {  	v1 =	vld.idx.msk [tilespmem:v6+s26+$0x0], $0xffff  }
0x248: {  	v0 =	vadd.f32 v2, v0  }
0x249: {  	v2 =	vld.idx.msk [tilespmem:v7+s26+$0x0], $0xffff  }
0x24a: {  	v0 =	vadd.f32 v3, v0  }
0x24b: {  	v3 =	vld.idx.msk [tilespmem:v5+s26+$0x0], $0xffff  }
0x24c: {  	v0 =	vadd.f32 v1, v0;
	_ =	sdelay $0x1  }
0x24d: {  	v1 =	vor.u32 $0x1000, v4;
	v0 =	vadd.f32 v2, v0;
	_ =	sdelay $0x1  }
0x24e: {  	v2 =	vor.u32 $0x1001, v4;
	v0 =	vadd.f32 v3, v0;
	_ =	sdelay $0x1  }
0x24f: {  	v3 =	vor.u32 $0x1002, v4;
	[tilespmem:$0x12D10] =	vst v0  }
0x250: {  	v0 =	vld.idx.msk [tilespmem:v1+s26+$0x0], $0xffff  }
0x251: {  	[tilespmem:$0x1FC80] =	vst v5;
	v5 =	vor.u32 $0x1003, v4  }
0x252: {  	[tilespmem:$0x1FC90] =	vst v1;
	v1 =	vld.idx.msk [tilespmem:v2+s26+$0x0], $0xffff  }
0x253: {  	[tilespmem:$0x1FC60] =	vst v6;
	v6 =	vor.u32 $0x1004, v4  }
0x254: {  	[tilespmem:$0x1FCA0] =	vst v2;
	v2 =	vld.idx.msk [tilespmem:v3+s26+$0x0], $0xffff  }
0x255: {  	[tilespmem:$0x1FC70] =	vst v7;
	v7 =	vor.u32 $0x1005, v4;
	v0 =	vadd.f32 $0.0e+00, v0  }
0x256: {  	[tilespmem:$0x1FCB0] =	vst v3;
	v3 =	vld.idx.msk [tilespmem:v5+s26+$0x0], $0xffff  }
0x257: {  	[tilespmem:$0x1FCC0] =	vst v5;
	v5 =	vor.u32 $0x1006, v4;
	v0 =	vadd.f32 v1, v0  }
0x258: {  	v1 =	vld.idx.msk [tilespmem:v6+s26+$0x0], $0xffff  }
0x259: {  	[tilespmem:$0x1FCD0] =	vst v6;
	v6 =	vor.u32 $0x1007, v4;
	v0 =	vadd.f32 v2, v0  }
0x25a: {  	v2 =	vld.idx.msk [tilespmem:v7+s26+$0x0], $0xffff  }
0x25b: {  	[tilespmem:$0x1FCE0] =	vst v7;
	v7 =	vor.u32 $0x1008, v4;
	v0 =	vadd.f32 v3, v0  }
0x25c: {  	v3 =	vld.idx.msk [tilespmem:v5+s26+$0x0], $0xffff  }
0x25d: {  	[tilespmem:$0x1FCF0] =	vst v5;
	v5 =	vor.u32 $0x1009, v4;
	v0 =	vadd.f32 v1, v0  }
0x25e: {  	v1 =	vld.idx.msk [tilespmem:v6+s26+$0x0], $0xffff  }
0x25f: {  	[tilespmem:$0x1FD00] =	vst v6;
	v6 =	vor.u32 $0x100A, v4;
	v0 =	vadd.f32 v2, v0  }
0x260: {  	v2 =	vld.idx.msk [tilespmem:v7+s26+$0x0], $0xffff  }
0x261: {  	[tilespmem:$0x1FD10] =	vst v7;
	v7 =	vor.u32 $0x100B, v4;
	v0 =	vadd.f32 v3, v0  }
0x262: {  	v3 =	vld.idx.msk [tilespmem:v5+s26+$0x0], $0xffff  }
0x263: {  	[tilespmem:$0x1FD20] =	vst v5;
	v5 =	vor.u32 $0x100C, v4;
	v0 =	vadd.f32 v1, v0  }
0x264: {  	v1 =	vld.idx.msk [tilespmem:v6+s26+$0x0], $0xffff  }
0x265: {  	[tilespmem:$0x1FD30] =	vst v6;
	v6 =	vor.u32 $0x100D, v4;
	v0 =	vadd.f32 v2, v0  }
0x266: {  	v2 =	vld.idx.msk [tilespmem:v7+s26+$0x0], $0xffff  }
0x267: {  	[tilespmem:$0x1FD40] =	vst v7;
	v7 =	vor.u32 $0x100E, v4;
	v0 =	vadd.f32 v3, v0  }
0x268: {  	v3 =	vld.idx.msk [tilespmem:v5+s26+$0x0], $0xffff  }
0x269: {  	[tilespmem:$0x1FD50] =	vst v5;
	v5 =	vor.u32 $0x100F, v4;
	v0 =	vadd.f32 v1, v0  }
0x26a: {  	v1 =	vld.idx.msk [tilespmem:v6+s26+$0x0], $0xffff  }
0x26b: {  	v0 =	vadd.f32 v2, v0  }
0x26c: {  	v2 =	vld.idx.msk [tilespmem:v7+s26+$0x0], $0xffff  }
0x26d: {  	v0 =	vadd.f32 v3, v0  }
0x26e: {  	v3 =	vld.idx.msk [tilespmem:v5+s26+$0x0], $0xffff  }
0x26f: {  	v0 =	vadd.f32 v1, v0;
	_ =	sdelay $0x1  }
0x270: {  	[tilespmem:$0x1FD60] =	vst v6;
	v1 =	vor.u32 $0x1800, v4;
	v0 =	vadd.f32 v2, v0  }
0x271: {  	[tilespmem:$0x1FD70] =	vst v7  }
0x272: {  	[tilespmem:$0x1FD80] =	vst v5;
	v2 =	vor.u32 $0x1801, v4;
	v0 =	vadd.f32 v3, v0  }
0x273: {  	[tilespmem:$0x1FD90] =	vst v1  }
0x274: {  	v3 =	vor.u32 $0x1802, v4;
	[tilespmem:$0x12D20] =	vst v0  }
0x275: {  	v0 =	vld.idx.msk [tilespmem:v1+s26+$0x0], $0xffff  }
0x276: {  	v5 =	vor.u32 $0x1803, v4  }
0x277: {  	v1 =	vld.idx.msk [tilespmem:v2+s26+$0x0], $0xffff  }
0x278: {  	v6 =	vor.u32 $0x1804, v4  }
0x279: {  	[tilespmem:$0x1FDA0] =	vst v2;
	v2 =	vld.idx.msk [tilespmem:v3+s26+$0x0], $0xffff  }
0x27a: {  	v7 =	vor.u32 $0x1805, v4;
	v0 =	vadd.f32 $0.0e+00, v0  }
0x27b: {  	[tilespmem:$0x1FDB0] =	vst v3;
	v3 =	vld.idx.msk [tilespmem:v5+s26+$0x0], $0xffff  }
0x27c: {  	[tilespmem:$0x1FDC0] =	vst v5;
	v5 =	vor.u32 $0x1806, v4;
	v0 =	vadd.f32 v1, v0  }
0x27d: {  	v1 =	vld.idx.msk [tilespmem:v6+s26+$0x0], $0xffff  }
0x27e: {  	[tilespmem:$0x1FDD0] =	vst v6;
	v6 =	vor.u32 $0x1807, v4;
	v0 =	vadd.f32 v2, v0  }
0x27f: {  	v2 =	vld.idx.msk [tilespmem:v7+s26+$0x0], $0xffff  }
0x280: {  	[tilespmem:$0x1FDE0] =	vst v7;
	v7 =	vor.u32 $0x1808, v4;
	v0 =	vadd.f32 v3, v0  }
0x281: {  	v3 =	vld.idx.msk [tilespmem:v5+s26+$0x0], $0xffff  }
0x282: {  	[tilespmem:$0x1FDF0] =	vst v5;
	v5 =	vor.u32 $0x1809, v4;
	v0 =	vadd.f32 v1, v0  }
0x283: {  	v1 =	vld.idx.msk [tilespmem:v6+s26+$0x0], $0xffff  }
0x284: {  	[tilespmem:$0x1FE00] =	vst v6;
	v6 =	vor.u32 $0x180A, v4;
	v0 =	vadd.f32 v2, v0  }
0x285: {  	v2 =	vld.idx.msk [tilespmem:v7+s26+$0x0], $0xffff  }
0x286: {  	[tilespmem:$0x1FE10] =	vst v7;
	v7 =	vor.u32 $0x180B, v4;
	v0 =	vadd.f32 v3, v0  }
0x287: {  	v3 =	vld.idx.msk [tilespmem:v5+s26+$0x0], $0xffff  }
0x288: {  	[tilespmem:$0x1FE20] =	vst v5;
	v5 =	vor.u32 $0x180C, v4;
	v0 =	vadd.f32 v1, v0  }
0x289: {  	v1 =	vld.idx.msk [tilespmem:v6+s26+$0x0], $0xffff  }
0x28a: {  	[tilespmem:$0x1FE30] =	vst v6;
	v6 =	vor.u32 $0x180D, v4;
	v0 =	vadd.f32 v2, v0  }
0x28b: {  	v2 =	vld.idx.msk [tilespmem:v7+s26+$0x0], $0xffff  }
0x28c: {  	[tilespmem:$0x1FE40] =	vst v7;
	v7 =	vor.u32 $0x180E, v4;
	v0 =	vadd.f32 v3, v0  }
0x28d: {  	v3 =	vld.idx.msk [tilespmem:v5+s26+$0x0], $0xffff  }
0x28e: {  	[tilespmem:$0x1FE50] =	vst v5;
	v5 =	vor.u32 $0x180F, v4;
	v0 =	vadd.f32 v1, v0  }
0x28f: {  	v1 =	vld.idx.msk [tilespmem:v6+s26+$0x0], $0xffff  }
0x290: {  	v0 =	vadd.f32 v2, v0  }
0x291: {  	v2 =	vld.idx.msk [tilespmem:v7+s26+$0x0], $0xffff  }
0x292: {  	v0 =	vadd.f32 v3, v0  }
0x293: {  	v3 =	vld.idx.msk [tilespmem:v5+s26+$0x0], $0xffff  }
0x294: {  	v0 =	vadd.f32 v1, v0;
	_ =	sdelay $0x1  }
0x295: {  	v1 =	vor.u32 $0x2000, v4;
	v0 =	vadd.f32 v2, v0;
	_ =	sdelay $0x1  }
0x296: {  	v2 =	vor.u32 $0x2001, v4;
	v0 =	vadd.f32 v3, v0;
	_ =	sdelay $0x1  }
0x297: {  	v3 =	vor.u32 $0x2002, v4;
	[tilespmem:$0x12D30] =	vst v0  }
0x298: {  	v0 =	vld.idx.msk [tilespmem:v1+s26+$0x0], $0xffff  }
0x299: {  	[tilespmem:$0x1FE80] =	vst v5;
	v5 =	vor.u32 $0x2003, v4  }
0x29a: {  	[tilespmem:$0x1FE90] =	vst v1;
	v1 =	vld.idx.msk [tilespmem:v2+s26+$0x0], $0xffff  }
0x29b: {  	[tilespmem:$0x1FE60] =	vst v6;
	v6 =	vor.u32 $0x2004, v4  }
0x29c: {  	[tilespmem:$0x1FEA0] =	vst v2;
	v2 =	vld.idx.msk [tilespmem:v3+s26+$0x0], $0xffff  }
0x29d: {  	[tilespmem:$0x1FE70] =	vst v7;
	v7 =	vor.u32 $0x2005, v4;
	v0 =	vadd.f32 $0.0e+00, v0  }
0x29e: {  	[tilespmem:$0x1FEB0] =	vst v3;
	v3 =	vld.idx.msk [tilespmem:v5+s26+$0x0], $0xffff  }
0x29f: {  	[tilespmem:$0x1FEC0] =	vst v5;
	v5 =	vor.u32 $0x2006, v4;
	v0 =	vadd.f32 v1, v0  }
0x2a0: {  	v1 =	vld.idx.msk [tilespmem:v6+s26+$0x0], $0xffff  }
0x2a1: {  	[tilespmem:$0x1FED0] =	vst v6;
	v6 =	vor.u32 $0x2007, v4;
	v0 =	vadd.f32 v2, v0  }
0x2a2: {  	v2 =	vld.idx.msk [tilespmem:v7+s26+$0x0], $0xffff  }
0x2a3: {  	[tilespmem:$0x1FEE0] =	vst v7;
	v7 =	vor.u32 $0x2008, v4;
	v0 =	vadd.f32 v3, v0  }
0x2a4: {  	v3 =	vld.idx.msk [tilespmem:v5+s26+$0x0], $0xffff  }
0x2a5: {  	[tilespmem:$0x1FEF0] =	vst v5;
	v5 =	vor.u32 $0x2009, v4;
	v0 =	vadd.f32 v1, v0  }
0x2a6: {  	v1 =	vld.idx.msk [tilespmem:v6+s26+$0x0], $0xffff  }
0x2a7: {  	[tilespmem:$0x1FF00] =	vst v6;
	v6 =	vor.u32 $0x200A, v4;
	v0 =	vadd.f32 v2, v0  }
0x2a8: {  	v2 =	vld.idx.msk [tilespmem:v7+s26+$0x0], $0xffff  }
0x2a9: {  	[tilespmem:$0x1FF10] =	vst v7;
	v7 =	vor.u32 $0x200B, v4;
	v0 =	vadd.f32 v3, v0  }
0x2aa: {  	v3 =	vld.idx.msk [tilespmem:v5+s26+$0x0], $0xffff  }
0x2ab: {  	[tilespmem:$0x1FF20] =	vst v5;
	v5 =	vor.u32 $0x200C, v4;
	v0 =	vadd.f32 v1, v0  }
0x2ac: {  	v1 =	vld.idx.msk [tilespmem:v6+s26+$0x0], $0xffff  }
0x2ad: {  	[tilespmem:$0x1FF30] =	vst v6;
	v6 =	vor.u32 $0x200D, v4;
	v0 =	vadd.f32 v2, v0  }
0x2ae: {  	v2 =	vld.idx.msk [tilespmem:v7+s26+$0x0], $0xffff  }
0x2af: {  	[tilespmem:$0x1FF40] =	vst v7;
	v7 =	vor.u32 $0x200E, v4;
	v0 =	vadd.f32 v3, v0  }
0x2b0: {  	v3 =	vld.idx.msk [tilespmem:v5+s26+$0x0], $0xffff  }
0x2b1: {  	v4 =	vor.u32 $0x200F, v4;
	v0 =	vadd.f32 v1, v0  }
0x2b2: {  	v1 =	vld.idx.msk [tilespmem:v6+s26+$0x0], $0xffff  }
0x2b3: {  	v0 =	vadd.f32 v2, v0  }
0x2b4: {  	v2 =	vld.idx.msk [tilespmem:v7+s26+$0x0], $0xffff  }
0x2b5: {  	v0 =	vadd.f32 v3, v0  }
0x2b6: {  	v3 =	vld.idx.msk [tilespmem:v4+s26+$0x0], $0xffff  }
0x2b7: {  	v0 =	vadd.f32 v1, v0;
	_ =	sdelay $0x1  }
0x2b8: {  	v0 =	vadd.f32 v2, v0;
	_ =	sdelay $0x1  }
0x2b9: {  	v0 =	vadd.f32 v3, v0;
	_ =	sdelay $0x1  }
0x2ba: {  	[tilespmem:$0x12D40] =	vst v0  }
0x2bb: {  	[spmem:s3] =	stream.indirect.scatter.add.f32 [tilespmem:s28], [sflag:$0x3], $0x1, s30, s25, $0xb8;
	[tilespmem:$0x174A0] =	vst v63  }
0x2bc: {  	p1 =	seq.s32 s16, $0x1F  }
0x2bd: {  	[spmem:s4] =	stream.indirect.scatter.add.f32 [tilespmem:s29], [sflag:$0x3], $0x1, s30, s25, $0xb8;
	[tilespmem:$0x174A0] =	vst v63  }
0x2be: {  	s11 =	sadd.s32 @!p1 $0xA0, s17;
	s12 =	simm.s32 @!p1 $0x50;
	s14 =	simm.s32 @!p1 $0x3D00;
	[tilespmem:$0x1FF50] =	vst v5  }
0x2bf: {  	[tilespmem:s14], [sflag:$0x1] =	stream.indirect.gather @!p1 [hbm4b:s7+s12], $0x80, s11, s12, $0xb8;
	[tilespmem:$0x174A0] =	vst v63  }
0x2c0: {  	s15 =	simm.s32 @!p1 $0x8D00;
	[tilespmem:$0x1FF60] =	vst v6;
	s14 =	sadd.s32 @!p1 $0x14A0, s17;
	s11 =	sadd.s32 @!p1 s5, s11  }
0x2c1: {  	[tilespmem:s15], [sflag:$0x1] =	stream.indirect.gather @!p1 [hbm4b:s8+s12], $0x80, s14, s12, $0xb8;
	[tilespmem:$0x174A0] =	vst v63  }
0x2c2: {  	[tilespmem:$0x1FF70] =	vst v7;
	s11 =	sshrl.u32 @!p1 s11, $0x3;
	s14 =	sadd.s32 @!p1 $0x28A0, s17;
	s15 =	simm.s32 @!p1 $0xDD00  }
0x2c3: {  	[tilespmem:s15], [sflag:$0x1] =	stream.indirect.gather @!p1 [hbm4b:s9+s12], $0x80, s14, s12, $0xb8;
	[tilespmem:$0x174A0] =	vst v63  }
0x2c4: {  	[tilespmem:$0x1FF80] =	vst v4;
	s11 =	sadd.s32 @!p1 s10, s11;
	s12 =	simm.s32 @!p1 $0x0;
	s14 =	simm.s32 @!p1 $0x3C00  }
0x2c5: {  	[tilespmem:s14], [sflag:$0x1] =	stream.linear.gather @!p1 [hbm4b:s11+s12], $0x50, $0x38;
	[tilespmem:$0x174A0] =	vst v63  }
0x2c6: {  	_ =	swait.ge [sflag:s22], $0x2800  }
0x2c7: {  	[sflag:s22] =	ssyncset.done $0x0  }
0x2c8: {  	[sflag:s22] =	ssyncadd.s32 $0xFFFFD800  }
0x2c9: {  	_ =	swait.ge [sflag:s22], $0x2800  }
0x2ca: {  	[sflag:s22] =	ssyncset.done $0x0  }
0x2cb: {  	[sflag:s22] =	ssyncadd.s32 $0xFFFFD800  }
0x2cc: {  	_ =	swait.ge [sflag:s22], $0x2800  }
0x2cd: {  	[sflag:s22] =	ssyncset.done $0x0  }
0x2ce: {  	[sflag:s22] =	ssyncadd.s32 $0xFFFFD800  }
0x2cf: {  	_ =	swait.ge [sflag:s22], $0x50  }
0x2d0: {  	[sflag:s22] =	ssyncset.done $0x0  }
0x2d1: {  	s11 =	simm.s32 @!p0 $0x4;
	[sflag:s22] =	ssyncadd.s32 $0xFFFFFFB0  }
0x2d2: {  	_ =	swait.ge @!p0 [sflag:s11], $0x50  }
0x2d3: {  	[sflag:s11] =	ssyncset.done @!p0 $0x0  }
0x2d4: {  	[sflag:s11] =	ssyncadd.s32 @!p0 $0xFFFFFFB0  }
0x2d5: {  	_ =	swait.ge @!p0 [sflag:s11], $0x50  }
0x2d6: {  	[sflag:s11] =	ssyncset.done @!p0 $0x0  }
0x2d7: {  	s19 =	simm.s32 $0xB5F0;
	[sflag:s11] =	ssyncadd.s32 @!p0 $0xFFFFFFB0  }
0x2d8: {  	v0 =	vld [tilespmem:s19+$0x0]  }
0x2d9: {  	s24 =	simm.s32 $0x105F0;
	v2 =	vld [tilespmem:s19+$0xFFFFFFF0]  }
0x2da: {  	s15 =	simm.s32 $0x65F0;
	v3 =	vld [tilespmem:s24+$0xFFFFFFF0]  }
0x2db: {  	v4 =	vld [tilespmem:s15+$0xFFFFFFC0]  }
0x2dc: {  	v5 =	vld [tilespmem:s15+$0x0]  }
0x2dd: {  	v6 =	vld [tilespmem:s19+$0xFFFFFFE0]  }
0x2de: {  	v36 =	vld [tilespmem:s24+$0xFFFFFFE0]  }
0x2df: {  	v37 =	vld [tilespmem:s19+$0xFFFFFFD0]  }
0x2e0: {  	v39 =	vld [tilespmem:s15+$0xFFFFFFB0]  }
0x2e1: {  	v40 =	vld [tilespmem:s15+$0xFFFFFFF0]  }
0x2e2: {  	v42 =	vld [tilespmem:s24+$0xFFFFFFC0]  }
0x2e3: {  	v43 =	vld [tilespmem:s15+$0xFFFFFFA0]  }
0x2e4: {  	v44 =	vld [tilespmem:s15+$0xFFFFFFE0]  }
0x2e5: {  	v47 =	vld [tilespmem:s24+$0xFFFFFFB0]  }
0x2e6: {  	v48 =	vld [tilespmem:s15+$0xFFFFFFD0]  }
0x2e7: {  	v55 =	vld [tilespmem:s15+$0xFFFFFF90];
	v46 =	vunpack.i.u.bf16.f32 v4  }
0x2e8: {  	v49 =	vld [tilespmem:s19+$0xFFFFFFA0];
	v54 =	vunpack.i.u.bf16.f32 v5;
	v4 =	vunpack.i.l.bf16.f32 v4;
	v5 =	vunpack.i.l.bf16.f32 v5  }
0x2e9: {  	v63 =	vld [tilespmem:s24+$0xFFFFFFA0];
	v56 =	vunpack.i.u.bf16.f32 v40;
	v57 =	vunpack.i.l.bf16.f32 v40;
	v59 =	vunpack.i.u.bf16.f32 v43  }
0x2ea: {  	v58 =	vld [tilespmem:s24+$0xFFFFFF90];
	v60 =	vunpack.i.u.bf16.f32 v44;
	v61 =	vunpack.i.l.bf16.f32 v43;
	v62 =	vunpack.i.l.bf16.f32 v44  }
0x2eb: {  	v38 =	vld [tilespmem:s24+$0xFFFFFFD0];
	v21 =	vunpack.i.l.bf16.f32 v48;
	v0 =	vadd.f32 v0, v46;
	v2 =	vadd.f32 v2, v4  }
0x2ec: {  	v22 =	vunpack.i.u.bf16.f32 v55;
	v3 =	vadd.f32 v3, v5;
	v5 =	vld [tilespmem:s19+$0xFFFFFF90];
	v36 =	vadd.f32 v36, v56  }
0x2ed: {  	v41 =	vld [tilespmem:s19+$0xFFFFFFC0];
	v23 =	vunpack.i.u.bf16.f32 v48;
	v40 =	vadd.f32 v42, v60;
	v42 =	vadd.f32 v47, v62  }
0x2ee: {  	v45 =	vld [tilespmem:s19+$0xFFFFFFB0];
	v4 =	vunpack.i.u.bf16.f32 v39;
	v44 =	vadd.f32 v49, v22;
	v43 =	vadd.f32 v63, v23  }
0x2ef: {  	v4 =	vadd.f32 v6, v4;
	v6 =	vunpack.i.l.bf16.f32 v39;
	v39 =	vadd.f32 v58, v21  }
0x2f0: {  	v20 =	vunpack.i.l.bf16.f32 v55;
	v6 =	vadd.f32 v37, v6;
	v37 =	vadd.f32 v38, v57  }
0x2f1: {  	v0 =	vsub.f32 $0.0e+00, v0;
	v5 =	vadd.f32 v5, v20  }
0x2f2: {  	v38 =	vadd.f32 v41, v59;
	v2 =	vsub.f32 $0.0e+00, v2  }
0x2f3: {  	v41 =	vadd.f32 v45, v61;
	v0 =	vmul.f32 $1.442695020e+00, v0;
	v5 =	vsub.f32 $0.0e+00, v5  }
0x2f4: {  	v24 =	vsub.f32 $0.0e+00, v43;
	v39 =	vsub.f32 $0.0e+00, v39;
	v2 =	vmul.f32 $1.442695020e+00, v2  }
0x2f5: {  	(erf) = vpow2.f32 v0;
	v0 =	vmul.f32 $1.442695020e+00, v5;
	v5 =	vsub.f32 $0.0e+00, v44  }
0x2f6: {  	v25 =	vsub.f32 $0.0e+00, v42;
	(erf) = vpow2.f32 v2;
	v2 =	vmul.f32 $1.442695020e+00, v39  }
0x2f7: {  	(erf) = vpow2.f32 v0;
	v0 =	vmul.f32 $1.442695020e+00, v5;
	v5 =	vsub.f32 $0.0e+00, v41  }
0x2f8: {  	v26 =	vsub.f32 $0.0e+00, v40;
	(erf) = vpow2.f32 v2;
	v2 =	vmul.f32 $1.442695020e+00, v24  }
0x2f9: {  	(erf) = vpow2.f32 v0;
	v0 =	vmul.f32 $1.442695020e+00, v5;
	v5 =	vsub.f32 $0.0e+00, v38  }
0x2fa: {  	v1 =	vld [tilespmem:s24+$0x0];
	v4 =	vsub.f32 $0.0e+00, v4;
	(erf) = vpow2.f32 v2;
	v2 =	vmul.f32 $1.442695020e+00, v25  }
0x2fb: {  	(erf) = vpow2.f32 v0;
	v0 =	vmul.f32 $1.442695020e+00, v5;
	v5 =	vsub.f32 $0.0e+00, v6  }
0x2fc: {  	v6 =	vsub.f32 $0.0e+00, v37;
	(erf) = vpow2.f32 v2;
	v2 =	vmul.f32 $1.442695020e+00, v26  }
0x2fd: {  	(erf) = vpow2.f32 v0;
	v0 =	vmul.f32 $1.442695020e+00, v5;
	v5 =	vsub.f32 $0.0e+00, v36  }
0x2fe: {  	v3 =	vsub.f32 $0.0e+00, v3  }
0x2ff: {  	v1 =	vadd.f32 v1, v54;
	v36 =	vpop (erf);
	(erf) = vpow2.f32 v2;
	v2 =	vmul.f32 $1.442695020e+00, v6  }
0x300: {  	(erf) = vpow2.f32 v0;
	v0 =	vmul.f32 $1.442695020e+00, v4;
	v4 =	vpop (erf)  }
0x301: {  	v1 =	vsub.f32 $0.0e+00, v1;
	(erf) = vpow2.f32 v2;
	v2 =	vmul.f32 $1.442695020e+00, v5;
	v5 =	vpop (erf)  }
0x302: {  	(erf) = vpow2.f32 v0;
	v0 =	vmul.f32 $1.442695020e+00, v3;
	v3 =	vpop (erf)  }
0x303: {  	(erf) = vpow2.f32 v2;
	v2 =	vadd.f32 $1.000000000e+00, v5;
	v6 =	vadd.f32 $1.000000000e+00, v3  }
0x304: {  	v27 =	vpop (erf);
	(erf) = vpow2.f32 v0;
	v0 =	vmul.f32 $1.442695020e+00, v1  }
0x305: {  	v1 =	vpop (erf);
	v2 =	vmul.f32 v6, v2  }
0x306: {  	v6 =	vadd.f32 $1.000000000e+00, v27;
	v28 =	vadd.f32 $1.000000000e+00, v1;
	_ =	sdelay $0x1  }
0x307: {  	v3 =	vsub.f32 v3, v5;
	v5 =	vld [tilespmem:s15+$0xFFFFFF50];
	(erf) = vpow2.f32 v0;
	v0 =	vpop (erf);
	v6 =	vmul.f32 v28, v6  }
0x308: {  	(erf) = vrcp.f32 v2;
	v2 =	vpop (erf)  }
0x309: {  	v29 =	vpop (erf);
	(erf) = vrcp.f32 v6;
	v6 =	vadd.f32 $1.000000000e+00, v0;
	v30 =	vadd.f32 $1.000000000e+00, v2  }
0x30a: {  	v21 =	vadd.f32 $1.000000000e+00, v4;
	v1 =	vsub.f32 v1, v27;
	v31 =	vpop (erf)  }
0x30b: {  	v32 =	vadd.f32 $1.000000000e+00, v29;
	v33 =	vadd.f32 $1.000000000e+00, v31;
	v34 =	vpop (erf);
	v6 =	vmul.f32 v30, v6;
	v30 =	vld [tilespmem:s15+$0xFFFFFF20]  }
0x30c: {  	v20 =	vld [tilespmem:s24+$0xFFFFFF10];
	v26 =	vunpack.i.l.bf16.f32 v5;
	v39 =	vsub.f32 v31, v29;
	v35 =	vpop (erf);
	v57 =	vadd.f32 $1.000000000e+00, v34  }
0x30d: {  	v31 =	vld [tilespmem:s19+$0xFFFFFF30];
	v55 =	vmul.f32 v33, v32;
	v56 =	vpop (erf);
	(erf) = vrcp.f32 v6;
	v58 =	vadd.f32 $1.000000000e+00, v35  }
0x30e: {  	v5 =	vunpack.i.u.bf16.f32 v5;
	v0 =	vsub.f32 v2, v0;
	v6 =	vld [tilespmem:s15+$0xFFFFFF10];
	v59 =	vpop (erf);
	v61 =	vadd.f32 $1.000000000e+00, v56  }
0x30f: {  	v60 =	vld [tilespmem:s19+$0xFFFFFF10];
	v62 =	vadd.f32 $1.000000000e+00, v59;
	v50 =	vpop (erf);
	v42 =	vmul.f32 v58, v57;
	(erf) = vrcp.f32 v55  }
0x310: {  	v22 =	vld [tilespmem:s19+$0xFFFFFF20];
	v51 =	vadd.f32 $1.000000000e+00, v50;
	v4 =	vsub.f32 v50, v4;
	v50 =	vunpack.i.l.bf16.f32 v30  }
0x311: {  	v32 =	vld [tilespmem:s15+$0xFFFFFF60];
	v37 =	vpop (erf);
	v40 =	vunpack.i.u.bf16.f32 v30;
	(erf) = vrcp.f32 v42;
	v42 =	vadd.f32 v20, v26  }
0x312: {  	v63 =	vmul.f32 v62, v61;
	v52 =	vpop (erf);
	v28 =	vadd.f32 $1.000000000e+00, v37;
	v38 =	vadd.f32 v31, v50  }
0x313: {  	v3 =	vmul.f32 v52, v3;
	v23 =	vmul.f32 v51, v21;
	v24 =	vunpack.i.l.bf16.f32 v6;
	v25 =	vpop (erf)  }
0x314: {  	v2 =	vunpack.i.u.bf16.f32 v6;
	v6 =	vld [tilespmem:s24+$0xFFFFFF20];
	(erf) = vrcp.f32 v63;
	v1 =	vmul.f32 v25, v1  }
0x315: {  	v45 =	vadd.f32 v60, v24;
	v3 =	vmul.f32 v3, v9;
	(erf) = vrcp.f32 v23  }
0x316: {  	v53 =	vunpack.i.l.bf16.f32 v32;
	v2 =	vadd.f32 v22, v2;
	v42 =	vsub.f32 $0.0e+00, v42;
	v27 =	vpop (erf)  }
0x317: {  	v52 =	vld [tilespmem:s15+$0xFFFFFF70];
	v1 =	vmul.f32 v1, v10;
	v3 =	vadd.f32 $0.0e+00, v3;
	v0 =	vmul.f32 v27, v0  }
0x318: {  	v38 =	vsub.f32 $0.0e+00, v38;
	v60 =	vld [tilespmem:s15+$0xFFFFFF40];
	v42 =	vmul.f32 $1.442695020e+00, v42;
	v2 =	vsub.f32 $0.0e+00, v2  }
0x319: {  	v5 =	vadd.f32 v6, v5;
	v1 =	vadd.f32 v1, v3;
	v0 =	vmul.f32 v0, v11  }
0x31a: {  	v63 =	vld [tilespmem:s15+$0xFFFFFF80];
	v6 =	vsub.f32 v35, v34;
	v2 =	vmul.f32 $1.442695020e+00, v2;
	v3 =	vadd.f32 $1.000000000e+00, v36;
	v29 =	vpop (erf)  }
0x31b: {  	v34 =	vld [tilespmem:s24+$0xFFFFFF30];
	v39 =	vmul.f32 v29, v39;
	v0 =	vadd.f32 v0, v1;
	v1 =	vsub.f32 $0.0e+00, v45  }
0x31c: {  	v49 =	vld [tilespmem:s24+$0xFFFFFF40];
	v61 =	vunpack.i.l.bf16.f32 v52;
	v20 =	vunpack.i.u.bf16.f32 v52;
	v3 =	vmul.f32 v28, v3;
	v33 =	vpop (erf)  }
0x31d: {  	v35 =	vld [tilespmem:s19+$0xFFFFFF40];
	v24 =	vunpack.i.l.bf16.f32 v60;
	v39 =	vmul.f32 v39, v12;
	v48 =	vpop (erf);
	v1 =	vmul.f32 $1.442695020e+00, v1  }
0x31e: {  	v55 =	vld [tilespmem:s24+$0xFFFFFF50];
	v5 =	vsub.f32 $0.0e+00, v5;
	v6 =	vmul.f32 v33, v6;
	(erf) = vrcp.f32 v3;
	v51 =	vpop (erf)  }
0x31f: {  	v27 =	vunpack.i.l.bf16.f32 v63;
	(erf) = vpow2.f32 v1;
	v1 =	vmul.f32 v51, v4;
	v4 =	vld [tilespmem:s15+$0xFFFFFF30]  }
0x320: {  	v5 =	vmul.f32 $1.442695020e+00, v5;
	v3 =	vsub.f32 v59, v56;
	v41 =	vadd.f32 v34, v53  }
0x321: {  	v54 =	vld [tilespmem:s19+$0xFFFFFF50];
	v56 =	vunpack.i.u.bf16.f32 v32;
	v0 =	vadd.f32 v39, v0;
	(erf) = vpow2.f32 v42  }
0x322: {  	v57 =	vld [tilespmem:s19+$0xFFFFFF60];
	v39 =	vadd.f32 v35, v40;
	(erf) = vpow2.f32 v2;
	v2 =	vsub.f32 $0.0e+00, v41  }
0x323: {  	v58 =	vld [tilespmem:s24+$0xFFFFFF60];
	v40 =	vadd.f32 v55, v61;
	(erf) = vpow2.f32 v5;
	v5 =	vmul.f32 $1.442695020e+00, v38  }
0x324: {  	v42 =	vadd.f32 v49, v56;
	v2 =	vmul.f32 $1.442695020e+00, v2;
	v59 =	vunpack.i.l.bf16.f32 v4  }
0x325: {  	v62 =	vld [tilespmem:s19+$0xFFFFFF70];
	(erf) = vpow2.f32 v5;
	v5 =	vsub.f32 $0.0e+00, v39;
	v4 =	vunpack.i.u.bf16.f32 v4  }
0x326: {  	v21 =	vld [tilespmem:s24+$0xFFFFFF70];
	v43 =	vadd.f32 v54, v59;
	(erf) = vpow2.f32 v2;
	v2 =	vsub.f32 $0.0e+00, v42  }
0x327: {  	v3 =	vmul.f32 v48, v3;
	v4 =	vadd.f32 v57, v4;
	v5 =	vmul.f32 $1.442695020e+00, v5  }
0x328: {  	v38 =	vadd.f32 v58, v20;
	v22 =	vsub.f32 $0.0e+00, v43;
	v2 =	vmul.f32 $1.442695020e+00, v2  }
0x329: {  	v4 =	vsub.f32 $0.0e+00, v4;
	(erf) = vpow2.f32 v5;
	v5 =	vsub.f32 $0.0e+00, v40  }
0x32a: {  	v23 =	vld [tilespmem:s19+$0xFFFFFF80];
	(erf) = vpow2.f32 v2;
	v2 =	vadd.f32 v62, v24;
	v25 =	vmul.f32 $1.442695020e+00, v22  }
0x32b: {  	v38 =	vsub.f32 $0.0e+00, v38;
	v43 =	vadd.f32 v21, v27;
	v5 =	vmul.f32 $1.442695020e+00, v5  }
0x32c: {  	v26 =	vld [tilespmem:s24+$0xFFFFFF80];
	v4 =	vmul.f32 $1.442695020e+00, v4;
	(erf) = vpow2.f32 v25;
	v2 =	vsub.f32 $0.0e+00, v2  }
0x32d: {  	v28 =	vpop (erf);
	v38 =	vmul.f32 $1.442695020e+00, v38;
	v29 =	vsub.f32 $0.0e+00, v43;
	(erf) = vpow2.f32 v5  }
0x32e: {  	v30 =	vpop (erf);
	v5 =	vunpack.i.u.bf16.f32 v60;
	(erf) = vpow2.f32 v4;
	v2 =	vmul.f32 $1.442695020e+00, v2  }
0x32f: {  	v33 =	vadd.f32 $1.000000000e+00, v30;
	v5 =	vadd.f32 v23, v5;
	(erf) = vpow2.f32 v38  }
0x330: {  	v31 =	vpop (erf);
	v4 =	vunpack.i.u.bf16.f32 v63;
	(erf) = vpow2.f32 v2;
	v2 =	vmul.f32 v6, v13  }
0x331: {  	v34 =	vadd.f32 $1.000000000e+00, v31;
	v32 =	vmul.f32 $1.442695020e+00, v29;
	v4 =	vadd.f32 v26, v4  }
0x332: {  	v5 =	vsub.f32 $0.0e+00, v5;
	v6 =	vpop (erf);
	v0 =	vadd.f32 v2, v0;
	v2 =	vmul.f32 v3, v14  }
0x333: {  	s19 =	simm.s32 $0x66F0;
	v40 =	vmul.f32 v34, v33;
	v4 =	vsub.f32 $0.0e+00, v4;
	v35 =	vpop (erf)  }
0x334: {  	v56 =	vld [tilespmem:s19+$0x0];
	(erf) = vpow2.f32 v32;
	v3 =	vmul.f32 $1.442695020e+00, v5;
	v20 =	vpop (erf)  }
0x335: {  	(erf) = vrcp.f32 v40;
	v4 =	vmul.f32 $1.442695020e+00, v4;
	v21 =	vpop (erf)  }
0x336: {  	v0 =	vadd.f32 v2, v0;
	(erf) = vpow2.f32 v3;
	v2 =	vpop (erf)  }
0x337: {  	s18 =	simm.s32 $0x106F0;
	v47 =	vsub.f32 v31, v30;
	(erf) = vpow2.f32 v4;
	v45 =	vpop (erf)  }
0x338: {  	v1 =	vmul.f32 v1, v15;
	v25 =	vld [tilespmem:s18+$0xFFFFFFF0];
	v5 =	vadd.f32 $1.000000000e+00, v35;
	v3 =	vsub.f32 v37, v36;
	v40 =	vpop (erf)  }
0x339: {  	v53 =	vld [tilespmem:s19+$0xFFFFFFC0];
	v34 =	vunpack.i.l.bf16.f32 v56;
	v23 =	vadd.f32 $1.000000000e+00, v20;
	v4 =	vadd.f32 $1.000000000e+00, v6;
	v42 =	vpop (erf)  }
0x33a: {  	s17 =	simm.s32 $0xB6F0;
	v58 =	vld [tilespmem:s19+$0xFFFFFFB0];
	v24 =	vadd.f32 $1.000000000e+00, v21;
	v3 =	vmul.f32 v28, v3;
	v54 =	vadd.f32 $1.000000000e+00, v40;
	v37 =	vpop (erf)  }
0x33b: {  	v57 =	vld [tilespmem:s17+$0xFFFFFFE0];
	v4 =	vmul.f32 v5, v4;
	v5 =	vadd.f32 $1.000000000e+00, v2;
	v26 =	vadd.f32 $1.000000000e+00, v45;
	v41 =	vpop (erf)  }
0x33c: {  	v27 =	vld [tilespmem:s17+$0xFFFFFFD0];
	v0 =	vadd.f32 v1, v0;
	v3 =	vmul.f32 v3, v16;
	v55 =	vadd.f32 $1.000000000e+00, v42;
	v43 =	vpop (erf)  }
0x33d: {  	v31 =	vld [tilespmem:s19+$0xFFFFFF90];
	v50 =	vadd.f32 v25, v34;
	v39 =	vmul.f32 v24, v23;
	v5 =	vmul.f32 v26, v5;
	v46 =	vpop (erf)  }
0x33e: {  	v22 =	vld [tilespmem:s17+$0xFFFFFFF0];
	v38 =	vadd.f32 v3, v0;
	(erf) = vrcp.f32 v4;
	v0 =	vmul.f32 v55, v54;
	v54 =	vpop (erf)  }
0x33f: {  	v32 =	vld [tilespmem:s17+$0xFFFFFF90];
	v4 =	vadd.f32 $1.000000000e+00, v37;
	v28 =	vadd.f32 $1.000000000e+00, v41;
	(erf) = vrcp.f32 v39;
	v44 =	vpop (erf)  }
0x340: {  	v62 =	vld [tilespmem:s19+$0xFFFFFFA0];
	(erf) = vrcp.f32 v5;
	v5 =	vadd.f32 $1.000000000e+00, v43;
	v59 =	vadd.f32 $1.000000000e+00, v46;
	v3 =	vpop (erf)  }
0x341: {  	v1 =	vld [tilespmem:s17+$0x0];
	v4 =	vmul.f32 v28, v4;
	v29 =	vadd.f32 $1.000000000e+00, v44;
	v61 =	vadd.f32 $1.000000000e+00, v3  }
0x342: {  	v25 =	vld [tilespmem:s19+$0xFFFFFFE0];
	v23 =	vunpack.i.l.bf16.f32 v31;
	(erf) = vrcp.f32 v0;
	v0 =	vmul.f32 v59, v5  }
0x343: {  	v30 =	vld [tilespmem:s17+$0xFFFFFFB0];
	v5 =	vsub.f32 v35, v6;
	(erf) = vrcp.f32 v4;
	v6 =	vmul.f32 v61, v29  }
0x344: {  	v33 =	vunpack.i.u.bf16.f32 v58;
	v63 =	vld [tilespmem:s17+$0xFFFFFFA0];
	v49 =	vadd.f32 v32, v23;
	(erf) = vrcp.f32 v0  }
0x345: {  	v52 =	vadd.f32 v57, v33;
	v0 =	vunpack.i.u.bf16.f32 v53;
	(erf) = vrcp.f32 v6;
	v6 =	vld [tilespmem:s19+$0xFFFFFFD0]  }
0x346: {  	v49 =	vsub.f32 $0.0e+00, v49;
	v39 =	vunpack.i.u.bf16.f32 v31;
	v35 =	vld [tilespmem:s18+$0xFFFFFF90];
	v0 =	vadd.f32 v1, v0  }
0x347: {  	v31 =	vunpack.i.u.bf16.f32 v25;
	v4 =	vsub.f32 v21, v20;
	v1 =	vunpack.i.l.bf16.f32 v53  }
0x348: {  	v21 =	vunpack.i.l.bf16.f32 v62;
	v1 =	vadd.f32 v22, v1;
	v22 =	vld [tilespmem:s18+$0xFFFFFFA0];
	v0 =	vsub.f32 $0.0e+00, v0  }
0x349: {  	v39 =	vadd.f32 v63, v39;
	v48 =	vadd.f32 v30, v21;
	v61 =	vunpack.i.l.bf16.f32 v58  }
0x34a: {  	v60 =	vld [tilespmem:s17+$0xFFFFFFC0];
	v1 =	vsub.f32 $0.0e+00, v1;
	v0 =	vmul.f32 $1.442695020e+00, v0;
	v24 =	vunpack.i.l.bf16.f32 v6  }
0x34b: {  	v26 =	vld [tilespmem:s18+$0xFFFFFFB0];
	v20 =	vunpack.i.u.bf16.f32 v62;
	v36 =	vadd.f32 v27, v61;
	v51 =	vadd.f32 v35, v24  }
0x34c: {  	v1 =	vmul.f32 $1.442695020e+00, v1;
	(erf) = vpow2.f32 v0;
	v6 =	vunpack.i.u.bf16.f32 v6  }
0x34d: {  	v27 =	vld [tilespmem:s18+$0xFFFFFFC0];
	v0 =	vmul.f32 $1.442695020e+00, v49;
	v6 =	vadd.f32 v22, v6;
	v51 =	vsub.f32 $0.0e+00, v51  }
0x34e: {  	v29 =	vunpack.i.l.bf16.f32 v25;
	(erf) = vpow2.f32 v1;
	v1 =	vsub.f32 $0.0e+00, v39  }
0x34f: {  	(erf) = vpow2.f32 v0;
	v0 =	vsub.f32 $0.0e+00, v6;
	v6 =	vld [tilespmem:s19+$0xFFFFFFF0];
	v28 =	vmul.f32 $1.442695020e+00, v51  }
0x350: {  	v55 =	vadd.f32 v60, v20;
	v30 =	vld [tilespmem:s18+$0xFFFFFFD0];
	v1 =	vmul.f32 $1.442695020e+00, v1;
	v51 =	vadd.f32 v26, v29  }
0x351: {  	v48 =	vsub.f32 $0.0e+00, v48;
	v0 =	vmul.f32 $1.442695020e+00, v0;
	(erf) = vpow2.f32 v28  }
0x352: {  	v49 =	vadd.f32 v27, v31;
	(erf) = vpow2.f32 v1;
	v1 =	vsub.f32 $0.0e+00, v51  }
0x353: {  	v33 =	vsub.f32 $0.0e+00, v55;
	v32 =	vpop (erf);
	(erf) = vpow2.f32 v0;
	v0 =	vmul.f32 $1.442695020e+00, v48  }
0x354: {  	v34 =	vld [tilespmem:s18+$0xFFFFFFE0];
	v49 =	vsub.f32 $0.0e+00, v49;
	v61 =	vunpack.i.l.bf16.f32 v6;
	v1 =	vmul.f32 $1.442695020e+00, v1  }
0x355: {  	v35 =	vpop (erf);
	v39 =	vadd.f32 v30, v61;
	(erf) = vpow2.f32 v0;
	v0 =	vmul.f32 $1.442695020e+00, v33  }
0x356: {  	v57 =	vpop (erf);
	(erf) = vpow2.f32 v1;
	v1 =	vsub.f32 $0.0e+00, v36  }
0x357: {  	v62 =	vld [tilespmem:s18+$0x0];
	v58 =	vpop (erf);
	(erf) = vpow2.f32 v0;
	v0 =	vunpack.i.u.bf16.f32 v6;
	v6 =	vsub.f32 $0.0e+00, v39  }
0x358: {  	v52 =	vsub.f32 $0.0e+00, v52;
	v63 =	vmul.f32 $1.442695020e+00, v49;
	v49 =	vpop (erf);
	v1 =	vmul.f32 $1.442695020e+00, v1  }
0x359: {  	v39 =	vpop (erf);
	v0 =	vadd.f32 v34, v0  }
0x35a: {  	v52 =	vmul.f32 $1.442695020e+00, v52;
	v50 =	vsub.f32 $0.0e+00, v50;
	v20 =	vunpack.i.u.bf16.f32 v56;
	v36 =	vpop (erf)  }
0x35b: {  	(erf) = vpow2.f32 v63;
	v21 =	vmul.f32 $1.442695020e+00, v6;
	v0 =	vsub.f32 $0.0e+00, v0;
	v6 =	vpop (erf)  }
0x35c: {  	v50 =	vmul.f32 $1.442695020e+00, v50;
	v48 =	vadd.f32 v62, v20;
	(erf) = vpow2.f32 v1;
	v1 =	vpop (erf)  }
0x35d: {  	(erf) = vpow2.f32 v21;
	v0 =	vmul.f32 $1.442695020e+00, v0;
	v53 =	vpop (erf)  }
0x35e: {  	v22 =	vmul.f32 v54, v47;
	v48 =	vsub.f32 $0.0e+00, v48;
	(erf) = vpow2.f32 v52;
	v47 =	vpop (erf)  }
0x35f: {  	(erf) = vpow2.f32 v0;
	v0 =	vadd.f32 $1.000000000e+00, v53;
	v23 =	vadd.f32 $1.000000000e+00, v47  }
0x360: {  	v5 =	vmul.f32 v32, v5;
	v52 =	vpop (erf)  }
0x361: {  	(erf) = vpow2.f32 v50;
	v56 =	vpop (erf);
	v0 =	vmul.f32 v23, v0  }
0x362: {  	v2 =	vsub.f32 v45, v2;
	v42 =	vsub.f32 v42, v40;
	v24 =	vmul.f32 $1.442695020e+00, v48;
	v48 =	vpop (erf)  }
0x363: {  	v40 =	vsub.f32 v46, v43;
	v5 =	vmul.f32 v5, v10;
	v45 =	vmul.f32 v22, v9;
	v59 =	vpop (erf)  }
0x364: {  	v25 =	vadd.f32 $1.000000000e+00, v52;
	(erf) = vpow2.f32 v24;
	v26 =	vadd.f32 $1.000000000e+00, v56;
	v62 =	vpop (erf)  }
0x365: {  	v45 =	vadd.f32 $0.0e+00, v45;
	v63 =	vsub.f32 v41, v37;
	(erf) = vrcp.f32 v0;
	v0 =	vpop (erf)  }
0x366: {  	v27 =	vadd.f32 $1.000000000e+00, v48;
	v28 =	vadd.f32 $1.000000000e+00, v59;
	v29 =	vmul.f32 v26, v25;
	v46 =	vpop (erf)  }
0x367: {  	v37 =	vsub.f32 v3, v44;
	v44 =	vmul.f32 v35, v4;
	v41 =	vmul.f32 v57, v2;
	v51 =	vpop (erf)  }
0x368: {  	v2 =	vadd.f32 v5, v45;
	v30 =	vmul.f32 v28, v27;
	(erf) = vrcp.f32 v29;
	v4 =	vpop (erf)  }
0x369: {  	v7 =	vadd.f32 $1.000000000e+00, v1;
	v47 =	vsub.f32 v47, v53;
	v50 =	vpop (erf)  }
0x36a: {  	v31 =	vadd.f32 $1.000000000e+00, v62;
	v32 =	vadd.f32 $1.000000000e+00, v0;
	(erf) = vrcp.f32 v30;
	v22 =	vpop (erf)  }
0x36b: {  	v26 =	vsub.f32 v56, v52;
	v8 =	vadd.f32 $1.000000000e+00, v22  }
0x36c: {  	v33 =	vadd.f32 $1.000000000e+00, v46;
	v34 =	vadd.f32 $1.000000000e+00, v51;
	v3 =	vmul.f32 v32, v31  }
0x36d: {  	v44 =	vmul.f32 v44, v11;
	v20 =	vadd.f32 $1.000000000e+00, v4;
	v21 =	vadd.f32 $1.000000000e+00, v50  }
0x36e: {  	v48 =	vsub.f32 v59, v48;
	v35 =	vmul.f32 v34, v33;
	(erf) = vrcp.f32 v3;
	v3 =	vld [tilespmem:s19+$0xFFFFFF10];
	v25 =	vpop (erf)  }
0x36f: {  	v61 =	vld [tilespmem:s19+$0xFFFFFF20];
	v29 =	vadd.f32 $1.000000000e+00, v6;
	v24 =	vmul.f32 v21, v20;
	v5 =	vmul.f32 v8, v7;
	v8 =	vpop (erf)  }
0x370: {  	v23 =	vld [tilespmem:s17+$0xFFFFFF10];
	v0 =	vsub.f32 v0, v62;
	(erf) = vrcp.f32 v35;
	v8 =	vmul.f32 v8, v47  }
0x371: {  	v46 =	vsub.f32 v51, v46;
	v4 =	vsub.f32 v50, v4;
	v7 =	vld [tilespmem:s19+$0xFFFFFF50];
	(erf) = vrcp.f32 v24;
	v31 =	vpop (erf)  }
0x372: {  	v27 =	vld [tilespmem:s18+$0xFFFFFF10];
	v1 =	vsub.f32 v22, v1;
	v43 =	vmul.f32 v31, v26;
	v8 =	vmul.f32 v8, v9  }
0x373: {  	v30 =	vadd.f32 $1.000000000e+00, v25;
	v28 =	vunpack.i.l.bf16.f32 v3;
	(erf) = vrcp.f32 v5;
	v35 =	vpop (erf)  }
0x374: {  	v32 =	vld [tilespmem:s17+$0xFFFFFF20];
	v5 =	vmul.f32 v35, v48;
	v43 =	vmul.f32 v43, v10;
	v8 =	vadd.f32 $0.0e+00, v8  }
0x375: {  	v33 =	vld [tilespmem:s18+$0xFFFFFF20];
	v22 =	vunpack.i.l.bf16.f32 v61;
	v6 =	vsub.f32 v25, v6;
	v47 =	vadd.f32 v23, v28  }
0x376: {  	v20 =	vld [tilespmem:s19+$0xFFFFFF60];
	v34 =	vunpack.i.l.bf16.f32 v7;
	v5 =	vmul.f32 v5, v11;
	v8 =	vadd.f32 v43, v8  }
0x377: {  	v52 =	vmul.f32 v30, v29;
	v24 =	vld [tilespmem:s17+$0xFFFFFF40];
	v3 =	vunpack.i.u.bf16.f32 v3;
	v45 =	vadd.f32 v27, v34;
	v59 =	vpop (erf)  }
0x378: {  	v30 =	vld [tilespmem:s19+$0xFFFFFF70];
	v0 =	vmul.f32 v59, v0;
	v5 =	vadd.f32 v5, v8;
	v8 =	vsub.f32 $0.0e+00, v47  }
0x379: {  	(erf) = vrcp.f32 v52;
	v3 =	vadd.f32 v32, v3;
	v7 =	vunpack.i.u.bf16.f32 v7  }
0x37a: {  	v62 =	vld [tilespmem:s17+$0xFFFFFF30];
	v45 =	vsub.f32 $0.0e+00, v45;
	v0 =	vmul.f32 v0, v12;
	v8 =	vmul.f32 $1.442695020e+00, v8  }
0x37b: {  	v25 =	vld [tilespmem:s18+$0xFFFFFF40];
	v3 =	vsub.f32 $0.0e+00, v3;
	v48 =	vunpack.i.u.bf16.f32 v61;
	v7 =	vadd.f32 v33, v7  }
0x37c: {  	v0 =	vadd.f32 v0, v5;
	v5 =	vld [tilespmem:s18+$0xFFFFFF30];
	(erf) = vpow2.f32 v8;
	v8 =	vmul.f32 $1.442695020e+00, v45  }
0x37d: {  	v28 =	vunpack.i.l.bf16.f32 v20;
	v27 =	vld [tilespmem:s19+$0xFFFFFF30];
	v48 =	vadd.f32 v24, v48;
	v57 =	vunpack.i.l.bf16.f32 v30  }
0x37e: {  	v3 =	vmul.f32 $1.442695020e+00, v3;
	v7 =	vsub.f32 $0.0e+00, v7;
	(erf) = vpow2.f32 v8;
	v8 =	vld [tilespmem:s17+$0xFFFFFF50]  }
0x37f: {  	v43 =	vmul.f32 v58, v42;
	v42 =	vmul.f32 v49, v63;
	v49 =	vadd.f32 v62, v22  }
0x380: {  	v48 =	vsub.f32 $0.0e+00, v48;
	v7 =	vmul.f32 $1.442695020e+00, v7;
	v47 =	vunpack.i.u.bf16.f32 v20  }
0x381: {  	v31 =	vld [tilespmem:s18+$0xFFFFFF50];
	v32 =	vsub.f32 $0.0e+00, v49;
	v5 =	vadd.f32 v5, v28;
	(erf) = vpow2.f32 v3  }
0x382: {  	v35 =	vld [tilespmem:s19+$0xFFFFFF40];
	v34 =	vunpack.i.l.bf16.f32 v27;
	v45 =	vadd.f32 v25, v47;
	(erf) = vpow2.f32 v7  }
0x383: {  	v56 =	vld [tilespmem:s19+$0xFFFFFF80];
	v21 =	vpop (erf);
	v3 =	vsub.f32 $0.0e+00, v5;
	v7 =	vadd.f32 v8, v34;
	v8 =	vmul.f32 $1.442695020e+00, v32  }
0x384: {  	v60 =	vld [tilespmem:s18+$0xFFFFFF70];
	v61 =	vunpack.i.u.bf16.f32 v30;
	v46 =	vmul.f32 v21, v46;
	v59 =	vmul.f32 $1.442695020e+00, v48  }
0x385: {  	v23 =	vpop (erf);
	v3 =	vmul.f32 $1.442695020e+00, v3;
	(erf) = vpow2.f32 v8;
	v8 =	vsub.f32 $0.0e+00, v45  }
0x386: {  	v33 =	vld [tilespmem:s17+$0xFFFFFF60];
	v50 =	vadd.f32 v31, v57;
	v4 =	vmul.f32 v23, v4;
	v46 =	vmul.f32 v46, v13  }
0x387: {  	v63 =	vunpack.i.l.bf16.f32 v35;
	v26 =	vpop (erf);
	v5 =	vld [tilespmem:s18+$0xFFFFFF60];
	(erf) = vpow2.f32 v3;
	v8 =	vmul.f32 $1.442695020e+00, v8  }
0x388: {  	v20 =	vunpack.i.l.bf16.f32 v56;
	v1 =	vmul.f32 v26, v1;
	(erf) = vpow2.f32 v59  }
0x389: {  	v58 =	vld [tilespmem:s17+$0xFFFFFF70];
	v29 =	vpop (erf);
	v48 =	vadd.f32 v60, v20;
	(erf) = vpow2.f32 v8;
	v8 =	vsub.f32 $0.0e+00, v50  }
0x38a: {  	v6 =	vmul.f32 v29, v6;
	v7 =	vsub.f32 $0.0e+00, v7;
	v3 =	vunpack.i.u.bf16.f32 v27  }
0x38b: {  	v4 =	vmul.f32 v4, v14;
	v3 =	vadd.f32 v33, v3;
	v8 =	vmul.f32 $1.442695020e+00, v8  }
0x38c: {  	v22 =	vsub.f32 $0.0e+00, v48;
	v5 =	vadd.f32 v5, v61;
	v7 =	vmul.f32 $1.442695020e+00, v7  }
0x38d: {  	v62 =	vld [tilespmem:s17+$0xFFFFFF80];
	v1 =	vmul.f32 v1, v15;
	v47 =	vmul.f32 v39, v40;
	v3 =	vsub.f32 $0.0e+00, v3  }
0x38e: {  	v21 =	vld [tilespmem:s18+$0xFFFFFF80];
	v45 =	vadd.f32 v58, v63;
	v5 =	vsub.f32 $0.0e+00, v5;
	(erf) = vpow2.f32 v7  }
0x38f: {  	v0 =	vadd.f32 v46, v0;
	v3 =	vmul.f32 $1.442695020e+00, v3;
	(erf) = vpow2.f32 v8;
	v8 =	vpop (erf)  }
0x390: {  	v45 =	vsub.f32 $0.0e+00, v45;
	v7 =	vunpack.i.u.bf16.f32 v35;
	v5 =	vmul.f32 $1.442695020e+00, v5;
	v23 =	vpop (erf)  }
0x391: {  	(erf) = vpow2.f32 v3;
	v3 =	vadd.f32 $1.000000000e+00, v8;
	v24 =	vadd.f32 $1.000000000e+00, v23  }
0x392: {  	v7 =	vadd.f32 v62, v7;
	(erf) = vpow2.f32 v5;
	v5 =	vunpack.i.u.bf16.f32 v56  }
0x393: {  	v45 =	vmul.f32 $1.442695020e+00, v45;
	v5 =	vadd.f32 v21, v5;
	v3 =	vmul.f32 v24, v3  }
0x394: {  	v29 =	vmul.f32 v6, v16;
	v46 =	vmul.f32 $1.442695020e+00, v22;
	v7 =	vsub.f32 $0.0e+00, v7  }
0x395: {  	v0 =	vadd.f32 v4, v0;
	(erf) = vpow2.f32 v45;
	v25 =	vpop (erf);
	v5 =	vsub.f32 $0.0e+00, v5  }
0x396: {  	s24 =	simm.s32 $0xB7F0;
	v48 =	vadd.f32 v44, v2;
	v2 =	vmul.f32 $1.442695020e+00, v7;
	(erf) = vpow2.f32 v46;
	v26 =	vpop (erf)  }
0x397: {  	v39 =	vld [tilespmem:s24+$0xFFFFFFF0];
	s17 =	simm.s32 $0x107F0;
	v0 =	vadd.f32 v1, v0;
	v4 =	vmul.f32 $1.442695020e+00, v5;
	(erf) = vrcp.f32 v3;
	v3 =	vpop (erf)  }
0x398: {  	v54 =	vld [tilespmem:s17+$0xFFFFFFF0];
	s18 =	simm.s32 $0x67F0;
	v5 =	vadd.f32 $1.000000000e+00, v26;
	(erf) = vpow2.f32 v2;
	v2 =	vadd.f32 $1.000000000e+00, v25;
	v7 =	vpop (erf)  }
0x399: {  	v6 =	vld [tilespmem:s18+$0x0];
	v40 =	vadd.f32 v29, v0;
	(erf) = vpow2.f32 v4;
	v27 =	vpop (erf)  }
0x39a: {  	v33 =	vld [tilespmem:s18+$0xFFFFFFC0];
	v2 =	vmul.f32 v5, v2;
	v4 =	vadd.f32 $1.000000000e+00, v3;
	v5 =	vadd.f32 $1.000000000e+00, v7;
	v1 =	vpop (erf)  }
0x39b: {  	v29 =	vld [tilespmem:s18+$0xFFFFFF90];
	v50 =	vsub.f32 v26, v25;
	v3 =	vsub.f32 v7, v3;
	v28 =	vpop (erf)  }
0x39c: {  	v30 =	vadd.f32 $1.000000000e+00, v27;
	v31 =	vadd.f32 $1.000000000e+00, v1;
	v34 =	vmul.f32 v5, v4;
	v32 =	vpop (erf)  }
0x39d: {  	v26 =	vld [tilespmem:s18+$0xFFFFFFA0];
	v4 =	vadd.f32 $1.000000000e+00, v28;
	(erf) = vrcp.f32 v2;
	v5 =	vadd.f32 $1.000000000e+00, v32  }
0x39e: {  	v35 =	vpop (erf);
	v0 =	vmul.f32 v31, v30;
	(erf) = vrcp.f32 v34;
	v49 =	vsub.f32 v32, v28  }
0x39f: {  	v17 =	vld [tilespmem:s24+$0xFFFFFFC0];
	v31 =	vunpack.i.l.bf16.f32 v33;
	v34 =	vunpack.i.l.bf16.f32 v6;
	v22 =	vadd.f32 $1.000000000e+00, v35  }
0x3a0: {  	v52 =	vld [tilespmem:s24+$0x0];
	v55 =	vunpack.i.u.bf16.f32 v29;
	v20 =	vpop (erf);
	v39 =	vadd.f32 v39, v31;
	v54 =	vadd.f32 v54, v34  }
0x3a1: {  	v21 =	vld [tilespmem:s24+$0xFFFFFFE0];
	v2 =	vmul.f32 v5, v4;
	v5 =	vsub.f32 v23, v8;
	v23 =	vadd.f32 $1.000000000e+00, v20;
	v4 =	vpop (erf)  }
0x3a2: {  	v24 =	vld [tilespmem:s18+$0xFFFFFFB0];
	v45 =	vunpack.i.l.bf16.f32 v26;
	v46 =	vsub.f32 v20, v35;
	v39 =	vsub.f32 $0.0e+00, v39;
	v57 =	vpop (erf)  }
0x3a3: {  	v30 =	vld [tilespmem:s24+$0xFFFFFF90];
	(erf) = vrcp.f32 v0;
	v0 =	vadd.f32 $1.000000000e+00, v4;
	v25 =	vadd.f32 $1.000000000e+00, v57;
	v63 =	vpop (erf)  }
0x3a4: {  	v32 =	vld [tilespmem:s18+$0xFFFFFFD0];
	v7 =	vmul.f32 v23, v22;
	(erf) = vrcp.f32 v2;
	v22 =	vunpack.i.u.bf16.f32 v26;
	v51 =	vpop (erf)  }
0x3a5: {  	v8 =	vld [tilespmem:s24+$0xFFFFFFD0];
	v2 =	vsub.f32 v1, v27;
	v17 =	vadd.f32 v17, v22;
	v0 =	vmul.f32 v25, v0;
	v1 =	vpop (erf)  }
0x3a6: {  	v35 =	vld [tilespmem:s17+$0xFFFFFF90];
	(erf) = vrcp.f32 v7;
	v7 =	vadd.f32 $1.000000000e+00, v51;
	v28 =	vadd.f32 $1.000000000e+00, v1  }
0x3a7: {  	v27 =	vld [tilespmem:s24+$0xFFFFFFB0];
	(erf) = vrcp.f32 v0;
	v0 =	vunpack.i.u.bf16.f32 v33;
	v33 =	vunpack.i.u.bf16.f32 v24  }
0x3a8: {  	v20 =	vunpack.i.l.bf16.f32 v24;
	v0 =	vadd.f32 v52, v0;
	v52 =	vadd.f32 v21, v33;
	v21 =	vld [tilespmem:s24+$0xFFFFFFA0]  }
0x3a9: {  	v23 =	vld [tilespmem:s17+$0xFFFFFFA0];
	v26 =	vunpack.i.l.bf16.f32 v32;
	v53 =	vunpack.i.u.bf16.f32 v32;
	v7 =	vmul.f32 v28, v7  }
0x3aa: {  	v39 =	vmul.f32 $1.442695020e+00, v39;
	v24 =	vunpack.i.l.bf16.f32 v29;
	v0 =	vsub.f32 $0.0e+00, v0  }
0x3ab: {  	v8 =	vadd.f32 v8, v20;
	(erf) = vrcp.f32 v7;
	v7 =	vadd.f32 v30, v24  }
0x3ac: {  	v25 =	vld [tilespmem:s18+$0xFFFFFFE0];
	v58 =	vadd.f32 v35, v26;
	v44 =	vadd.f32 v27, v45;
	v0 =	vmul.f32 $1.442695020e+00, v0  }
0x3ad: {  	v5 =	vmul.f32 v63, v5;
	v27 =	vld [tilespmem:s17+$0xFFFFFFB0];
	v7 =	vsub.f32 $0.0e+00, v7;
	v55 =	vadd.f32 v21, v55  }
0x3ae: {  	v45 =	vadd.f32 v23, v53;
	(erf) = vpow2.f32 v0;
	v0 =	vsub.f32 $0.0e+00, v58  }
0x3af: {  	v17 =	vsub.f32 $0.0e+00, v17;
	v29 =	vld [tilespmem:s17+$0xFFFFFFC0];
	v7 =	vmul.f32 $1.442695020e+00, v7;
	v28 =	vsub.f32 $0.0e+00, v55  }
0x3b0: {  	v45 =	vsub.f32 $0.0e+00, v45;
	v30 =	vld [tilespmem:s18+$0xFFFFFFF0];
	(erf) = vpow2.f32 v39;
	v0 =	vmul.f32 $1.442695020e+00, v0  }
0x3b1: {  	v31 =	vunpack.i.l.bf16.f32 v25;
	(erf) = vpow2.f32 v7;
	v7 =	vmul.f32 $1.442695020e+00, v28  }
0x3b2: {  	v32 =	vld [tilespmem:s17+$0xFFFFFFD0];
	v58 =	vadd.f32 v27, v31;
	(erf) = vpow2.f32 v0;
	v0 =	vsub.f32 $0.0e+00, v44  }
0x3b3: {  	v33 =	vmul.f32 $1.442695020e+00, v45;
	(erf) = vpow2.f32 v7;
	v7 =	vunpack.i.u.bf16.f32 v25  }
0x3b4: {  	v60 =	vld [tilespmem:s17+$0xFFFFFFE0];
	v34 =	vsub.f32 $0.0e+00, v58;
	v7 =	vadd.f32 v29, v7;
	v0 =	vmul.f32 $1.442695020e+00, v0  }
0x3b5: {  	v35 =	vpop (erf);
	v8 =	vsub.f32 $0.0e+00, v8;
	v62 =	vunpack.i.l.bf16.f32 v30;
	(erf) = vpow2.f32 v33  }
0x3b6: {  	v61 =	vpop (erf);
	v45 =	vmul.f32 $1.442695020e+00, v34;
	(erf) = vpow2.f32 v0;
	v0 =	vsub.f32 $0.0e+00, v7  }
0x3b7: {  	v17 =	vmul.f32 $1.442695020e+00, v17;
	v8 =	vmul.f32 $1.442695020e+00, v8;
	v39 =	vadd.f32 v32, v62  }
0x3b8: {  	v20 =	vunpack.i.u.bf16.f32 v30;
	v7 =	vpop (erf);
	(erf) = vpow2.f32 v45;
	v0 =	vmul.f32 $1.442695020e+00, v0  }
0x3b9: {  	v21 =	vadd.f32 v60, v20;
	v39 =	vsub.f32 $0.0e+00, v39;
	v55 =	vpop (erf);
	(erf) = vpow2.f32 v17  }
0x3ba: {  	v5 =	vmul.f32 v5, v9;
	v17 =	vld [tilespmem:s17+$0x0];
	v59 =	vpop (erf);
	(erf) = vpow2.f32 v0  }
0x3bb: {  	v0 =	vsub.f32 $0.0e+00, v52;
	v45 =	vpop (erf);
	(erf) = vpow2.f32 v8;
	v8 =	vsub.f32 $0.0e+00, v21  }
0x3bc: {  	v24 =	vmul.f32 v41, v12;
	v22 =	vmul.f32 $1.442695020e+00, v39  }
0x3bd: {  	v23 =	vsub.f32 $0.0e+00, v54;
	v39 =	vpop (erf);
	v0 =	vmul.f32 $1.442695020e+00, v0;
	v8 =	vmul.f32 $1.442695020e+00, v8  }
0x3be: {  	v6 =	vunpack.i.u.bf16.f32 v6;
	v31 =	vmul.f32 v47, v15;
	(erf) = vpow2.f32 v22;
	v52 =	vpop (erf)  }
0x3bf: {  	v54 =	vpop (erf);
	v6 =	vadd.f32 v17, v6;
	(erf) = vpow2.f32 v0;
	v0 =	vmul.f32 $1.442695020e+00, v23  }
0x3c0: {  	v30 =	vmul.f32 v42, v14;
	v25 =	vadd.f32 v24, v48;
	v17 =	vpop (erf);
	(erf) = vpow2.f32 v8  }
0x3c1: {  	(erf) = vpow2.f32 v0;
	v0 =	vsub.f32 $0.0e+00, v6;
	v6 =	vmul.f32 v43, v13;
	v8 =	vpop (erf)  }
0x3c2: {  	v44 =	vmul.f32 v36, v37;
	v36 =	vsub.f32 v1, v51;
	v48 =	vsub.f32 v57, v4;
	v4 =	vpop (erf)  }
0x3c3: {  	v42 =	vmul.f32 v61, v3;
	v26 =	vadd.f32 $1.000000000e+00, v17;
	v6 =	vadd.f32 v6, v25;
	v57 =	vpop (erf)  }
0x3c4: {  	v34 =	vmul.f32 v35, v50;
	v27 =	vadd.f32 $1.000000000e+00, v8;
	v28 =	vadd.f32 $1.000000000e+00, v4;
	v1 =	vpop (erf)  }
0x3c5: {  	v0 =	vmul.f32 $1.442695020e+00, v0;
	v29 =	vadd.f32 $1.000000000e+00, v57;
	v6 =	vadd.f32 v30, v6;
	v51 =	vpop (erf)  }
0x3c6: {  	v37 =	vmul.f32 v27, v26;
	v32 =	vadd.f32 $1.000000000e+00, v1;
	v33 =	vadd.f32 $1.000000000e+00, v51  }
0x3c7: {  	(erf) = vpow2.f32 v0;
	v0 =	vmul.f32 v29, v28;
	v58 =	vpop (erf)  }
0x3c8: {  	(erf) = vrcp.f32 v37;
	v37 =	vadd.f32 v31, v6;
	v3 =	vpop (erf);
	v6 =	vmul.f32 v33, v32  }
0x3c9: {  	(erf) = vrcp.f32 v0;
	v0 =	vadd.f32 $0.0e+00, v5;
	v5 =	vpop (erf)  }
0x3ca: {  	v50 =	vld [tilespmem:s18+$0xFFFFFF10];
	v35 =	vmul.f32 v34, v10;
	v20 =	vadd.f32 $1.000000000e+00, v58;
	v21 =	vadd.f32 $1.000000000e+00, v3;
	v22 =	vpop (erf)  }
0x3cb: {  	v41 =	vmul.f32 v7, v2;
	v2 =	vld [tilespmem:s24+$0xFFFFFF10];
	v7 =	vadd.f32 $1.000000000e+00, v5;
	v23 =	vadd.f32 $1.000000000e+00, v22  }
0x3cc: {  	v43 =	vadd.f32 v35, v0;
	v0 =	vmul.f32 v21, v20;
	(erf) = vrcp.f32 v6;
	v6 =	vpop (erf)  }
0x3cd: {  	v8 =	vsub.f32 v8, v17;
	v7 =	vmul.f32 v23, v7;
	v17 =	vpop (erf)  }
0x3ce: {  	(erf) = vrcp.f32 v0;
	v24 =	vadd.f32 $1.000000000e+00, v6;
	v25 =	vadd.f32 $1.000000000e+00, v17  }
0x3cf: {  	s14 =	simm.s32 $0x12E80;
	v42 =	vmul.f32 v42, v11;
	v28 =	vunpack.i.l.bf16.f32 v50;
	v26 =	vpop (erf)  }
0x3d0: {  	[tilespmem:s14+$0x0] =	vst v38;
	v38 =	vmul.f32 v44, v16;
	v61 =	vadd.f32 v2, v28;
	v18 =	vpop (erf);
	v2 =	vmul.f32 v25, v24  }
0x3d1: {  	v4 =	vsub.f32 v57, v4;
	v29 =	vadd.f32 $1.000000000e+00, v54;
	v0 =	vld [tilespmem:s18+$0xFFFFFF50];
	(erf) = vrcp.f32 v7;
	v7 =	vpop (erf)  }
0x3d2: {  	v1 =	vsub.f32 v51, v1;
	v7 =	vmul.f32 v7, v8;
	(erf) = vrcp.f32 v2;
	v2 =	vld [tilespmem:s24+$0xFFFFFF20]  }
0x3d3: {  	v47 =	vmul.f32 v55, v49;
	v3 =	vsub.f32 v3, v58;
	v30 =	vadd.f32 $1.000000000e+00, v26;
	v33 =	vpop (erf)  }
0x3d4: {  	v27 =	vld [tilespmem:s17+$0xFFFFFF10];
	v58 =	vunpack.i.u.bf16.f32 v50;
	v4 =	vmul.f32 v33, v4;
	v7 =	vmul.f32 v7, v9  }
0x3d5: {  	v62 =	vsub.f32 $0.0e+00, v61;
	v32 =	vadd.f32 $1.000000000e+00, v18;
	v31 =	vmul.f32 v30, v29;
	v53 =	vpop (erf)  }
0x3d6: {  	v35 =	vld [tilespmem:s17+$0xFFFFFF20];
	v4 =	vmul.f32 v4, v10;
	v1 =	vmul.f32 v53, v1;
	v7 =	vadd.f32 $0.0e+00, v7  }
0x3d7: {  	v8 =	vadd.f32 $1.000000000e+00, v52;
	v34 =	vunpack.i.l.bf16.f32 v0;
	v49 =	vadd.f32 v2, v58;
	v2 =	vpop (erf)  }
0x3d8: {  	v60 =	vld [tilespmem:s18+$0xFFFFFF60];
	v1 =	vmul.f32 v1, v11;
	v4 =	vadd.f32 v4, v7;
	v3 =	vmul.f32 v2, v3  }
0x3d9: {  	v25 =	vld [tilespmem:s18+$0xFFFFFF30];
	v0 =	vunpack.i.u.bf16.f32 v0;
	v57 =	vadd.f32 v27, v34;
	v8 =	vmul.f32 v32, v8  }
0x3da: {  	(erf) = vrcp.f32 v31;
	v7 =	vld [tilespmem:s18+$0xFFFFFF20];
	v1 =	vadd.f32 v1, v4;
	v3 =	vmul.f32 v3, v12  }
0x3db: {  	v5 =	vsub.f32 v22, v5;
	v0 =	vadd.f32 v35, v0;
	(erf) = vrcp.f32 v8;
	v8 =	vld [tilespmem:s24+$0xFFFFFF30]  }
0x3dc: {  	v50 =	vmul.f32 $1.442695020e+00, v62;
	v4 =	vld [tilespmem:s17+$0xFFFFFF30];
	v1 =	vadd.f32 v3, v1;
	v3 =	vsub.f32 $0.0e+00, v57  }
0x3dd: {  	v23 =	vunpack.i.l.bf16.f32 v60;
	v6 =	vsub.f32 v17, v6;
	v0 =	vsub.f32 $0.0e+00, v0  }
0x3de: {  	v18 =	vsub.f32 v18, v52;
	v30 =	vunpack.i.l.bf16.f32 v25;
	v3 =	vmul.f32 $1.442695020e+00, v3  }
0x3df: {  	v63 =	vld [tilespmem:s24+$0xFFFFFF40];
	(erf) = vpow2.f32 v50;
	v0 =	vmul.f32 $1.442695020e+00, v0;
	v20 =	vunpack.i.l.bf16.f32 v7  }
0x3e0: {  	v22 =	vld [tilespmem:s17+$0xFFFFFF40];
	v17 =	vpop (erf);
	v8 =	vadd.f32 v8, v20;
	(erf) = vpow2.f32 v3;
	v3 =	vsub.f32 $0.0e+00, v49  }
0x3e1: {  	v5 =	vmul.f32 v17, v5;
	v17 =	vsub.f32 v26, v54;
	v26 =	vld [tilespmem:s24+$0xFFFFFF50];
	v4 =	vadd.f32 v4, v23  }
0x3e2: {  	v28 =	vld [tilespmem:s18+$0xFFFFFF70];
	v2 =	vmul.f32 v59, v46;
	v8 =	vsub.f32 $0.0e+00, v8;
	v3 =	vmul.f32 $1.442695020e+00, v3  }
0x3e3: {  	v29 =	vld [tilespmem:s17+$0xFFFFFF50];
	v46 =	vunpack.i.u.bf16.f32 v60;
	v7 =	vunpack.i.u.bf16.f32 v7;
	v4 =	vsub.f32 $0.0e+00, v4  }
0x3e4: {  	v33 =	vld [tilespmem:s24+$0xFFFFFF70];
	v7 =	vadd.f32 v63, v7;
	(erf) = vpow2.f32 v3;
	v3 =	vmul.f32 $1.442695020e+00, v8  }
0x3e5: {  	v46 =	vadd.f32 v22, v46;
	v4 =	vmul.f32 $1.442695020e+00, v4;
	v8 =	vld [tilespmem:s24+$0xFFFFFF60];
	(erf) = vpow2.f32 v0  }
0x3e6: {  	v21 =	vpop (erf);
	v0 =	vadd.f32 v26, v30;
	(erf) = vpow2.f32 v3;
	v3 =	vsub.f32 $0.0e+00, v7;
	v7 =	vld [tilespmem:s18+$0xFFFFFF40]  }
0x3e7: {  	v34 =	vunpack.i.u.bf16.f32 v28;
	v31 =	vld [tilespmem:s17+$0xFFFFFF60];
	(erf) = vpow2.f32 v4;
	v4 =	vsub.f32 $0.0e+00, v46  }
0x3e8: {  	v32 =	vunpack.i.l.bf16.f32 v28;
	v0 =	vsub.f32 $0.0e+00, v0;
	v3 =	vmul.f32 $1.442695020e+00, v3  }
0x3e9: {  	v52 =	vadd.f32 v29, v32;
	v50 =	vunpack.i.u.bf16.f32 v25;
	v4 =	vmul.f32 $1.442695020e+00, v4  }
0x3ea: {  	v35 =	vld [tilespmem:s18+$0xFFFFFF80];
	v24 =	vpop (erf);
	v8 =	vadd.f32 v8, v50;
	v0 =	vmul.f32 $1.442695020e+00, v0;
	(erf) = vpow2.f32 v3  }
0x3eb: {  	v27 =	vpop (erf);
	v3 =	vld [tilespmem:s17+$0xFFFFFF70];
	(erf) = vpow2.f32 v4;
	v4 =	vsub.f32 $0.0e+00, v52;
	v52 =	vunpack.i.l.bf16.f32 v7  }
0x3ec: {  	v45 =	vmul.f32 v45, v48;
	v49 =	vadd.f32 v31, v34;
	v46 =	vadd.f32 v33, v52  }
0x3ed: {  	v5 =	vmul.f32 v5, v13;
	(erf) = vpow2.f32 v0;
	v0 =	vsub.f32 $0.0e+00, v8  }
0x3ee: {  	v8 =	vsub.f32 $0.0e+00, v49;
	v4 =	vmul.f32 $1.442695020e+00, v4;
	v46 =	vsub.f32 $0.0e+00, v46  }
0x3ef: {  	v55 =	vunpack.i.l.bf16.f32 v35;
	v1 =	vadd.f32 v5, v1;
	v0 =	vmul.f32 $1.442695020e+00, v0  }
0x3f0: {  	v5 =	vld [tilespmem:s17+$0xFFFFFF80];
	v3 =	vadd.f32 v3, v55;
	(erf) = vpow2.f32 v4;
	v4 =	vmul.f32 $1.442695020e+00, v8  }
0x3f1: {  	v42 =	vadd.f32 v42, v43;
	(erf) = vpow2.f32 v0;
	v0 =	vmul.f32 $1.442695020e+00, v46  }
0x3f2: {  	v54 =	vld [tilespmem:s24+$0xFFFFFF80];
	v46 =	vpop (erf);
	(erf) = vpow2.f32 v4;
	v4 =	vunpack.i.u.bf16.f32 v7;
	v7 =	vsub.f32 $0.0e+00, v3  }
0x3f3: {  	v43 =	vmul.f32 v41, v12;
	v57 =	vunpack.i.u.bf16.f32 v35;
	v51 =	vpop (erf);
	(erf) = vpow2.f32 v0  }
0x3f4: {  	v0 =	vmul.f32 $1.442695020e+00, v7;
	v7 =	vadd.f32 $1.000000000e+00, v46;
	v56 =	vadd.f32 $1.000000000e+00, v51  }
0x3f5: {  	v41 =	vmul.f32 v47, v13;
	v6 =	vmul.f32 v21, v6;
	v50 =	vadd.f32 v5, v57  }
0x3f6: {  	v17 =	vmul.f32 v24, v17;
	v7 =	vmul.f32 v56, v7  }
0x3f7: {  	v50 =	vsub.f32 $0.0e+00, v50;
	v8 =	vadd.f32 v54, v4;
	v3 =	vpop (erf);
	(erf) = vpow2.f32 v0  }
0x3f8: {  	s15 =	simm.s32 $0x12F80;
	v4 =	vpop (erf);
	v58 =	vadd.f32 $1.000000000e+00, v3;
	(erf) = vrcp.f32 v7;
	v7 =	vmul.f32 v6, v14  }
0x3f9: {  	[tilespmem:s15+$0x0] =	vst v40;
	v40 =	vmul.f32 v2, v14;
	v8 =	vsub.f32 $0.0e+00, v8;
	v48 =	vpop (erf);
	v59 =	vadd.f32 $1.000000000e+00, v4  }
0x3fa: {  	v18 =	vmul.f32 v27, v18;
	v5 =	vpop (erf);
	v1 =	vadd.f32 v7, v1;
	v7 =	vmul.f32 v17, v15  }
0x3fb: {  	v60 =	vadd.f32 $1.000000000e+00, v48;
	v8 =	vmul.f32 $1.442695020e+00, v8;
	v0 =	vmul.f32 v59, v58;
	v6 =	vpop (erf)  }
0x3fc: {  	v61 =	vadd.f32 $1.000000000e+00, v5;
	v49 =	vpop (erf);
	v1 =	vadd.f32 v7, v1;
	v7 =	vmul.f32 v18, v16  }
0x3fd: {  	v62 =	vadd.f32 $1.000000000e+00, v6;
	(erf) = vpow2.f32 v8;
	v17 =	vmul.f32 $1.442695020e+00, v50;
	v50 =	vpop (erf)  }
0x3fe: {  	v53 =	vmul.f32 v61, v60;
	v63 =	vadd.f32 $1.000000000e+00, v49;
	v52 =	vpop (erf);
	v1 =	vadd.f32 v7, v1  }
0x3ff: {  	s19 =	simm.s32 $0x13080;
	v55 =	vadd.f32 $1.000000000e+00, v50;
	(erf) = vpow2.f32 v17;
	v44 =	vpop (erf);
	v56 =	vadd.f32 $1.000000000e+00, v52  }
0x400: {  	s11 =	simm.s32 $0x4;
	s24 =	simm.s32 $0xB8F0;
	v54 =	vmul.f32 v63, v62;
	(erf) = vrcp.f32 v0;
	v47 =	vadd.f32 $1.000000000e+00, v44;
	v2 =	vpop (erf);
	[tilespmem:s19+$0x0] =	vst v1  }
.LBB2_7:
0x401: {  	v0 =	vld [tilespmem:s24+$0x0];
	v1 =	vmul.f32 v56, v55;
	v7 =	vadd.f32 $1.000000000e+00, v2;
	s17 =	sadd.s32 $0x100, s17;
	(erf) = vrcp.f32 v53  }
0x402: {  	v17 =	vsub.f32 v51, v46;
	v3 =	vsub.f32 v4, v3;
	v8 =	vld [tilespmem:s17+$0x0];
	(erf) = vrcp.f32 v54  }
0x403: {  	v5 =	vsub.f32 v5, v48;
	v4 =	vld [tilespmem:s24+$0xFFFFFFF0];
	v19 =	vmul.f32 v7, v47;
	(erf) = vrcp.f32 v1  }
0x404: {  	v6 =	vsub.f32 v49, v6;
	v18 =	vsub.f32 v52, v50;
	s18 =	sadd.s32 $0x100, s18;
	v45 =	vmul.f32 v45, v15;
	v1 =	vld [tilespmem:s17+$0xFFFFFFF0];
	v46 =	vpop (erf)  }
0x405: {  	v2 =	vsub.f32 v2, v44;
	v47 =	vld [tilespmem:s18+$0xFFFFFFC0];
	v20 =	vadd.f32 $1.000000000e+00, v46;
	(erf) = vrcp.f32 v19;
	v7 =	vpop (erf)  }
0x406: {  	v39 =	vmul.f32 v39, v36;
	v19 =	vadd.f32 v43, v42;
	v49 =	vld [tilespmem:s18+$0x0];
	v50 =	vadd.f32 $1.000000000e+00, v7;
	v44 =	vpop (erf)  }
0x407: {  	v21 =	vadd.f32 v38, v37;
	v51 =	vld [tilespmem:s24+$0xFFFFFFE0];
	v17 =	vmul.f32 v44, v17;
	v44 =	vsub.f32 v7, v46;
	v7 =	vpop (erf)  }
0x408: {  	v41 =	vadd.f32 v41, v19;
	v46 =	vld [tilespmem:s17+$0xFFFFFFE0];
	v38 =	vmul.f32 v50, v20;
	v43 =	vadd.f32 $1.000000000e+00, v7;
	v48 =	vpop (erf)  }
0x409: {  	v50 =	vld [tilespmem:s24+$0xFFFFFFD0];
	v17 =	vmul.f32 v17, v9;
	v36 =	vsub.f32 v48, v7;
	v7 =	vadd.f32 $1.000000000e+00, v48;
	v42 =	vpop (erf);
	[tilespmem:s14+$0xFFFFFF80] =	vst v21;
	s14 =	smov.u32 s15;
	s15 =	smov.u32 s19  }
0x40a: {  	v48 =	vld [tilespmem:s17+$0xFFFFFFD0];
	v3 =	vmul.f32 v42, v3;
	v37 =	vpop (erf);
	(erf) = vrcp.f32 v38;
	v38 =	vadd.f32 v40, v41  }
0x40b: {  	v52 =	vld [tilespmem:s18+$0xFFFFFFB0];
	v19 =	vadd.f32 $0.0e+00, v17;
	v5 =	vmul.f32 v37, v5;
	v7 =	vmul.f32 v7, v43;
	v37 =	vpop (erf)  }
0x40c: {  	v53 =	vld [tilespmem:s18+$0xFFFFFFF0];
	v3 =	vmul.f32 v3, v10;
	v6 =	vmul.f32 v37, v6;
	v40 =	vpop (erf);
	v37 =	vadd.f32 v45, v38  }
0x40d: {  	v54 =	vld [tilespmem:s24+$0xFFFFFFC0];
	v5 =	vmul.f32 v5, v11;
	(erf) = vrcp.f32 v7  }
0x40e: {  	v7 =	vld [tilespmem:s17+$0xFFFFFFC0];
	v3 =	vadd.f32 v3, v19;
	v43 =	vmul.f32 v6, v12;
	v6 =	vmul.f32 v40, v18;
	v17 =	vpop (erf)  }
0x40f: {  	v38 =	vmul.f32 v39, v16;
	v18 =	vld [tilespmem:s18+$0xFFFFFFA0];
	v2 =	vmul.f32 v17, v2  }
0x410: {  	v17 =	vld [tilespmem:s18+$0xFFFFFFE0];
	v42 =	vadd.f32 v5, v3;
	v41 =	vmul.f32 v6, v13  }
0x411: {  	v5 =	vunpack.i.u.bf16.f32 v47;
	v6 =	vunpack.i.u.bf16.f32 v49;
	v3 =	vld [tilespmem:s24+$0xFFFFFFB0];
	v40 =	vmul.f32 v2, v14  }
0x412: {  	v39 =	vunpack.i.u.bf16.f32 v52;
	v47 =	vunpack.i.l.bf16.f32 v47;
	v49 =	vunpack.i.l.bf16.f32 v49;
	v2 =	vld [tilespmem:s17+$0xFFFFFFB0]  }
0x413: {  	v52 =	vunpack.i.l.bf16.f32 v52;
	v56 =	vunpack.i.u.bf16.f32 v53;
	v53 =	vunpack.i.l.bf16.f32 v53;
	v55 =	vld [tilespmem:s18+$0xFFFFFF90];
	v45 =	vpop (erf)  }
0x414: {  	v0 =	vadd.f32 v0, v5;
	v8 =	vadd.f32 v8, v6;
	v57 =	vld [tilespmem:s24+$0xFFFFFF90];
	v58 =	vunpack.i.u.bf16.f32 v18  }
0x415: {  	s11 =	sadd.s32 $0x2, s11;
	v4 =	vadd.f32 v4, v47;
	v1 =	vadd.f32 v1, v49;
	v6 =	vld [tilespmem:s18+$0xFFFFFFD0];
	v5 =	vunpack.i.u.bf16.f32 v17  }
0x416: {  	p0 =	slt.u32 s11, $0x4E;
	v49 =	vadd.f32 v51, v39;
	v56 =	vadd.f32 v46, v56;
	v18 =	vunpack.i.l.bf16.f32 v18;
	v47 =	vld [tilespmem:s17+$0xFFFFFF90];
	v39 =	vpop (erf)  }
0x417: {  	v50 =	vadd.f32 v50, v52;
	v48 =	vadd.f32 v48, v53;
	v17 =	vunpack.i.l.bf16.f32 v17;
	v46 =	vld [tilespmem:s24+$0xFFFFFFA0]  }
0x418: {  	v53 =	vadd.f32 v54, v58;
	v7 =	vadd.f32 v7, v5;
	v51 =	vunpack.i.u.bf16.f32 v55;
	v52 =	vld [tilespmem:s17+$0xFFFFFFA0]  }
0x419: {  	v18 =	vadd.f32 v3, v18;
	v17 =	vadd.f32 v2, v17;
	v54 =	vunpack.i.l.bf16.f32 v55;
	v5 =	vld [tilespmem:s18+$0xFFFFFF50]  }
0x41a: {  	v0 =	vsub.f32 $0.0e+00, v0;
	v3 =	vadd.f32 v57, v54;
	v59 =	vld [tilespmem:s18+$0xFFFFFF10];
	v2 =	vunpack.i.l.bf16.f32 v6  }
0x41b: {  	v4 =	vsub.f32 $0.0e+00, v4;
	v6 =	vunpack.i.u.bf16.f32 v6;
	v61 =	vld [tilespmem:s24+$0xFFFFFF10];
	v2 =	vadd.f32 v47, v2  }
0x41c: {  	v0 =	vmul.f32 $1.442695020e+00, v0;
	v47 =	vsub.f32 $0.0e+00, v3;
	v19 =	vld [tilespmem:s17+$0xFFFFFF10];
	v46 =	vadd.f32 v46, v51  }
0x41d: {  	v4 =	vmul.f32 $1.442695020e+00, v4;
	v3 =	vld [tilespmem:s24+$0xFFFFFF20];
	v51 =	vsub.f32 $0.0e+00, v2;
	v6 =	vadd.f32 v52, v6  }
0x41e: {  	v47 =	vmul.f32 $1.442695020e+00, v47;
	v2 =	vld [tilespmem:s17+$0xFFFFFF20];
	v46 =	vsub.f32 $0.0e+00, v46;
	(erf) = vpow2.f32 v0  }
0x41f: {  	v63 =	vld [tilespmem:s18+$0xFFFFFF20];
	v0 =	vmul.f32 $1.442695020e+00, v51;
	v6 =	vsub.f32 $0.0e+00, v6;
	(erf) = vpow2.f32 v4  }
0x420: {  	v18 =	vsub.f32 $0.0e+00, v18;
	v62 =	vld [tilespmem:s18+$0xFFFFFF60];
	v4 =	vmul.f32 $1.442695020e+00, v46;
	(erf) = vpow2.f32 v47  }
0x421: {  	v17 =	vsub.f32 $0.0e+00, v17;
	v60 =	vld [tilespmem:s24+$0xFFFFFF30];
	v6 =	vmul.f32 $1.442695020e+00, v6;
	(erf) = vpow2.f32 v0  }
0x422: {  	v0 =	vmul.f32 $1.442695020e+00, v18;
	v18 =	vsub.f32 $0.0e+00, v53;
	v57 =	vld [tilespmem:s17+$0xFFFFFF30];
	(erf) = vpow2.f32 v4  }
0x423: {  	v7 =	vsub.f32 $0.0e+00, v7;
	v4 =	vmul.f32 $1.442695020e+00, v17;
	v51 =	vld [tilespmem:s24+$0xFFFFFF40];
	(erf) = vpow2.f32 v6  }
0x424: {  	v17 =	vsub.f32 $0.0e+00, v50;
	v6 =	vmul.f32 $1.442695020e+00, v18;
	v52 =	vld [tilespmem:s17+$0xFFFFFF40];
	(erf) = vpow2.f32 v0  }
0x425: {  	v0 =	vmul.f32 $1.442695020e+00, v7;
	v7 =	vsub.f32 $0.0e+00, v48;
	v46 =	vld [tilespmem:s18+$0xFFFFFF30];
	(erf) = vpow2.f32 v4  }
0x426: {  	v18 =	vsub.f32 $0.0e+00, v49;
	v17 =	vmul.f32 $1.442695020e+00, v17;
	v47 =	vld [tilespmem:s18+$0xFFFFFF70];
	(erf) = vpow2.f32 v6  }
0x427: {  	v48 =	vsub.f32 $0.0e+00, v56;
	v7 =	vmul.f32 $1.442695020e+00, v7;
	v53 =	vld [tilespmem:s24+$0xFFFFFF50];
	(erf) = vpow2.f32 v0;
	v4 =	vpop (erf)  }
0x428: {  	v1 =	vsub.f32 $0.0e+00, v1;
	v0 =	vmul.f32 $1.442695020e+00, v18;
	v54 =	vld [tilespmem:s17+$0xFFFFFF50];
	(erf) = vpow2.f32 v17;
	v6 =	vpop (erf)  }
0x429: {  	v18 =	vmul.f32 $1.442695020e+00, v48;
	v17 =	vunpack.i.l.bf16.f32 v59;
	v50 =	vld [tilespmem:s24+$0xFFFFFF60];
	v20 =	vpop (erf);
	(erf) = vpow2.f32 v7  }
0x42a: {  	v1 =	vmul.f32 $1.442695020e+00, v1;
	v7 =	vsub.f32 $0.0e+00, v8;
	v55 =	vld [tilespmem:s17+$0xFFFFFF60];
	v8 =	vpop (erf);
	(erf) = vpow2.f32 v0  }
0x42b: {  	v0 =	vadd.f32 $1.000000000e+00, v20;
	v48 =	vld [tilespmem:s18+$0xFFFFFF40];
	v56 =	vadd.f32 $1.000000000e+00, v8;
	v21 =	vpop (erf);
	(erf) = vpow2.f32 v18  }
0x42c: {  	v18 =	vunpack.i.l.bf16.f32 v5;
	v7 =	vmul.f32 $1.442695020e+00, v7;
	v49 =	vld [tilespmem:s18+$0xFFFFFF80];
	v22 =	vpop (erf);
	(erf) = vpow2.f32 v1  }
0x42d: {  	v1 =	vadd.f32 $1.000000000e+00, v21;
	v58 =	vld [tilespmem:s24+$0xFFFFFF70];
	v29 =	vmul.f32 v56, v0;
	v23 =	vadd.f32 $1.000000000e+00, v22;
	v24 =	vpop (erf)  }
0x42e: {  	v17 =	vadd.f32 v61, v17;
	v61 =	vld [tilespmem:s17+$0xFFFFFF70];
	v25 =	vadd.f32 $1.000000000e+00, v24;
	v26 =	vpop (erf);
	(erf) = vpow2.f32 v7  }
0x42f: {  	v56 =	vld [tilespmem:s24+$0xFFFFFF80];
	v28 =	vmul.f32 v23, v1;
	v7 =	vadd.f32 $1.000000000e+00, v26;
	(erf) = vrcp.f32 v29;
	v0 =	vpop (erf)  }
0x430: {  	v18 =	vadd.f32 v19, v18;
	v23 =	vunpack.i.u.bf16.f32 v59;
	v59 =	vld [tilespmem:s17+$0xFFFFFF80];
	v19 =	vadd.f32 $1.000000000e+00, v0;
	v27 =	vpop (erf)  }
0x431: {  	v30 =	vmul.f32 v7, v25;
	v25 =	vadd.f32 $1.000000000e+00, v27;
	(erf) = vrcp.f32 v28;
	v1 =	vpop (erf)  }
0x432: {  	v5 =	vunpack.i.u.bf16.f32 v5;
	v17 =	vsub.f32 $0.0e+00, v17;
	v28 =	vadd.f32 $1.000000000e+00, v1;
	v29 =	vpop (erf)  }
0x433: {  	v33 =	vmul.f32 v25, v19;
	v25 =	vadd.f32 $1.000000000e+00, v29;
	(erf) = vrcp.f32 v30;
	v7 =	vpop (erf)  }
0x434: {  	v18 =	vsub.f32 $0.0e+00, v18;
	v30 =	vunpack.i.l.bf16.f32 v63;
	v31 =	vadd.f32 $1.000000000e+00, v7;
	v32 =	vpop (erf)  }
0x435: {  	v25 =	vmul.f32 v25, v28;
	v19 =	vpop (erf)  }
0x436: {  	v35 =	vadd.f32 $1.000000000e+00, v19  }
0x437: {  	v28 =	vadd.f32 $1.000000000e+00, v32;
	(erf) = vrcp.f32 v33  }
0x438: {  	v34 =	vadd.f32 $1.000000000e+00, v6;
	v33 =	vunpack.i.l.bf16.f32 v62  }
0x439: {  	v8 =	vsub.f32 v8, v20;
	v20 =	vmul.f32 v28, v31;
	(erf) = vrcp.f32 v25;
	v25 =	vpop (erf)  }
0x43a: {  	v31 =	vadd.f32 $1.000000000e+00, v4;
	v28 =	vmul.f32 v35, v34;
	v34 =	vadd.f32 $1.000000000e+00, v25;
	v35 =	vpop (erf)  }
0x43b: {  	v21 =	vsub.f32 v22, v21;
	v8 =	vmul.f32 v35, v8;
	(erf) = vrcp.f32 v20  }
0x43c: {  	v3 =	vadd.f32 v3, v23;
	v20 =	vmul.f32 v34, v31;
	v22 =	vpop (erf);
	(erf) = vrcp.f32 v28  }
0x43d: {  	v8 =	vmul.f32 v8, v9;
	v23 =	vmul.f32 v22, v21;
	v22 =	vsub.f32 v26, v24  }
0x43e: {  	v2 =	vadd.f32 v2, v5;
	v0 =	vsub.f32 v27, v0;
	v5 =	vpop (erf);
	(erf) = vrcp.f32 v20  }
0x43f: {  	v8 =	vadd.f32 $0.0e+00, v8;
	v20 =	vmul.f32 v23, v10;
	v5 =	vmul.f32 v5, v22  }
0x440: {  	v17 =	vmul.f32 $1.442695020e+00, v17;
	v18 =	vmul.f32 $1.442695020e+00, v18;
	v1 =	vsub.f32 v29, v1;
	v21 =	vpop (erf)  }
0x441: {  	v8 =	vadd.f32 v20, v8;
	v5 =	vmul.f32 v5, v11;
	v0 =	vmul.f32 v21, v0  }
0x442: {  	v3 =	vsub.f32 $0.0e+00, v3;
	v22 =	vsub.f32 v32, v7;
	v20 =	vunpack.i.u.bf16.f32 v63;
	v21 =	vpop (erf)  }
0x443: {  	v5 =	vadd.f32 v5, v8;
	v0 =	vmul.f32 v0, v12;
	v1 =	vmul.f32 v21, v1  }
0x444: {  	v2 =	vsub.f32 $0.0e+00, v2;
	v8 =	vunpack.i.u.bf16.f32 v62;
	v21 =	vsub.f32 v19, v6;
	v19 =	vpop (erf)  }
0x445: {  	v0 =	vadd.f32 v0, v5;
	v1 =	vmul.f32 v1, v13;
	v5 =	vmul.f32 v19, v22;
	v7 =	vpop (erf)  }
0x446: {  	v4 =	vsub.f32 v25, v4;
	v19 =	vadd.f32 v60, v30;
	(erf) = vpow2.f32 v17  }
0x447: {  	v0 =	vadd.f32 v1, v0;
	v1 =	vmul.f32 v5, v14;
	v5 =	vmul.f32 v7, v21;
	v6 =	vpop (erf)  }
0x448: {  	v3 =	vmul.f32 $1.442695020e+00, v3;
	v7 =	vadd.f32 v57, v33;
	(erf) = vpow2.f32 v18  }
0x449: {  	v4 =	vmul.f32 v6, v4;
	v0 =	vadd.f32 v1, v0;
	v1 =	vmul.f32 v5, v15  }
0x44a: {  	v2 =	vmul.f32 $1.442695020e+00, v2;
	v5 =	vsub.f32 $0.0e+00, v19;
	v6 =	vsub.f32 $0.0e+00, v7  }
0x44b: {  	v7 =	vadd.f32 v51, v20;
	v0 =	vadd.f32 v1, v0;
	v1 =	vmul.f32 v4, v16  }
0x44c: {  	v17 =	vunpack.i.l.bf16.f32 v47;
	v4 =	vadd.f32 v52, v8;
	v8 =	vunpack.i.l.bf16.f32 v46  }
0x44d: {  	v5 =	vmul.f32 $1.442695020e+00, v5;
	v0 =	vadd.f32 v1, v0;
	(erf) = vpow2.f32 v3  }
0x44e: {  	s19 =	sadd.s32 $0x100, s19;
	v1 =	vmul.f32 $1.442695020e+00, v6;
	v3 =	vsub.f32 $0.0e+00, v7;
	(erf) = vpow2.f32 v2  }
0x44f: {  	v6 =	vadd.f32 v53, v8;
	v2 =	vsub.f32 $0.0e+00, v4;
	v4 =	vunpack.i.u.bf16.f32 v46;
	[tilespmem:s19+$0x0] =	vst v0;
	v46 =	vpop (erf)  }
0x450: {  	v7 =	vadd.f32 v54, v17;
	v0 =	vunpack.i.u.bf16.f32 v47;
	(erf) = vpow2.f32 v5  }
0x451: {  	v3 =	vmul.f32 $1.442695020e+00, v3;
	v5 =	vsub.f32 $0.0e+00, v6;
	v51 =	vpop (erf);
	(erf) = vpow2.f32 v1  }
0x452: {  	v4 =	vadd.f32 v50, v4;
	v1 =	vmul.f32 $1.442695020e+00, v2;
	v2 =	vsub.f32 $0.0e+00, v7  }
0x453: {  	v0 =	vadd.f32 v55, v0;
	v6 =	vunpack.i.l.bf16.f32 v48;
	v7 =	vunpack.i.l.bf16.f32 v49  }
0x454: {  	v18 =	vsub.f32 $0.0e+00, v4;
	v5 =	vmul.f32 $1.442695020e+00, v5;
	(erf) = vpow2.f32 v3  }
0x455: {  	v0 =	vsub.f32 $0.0e+00, v0;
	v2 =	vmul.f32 $1.442695020e+00, v2;
	(erf) = vpow2.f32 v1  }
0x456: {  	v6 =	vadd.f32 v58, v6;
	v7 =	vadd.f32 v61, v7;
	v1 =	vunpack.i.u.bf16.f32 v48;
	v3 =	vpop (erf)  }
0x457: {  	v17 =	vunpack.i.u.bf16.f32 v49;
	v8 =	vmul.f32 $1.442695020e+00, v18;
	v4 =	vpop (erf);
	(erf) = vpow2.f32 v5  }
0x458: {  	v6 =	vsub.f32 $0.0e+00, v6;
	v0 =	vmul.f32 $1.442695020e+00, v0;
	(erf) = vpow2.f32 v2  }
0x459: {  	v1 =	vadd.f32 v56, v1;
	v2 =	vsub.f32 $0.0e+00, v7;
	v48 =	vpop (erf);
	(erf) = vpow2.f32 v8  }
0x45a: {  	v7 =	vadd.f32 $1.000000000e+00, v46;
	v8 =	vadd.f32 v59, v17;
	v5 =	vpop (erf);
	(erf) = vpow2.f32 v0  }
0x45b: {  	v17 =	vmul.f32 $1.442695020e+00, v6;
	v0 =	vadd.f32 $1.000000000e+00, v51;
	v2 =	vmul.f32 $1.442695020e+00, v2  }
0x45c: {  	v45 =	vmul.f32 v45, v44;
	v1 =	vsub.f32 $0.0e+00, v1;
	v8 =	vsub.f32 $0.0e+00, v8  }
0x45d: {  	v18 =	vadd.f32 $1.000000000e+00, v4;
	v0 =	vmul.f32 v0, v7;
	v7 =	vadd.f32 $1.000000000e+00, v3;
	v6 =	vpop (erf)  }
0x45e: {  	v19 =	vadd.f32 $1.000000000e+00, v48;
	v1 =	vmul.f32 $1.442695020e+00, v1;
	v49 =	vpop (erf);
	(erf) = vpow2.f32 v17  }
.Ltmp2:
0x45f: {  	v8 =	vmul.f32 $1.442695020e+00, v8;
	v17 =	vadd.f32 $1.000000000e+00, v5;
	(erf) = vpow2.f32 v2;
	(pc) =	sbr.rel @p0 .LBB2_7-.Ltmp2, $4  }
0x460: {  	v18 =	vmul.f32 v18, v7;
	v7 =	vadd.f32 $1.000000000e+00, v6;
	(erf) = vrcp.f32 v0;
	v50 =	vpop (erf)  }
0x461: {  	v53 =	vmul.f32 v17, v19;
	v0 =	vadd.f32 $1.000000000e+00, v49;
	v52 =	vpop (erf);
	(erf) = vpow2.f32 v1  }
0x462: {  	v55 =	vadd.f32 $1.000000000e+00, v50;
	v56 =	vadd.f32 $1.000000000e+00, v52;
	v44 =	vpop (erf);
	(erf) = vpow2.f32 v8  }
0x463: {  	s24 =	sadd.s32 $0x100, s24;
	v54 =	vmul.f32 v0, v7;
	v47 =	vadd.f32 $1.000000000e+00, v44;
	(erf) = vrcp.f32 v18;
	v2 =	vpop (erf)  }
0x464: {  	_ =	sdelay $0x1  }
0x465: {  	(erf) = vrcp.f32 v53  }
0x466: {  	v1 =	vpop (erf)  }
0x467: {  	v0 =	vadd.f32 $1.000000000e+00, v2;
	v7 =	vmul.f32 v56, v55;
	(erf) = vrcp.f32 v54;
	v8 =	vpop (erf)  }
0x468: {  	v17 =	vadd.f32 $1.000000000e+00, v1;
	v18 =	vadd.f32 $1.000000000e+00, v8;
	v19 =	vpop (erf)  }
0x469: {  	v20 =	vsub.f32 v51, v46;
	v0 =	vmul.f32 v0, v47;
	(erf) = vrcp.f32 v7;
	v58 =	vpop (erf)  }
0x46a: {  	v3 =	vsub.f32 v4, v3;
	v59 =	vmul.f32 v18, v17;
	v60 =	vpop (erf);
	v18 =	vadd.f32 $1.000000000e+00, v58  }
0x46b: {  	(erf) = vrcp.f32 v0;
	v17 =	vmul.f32 v19, v20;
	v19 =	vadd.f32 $1.000000000e+00, v60;
	v61 =	vpop (erf)  }
0x46c: {  	v3 =	vmul.f32 v61, v3;
	(erf) = vrcp.f32 v59  }
0x46d: {  	v5 =	vsub.f32 v5, v48;
	v17 =	vmul.f32 v17, v9;
	v62 =	vmul.f32 v19, v18  }
0x46e: {  	v6 =	vsub.f32 v49, v6;
	v18 =	vpop (erf);
	v3 =	vmul.f32 v3, v10  }
0x46f: {  	v63 =	vadd.f32 $0.0e+00, v17;
	v5 =	vmul.f32 v18, v5;
	(erf) = vrcp.f32 v62  }
0x470: {  	v17 =	vsub.f32 v52, v50;
	v18 =	vpop (erf)  }
0x471: {  	v6 =	vmul.f32 v18, v6;
	v0 =	vadd.f32 v3, v63;
	v20 =	vmul.f32 v5, v11  }
0x472: {  	v21 =	vsub.f32 v2, v44;
	v22 =	vpop (erf)  }
0x473: {  	v5 =	vmul.f32 v22, v17;
	v23 =	vmul.f32 v6, v12;
	v0 =	vadd.f32 v20, v0  }
0x474: {  	v24 =	vadd.f32 v43, v42;
	v1 =	vsub.f32 v8, v1;
	v8 =	vpop (erf)  }
0x475: {  	v2 =	vmul.f32 v8, v21;
	v25 =	vmul.f32 v5, v13;
	v0 =	vadd.f32 v23, v0  }
0x476: {  	v26 =	vadd.f32 v41, v24;
	v4 =	vsub.f32 v60, v58;
	v27 =	vpop (erf)  }
0x477: {  	v2 =	vmul.f32 v2, v14;
	v1 =	vmul.f32 v27, v1;
	v0 =	vadd.f32 v25, v0  }
0x478: {  	v28 =	vmul.f32 v39, v36;
	v29 =	vmul.f32 v45, v15;
	v5 =	vadd.f32 v40, v26;
	v30 =	vpop (erf)  }
0x479: {  	v1 =	vmul.f32 v1, v15;
	v4 =	vmul.f32 v30, v4;
	v0 =	vadd.f32 v2, v0  }
0x47a: {  	v3 =	vmul.f32 v28, v16;
	v31 =	vadd.f32 v29, v5  }
0x47b: {  	v32 =	vadd.f32 v38, v37;
	v0 =	vadd.f32 v1, v0;
	v33 =	vmul.f32 v4, v16  }
0x47c: {  	v2 =	vadd.f32 v3, v31  }
0x47d: {  	[tilespmem:s14+$0xFFFFFF80] =	vst v32;
	v0 =	vadd.f32 v33, v0  }
0x47e: {  	[tilespmem:s15+$0xFFFFFF80] =	vst v2  }
0x47f: {  	[tilespmem:s19+$0xFFFFFF80] =	vst v0  }
0x480: {  	v0 =	vld [tilespmem:$0x1FFE0];
	_ =	sdelay $0x1  }
0x481: {  	v34 =	vld [tilespmem:$0x1FF90];
	_ =	sdelay $0x1  }
0x482: {  	v2 =	vld [tilespmem:$0x1FFA0];
	_ =	sdelay $0x1  }
0x483: {  	v35 =	vld [tilespmem:$0x1FFB0]  }
0x484: {  	v36 =	vld [tilespmem:$0x1FFC0]  }
0x485: {  	v0 =	vld.idx.msk [tilespmem:v0+s26+$0x0], $0xffff  }
0x486: {  	v37 =	vld [tilespmem:$0x1FFD0]  }
0x487: {  	v1 =	vld.idx.msk [tilespmem:v34+s26+$0x0], $0xffff  }
0x488: {  	v38 =	vld [tilespmem:$0x1FFF0]  }
0x489: {  	v2 =	vld.idx.msk [tilespmem:v2+s26+$0x0], $0xffff  }
0x48a: {  	v39 =	vld [tilespmem:$0x1FB00];
	v0 =	vadd.f32 $0.0e+00, v0  }
0x48b: {  	v3 =	vld.idx.msk [tilespmem:v35+s26+$0x0], $0xffff  }
0x48c: {  	v40 =	vld [tilespmem:$0x1FB10];
	v0 =	vadd.f32 v1, v0  }
0x48d: {  	v1 =	vld.idx.msk [tilespmem:v36+s26+$0x0], $0xffff  }
0x48e: {  	v41 =	vld [tilespmem:$0x1FB20];
	v0 =	vadd.f32 v2, v0  }
0x48f: {  	v2 =	vld.idx.msk [tilespmem:v37+s26+$0x0], $0xffff  }
0x490: {  	v42 =	vld [tilespmem:$0x1FB30];
	v0 =	vadd.f32 v3, v0  }
0x491: {  	v3 =	vld.idx.msk [tilespmem:v38+s26+$0x0], $0xffff  }
0x492: {  	v43 =	vld [tilespmem:$0x1FB40];
	v0 =	vadd.f32 v1, v0  }
0x493: {  	v1 =	vld.idx.msk [tilespmem:v39+s26+$0x0], $0xffff  }
0x494: {  	v44 =	vld [tilespmem:$0x1FB50];
	v0 =	vadd.f32 v2, v0  }
0x495: {  	v2 =	vld.idx.msk [tilespmem:v40+s26+$0x0], $0xffff  }
0x496: {  	v45 =	vld [tilespmem:$0x1FB60];
	v0 =	vadd.f32 v3, v0  }
0x497: {  	v3 =	vld.idx.msk [tilespmem:v41+s26+$0x0], $0xffff  }
0x498: {  	v46 =	vld [tilespmem:$0x1FB70];
	v0 =	vadd.f32 v1, v0  }
0x499: {  	v1 =	vld.idx.msk [tilespmem:v42+s26+$0x0], $0xffff  }
0x49a: {  	v47 =	vld [tilespmem:$0x1FB80];
	v0 =	vadd.f32 v2, v0  }
0x49b: {  	v2 =	vld.idx.msk [tilespmem:v43+s26+$0x0], $0xffff  }
0x49c: {  	v0 =	vadd.f32 v3, v0  }
0x49d: {  	v3 =	vld.idx.msk [tilespmem:v44+s26+$0x0], $0xffff  }
0x49e: {  	v0 =	vadd.f32 v1, v0  }
0x49f: {  	v1 =	vld.idx.msk [tilespmem:v45+s26+$0x0], $0xffff  }
0x4a0: {  	v0 =	vadd.f32 v2, v0  }
0x4a1: {  	v2 =	vld.idx.msk [tilespmem:v46+s26+$0x0], $0xffff  }
0x4a2: {  	v48 =	vld [tilespmem:$0x1FB90];
	v0 =	vadd.f32 v3, v0  }
0x4a3: {  	v3 =	vld.idx.msk [tilespmem:v47+s26+$0x0], $0xffff  }
0x4a4: {  	v0 =	vadd.f32 v1, v0  }
0x4a5: {  	v49 =	vld [tilespmem:$0x1FBA0]  }
0x4a6: {  	v0 =	vadd.f32 v2, v0  }
0x4a7: {  	v50 =	vld [tilespmem:$0x1FBB0]  }
0x4a8: {  	v0 =	vadd.f32 v3, v0  }
0x4a9: {  	v51 =	vld [tilespmem:$0x1FBC0]  }
0x4aa: {  	v52 =	vld [tilespmem:$0x1FBD0];
	[tilespmem:$0x12D80] =	vst v0  }
0x4ab: {  	v0 =	vld.idx.msk [tilespmem:v48+s26+$0x0], $0xffff  }
0x4ac: {  	v53 =	vld [tilespmem:$0x1FBE0]  }
0x4ad: {  	v1 =	vld.idx.msk [tilespmem:v49+s26+$0x0], $0xffff  }
0x4ae: {  	v54 =	vld [tilespmem:$0x1FBF0]  }
0x4af: {  	v2 =	vld.idx.msk [tilespmem:v50+s26+$0x0], $0xffff  }
0x4b0: {  	v55 =	vld [tilespmem:$0x1FC00];
	v0 =	vadd.f32 $0.0e+00, v0  }
0x4b1: {  	v3 =	vld.idx.msk [tilespmem:v51+s26+$0x0], $0xffff  }
0x4b2: {  	v56 =	vld [tilespmem:$0x1FC10];
	v0 =	vadd.f32 v1, v0  }
0x4b3: {  	v1 =	vld.idx.msk [tilespmem:v52+s26+$0x0], $0xffff  }
0x4b4: {  	v57 =	vld [tilespmem:$0x1FC20];
	v0 =	vadd.f32 v2, v0  }
0x4b5: {  	v2 =	vld.idx.msk [tilespmem:v53+s26+$0x0], $0xffff  }
0x4b6: {  	v58 =	vld [tilespmem:$0x1FC30];
	v0 =	vadd.f32 v3, v0  }
0x4b7: {  	v3 =	vld.idx.msk [tilespmem:v54+s26+$0x0], $0xffff  }
0x4b8: {  	v59 =	vld [tilespmem:$0x1FC40];
	v0 =	vadd.f32 v1, v0  }
0x4b9: {  	v1 =	vld.idx.msk [tilespmem:v55+s26+$0x0], $0xffff  }
0x4ba: {  	v60 =	vld [tilespmem:$0x1FC50];
	v0 =	vadd.f32 v2, v0  }
0x4bb: {  	v2 =	vld.idx.msk [tilespmem:v56+s26+$0x0], $0xffff  }
0x4bc: {  	v61 =	vld [tilespmem:$0x1FC60];
	v0 =	vadd.f32 v3, v0  }
0x4bd: {  	v3 =	vld.idx.msk [tilespmem:v57+s26+$0x0], $0xffff  }
0x4be: {  	v62 =	vld [tilespmem:$0x1FC70];
	v0 =	vadd.f32 v1, v0  }
0x4bf: {  	v1 =	vld.idx.msk [tilespmem:v58+s26+$0x0], $0xffff  }
0x4c0: {  	v63 =	vld [tilespmem:$0x1FC80];
	v0 =	vadd.f32 v2, v0  }
0x4c1: {  	v2 =	vld.idx.msk [tilespmem:v59+s26+$0x0], $0xffff  }
0x4c2: {  	v0 =	vadd.f32 v3, v0  }
0x4c3: {  	v3 =	vld.idx.msk [tilespmem:v60+s26+$0x0], $0xffff  }
0x4c4: {  	v0 =	vadd.f32 v1, v0  }
0x4c5: {  	v1 =	vld.idx.msk [tilespmem:v61+s26+$0x0], $0xffff  }
0x4c6: {  	v0 =	vadd.f32 v2, v0  }
0x4c7: {  	v2 =	vld.idx.msk [tilespmem:v62+s26+$0x0], $0xffff  }
0x4c8: {  	v4 =	vld [tilespmem:$0x1FC90];
	v0 =	vadd.f32 v3, v0  }
0x4c9: {  	v3 =	vld.idx.msk [tilespmem:v63+s26+$0x0], $0xffff  }
0x4ca: {  	v0 =	vadd.f32 v1, v0  }
0x4cb: {  	v5 =	vld [tilespmem:$0x1FCA0]  }
0x4cc: {  	v0 =	vadd.f32 v2, v0  }
0x4cd: {  	v6 =	vld [tilespmem:$0x1FCB0]  }
0x4ce: {  	v0 =	vadd.f32 v3, v0  }
0x4cf: {  	v7 =	vld [tilespmem:$0x1FCC0]  }
0x4d0: {  	v20 =	vld [tilespmem:$0x1FCD0];
	[tilespmem:$0x12D90] =	vst v0  }
0x4d1: {  	v0 =	vld.idx.msk [tilespmem:v4+s26+$0x0], $0xffff  }
0x4d2: {  	v21 =	vld [tilespmem:$0x1FCE0]  }
0x4d3: {  	v1 =	vld.idx.msk [tilespmem:v5+s26+$0x0], $0xffff  }
0x4d4: {  	v22 =	vld [tilespmem:$0x1FCF0]  }
0x4d5: {  	v2 =	vld.idx.msk [tilespmem:v6+s26+$0x0], $0xffff  }
0x4d6: {  	v23 =	vld [tilespmem:$0x1FD00];
	v0 =	vadd.f32 $0.0e+00, v0  }
0x4d7: {  	v3 =	vld.idx.msk [tilespmem:v7+s26+$0x0], $0xffff  }
0x4d8: {  	v24 =	vld [tilespmem:$0x1FD10];
	v0 =	vadd.f32 v1, v0  }
0x4d9: {  	v1 =	vld.idx.msk [tilespmem:v20+s26+$0x0], $0xffff  }
0x4da: {  	v25 =	vld [tilespmem:$0x1FD20];
	v0 =	vadd.f32 v2, v0  }
0x4db: {  	v2 =	vld.idx.msk [tilespmem:v21+s26+$0x0], $0xffff  }
0x4dc: {  	v26 =	vld [tilespmem:$0x1FD30];
	v0 =	vadd.f32 v3, v0  }
0x4dd: {  	v3 =	vld.idx.msk [tilespmem:v22+s26+$0x0], $0xffff  }
0x4de: {  	v27 =	vld [tilespmem:$0x1FD40];
	v0 =	vadd.f32 v1, v0  }
0x4df: {  	v1 =	vld.idx.msk [tilespmem:v23+s26+$0x0], $0xffff  }
0x4e0: {  	v28 =	vld [tilespmem:$0x1FD50];
	v0 =	vadd.f32 v2, v0  }
0x4e1: {  	v2 =	vld.idx.msk [tilespmem:v24+s26+$0x0], $0xffff  }
0x4e2: {  	v29 =	vld [tilespmem:$0x1FD60];
	v0 =	vadd.f32 v3, v0  }
0x4e3: {  	v3 =	vld.idx.msk [tilespmem:v25+s26+$0x0], $0xffff  }
0x4e4: {  	v30 =	vld [tilespmem:$0x1FD70];
	v0 =	vadd.f32 v1, v0  }
0x4e5: {  	v1 =	vld.idx.msk [tilespmem:v26+s26+$0x0], $0xffff  }
0x4e6: {  	v31 =	vld [tilespmem:$0x1FD80];
	v0 =	vadd.f32 v2, v0  }
0x4e7: {  	v2 =	vld.idx.msk [tilespmem:v27+s26+$0x0], $0xffff  }
0x4e8: {  	v0 =	vadd.f32 v3, v0  }
0x4e9: {  	v3 =	vld.idx.msk [tilespmem:v28+s26+$0x0], $0xffff  }
0x4ea: {  	v0 =	vadd.f32 v1, v0  }
0x4eb: {  	v1 =	vld.idx.msk [tilespmem:v29+s26+$0x0], $0xffff  }
0x4ec: {  	v0 =	vadd.f32 v2, v0  }
0x4ed: {  	v2 =	vld.idx.msk [tilespmem:v30+s26+$0x0], $0xffff  }
0x4ee: {  	v32 =	vld [tilespmem:$0x1FD90];
	v0 =	vadd.f32 v3, v0  }
0x4ef: {  	v3 =	vld.idx.msk [tilespmem:v31+s26+$0x0], $0xffff  }
0x4f0: {  	v0 =	vadd.f32 v1, v0  }
0x4f1: {  	v33 =	vld [tilespmem:$0x1FDA0]  }
0x4f2: {  	v0 =	vadd.f32 v2, v0  }
0x4f3: {  	v34 =	vld [tilespmem:$0x1FDB0]  }
0x4f4: {  	v0 =	vadd.f32 v3, v0  }
0x4f5: {  	v35 =	vld [tilespmem:$0x1FDC0]  }
0x4f6: {  	v36 =	vld [tilespmem:$0x1FDD0];
	[tilespmem:$0x12DA0] =	vst v0  }
0x4f7: {  	v0 =	vld.idx.msk [tilespmem:v32+s26+$0x0], $0xffff  }
0x4f8: {  	v37 =	vld [tilespmem:$0x1FDE0]  }
0x4f9: {  	v1 =	vld.idx.msk [tilespmem:v33+s26+$0x0], $0xffff  }
0x4fa: {  	v38 =	vld [tilespmem:$0x1FDF0]  }
0x4fb: {  	v2 =	vld.idx.msk [tilespmem:v34+s26+$0x0], $0xffff  }
0x4fc: {  	v39 =	vld [tilespmem:$0x1FE00];
	v0 =	vadd.f32 $0.0e+00, v0  }
0x4fd: {  	v3 =	vld.idx.msk [tilespmem:v35+s26+$0x0], $0xffff  }
0x4fe: {  	v40 =	vld [tilespmem:$0x1FE10];
	v0 =	vadd.f32 v1, v0  }
0x4ff: {  	v1 =	vld.idx.msk [tilespmem:v36+s26+$0x0], $0xffff  }
0x500: {  	v41 =	vld [tilespmem:$0x1FE20];
	v0 =	vadd.f32 v2, v0  }
0x501: {  	v2 =	vld.idx.msk [tilespmem:v37+s26+$0x0], $0xffff  }
0x502: {  	v42 =	vld [tilespmem:$0x1FE30];
	v0 =	vadd.f32 v3, v0  }
0x503: {  	v3 =	vld.idx.msk [tilespmem:v38+s26+$0x0], $0xffff  }
0x504: {  	v43 =	vld [tilespmem:$0x1FE40];
	v0 =	vadd.f32 v1, v0  }
0x505: {  	v1 =	vld.idx.msk [tilespmem:v39+s26+$0x0], $0xffff  }
0x506: {  	v44 =	vld [tilespmem:$0x1FE50];
	v0 =	vadd.f32 v2, v0  }
0x507: {  	v2 =	vld.idx.msk [tilespmem:v40+s26+$0x0], $0xffff  }
0x508: {  	v45 =	vld [tilespmem:$0x1FE60];
	v0 =	vadd.f32 v3, v0  }
0x509: {  	v3 =	vld.idx.msk [tilespmem:v41+s26+$0x0], $0xffff  }
0x50a: {  	v46 =	vld [tilespmem:$0x1FE70];
	v0 =	vadd.f32 v1, v0  }
0x50b: {  	v1 =	vld.idx.msk [tilespmem:v42+s26+$0x0], $0xffff  }
0x50c: {  	v47 =	vld [tilespmem:$0x1FE80];
	v0 =	vadd.f32 v2, v0  }
0x50d: {  	v2 =	vld.idx.msk [tilespmem:v43+s26+$0x0], $0xffff  }
0x50e: {  	v0 =	vadd.f32 v3, v0  }
0x50f: {  	v3 =	vld.idx.msk [tilespmem:v44+s26+$0x0], $0xffff  }
0x510: {  	v0 =	vadd.f32 v1, v0  }
0x511: {  	v1 =	vld.idx.msk [tilespmem:v45+s26+$0x0], $0xffff  }
0x512: {  	v0 =	vadd.f32 v2, v0  }
0x513: {  	v2 =	vld.idx.msk [tilespmem:v46+s26+$0x0], $0xffff  }
0x514: {  	v48 =	vld [tilespmem:$0x1FE90];
	v0 =	vadd.f32 v3, v0  }
0x515: {  	v3 =	vld.idx.msk [tilespmem:v47+s26+$0x0], $0xffff  }
0x516: {  	v0 =	vadd.f32 v1, v0  }
0x517: {  	v49 =	vld [tilespmem:$0x1FEA0]  }
0x518: {  	v0 =	vadd.f32 v2, v0  }
0x519: {  	v50 =	vld [tilespmem:$0x1FEB0]  }
0x51a: {  	v0 =	vadd.f32 v3, v0  }
0x51b: {  	v51 =	vld [tilespmem:$0x1FEC0]  }
0x51c: {  	v52 =	vld [tilespmem:$0x1FED0];
	[tilespmem:$0x12DB0] =	vst v0  }
0x51d: {  	v0 =	vld.idx.msk [tilespmem:v48+s26+$0x0], $0xffff  }
0x51e: {  	v53 =	vld [tilespmem:$0x1FEE0]  }
0x51f: {  	v1 =	vld.idx.msk [tilespmem:v49+s26+$0x0], $0xffff  }
0x520: {  	v54 =	vld [tilespmem:$0x1FEF0]  }
0x521: {  	v2 =	vld.idx.msk [tilespmem:v50+s26+$0x0], $0xffff  }
0x522: {  	v55 =	vld [tilespmem:$0x1FF00];
	v0 =	vadd.f32 $0.0e+00, v0  }
0x523: {  	v3 =	vld.idx.msk [tilespmem:v51+s26+$0x0], $0xffff  }
0x524: {  	v56 =	vld [tilespmem:$0x1FF10];
	v0 =	vadd.f32 v1, v0  }
0x525: {  	v1 =	vld.idx.msk [tilespmem:v52+s26+$0x0], $0xffff  }
0x526: {  	v57 =	vld [tilespmem:$0x1FF20];
	v0 =	vadd.f32 v2, v0  }
0x527: {  	v2 =	vld.idx.msk [tilespmem:v53+s26+$0x0], $0xffff  }
0x528: {  	v58 =	vld [tilespmem:$0x1FF30];
	v0 =	vadd.f32 v3, v0  }
0x529: {  	v3 =	vld.idx.msk [tilespmem:v54+s26+$0x0], $0xffff  }
0x52a: {  	v59 =	vld [tilespmem:$0x1FF40];
	v0 =	vadd.f32 v1, v0  }
0x52b: {  	v1 =	vld.idx.msk [tilespmem:v55+s26+$0x0], $0xffff  }
0x52c: {  	v60 =	vld [tilespmem:$0x1FF50];
	v0 =	vadd.f32 v2, v0  }
0x52d: {  	v2 =	vld.idx.msk [tilespmem:v56+s26+$0x0], $0xffff  }
0x52e: {  	v61 =	vld [tilespmem:$0x1FF60];
	v0 =	vadd.f32 v3, v0  }
0x52f: {  	v3 =	vld.idx.msk [tilespmem:v57+s26+$0x0], $0xffff  }
0x530: {  	v62 =	vld [tilespmem:$0x1FF70];
	v0 =	vadd.f32 v1, v0  }
0x531: {  	v1 =	vld.idx.msk [tilespmem:v58+s26+$0x0], $0xffff  }
0x532: {  	v63 =	vld [tilespmem:$0x1FF80];
	v0 =	vadd.f32 v2, v0  }
0x533: {  	v2 =	vld.idx.msk [tilespmem:v59+s26+$0x0], $0xffff  }
0x534: {  	v0 =	vadd.f32 v3, v0  }
0x535: {  	v3 =	vld.idx.msk [tilespmem:v60+s26+$0x0], $0xffff  }
0x536: {  	v0 =	vadd.f32 v1, v0  }
0x537: {  	v1 =	vld.idx.msk [tilespmem:v61+s26+$0x0], $0xffff  }
0x538: {  	v0 =	vadd.f32 v2, v0  }
0x539: {  	v2 =	vld.idx.msk [tilespmem:v62+s26+$0x0], $0xffff  }
0x53a: {  	v0 =	vadd.f32 v3, v0  }
0x53b: {  	v3 =	vld.idx.msk [tilespmem:v63+s26+$0x0], $0xffff  }
0x53c: {  	v0 =	vadd.f32 v1, v0;
	_ =	sdelay $0x1  }
0x53d: {  	v0 =	vadd.f32 v2, v0  }
0x53e: {  	s16 =	sadd.s32 $0x1, s16  }
0x53f: {  	p0 =	sne.s32 s16, $0x20;
	v0 =	vadd.f32 v3, v0  }
.Ltmp3:
0x540: {  	_ = 	snop;
	(pc) =	sbr.rel @p0 .LBB2_4-.Ltmp3, $4  }
0x541: {  	[tilespmem:$0x12DC0] =	vst v0  }
0x542: {  	[spmem:s3] =	stream.indirect.scatter.add.f32 [tilespmem:s23], [sflag:$0x4], $0x1, s1, s25, $0xb8;
	[tilespmem:$0x174A0] =	vst v63  }
0x543: {  	_ = 	snop  }
0x544: {  	[spmem:s4] =	stream.indirect.scatter.add.f32 [tilespmem:s29], [sflag:$0x4], $0x1, s1, s25, $0xb8;
	[tilespmem:$0x174A0] =	vst v63  }
0x545: {  	s11 =	simm.s32 $0x3  }
0x546: {  	_ =	swait.ge [sflag:s11], $0x50  }
0x547: {  	[sflag:s11] =	ssyncset.done $0x0  }
0x548: {  	[sflag:s11] =	ssyncadd.s32 $0xFFFFFFB0  }
0x549: {  	_ =	swait.ge [sflag:s11], $0x50  }
0x54a: {  	[sflag:s11] =	ssyncset.done $0x0  }
0x54b: {  	s16 =	simm.s32 $0x4;
	[sflag:s11] =	ssyncadd.s32 $0xFFFFFFB0  }
0x54c: {  	_ =	swait.ge [sflag:s16], $0x50  }
0x54d: {  	[sflag:s16] =	ssyncset.done $0x0  }
0x54e: {  	[sflag:s16] =	ssyncadd.s32 $0xFFFFFFB0  }
0x54f: {  	_ =	swait.ge [sflag:s16], $0x50  }
0x550: {  	[sflag:s16] =	ssyncset.done $0x0  }
0x551: {  	[sflag:s16] =	ssyncadd.s32 $0xFFFFFFB0  }
0x552: {  	[bflag:$0x0] =	sbarrier.arrive $0xFFFF  }
0x553: {  	s18 =	simm.s32 $0x15680;
	s14 =	rddreg [dreg:$0x8]  }
0x554: {  	[tilespmem:s18], [sflag:$0x5] =	stream.linear.gather [spmem:s14], $0x9D0, $0x38;
	[tilespmem:$0x174A0] =	vst v63  }
0x555: {  	_ =	swait.ge [sflag:s21], $0x9D0  }
0x556: {  	[sflag:s21] =	ssyncset.done $0x0  }
0x557: {  	s17 =	rddreg [dreg:$0xb];
	[sflag:s21] =	ssyncadd.s32 $0xFFFFF630  }
0x558: {  	[hbm4b:s17+s6] =	stream.linear.scatter [tilespmem:s18], [sflag:$0x5], $0x9D0, $0x38;
	[tilespmem:$0x174A0] =	vst v63  }
0x559: {  	_ =	swait.ge [sflag:s21], $0x9D0  }
0x55a: {  	[sflag:s21] =	ssyncset.done $0x0  }
0x55b: {  	s15 =	rddreg [dreg:$0x9];
	[sflag:s21] =	ssyncadd.s32 $0xFFFFF630  }
0x55c: {  	[tilespmem:s18], [sflag:$0x5] =	stream.linear.gather [spmem:s15], $0x9D0, $0x38;
	[tilespmem:$0x174A0] =	vst v63  }
0x55d: {  	_ =	swait.ge [sflag:s21], $0x9D0  }
0x55e: {  	[sflag:s21] =	ssyncset.done $0x0  }
0x55f: {  	s19 =	rddreg [dreg:$0xc];
	[sflag:s21] =	ssyncadd.s32 $0xFFFFF630  }
0x560: {  	[hbm4b:s19+s6] =	stream.linear.scatter [tilespmem:s18], [sflag:$0x5], $0x9D0, $0x38;
	[tilespmem:$0x174A0] =	vst v63  }
0x561: {  	_ =	swait.ge [sflag:s21], $0x9D0  }
0x562: {  	s13 =	sadd.s32 $0x1, s13;
	s24 =	rddreg [dreg:$0xd]  }
0x563: {  	p0 =	sne.s32 s13, s24  }
.Ltmp4:
0x564: {  	_ = 	snop;
	(pc) =	sbr.rel @p0 .LBB2_1-.Ltmp4, $3  }
0x565: {  	_ =	sdelay $0x1  }
0x566: {  	[sflag:s21] =	ssyncset.done $0x0  }
0x567: {  	v1 =	vimm.f32 $0.0e+00;
	[sflag:s21] =	ssyncadd.s32 $0xFFFFF630  }
0x568: {  	_ =	sfence.sel $0x180000  }
0x569: {  	[bflag:$0x0] =	sbarrier.arrive $0xFFFF  }
0x56a: {  	_ =	strace $0x90000047  }
0x56b: {  	s0 =	stileid.u32;
	[bflag:$0x2] =	sbarrier.arrive $0xFFFF  }
0x56c: {  	p0 =	sne.s32 s0, $0x0;
	s0 =	rddreg [dreg:$0x4]  }
0x56d: {  	s0 =	sadd.s32 @!p0 $0x100000, s0  }
0x56e: {  	[sflag:s0] =	ssyncadd.tile.s32 @!p0 $0x1;
	_ =	shalt  }
.Lfunc_end2:
_tile_overlayer_lowered:
.L_overlay_start_2:
0x56f: {  	(tag) =	ssettag $0x2  }
0x570: {  	s0 =	rddreg [dreg:$0x0];
	s2 =	stileid.u32  }
0x571: {  	s1 =	rddreg [dreg:$0x1];
	p0 =	sne.s32 s2, $0x0  }
0x572: {  	s3 =	rddreg [dreg:$0x2];
	[bflag:$0x3] =	sbarrier.arrive $0xFFFF;
	s2 =	simm.s32 @!p0 $0x1C05  }
0x573: {  	[timem:s3], [sflag:s2] =	dma.local @!p0 [hbm:s0], s1  }
0x574: {  	s0 =	simm.s32 @!p0 $0x5  }
0x575: {  	_ =	swait.ge @!p0 [sflag:s0], s1  }
0x576: {  	s1 =	ssub.s32 @!p0 $0x0, s1;
	[sflag:s0] =	ssyncset.done @!p0 $0x0  }
0x577: {  	[sflag:s0] =	ssyncadd.s32 @!p0 s1  }
0x578: {  	[bflag:$0x3] =	sbarrier.arrive $0xFFFF  }
0x579: {  	_ =	shalt  }

</sc_bundles>
